<compile_context>
chip_gen: v7x
topology: tpu7x:2x2x1
jax: 0.10.2.dev20260603
libtpu: 0.0.44.dev20260713+nightly
codegen_flags: <defaults>
</compile_context>

<pallas_src>
import functools

import jax
import jax.numpy as jnp
from jax import lax
from jax.experimental import pallas as pl
from jax.experimental.pallas import tpu as pltpu
from jax.experimental.pallas import tpu_sc as plsc

N = 10000
E = 320000
H = 128
HC = H // 2
L = 4
NC = 2
NS = 16
EPW = E // NS
CH = 80
NCH = EPW // CH
IDXB = 10
NBLK = NCH // IDXB
ROWC = E // CH
ROWS_PER_TILE = 632
NP = ROWS_PER_TILE * NS

_PREC = lax.Precision.DEFAULT


def _dot(x, w):
    return lax.dot_general(x, w, (((x.ndim - 1,), (0,)), ((), ())),
                           precision=_PREC, preferred_element_type=jnp.float32)



def _sc_edge_kernel(db_hbm, eh_hbm, ce_hbm, edg_hbm,
                    e_new_hbm, nd_hbm, stats_hbm,
                    idx_v, db_v, eh_v, ce_v, en_v, nd_v, zb_v, stat_v,
                    nd_sh):
    c = lax.axis_index("c")
    s = lax.axis_index("s")
    zero16 = jnp.zeros((16,), jnp.float32)

    def _zb(i, _):
        for j in range(8):
            zb_v[i, pl.ds(j * 16, 16)] = zero16
        return 0
    lax.fori_loop(0, 16, _zb, 0)
    zrow = s * ROWS_PER_TILE
    def _zinit(k, _):
        pltpu.sync_copy(zb_v, nd_sh.at[pl.ds(zrow + k * 16, 16)])
        return 0
    lax.fori_loop(0, ROWS_PER_TILE // 16, _zinit, 0)
    pltpu.sync_copy(zb_v.at[pl.ds(0, ROWS_PER_TILE % 16)],
                    nd_sh.at[pl.ds(zrow + (ROWS_PER_TILE // 16) * 16,
                                   ROWS_PER_TILE % 16)])
    plsc.subcore_barrier()

    ebase = s * EPW
    irow = s * NCH

    def _chunk_body(B, j, cy):
        k = B * IDXB + j
        off = ebase + k * CH
        pltpu.sync_copy(db_hbm.at[idx_v.at[j, 0]], db_v)
        pltpu.sync_copy(eh_hbm.at[idx_v.at[j, 1]], eh_v)
        pltpu.sync_copy(ce_hbm.at[c, pl.ds(off, CH)], ce_v)

        def _row(r, cy2):
            cy2 = list(cy2)
            for q in range(4):
                sl = pl.ds(q * 16, 16)
                d = db_v[r, sl]
                bb = db_v[r, pl.ds(64 + q * 16, 16)]
                x = d + eh_v[r, sl] + ce_v[r, sl]
                en_v[r, sl] = x
                cy2[q] = cy2[q] + x
                cy2[4 + q] = cy2[4 + q] + x * x
                sg = 1.0 / (1.0 + jnp.exp(-x))
                nd_v[r, pl.ds(64 + q * 16, 16)] = sg
                nd_v[r, sl] = sg * bb
            return tuple(cy2)
        cy = lax.fori_loop(0, CH, _row, cy)

        pltpu.sync_copy(en_v, e_new_hbm.at[c, pl.ds(off, CH)])
        pltpu.sync_copy(nd_v, nd_sh.at[idx_v.at[j, 2]], add=True)
        return cy

    def _block(B, carry):
        pltpu.sync_copy(edg_hbm.at[c, pl.ds(irow + B * IDXB, IDXB)], idx_v)
        return lax.fori_loop(0, IDXB,
                             lambda j, cy: _chunk_body(B, j, cy), carry)

    carry0 = tuple(zero16 for _ in range(8))
    carry = lax.fori_loop(0, NBLK, _block, carry0)

    for j in range(4):
        stat_v[0, pl.ds(j * 16, 16)] = carry[j]
        stat_v[1, pl.ds(j * 16, 16)] = carry[4 + j]
    pltpu.sync_copy(stat_v, stats_hbm.at[c, s])

    plsc.subcore_barrier()
    rbase = s * ROWS_PER_TILE
    pltpu.sync_copy(nd_sh.at[pl.ds(rbase, ROWS_PER_TILE)],
                    nd_hbm.at[c, pl.ds(rbase, ROWS_PER_TILE)])


def _sc_edge_pass(db_tab, eh_tab, ce, edg):
    mesh = plsc.VectorSubcoreMesh(core_axis_name="c", subcore_axis_name="s")
    f32 = jnp.float32
    i32 = jnp.int32
    out_type = (
        jax.ShapeDtypeStruct((NC, E, HC), f32),
        jax.ShapeDtypeStruct((NC, NP, H), f32),
        jax.ShapeDtypeStruct((NC, NS, 2, HC), f32),
    )
    scratch = [
        pltpu.VMEM((IDXB, 3, CH), i32),
        pltpu.VMEM((CH, H), f32), pltpu.VMEM((CH, H), f32),
        pltpu.VMEM((CH, HC), f32),
        pltpu.VMEM((CH, HC), f32), pltpu.VMEM((CH, H), f32),
        pltpu.VMEM((16, H), f32), pltpu.VMEM((2, HC), f32),
        pltpu.VMEM_SHARED((NP, H), f32),
    ]
    fn = pl.kernel(_sc_edge_kernel, out_type=out_type, mesh=mesh,
                   scratch_types=scratch,
                   compiler_params=pltpu.CompilerParams(
                       use_tc_tiling_on_sc=False))
    return fn(db_tab, eh_tab, ce, edg)



BE = 2000


def _embed_h_kernel(h_ref, wh_ref, bh_ref, out_ref):
    out_ref[...] = _dot(h_ref[...], wh_ref[...]) + bh_ref[...]


def _embed_e_kernel(e_ref, we_ref, be_ref, wc_ref, bc_ref, emb_ref, ce_ref):
    x = _dot(e_ref[...], we_ref[...]) + be_ref[...]
    emb_ref[0] = x[:, :HC]
    emb_ref[1] = x[:, HC:]
    cn = _dot(x, wc_ref[...]) + bc_ref[...]
    ce_ref[0] = cn[:, :HC]
    ce_ref[1] = cn[:, HC:]


def _node_mm_kernel(h_ref, wa_ref, ba_ref, wdb_ref, bdb_ref, weh_ref, beh_ref,
                    ah_ref, db_ref, eh_ref):
    hh = h_ref[...]
    ah_ref[...] = _dot(hh, wa_ref[...]) + ba_ref[...]
    for cc in range(NC):
        db_ref[cc] = _dot(hh, wdb_ref[cc]) + bdb_ref[cc]
        eh_ref[cc] = _dot(hh, weh_ref[cc]) + beh_ref[cc]


def _node_update_kernel(ah_ref, nd_ref, hin_ref, stats_ref,
                        gh_ref, bh_ref, ge_ref, be_ref,
                        hout_ref, scale_ref, shift_ref):
    num = jnp.concatenate([nd_ref[0, :N, :HC], nd_ref[1, :N, :HC]], axis=1)
    den = jnp.concatenate([nd_ref[0, :N, HC:], nd_ref[1, :N, HC:]], axis=1)
    hn = ah_ref[...] + num / (den + 1e-6)
    mu = jnp.mean(hn, axis=0, keepdims=True)
    var = jnp.mean((hn - mu) ** 2, axis=0, keepdims=True)
    hn = gh_ref[...] * (hn - mu) * lax.rsqrt(var + 1e-5) + bh_ref[...]
    hout_ref[...] = hin_ref[...] + jnp.maximum(hn, 0.0)
    st = stats_ref[...]
    ssum = jnp.sum(st[:, :, 0, :], axis=1)
    ssq = jnp.sum(st[:, :, 1, :], axis=1)
    mu_e = ssum / E
    var_e = ssq / E - mu_e * mu_e
    sc = ge_ref[...] * lax.rsqrt(var_e + 1e-5)
    scale_ref[...] = sc
    shift_ref[...] = be_ref[...] - sc * mu_e


def _edge_update_kernel(en_ref, ein_ref, scale_ref, shift_ref, wn_ref, bn_ref,
                        eout_ref, cen_ref):
    x = en_ref[...]
    scl = scale_ref[...]
    sft = shift_ref[...]
    t = jnp.maximum(x * scl[:, None, :] + sft[:, None, :], 0.0)
    eo = ein_ref[...] + t
    eout_ref[...] = eo
    row = jnp.concatenate([eo[0], eo[1]], axis=1)
    cn = _dot(row, wn_ref[...]) + bn_ref[...]
    cen_ref[0] = cn[:, :HC]
    cen_ref[1] = cn[:, HC:]




def _readout_kernel(h_ref, m0_ref, b0_ref, m1_ref, b1_ref, m2_ref, b2_ref,
                    y_ref):
    y = jnp.maximum(_dot(h_ref[...], m0_ref[...]) + b0_ref[...], 0.0)
    y = jnp.maximum(_dot(y, m1_ref[...]) + b1_ref[...], 0.0)
    y_ref[...] = _dot(y, m2_ref[...]) + b2_ref[...]



def kernel(h, e, edge_index, W_h, b_h, W_e, b_e, WA, bA, WB, bB, WC, bC,
           WD, bD, WE, bE, gamma_h, beta_h, gamma_e, beta_e,
           M0, m0, M1, m1, M2, m2):
    f32 = jnp.float32
    src = edge_index[0]
    dst = edge_index[1]
    edg = jnp.stack([
        jnp.stack([(src + cc * N).reshape(ROWC, CH),
                   (dst + cc * N).reshape(ROWC, CH),
                   dst.reshape(ROWC, CH)], axis=1)
        for cc in range(NC)])
    edg = jnp.pad(edg, ((0, 0), (0, IDXB), (0, 0), (0, 0)))

    W_db = jnp.stack([
        jnp.stack([jnp.concatenate([WD[l, :, c * HC:(c + 1) * HC],
                                    WB[l, :, c * HC:(c + 1) * HC]], axis=1)
                   for c in range(NC)])
        for l in range(L)])
    b_db = jnp.stack([
        jnp.stack([jnp.concatenate([bD[l, c * HC:(c + 1) * HC],
                                    bB[l, c * HC:(c + 1) * HC]])[None]
                   for c in range(NC)])
        for l in range(L)])
    zpad = jnp.zeros((H, HC), f32)
    W_eh = jnp.stack([
        jnp.stack([jnp.concatenate([WE[l, :, c * HC:(c + 1) * HC], zpad],
                                   axis=1) for c in range(NC)])
        for l in range(L)])
    b_eh = jnp.stack([
        jnp.stack([jnp.concatenate([bE[l, c * HC:(c + 1) * HC],
                                    jnp.zeros((HC,), f32)])[None]
                   for c in range(NC)])
        for l in range(L)])

    h0 = pl.pallas_call(
        _embed_h_kernel,
        out_shape=jax.ShapeDtypeStruct((N, H), f32),
    )(h, W_h, b_h[None])

    grid_e = (E // BE,)
    emb_spec = pl.BlockSpec((NC, BE, HC), lambda i: (0, i, 0))
    e_blk = pl.BlockSpec((BE, 16), lambda i: (i, 0))
    full2 = lambda a: pl.BlockSpec(a.shape, lambda i: tuple(0 for _ in a.shape))
    e_lay, ce = pl.pallas_call(
        _embed_e_kernel,
        grid=grid_e,
        in_specs=[e_blk, full2(W_e), full2(b_e[None]), full2(WC[0]),
                  full2(bC[0][None])],
        out_specs=[emb_spec, emb_spec],
        out_shape=[jax.ShapeDtypeStruct((NC, E, HC), f32),
                   jax.ShapeDtypeStruct((NC, E, HC), f32)],
    )(e, W_e, b_e[None], WC[0], bC[0][None])

    hcur = h0
    for l in range(L):
        BN_ = 2000
        nblk = pl.BlockSpec((BN_, H), lambda i: (i, 0))
        nblk2 = pl.BlockSpec((NC, BN_, H), lambda i: (0, i, 0))
        ah, db_tab, eh_tab = pl.pallas_call(
            _node_mm_kernel,
            grid=(N // BN_,),
            in_specs=[nblk, full2(WA[l]), full2(bA[l][None]),
                      full2(W_db[l]), full2(b_db[l]),
                      full2(W_eh[l]), full2(b_eh[l])],
            out_specs=[nblk, nblk2, nblk2],
            out_shape=[jax.ShapeDtypeStruct((N, H), f32),
                       jax.ShapeDtypeStruct((NC, N, H), f32),
                       jax.ShapeDtypeStruct((NC, N, H), f32)],
        )(hcur, WA[l], bA[l][None], W_db[l], b_db[l], W_eh[l], b_eh[l])

        e_new, nd, stats = _sc_edge_pass(
            db_tab.reshape(NC * N, H), eh_tab.reshape(NC * N, H),
            ce, edg)

        hcur, scale, shift = pl.pallas_call(
            _node_update_kernel,
            out_shape=[jax.ShapeDtypeStruct((N, H), f32),
                       jax.ShapeDtypeStruct((NC, HC), f32),
                       jax.ShapeDtypeStruct((NC, HC), f32)],
        )(ah, nd, hcur, stats, gamma_h[l][None], beta_h[l][None],
          gamma_e[l].reshape(NC, HC), beta_e[l].reshape(NC, HC))

        if l < L - 1:
            wn, bn = WC[l + 1], bC[l + 1]
            blk = pl.BlockSpec((NC, BE, HC), lambda i: (0, i, 0))
            e_lay, ce = pl.pallas_call(
                _edge_update_kernel,
                grid=grid_e,
                in_specs=[blk, blk, full2(scale), full2(shift), full2(wn),
                          full2(bn[None])],
                out_specs=[blk, blk],
                out_shape=[jax.ShapeDtypeStruct((NC, E, HC), f32),
                           jax.ShapeDtypeStruct((NC, E, HC), f32)],
            )(e_new, e_lay, scale, shift, wn, bn[None])

    y = pl.pallas_call(
        _readout_kernel,
        out_shape=jax.ShapeDtypeStruct((N, 10), f32),
    )(hcur, M0, m0[None], M1, m1[None], M2, m2[None])
    return y

# --- scband reference (transcript-rebuilt; emitter-appended) ---
"""Pipeline reference for scband-gated-gcnnet-59270548685352 (READ-ONLY COPY).

The authoritative reference and input builder live on the scoring server;
editing this copy changes nothing except your own understanding.
"""

import jax, jax.numpy as jnp
import numpy as np

N = 10000
E = 320000
IN_DIM = 128
IN_DIM_E = 16
H = 128
L = 4
N_CLASSES = 10


def setup_inputs(seed: int = 0):
    key = jax.random.key(seed)
    ks = jax.random.split(key, 32)
    inp = {}
    inp['h'] = jax.random.normal(ks[0], (N, IN_DIM), dtype=jnp.float32)
    inp['e'] = jax.random.normal(ks[1], (E, IN_DIM_E), dtype=jnp.float32)
    inp['edge_index'] = jax.random.randint(ks[2], (2, E), 0, N, dtype=jnp.int32)
    s = 0.05
    inp['W_h'] = jax.random.normal(ks[3], (IN_DIM, H), dtype=jnp.float32) * s
    inp['b_h'] = jnp.zeros((H,), dtype=jnp.float32)
    inp['W_e'] = jax.random.normal(ks[4], (IN_DIM_E, H), dtype=jnp.float32) * s
    inp['b_e'] = jnp.zeros((H,), dtype=jnp.float32)
    inp['WA'] = jax.random.normal(ks[5], (L, H, H), dtype=jnp.float32) * s
    inp['bA'] = jnp.zeros((L, H), dtype=jnp.float32)
    inp['WB'] = jax.random.normal(ks[6], (L, H, H), dtype=jnp.float32) * s
    inp['bB'] = jnp.zeros((L, H), dtype=jnp.float32)
    inp['WC'] = jax.random.normal(ks[7], (L, H, H), dtype=jnp.float32) * s
    inp['bC'] = jnp.zeros((L, H), dtype=jnp.float32)
    inp['WD'] = jax.random.normal(ks[8], (L, H, H), dtype=jnp.float32) * s
    inp['bD'] = jnp.zeros((L, H), dtype=jnp.float32)
    inp['WE'] = jax.random.normal(ks[9], (L, H, H), dtype=jnp.float32) * s
    inp['bE'] = jnp.zeros((L, H), dtype=jnp.float32)
    inp['gamma_h'] = jnp.ones((L, H), dtype=jnp.float32)
    inp['beta_h'] = jnp.zeros((L, H), dtype=jnp.float32)
    inp['gamma_e'] = jnp.ones((L, H), dtype=jnp.float32)
    inp['beta_e'] = jnp.zeros((L, H), dtype=jnp.float32)
    inp['M0'] = jax.random.normal(ks[10], (H, H // 2), dtype=jnp.float32) * s
    inp['m0'] = jnp.zeros((H // 2,), dtype=jnp.float32)
    inp['M1'] = jax.random.normal(ks[11], (H // 2, H // 4), dtype=jnp.float32) * s
    inp['m1'] = jnp.zeros((H // 4,), dtype=jnp.float32)
    inp['M2'] = jax.random.normal(ks[12], (H // 4, N_CLASSES), dtype=jnp.float32) * s
    inp['m2'] = jnp.zeros((N_CLASSES,), dtype=jnp.float32)
    return inp


def _bn(x, gamma, beta):
    mu = jnp.mean(x, axis=0, keepdims=True)
    var = jnp.var(x, axis=0, keepdims=True)
    return gamma * (x - mu) / jnp.sqrt(var + 1e-5) + beta


def reference(h, e, edge_index, W_h, b_h, W_e, b_e, WA, bA, WB, bB, WC, bC, WD, bD, WE, bE, gamma_h, beta_h, gamma_e, beta_e, M0, m0, M1, m1, M2, m2):
    src = edge_index[0]
    dst = edge_index[1]
    h = h @ W_h + b_h
    e = e @ W_e + b_e
    for l in range(L):
        h_in, e_in = h, e
        Ah = h @ WA[l] + bA[l]
        Bh = h @ WB[l] + bB[l]
        Dh = h @ WD[l] + bD[l]
        Eh = h @ WE[l] + bE[l]
        Ce = e @ WC[l] + bC[l]
        e_new = jnp.take(Dh, src, axis=0) + jnp.take(Eh, dst, axis=0) + Ce
        sigma = jax.nn.sigmoid(e_new)
        num = jax.ops.segment_sum(sigma * jnp.take(Bh, src, axis=0), dst, num_segments=N)
        den = jax.ops.segment_sum(sigma, dst, num_segments=N)
        h_new = Ah + num / (den + 1e-6)
        h_new = _bn(h_new, gamma_h[l], beta_h[l])
        e_new = _bn(e_new, gamma_e[l], beta_e[l])
        h_new = jax.nn.relu(h_new)
        e_new = jax.nn.relu(e_new)
        h = h_in + h_new
        e = e_in + e_new
    y = jax.nn.relu(h @ M0 + m0)
    y = jax.nn.relu(y @ M1 + m1)
    y = y @ M2 + m2
    return y

if __name__ == "__main__":
    import jax
    _d = setup_inputs()
    print(jax.jit(kernel)(*tuple(_d.values())))

</pallas_src>

<mosaic_0001>
#map = affine_map<(d0, d1) -> (0, 0)>
#map1 = affine_map<(d0, d1) -> (0, 0, 0)>
#map2 = affine_map<(d0, d1) -> (0, 0, 0, 0)>
module attributes {stable_mosaic.version = 14 : i64} {
  func.func @_sc_edge_kernel(%arg0: i32, %arg1: i32, %arg2: memref<20000x128xf32, #tpu.memory_space<hbm>>, %arg3: memref<20000x128xf32, #tpu.memory_space<hbm>>, %arg4: memref<2x320000x64xf32, #tpu.memory_space<hbm>>, %arg5: memref<2x4010x3x80xi32, #tpu.memory_space<hbm>>, %arg6: memref<2x320000x64xf32, #tpu.memory_space<hbm>>, %arg7: memref<2x10112x128xf32, #tpu.memory_space<hbm>>, %arg8: memref<2x16x2x64xf32, #tpu.memory_space<hbm>>, %arg9: memref<10x3x80xi32, #tpu.memory_space<vmem>>, %arg10: memref<80x128xf32, #tpu.memory_space<vmem>>, %arg11: memref<80x128xf32, #tpu.memory_space<vmem>>, %arg12: memref<80x64xf32, #tpu.memory_space<vmem>>, %arg13: memref<80x64xf32, #tpu.memory_space<vmem>>, %arg14: memref<80x128xf32, #tpu.memory_space<vmem>>, %arg15: memref<16x128xf32, #tpu.memory_space<vmem>>, %arg16: memref<2x64xf32, #tpu.memory_space<vmem>>, %arg17: memref<10112x128xf32, #tpu.memory_space<vmem_shared>>) attributes {dimension_semantics = [#tpu.dimension_semantics<core_parallel>, #tpu.dimension_semantics<subcore_parallel>], iteration_bounds = array<i64: 2, 16>, scalar_prefetch = 0 : i64, scratch_operands = 9 : i64, tpu.core_type = #tpu.core_type<sc_vector_subcore>, window_params = [{transform_indices = #map}, {transform_indices = #map}, {transform_indices = #map1}, {transform_indices = #map2}, {transform_indices = #map1}, {transform_indices = #map1}, {transform_indices = #map2}]} {
    %broadcast_in_dim3A = arith.constant 0.000000e+00 : f32
    %broadcast_in_dim3A_0 = vector.broadcast %broadcast_in_dim3A : f32 to vector<16xf32>
    %scan3A = arith.constant 0 : i32
    %scan3A_1 = arith.constant 0 : i32
    %scan3A_2 = arith.constant 16 : i32
    %scan3A_3 = arith.addi %scan3A_1, %scan3A_2 : i32
    %scan3A_4 = arith.constant 1 : i32
    %scan3A_5 = scf.for %scan3A_76 = %scan3A_1 to %scan3A_3 step %scan3A_4 iter_args(%scan3A_77 = %scan3A) -> (i32)  : i32 {
      %swap3A_78 = arith.index_cast %scan3A_76 : i32 to index
      %swap3A_79 = arith.constant 0 : index
      %swap3A_80 = tpu.vector_load %arg15[%swap3A_78, %swap3A_79] {strides = array<i32>} : memref<16x128xf32, #tpu.memory_space<vmem>>, vector<1x16xf32>,
      %swap3A_81 = vector.shape_cast %swap3A_80 : vector<1x16xf32> to vector<16xf32>
      %swap3A_82 = vector.shape_cast %broadcast_in_dim3A_0 : vector<16xf32> to vector<1x16xf32>
      tpu.vector_store %arg15[%swap3A_78, %swap3A_79], %swap3A_82 {strides = array<i32>} : memref<16x128xf32, #tpu.memory_space<vmem>>, vector<1x16xf32>,
      %swap3A_83 = arith.index_cast %scan3A_76 : i32 to index
      %swap3A_84 = arith.constant 16 : index
      %swap3A_85 = tpu.vector_load %arg15[%swap3A_83, %swap3A_84] {strides = array<i32>} : memref<16x128xf32, #tpu.memory_space<vmem>>, vector<1x16xf32>,
      %swap3A_86 = vector.shape_cast %swap3A_85 : vector<1x16xf32> to vector<16xf32>
      %swap3A_87 = vector.shape_cast %broadcast_in_dim3A_0 : vector<16xf32> to vector<1x16xf32>
      tpu.vector_store %arg15[%swap3A_83, %swap3A_84], %swap3A_87 {strides = array<i32>} : memref<16x128xf32, #tpu.memory_space<vmem>>, vector<1x16xf32>,
      %swap3A_88 = arith.index_cast %scan3A_76 : i32 to index
      %swap3A_89 = arith.constant 32 : index
      %swap3A_90 = tpu.vector_load %arg15[%swap3A_88, %swap3A_89] {strides = array<i32>} : memref<16x128xf32, #tpu.memory_space<vmem>>, vector<1x16xf32>,
      %swap3A_91 = vector.shape_cast %swap3A_90 : vector<1x16xf32> to vector<16xf32>
      %swap3A_92 = vector.shape_cast %broadcast_in_dim3A_0 : vector<16xf32> to vector<1x16xf32>
      tpu.vector_store %arg15[%swap3A_88, %swap3A_89], %swap3A_92 {strides = array<i32>} : memref<16x128xf32, #tpu.memory_space<vmem>>, vector<1x16xf32>,
      %swap3A_93 = arith.index_cast %scan3A_76 : i32 to index
      %swap3A_94 = arith.constant 48 : index
      %swap3A_95 = tpu.vector_load %arg15[%swap3A_93, %swap3A_94] {strides = array<i32>} : memref<16x128xf32, #tpu.memory_space<vmem>>, vector<1x16xf32>,
      %swap3A_96 = vector.shape_cast %swap3A_95 : vector<1x16xf32> to vector<16xf32>
      %swap3A_97 = vector.shape_cast %broadcast_in_dim3A_0 : vector<16xf32> to vector<1x16xf32>
      tpu.vector_store %arg15[%swap3A_93, %swap3A_94], %swap3A_97 {strides = array<i32>} : memref<16x128xf32, #tpu.memory_space<vmem>>, vector<1x16xf32>,
      %swap3A_98 = arith.index_cast %scan3A_76 : i32 to index
      %swap3A_99 = arith.constant 64 : index
      %swap3A_100 = tpu.vector_load %arg15[%swap3A_98, %swap3A_99] {strides = array<i32>} : memref<16x128xf32, #tpu.memory_space<vmem>>, vector<1x16xf32>,
      %swap3A_101 = vector.shape_cast %swap3A_100 : vector<1x16xf32> to vector<16xf32>
      %swap3A_102 = vector.shape_cast %broadcast_in_dim3A_0 : vector<16xf32> to vector<1x16xf32>
      tpu.vector_store %arg15[%swap3A_98, %swap3A_99], %swap3A_102 {strides = array<i32>} : memref<16x128xf32, #tpu.memory_space<vmem>>, vector<1x16xf32>,
      %swap3A_103 = arith.index_cast %scan3A_76 : i32 to index
      %swap3A_104 = arith.constant 80 : index
      %swap3A_105 = tpu.vector_load %arg15[%swap3A_103, %swap3A_104] {strides = array<i32>} : memref<16x128xf32, #tpu.memory_space<vmem>>, vector<1x16xf32>,
      %swap3A_106 = vector.shape_cast %swap3A_105 : vector<1x16xf32> to vector<16xf32>
      %swap3A_107 = vector.shape_cast %broadcast_in_dim3A_0 : vector<16xf32> to vector<1x16xf32>
      tpu.vector_store %arg15[%swap3A_103, %swap3A_104], %swap3A_107 {strides = array<i32>} : memref<16x128xf32, #tpu.memory_space<vmem>>, vector<1x16xf32>,
      %swap3A_108 = arith.index_cast %scan3A_76 : i32 to index
      %swap3A_109 = arith.constant 96 : index
      %swap3A_110 = tpu.vector_load %arg15[%swap3A_108, %swap3A_109] {strides = array<i32>} : memref<16x128xf32, #tpu.memory_space<vmem>>, vector<1x16xf32>,
      %swap3A_111 = vector.shape_cast %swap3A_110 : vector<1x16xf32> to vector<16xf32>
      %swap3A_112 = vector.shape_cast %broadcast_in_dim3A_0 : vector<16xf32> to vector<1x16xf32>
      tpu.vector_store %arg15[%swap3A_108, %swap3A_109], %swap3A_112 {strides = array<i32>} : memref<16x128xf32, #tpu.memory_space<vmem>>, vector<1x16xf32>,
      %swap3A_113 = arith.index_cast %scan3A_76 : i32 to index
      %swap3A_114 = arith.constant 112 : index
      %swap3A_115 = tpu.vector_load %arg15[%swap3A_113, %swap3A_114] {strides = array<i32>} : memref<16x128xf32, #tpu.memory_space<vmem>>, vector<1x16xf32>,
      %swap3A_116 = vector.shape_cast %swap3A_115 : vector<1x16xf32> to vector<16xf32>
      %swap3A_117 = vector.shape_cast %broadcast_in_dim3A_0 : vector<16xf32> to vector<1x16xf32>
      tpu.vector_store %arg15[%swap3A_113, %swap3A_114], %swap3A_117 {strides = array<i32>} : memref<16x128xf32, #tpu.memory_space<vmem>>, vector<1x16xf32>,
      %scan3A_118 = arith.constant 0 : i32
      scf.yield %scan3A_118 : i32
    }
    %scan3A_6 = arith.constant 16 : i32
    %mul3A = arith.constant 632 : i32
    %mul3A_7 = arith.muli %arg1, %mul3A : i32
    %scan3A_8 = arith.constant 0 : i32
    %scan3A_9 = arith.constant 0 : i32
    %scan3A_10 = arith.constant 39 : i32
    %scan3A_11 = arith.addi %scan3A_9, %scan3A_10 : i32
    %scan3A_12 = arith.constant 1 : i32
    %scan3A_13 = scf.for %scan3A_76 = %scan3A_9 to %scan3A_11 step %scan3A_12 iter_args(%scan3A_77 = %scan3A_8) -> (i32)  : i32 {
      %mul3A_78 = arith.constant 16 : i32
      %mul3A_79 = arith.muli %scan3A_76, %mul3A_78 : i32
      %add3A_80 = arith.addi %mul3A_7, %mul3A_79 : i32
      "tpu.region"() ({
        %run_scoped3A = tpu.sem_alloc : memref<!tpu.dma_semaphore, #tpu.memory_space<semaphore_mem>>
        %dma_start3A = arith.constant 0 : i32
        %dma_start3A_82 = tpu.memref_slice %arg17[%add3A_80, %dma_start3A] : memref<10112x128xf32, #tpu.memory_space<vmem_shared>> -> memref<16x128xf32, #tpu.memory_space<vmem_shared>>
        %dma_start3A_83 = arith.constant 0 : i32
        %dma_start3A_84 = tpu.memref_slice %arg17[%add3A_80, %dma_start3A_83] : memref<10112x128xf32, #tpu.memory_space<vmem_shared>> -> memref<16x128xf32, #tpu.memory_space<vmem_shared>>
        tpu.enqueue_dma source(%arg15 : memref<16x128xf32, #tpu.memory_space<vmem>>) target(%dma_start3A_84 : memref<16x128xf32, #tpu.memory_space<vmem_shared>>) target_semaphore(%run_scoped3A : memref<!tpu.dma_semaphore, #tpu.memory_space<semaphore_mem>>)
        %dma_wait3A = arith.constant 0 : i32
        %dma_wait3A_85 = tpu.memref_slice %arg17[%add3A_80, %dma_wait3A] : memref<10112x128xf32, #tpu.memory_space<vmem_shared>> -> memref<16x128xf32, #tpu.memory_space<vmem_shared>>
        %dma_wait3A_86 = arith.constant 0 : i32
        %dma_wait3A_87 = tpu.memref_slice %arg17[%add3A_80, %dma_wait3A_86] : memref<10112x128xf32, #tpu.memory_space<vmem_shared>> -> memref<16x128xf32, #tpu.memory_space<vmem_shared>>
        tpu.wait_dma2 semaphore(%run_scoped3A : memref<!tpu.dma_semaphore, #tpu.memory_space<semaphore_mem>>) src(%arg15 : memref<16x128xf32, #tpu.memory_space<vmem>>) dst(%dma_wait3A_87 : memref<16x128xf32, #tpu.memory_space<vmem_shared>>)
        tpu.yield
      }) : () -> ()
      %scan3A_81 = arith.constant 0 : i32
      scf.yield %scan3A_81 : i32
    }
    %scan3A_14 = arith.constant 39 : i32
    %add3A = arith.constant 624 : i32
    %add3A_15 = arith.addi %mul3A_7, %add3A : i32
    "tpu.region"() ({
      %run_scoped3A = tpu.sem_alloc : memref<!tpu.dma_semaphore, #tpu.memory_space<semaphore_mem>>
      %dma_start3A = arith.constant 0 : i32
      %dma_start3A_76 = arith.constant 0 : i32
      %dma_start3A_77 = tpu.memref_slice %arg15[%dma_start3A, %dma_start3A_76] : memref<16x128xf32, #tpu.memory_space<vmem>> -> memref<8x128xf32, #tpu.memory_space<vmem>>
      %dma_start3A_78 = arith.constant 0 : i32
      %dma_start3A_79 = tpu.memref_slice %arg17[%add3A_15, %dma_start3A_78] : memref<10112x128xf32, #tpu.memory_space<vmem_shared>> -> memref<8x128xf32, #tpu.memory_space<vmem_shared>>
      %dma_start3A_80 = arith.constant 0 : i32
      %dma_start3A_81 = tpu.memref_slice %arg17[%add3A_15, %dma_start3A_80] : memref<10112x128xf32, #tpu.memory_space<vmem_shared>> -> memref<8x128xf32, #tpu.memory_space<vmem_shared>>
      %dma_start3A_82 = arith.constant 0 : i32
      %dma_start3A_83 = arith.constant 0 : i32
      %dma_start3A_84 = tpu.memref_slice %arg15[%dma_start3A_82, %dma_start3A_83] : memref<16x128xf32, #tpu.memory_space<vmem>> -> memref<8x128xf32, #tpu.memory_space<vmem>>
      tpu.enqueue_dma source(%dma_start3A_84 : memref<8x128xf32, #tpu.memory_space<vmem>>) target(%dma_start3A_81 : memref<8x128xf32, #tpu.memory_space<vmem_shared>>) target_semaphore(%run_scoped3A : memref<!tpu.dma_semaphore, #tpu.memory_space<semaphore_mem>>)
      %dma_wait3A = arith.constant 0 : i32
      %dma_wait3A_85 = arith.constant 0 : i32
      %dma_wait3A_86 = tpu.memref_slice %arg15[%dma_wait3A, %dma_wait3A_85] : memref<16x128xf32, #tpu.memory_space<vmem>> -> memref<8x128xf32, #tpu.memory_space<vmem>>
      %dma_wait3A_87 = arith.constant 0 : i32
      %dma_wait3A_88 = tpu.memref_slice %arg17[%add3A_15, %dma_wait3A_87] : memref<10112x128xf32, #tpu.memory_space<vmem_shared>> -> memref<8x128xf32, #tpu.memory_space<vmem_shared>>
      %dma_wait3A_89 = arith.constant 0 : i32
      %dma_wait3A_90 = tpu.memref_slice %arg17[%add3A_15, %dma_wait3A_89] : memref<10112x128xf32, #tpu.memory_space<vmem_shared>> -> memref<8x128xf32, #tpu.memory_space<vmem_shared>>
      %dma_wait3A_91 = arith.constant 0 : i32
      %dma_wait3A_92 = arith.constant 0 : i32
      %dma_wait3A_93 = tpu.memref_slice %arg15[%dma_wait3A_91, %dma_wait3A_92] : memref<16x128xf32, #tpu.memory_space<vmem>> -> memref<8x128xf32, #tpu.memory_space<vmem>>
      tpu.wait_dma2 semaphore(%run_scoped3A : memref<!tpu.dma_semaphore, #tpu.memory_space<semaphore_mem>>) src(%dma_wait3A_93 : memref<8x128xf32, #tpu.memory_space<vmem>>) dst(%dma_wait3A_90 : memref<8x128xf32, #tpu.memory_space<vmem_shared>>)
      tpu.yield
    }) : () -> ()
    %barrier3A = arith.constant 0 : index
    tpu.barrier barrier_id(%barrier3A)
    %mul3A_16 = arith.constant 20000 : i32
    %mul3A_17 = arith.muli %arg1, %mul3A_16 : i32
    %mul3A_18 = arith.constant 250 : i32
    %mul3A_19 = arith.muli %arg1, %mul3A_18 : i32
    %scan3A_20 = arith.constant 0 : i32
    %scan3A_21 = arith.constant 25 : i32
    %scan3A_22 = arith.addi %scan3A_20, %scan3A_21 : i32
    %scan3A_23 = arith.constant 1 : i32
    %scan3A_24:8 = scf.for %scan3A_76 = %scan3A_20 to %scan3A_22 step %scan3A_23 iter_args(%scan3A_77 = %broadcast_in_dim3A_0, %scan3A_78 = %broadcast_in_dim3A_0, %scan3A_79 = %broadcast_in_dim3A_0, %scan3A_80 = %broadcast_in_dim3A_0, %scan3A_81 = %broadcast_in_dim3A_0, %scan3A_82 = %broadcast_in_dim3A_0, %scan3A_83 = %broadcast_in_dim3A_0, %scan3A_84 = %broadcast_in_dim3A_0) -> (vector<16xf32>, vector<16xf32>, vector<16xf32>, vector<16xf32>, vector<16xf32>, vector<16xf32>, vector<16xf32>, vector<16xf32>)  : i32 {
      %mul3A_85 = arith.constant 10 : i32
      %mul3A_86 = arith.muli %scan3A_76, %mul3A_85 : i32
      %add3A_87 = arith.addi %mul3A_19, %mul3A_86 : i32
      "tpu.region"() ({
        %run_scoped3A = tpu.sem_alloc : memref<!tpu.dma_semaphore, #tpu.memory_space<semaphore_mem>>
        %dma_start3A = arith.constant 0 : i32
        %dma_start3A_94 = arith.constant 0 : i32
        %dma_start3A_95 = tpu.memref_slice %arg5[%arg0, %add3A_87, %dma_start3A, %dma_start3A_94] : memref<2x4010x3x80xi32, #tpu.memory_space<hbm>> -> memref<1x10x3x80xi32, #tpu.memory_space<hbm>>
        %dma_start3A_96 = tpu.memref_squeeze %dma_start3A_95 : memref<1x10x3x80xi32, #tpu.memory_space<hbm>> -> memref<10x3x80xi32, #tpu.memory_space<hbm>>
        %dma_start3A_97 = arith.constant 0 : i32
        %dma_start3A_98 = arith.constant 0 : i32
        %dma_start3A_99 = tpu.memref_slice %arg5[%arg0, %add3A_87, %dma_start3A_97, %dma_start3A_98] : memref<2x4010x3x80xi32, #tpu.memory_space<hbm>> -> memref<1x10x3x80xi32, #tpu.memory_space<hbm>>
        %dma_start3A_100 = tpu.memref_squeeze %dma_start3A_99 : memref<1x10x3x80xi32, #tpu.memory_space<hbm>> -> memref<10x3x80xi32, #tpu.memory_space<hbm>>
        tpu.enqueue_dma source(%dma_start3A_100 : memref<10x3x80xi32, #tpu.memory_space<hbm>>) target(%arg9 : memref<10x3x80xi32, #tpu.memory_space<vmem>>) target_semaphore(%run_scoped3A : memref<!tpu.dma_semaphore, #tpu.memory_space<semaphore_mem>>)
        %dma_wait3A = arith.constant 0 : i32
        %dma_wait3A_101 = arith.constant 0 : i32
        %dma_wait3A_102 = tpu.memref_slice %arg5[%arg0, %add3A_87, %dma_wait3A, %dma_wait3A_101] : memref<2x4010x3x80xi32, #tpu.memory_space<hbm>> -> memref<1x10x3x80xi32, #tpu.memory_space<hbm>>
        %dma_wait3A_103 = tpu.memref_squeeze %dma_wait3A_102 : memref<1x10x3x80xi32, #tpu.memory_space<hbm>> -> memref<10x3x80xi32, #tpu.memory_space<hbm>>
        %dma_wait3A_104 = arith.constant 0 : i32
        %dma_wait3A_105 = arith.constant 0 : i32
        %dma_wait3A_106 = tpu.memref_slice %arg5[%arg0, %add3A_87, %dma_wait3A_104, %dma_wait3A_105] : memref<2x4010x3x80xi32, #tpu.memory_space<hbm>> -> memref<1x10x3x80xi32, #tpu.memory_space<hbm>>
        %dma_wait3A_107 = tpu.memref_squeeze %dma_wait3A_106 : memref<1x10x3x80xi32, #tpu.memory_space<hbm>> -> memref<10x3x80xi32, #tpu.memory_space<hbm>>
        tpu.wait_dma2 semaphore(%run_scoped3A : memref<!tpu.dma_semaphore, #tpu.memory_space<semaphore_mem>>) src(%dma_wait3A_107 : memref<10x3x80xi32, #tpu.memory_space<hbm>>) dst(%arg9 : memref<10x3x80xi32, #tpu.memory_space<vmem>>)
        tpu.yield
      }) : () -> ()
      %scan3A_88 = arith.constant 0 : i32
      %scan3A_89 = arith.constant 10 : i32
      %scan3A_90 = arith.addi %scan3A_88, %scan3A_89 : i32
      %scan3A_91 = arith.constant 1 : i32
      %scan3A_92:8 = scf.for %scan3A_94 = %scan3A_88 to %scan3A_90 step %scan3A_91 iter_args(%scan3A_95 = %scan3A_77, %scan3A_96 = %scan3A_78, %scan3A_97 = %scan3A_79, %scan3A_98 = %scan3A_80, %scan3A_99 = %scan3A_81, %scan3A_100 = %scan3A_82, %scan3A_101 = %scan3A_83, %scan3A_102 = %scan3A_84) -> (vector<16xf32>, vector<16xf32>, vector<16xf32>, vector<16xf32>, vector<16xf32>, vector<16xf32>, vector<16xf32>, vector<16xf32>)  : i32 {
        %mul3A_103 = arith.constant 10 : i32
        %mul3A_104 = arith.muli %scan3A_76, %mul3A_103 : i32
        %add3A_105 = arith.addi %mul3A_104, %scan3A_94 : i32
        %mul3A_106 = arith.constant 80 : i32
        %mul3A_107 = arith.muli %add3A_105, %mul3A_106 : i32
        %add3A_108 = arith.addi %mul3A_17, %mul3A_107 : i32
        %run_scoped3A = arith.constant 0 : i32
        "tpu.region"() ({
          %run_scoped3A_117 = tpu.sem_alloc : memref<!tpu.dma_semaphore, #tpu.memory_space<semaphore_mem>>
          %dma_start3A = arith.constant 0 : i32
          %dma_start3A_118 = tpu.memref_slice %arg9[%scan3A_94, %run_scoped3A, %dma_start3A] : memref<10x3x80xi32, #tpu.memory_space<vmem>> -> memref<1x1x80xi32, #tpu.memory_space<vmem>>
          %dma_start3A_119 = tpu.memref_squeeze %dma_start3A_118 : memref<1x1x80xi32, #tpu.memory_space<vmem>> -> memref<80xi32, #tpu.memory_space<vmem>>
          %dma_start3A_120 = arith.constant 0 : i32
          %dma_start3A_121 = arith.constant 0 : i32
          %dma_start3A_122 = tpu.memref_slice %arg2[%dma_start3A_120, %dma_start3A_121] : memref<20000x128xf32, #tpu.memory_space<hbm>> -> memref<20000x128xf32, #tpu.memory_space<hbm>>
          tpu.enqueue_indirect_dma source(%dma_start3A_122 : memref<20000x128xf32, #tpu.memory_space<hbm>>) target(%arg10 : memref<80x128xf32, #tpu.memory_space<vmem>>) offsets(%dma_start3A_119 : memref<80xi32, #tpu.memory_space<vmem>>) semaphore(%run_scoped3A_117 : memref<!tpu.dma_semaphore, #tpu.memory_space<semaphore_mem>>)
          %dma_wait3A = arith.constant 0 : i32
          %dma_wait3A_123 = tpu.memref_slice %arg9[%scan3A_94, %run_scoped3A, %dma_wait3A] : memref<10x3x80xi32, #tpu.memory_space<vmem>> -> memref<1x1x80xi32, #tpu.memory_space<vmem>>
          %dma_wait3A_124 = tpu.memref_squeeze %dma_wait3A_123 : memref<1x1x80xi32, #tpu.memory_space<vmem>> -> memref<80xi32, #tpu.memory_space<vmem>>
          %dma_wait3A_125 = arith.constant 0 : i32
          %dma_wait3A_126 = arith.constant 0 : i32
          %dma_wait3A_127 = tpu.memref_slice %arg2[%dma_wait3A_125, %dma_wait3A_126] : memref<20000x128xf32, #tpu.memory_space<hbm>> -> memref<20000x128xf32, #tpu.memory_space<hbm>>
          tpu.wait_indirect_dma semaphore(%run_scoped3A_117 : memref<!tpu.dma_semaphore, #tpu.memory_space<semaphore_mem>>) src(%dma_wait3A_127 : memref<20000x128xf32, #tpu.memory_space<hbm>>) dst(%arg10 : memref<80x128xf32, #tpu.memory_space<vmem>>)
          tpu.yield
        }) : () -> ()
        %run_scoped3A_109 = arith.constant 1 : i32
        "tpu.region"() ({
          %run_scoped3A_117 = tpu.sem_alloc : memref<!tpu.dma_semaphore, #tpu.memory_space<semaphore_mem>>
          %dma_start3A = arith.constant 0 : i32
          %dma_start3A_118 = tpu.memref_slice %arg9[%scan3A_94, %run_scoped3A_109, %dma_start3A] : memref<10x3x80xi32, #tpu.memory_space<vmem>> -> memref<1x1x80xi32, #tpu.memory_space<vmem>>
          %dma_start3A_119 = tpu.memref_squeeze %dma_start3A_118 : memref<1x1x80xi32, #tpu.memory_space<vmem>> -> memref<80xi32, #tpu.memory_space<vmem>>
          %dma_start3A_120 = arith.constant 0 : i32
          %dma_start3A_121 = arith.constant 0 : i32
          %dma_start3A_122 = tpu.memref_slice %arg3[%dma_start3A_120, %dma_start3A_121] : memref<20000x128xf32, #tpu.memory_space<hbm>> -> memref<20000x128xf32, #tpu.memory_space<hbm>>
          tpu.enqueue_indirect_dma source(%dma_start3A_122 : memref<20000x128xf32, #tpu.memory_space<hbm>>) target(%arg11 : memref<80x128xf32, #tpu.memory_space<vmem>>) offsets(%dma_start3A_119 : memref<80xi32, #tpu.memory_space<vmem>>) semaphore(%run_scoped3A_117 : memref<!tpu.dma_semaphore, #tpu.memory_space<semaphore_mem>>)
          %dma_wait3A = arith.constant 0 : i32
          %dma_wait3A_123 = tpu.memref_slice %arg9[%scan3A_94, %run_scoped3A_109, %dma_wait3A] : memref<10x3x80xi32, #tpu.memory_space<vmem>> -> memref<1x1x80xi32, #tpu.memory_space<vmem>>
          %dma_wait3A_124 = tpu.memref_squeeze %dma_wait3A_123 : memref<1x1x80xi32, #tpu.memory_space<vmem>> -> memref<80xi32, #tpu.memory_space<vmem>>
          %dma_wait3A_125 = arith.constant 0 : i32
          %dma_wait3A_126 = arith.constant 0 : i32
          %dma_wait3A_127 = tpu.memref_slice %arg3[%dma_wait3A_125, %dma_wait3A_126] : memref<20000x128xf32, #tpu.memory_space<hbm>> -> memref<20000x128xf32, #tpu.memory_space<hbm>>
          tpu.wait_indirect_dma semaphore(%run_scoped3A_117 : memref<!tpu.dma_semaphore, #tpu.memory_space<semaphore_mem>>) src(%dma_wait3A_127 : memref<20000x128xf32, #tpu.memory_space<hbm>>) dst(%arg11 : memref<80x128xf32, #tpu.memory_space<vmem>>)
          tpu.yield
        }) : () -> ()
        "tpu.region"() ({
          %run_scoped3A_117 = tpu.sem_alloc : memref<!tpu.dma_semaphore, #tpu.memory_space<semaphore_mem>>
          %dma_start3A = arith.constant 0 : i32
          %dma_start3A_118 = tpu.memref_slice %arg4[%arg0, %add3A_108, %dma_start3A] : memref<2x320000x64xf32, #tpu.memory_space<hbm>> -> memref<1x80x64xf32, #tpu.memory_space<hbm>>
          %dma_start3A_119 = tpu.memref_squeeze %dma_start3A_118 : memref<1x80x64xf32, #tpu.memory_space<hbm>> -> memref<80x64xf32, #tpu.memory_space<hbm>>
          %dma_start3A_120 = arith.constant 0 : i32
          %dma_start3A_121 = tpu.memref_slice %arg4[%arg0, %add3A_108, %dma_start3A_120] : memref<2x320000x64xf32, #tpu.memory_space<hbm>> -> memref<1x80x64xf32, #tpu.memory_space<hbm>>
          %dma_start3A_122 = tpu.memref_squeeze %dma_start3A_121 : memref<1x80x64xf32, #tpu.memory_space<hbm>> -> memref<80x64xf32, #tpu.memory_space<hbm>>
          tpu.enqueue_dma source(%dma_start3A_122 : memref<80x64xf32, #tpu.memory_space<hbm>>) target(%arg12 : memref<80x64xf32, #tpu.memory_space<vmem>>) target_semaphore(%run_scoped3A_117 : memref<!tpu.dma_semaphore, #tpu.memory_space<semaphore_mem>>)
          %dma_wait3A = arith.constant 0 : i32
          %dma_wait3A_123 = tpu.memref_slice %arg4[%arg0, %add3A_108, %dma_wait3A] : memref<2x320000x64xf32, #tpu.memory_space<hbm>> -> memref<1x80x64xf32, #tpu.memory_space<hbm>>
          %dma_wait3A_124 = tpu.memref_squeeze %dma_wait3A_123 : memref<1x80x64xf32, #tpu.memory_space<hbm>> -> memref<80x64xf32, #tpu.memory_space<hbm>>
          %dma_wait3A_125 = arith.constant 0 : i32
          %dma_wait3A_126 = tpu.memref_slice %arg4[%arg0, %add3A_108, %dma_wait3A_125] : memref<2x320000x64xf32, #tpu.memory_space<hbm>> -> memref<1x80x64xf32, #tpu.memory_space<hbm>>
          %dma_wait3A_127 = tpu.memref_squeeze %dma_wait3A_126 : memref<1x80x64xf32, #tpu.memory_space<hbm>> -> memref<80x64xf32, #tpu.memory_space<hbm>>
          tpu.wait_dma2 semaphore(%run_scoped3A_117 : memref<!tpu.dma_semaphore, #tpu.memory_space<semaphore_mem>>) src(%dma_wait3A_127 : memref<80x64xf32, #tpu.memory_space<hbm>>) dst(%arg12 : memref<80x64xf32, #tpu.memory_space<vmem>>)
          tpu.yield
        }) : () -> ()
        %scan3A_110 = arith.constant 0 : i32
        %scan3A_111 = arith.constant 80 : i32
        %scan3A_112 = arith.addi %scan3A_110, %scan3A_111 : i32
        %scan3A_113 = arith.constant 1 : i32
        %scan3A_114:8 = scf.for %scan3A_117 = %scan3A_110 to %scan3A_112 step %scan3A_113 iter_args(%scan3A_118 = %scan3A_95, %scan3A_119 = %scan3A_96, %scan3A_120 = %scan3A_97, %scan3A_121 = %scan3A_98, %scan3A_122 = %scan3A_99, %scan3A_123 = %scan3A_100, %scan3A_124 = %scan3A_101, %scan3A_125 = %scan3A_102) -> (vector<16xf32>, vector<16xf32>, vector<16xf32>, vector<16xf32>, vector<16xf32>, vector<16xf32>, vector<16xf32>, vector<16xf32>)  : i32 {
          %get3A = arith.index_cast %scan3A_117 : i32 to index
          %get3A_126 = arith.constant 0 : index
          %get3A_127 = tpu.vector_load %arg10[%get3A, %get3A_126] {strides = array<i32>} : memref<80x128xf32, #tpu.memory_space<vmem>>, vector<1x16xf32>,
          %get3A_128 = vector.shape_cast %get3A_127 : vector<1x16xf32> to vector<16xf32>
          %get3A_129 = arith.index_cast %scan3A_117 : i32 to index
          %get3A_130 = arith.constant 64 : index
          %get3A_131 = tpu.vector_load %arg10[%get3A_129, %get3A_130] {strides = array<i32>} : memref<80x128xf32, #tpu.memory_space<vmem>>, vector<1x16xf32>,
          %get3A_132 = vector.shape_cast %get3A_131 : vector<1x16xf32> to vector<16xf32>
          %get3A_133 = arith.index_cast %scan3A_117 : i32 to index
          %get3A_134 = arith.constant 0 : index
          %get3A_135 = tpu.vector_load %arg11[%get3A_133, %get3A_134] {strides = array<i32>} : memref<80x128xf32, #tpu.memory_space<vmem>>, vector<1x16xf32>,
          %get3A_136 = vector.shape_cast %get3A_135 : vector<1x16xf32> to vector<16xf32>
          %add3A_137 = arith.addf %get3A_128, %get3A_136 : vector<16xf32>
          %get3A_138 = arith.index_cast %scan3A_117 : i32 to index
          %get3A_139 = arith.constant 0 : index
          %get3A_140 = tpu.vector_load %arg12[%get3A_138, %get3A_139] {strides = array<i32>} : memref<80x64xf32, #tpu.memory_space<vmem>>, vector<1x16xf32>,
          %get3A_141 = vector.shape_cast %get3A_140 : vector<1x16xf32> to vector<16xf32>
          %add3A_142 = arith.addf %add3A_137, %get3A_141 : vector<16xf32>
          %swap3A_143 = arith.index_cast %scan3A_117 : i32 to index
          %swap3A_144 = arith.constant 0 : index
          %swap3A_145 = tpu.vector_load %arg13[%swap3A_143, %swap3A_144] {strides = array<i32>} : memref<80x64xf32, #tpu.memory_space<vmem>>, vector<1x16xf32>,
          %swap3A_146 = vector.shape_cast %swap3A_145 : vector<1x16xf32> to vector<16xf32>
          %swap3A_147 = vector.shape_cast %add3A_142 : vector<16xf32> to vector<1x16xf32>
          tpu.vector_store %arg13[%swap3A_143, %swap3A_144], %swap3A_147 {strides = array<i32>} : memref<80x64xf32, #tpu.memory_space<vmem>>, vector<1x16xf32>,
          %add3A_148 = arith.addf %scan3A_118, %add3A_142 : vector<16xf32>
          %mul3A_149 = arith.mulf %add3A_142, %add3A_142 : vector<16xf32>
          %add3A_150 = arith.addf %scan3A_122, %mul3A_149 : vector<16xf32>
          %neg3A = arith.constant 0.000000e+00 : f32
          %neg3A_151 = vector.broadcast %neg3A : f32 to vector<16xf32>
          %neg3A_152 = arith.subf %neg3A_151, %add3A_142 : vector<16xf32>
          %exp3A = math.exp %neg3A_152 : vector<16xf32>
          %add3A_153 = arith.constant 1.000000e+00 : f32
          %add3A_154 = vector.broadcast %add3A_153 : f32 to vector<16xf32>
          %add3A_155 = arith.addf %add3A_154, %exp3A : vector<16xf32>
          %div3A = arith.constant 1.000000e+00 : f32
          %div3A_156 = vector.broadcast %div3A : f32 to vector<16xf32>
          %div3A_157 = arith.divf %div3A_156, %add3A_155 : vector<16xf32>
          %swap3A_158 = arith.index_cast %scan3A_117 : i32 to index
          %swap3A_159 = arith.constant 64 : index
          %swap3A_160 = tpu.vector_load %arg14[%swap3A_158, %swap3A_159] {strides = array<i32>} : memref<80x128xf32, #tpu.memory_space<vmem>>, vector<1x16xf32>,
          %swap3A_161 = vector.shape_cast %swap3A_160 : vector<1x16xf32> to vector<16xf32>
          %swap3A_162 = vector.shape_cast %div3A_157 : vector<16xf32> to vector<1x16xf32>
          tpu.vector_store %arg14[%swap3A_158, %swap3A_159], %swap3A_162 {strides = array<i32>} : memref<80x128xf32, #tpu.memory_space<vmem>>, vector<1x16xf32>,
          %mul3A_163 = arith.mulf %div3A_157, %get3A_132 : vector<16xf32>
          %swap3A_164 = arith.index_cast %scan3A_117 : i32 to index
          %swap3A_165 = arith.constant 0 : index
          %swap3A_166 = tpu.vector_load %arg14[%swap3A_164, %swap3A_165] {strides = array<i32>} : memref<80x128xf32, #tpu.memory_space<vmem>>, vector<1x16xf32>,
          %swap3A_167 = vector.shape_cast %swap3A_166 : vector<1x16xf32> to vector<16xf32>
          %swap3A_168 = vector.shape_cast %mul3A_163 : vector<16xf32> to vector<1x16xf32>
          tpu.vector_store %arg14[%swap3A_164, %swap3A_165], %swap3A_168 {strides = array<i32>} : memref<80x128xf32, #tpu.memory_space<vmem>>, vector<1x16xf32>,
          %get3A_169 = arith.index_cast %scan3A_117 : i32 to index
          %get3A_170 = arith.constant 16 : index
          %get3A_171 = tpu.vector_load %arg10[%get3A_169, %get3A_170] {strides = array<i32>} : memref<80x128xf32, #tpu.memory_space<vmem>>, vector<1x16xf32>,
          %get3A_172 = vector.shape_cast %get3A_171 : vector<1x16xf32> to vector<16xf32>
          %get3A_173 = arith.index_cast %scan3A_117 : i32 to index
          %get3A_174 = arith.constant 80 : index
          %get3A_175 = tpu.vector_load %arg10[%get3A_173, %get3A_174] {strides = array<i32>} : memref<80x128xf32, #tpu.memory_space<vmem>>, vector<1x16xf32>,
          %get3A_176 = vector.shape_cast %get3A_175 : vector<1x16xf32> to vector<16xf32>
          %get3A_177 = arith.index_cast %scan3A_117 : i32 to index
          %get3A_178 = arith.constant 16 : index
          %get3A_179 = tpu.vector_load %arg11[%get3A_177, %get3A_178] {strides = array<i32>} : memref<80x128xf32, #tpu.memory_space<vmem>>, vector<1x16xf32>,
          %get3A_180 = vector.shape_cast %get3A_179 : vector<1x16xf32> to vector<16xf32>
          %add3A_181 = arith.addf %get3A_172, %get3A_180 : vector<16xf32>
          %get3A_182 = arith.index_cast %scan3A_117 : i32 to index
          %get3A_183 = arith.constant 16 : index
          %get3A_184 = tpu.vector_load %arg12[%get3A_182, %get3A_183] {strides = array<i32>} : memref<80x64xf32, #tpu.memory_space<vmem>>, vector<1x16xf32>,
          %get3A_185 = vector.shape_cast %get3A_184 : vector<1x16xf32> to vector<16xf32>
          %add3A_186 = arith.addf %add3A_181, %get3A_185 : vector<16xf32>
          %swap3A_187 = arith.index_cast %scan3A_117 : i32 to index
          %swap3A_188 = arith.constant 16 : index
          %swap3A_189 = tpu.vector_load %arg13[%swap3A_187, %swap3A_188] {strides = array<i32>} : memref<80x64xf32, #tpu.memory_space<vmem>>, vector<1x16xf32>,
          %swap3A_190 = vector.shape_cast %swap3A_189 : vector<1x16xf32> to vector<16xf32>
          %swap3A_191 = vector.shape_cast %add3A_186 : vector<16xf32> to vector<1x16xf32>
          tpu.vector_store %arg13[%swap3A_187, %swap3A_188], %swap3A_191 {strides = array<i32>} : memref<80x64xf32, #tpu.memory_space<vmem>>, vector<1x16xf32>,
          %add3A_192 = arith.addf %scan3A_119, %add3A_186 : vector<16xf32>
          %mul3A_193 = arith.mulf %add3A_186, %add3A_186 : vector<16xf32>
          %add3A_194 = arith.addf %scan3A_123, %mul3A_193 : vector<16xf32>
          %neg3A_195 = arith.constant 0.000000e+00 : f32
          %neg3A_196 = vector.broadcast %neg3A_195 : f32 to vector<16xf32>
          %neg3A_197 = arith.subf %neg3A_196, %add3A_186 : vector<16xf32>
          %exp3A_198 = math.exp %neg3A_197 : vector<16xf32>
          %add3A_199 = arith.constant 1.000000e+00 : f32
          %add3A_200 = vector.broadcast %add3A_199 : f32 to vector<16xf32>
          %add3A_201 = arith.addf %add3A_200, %exp3A_198 : vector<16xf32>
          %div3A_202 = arith.constant 1.000000e+00 : f32
          %div3A_203 = vector.broadcast %div3A_202 : f32 to vector<16xf32>
          %div3A_204 = arith.divf %div3A_203, %add3A_201 : vector<16xf32>
          %swap3A_205 = arith.index_cast %scan3A_117 : i32 to index
          %swap3A_206 = arith.constant 80 : index
          %swap3A_207 = tpu.vector_load %arg14[%swap3A_205, %swap3A_206] {strides = array<i32>} : memref<80x128xf32, #tpu.memory_space<vmem>>, vector<1x16xf32>,
          %swap3A_208 = vector.shape_cast %swap3A_207 : vector<1x16xf32> to vector<16xf32>
          %swap3A_209 = vector.shape_cast %div3A_204 : vector<16xf32> to vector<1x16xf32>
          tpu.vector_store %arg14[%swap3A_205, %swap3A_206], %swap3A_209 {strides = array<i32>} : memref<80x128xf32, #tpu.memory_space<vmem>>, vector<1x16xf32>,
          %mul3A_210 = arith.mulf %div3A_204, %get3A_176 : vector<16xf32>
          %swap3A_211 = arith.index_cast %scan3A_117 : i32 to index
          %swap3A_212 = arith.constant 16 : index
          %swap3A_213 = tpu.vector_load %arg14[%swap3A_211, %swap3A_212] {strides = array<i32>} : memref<80x128xf32, #tpu.memory_space<vmem>>, vector<1x16xf32>,
          %swap3A_214 = vector.shape_cast %swap3A_213 : vector<1x16xf32> to vector<16xf32>
          %swap3A_215 = vector.shape_cast %mul3A_210 : vector<16xf32> to vector<1x16xf32>
          tpu.vector_store %arg14[%swap3A_211, %swap3A_212], %swap3A_215 {strides = array<i32>} : memref<80x128xf32, #tpu.memory_space<vmem>>, vector<1x16xf32>,
          %get3A_216 = arith.index_cast %scan3A_117 : i32 to index
          %get3A_217 = arith.constant 32 : index
          %get3A_218 = tpu.vector_load %arg10[%get3A_216, %get3A_217] {strides = array<i32>} : memref<80x128xf32, #tpu.memory_space<vmem>>, vector<1x16xf32>,
          %get3A_219 = vector.shape_cast %get3A_218 : vector<1x16xf32> to vector<16xf32>
          %get3A_220 = arith.index_cast %scan3A_117 : i32 to index
          %get3A_221 = arith.constant 96 : index
          %get3A_222 = tpu.vector_load %arg10[%get3A_220, %get3A_221] {strides = array<i32>} : memref<80x128xf32, #tpu.memory_space<vmem>>, vector<1x16xf32>,
          %get3A_223 = vector.shape_cast %get3A_222 : vector<1x16xf32> to vector<16xf32>
          %get3A_224 = arith.index_cast %scan3A_117 : i32 to index
          %get3A_225 = arith.constant 32 : index
          %get3A_226 = tpu.vector_load %arg11[%get3A_224, %get3A_225] {strides = array<i32>} : memref<80x128xf32, #tpu.memory_space<vmem>>, vector<1x16xf32>,
          %get3A_227 = vector.shape_cast %get3A_226 : vector<1x16xf32> to vector<16xf32>
          %add3A_228 = arith.addf %get3A_219, %get3A_227 : vector<16xf32>
          %get3A_229 = arith.index_cast %scan3A_117 : i32 to index
          %get3A_230 = arith.constant 32 : index
          %get3A_231 = tpu.vector_load %arg12[%get3A_229, %get3A_230] {strides = array<i32>} : memref<80x64xf32, #tpu.memory_space<vmem>>, vector<1x16xf32>,
          %get3A_232 = vector.shape_cast %get3A_231 : vector<1x16xf32> to vector<16xf32>
          %add3A_233 = arith.addf %add3A_228, %get3A_232 : vector<16xf32>
          %swap3A_234 = arith.index_cast %scan3A_117 : i32 to index
          %swap3A_235 = arith.constant 32 : index
          %swap3A_236 = tpu.vector_load %arg13[%swap3A_234, %swap3A_235] {strides = array<i32>} : memref<80x64xf32, #tpu.memory_space<vmem>>, vector<1x16xf32>,
          %swap3A_237 = vector.shape_cast %swap3A_236 : vector<1x16xf32> to vector<16xf32>
          %swap3A_238 = vector.shape_cast %add3A_233 : vector<16xf32> to vector<1x16xf32>
          tpu.vector_store %arg13[%swap3A_234, %swap3A_235], %swap3A_238 {strides = array<i32>} : memref<80x64xf32, #tpu.memory_space<vmem>>, vector<1x16xf32>,
          %add3A_239 = arith.addf %scan3A_120, %add3A_233 : vector<16xf32>
          %mul3A_240 = arith.mulf %add3A_233, %add3A_233 : vector<16xf32>
          %add3A_241 = arith.addf %scan3A_124, %mul3A_240 : vector<16xf32>
          %neg3A_242 = arith.constant 0.000000e+00 : f32
          %neg3A_243 = vector.broadcast %neg3A_242 : f32 to vector<16xf32>
          %neg3A_244 = arith.subf %neg3A_243, %add3A_233 : vector<16xf32>
          %exp3A_245 = math.exp %neg3A_244 : vector<16xf32>
          %add3A_246 = arith.constant 1.000000e+00 : f32
          %add3A_247 = vector.broadcast %add3A_246 : f32 to vector<16xf32>
          %add3A_248 = arith.addf %add3A_247, %exp3A_245 : vector<16xf32>
          %div3A_249 = arith.constant 1.000000e+00 : f32
          %div3A_250 = vector.broadcast %div3A_249 : f32 to vector<16xf32>
          %div3A_251 = arith.divf %div3A_250, %add3A_248 : vector<16xf32>
          %swap3A_252 = arith.index_cast %scan3A_117 : i32 to index
          %swap3A_253 = arith.constant 96 : index
          %swap3A_254 = tpu.vector_load %arg14[%swap3A_252, %swap3A_253] {strides = array<i32>} : memref<80x128xf32, #tpu.memory_space<vmem>>, vector<1x16xf32>,
          %swap3A_255 = vector.shape_cast %swap3A_254 : vector<1x16xf32> to vector<16xf32>
          %swap3A_256 = vector.shape_cast %div3A_251 : vector<16xf32> to vector<1x16xf32>
          tpu.vector_store %arg14[%swap3A_252, %swap3A_253], %swap3A_256 {strides = array<i32>} : memref<80x128xf32, #tpu.memory_space<vmem>>, vector<1x16xf32>,
          %mul3A_257 = arith.mulf %div3A_251, %get3A_223 : vector<16xf32>
          %swap3A_258 = arith.index_cast %scan3A_117 : i32 to index
          %swap3A_259 = arith.constant 32 : index
          %swap3A_260 = tpu.vector_load %arg14[%swap3A_258, %swap3A_259] {strides = array<i32>} : memref<80x128xf32, #tpu.memory_space<vmem>>, vector<1x16xf32>,
          %swap3A_261 = vector.shape_cast %swap3A_260 : vector<1x16xf32> to vector<16xf32>
          %swap3A_262 = vector.shape_cast %mul3A_257 : vector<16xf32> to vector<1x16xf32>
          tpu.vector_store %arg14[%swap3A_258, %swap3A_259], %swap3A_262 {strides = array<i32>} : memref<80x128xf32, #tpu.memory_space<vmem>>, vector<1x16xf32>,
          %get3A_263 = arith.index_cast %scan3A_117 : i32 to index
          %get3A_264 = arith.constant 48 : index
          %get3A_265 = tpu.vector_load %arg10[%get3A_263, %get3A_264] {strides = array<i32>} : memref<80x128xf32, #tpu.memory_space<vmem>>, vector<1x16xf32>,
          %get3A_266 = vector.shape_cast %get3A_265 : vector<1x16xf32> to vector<16xf32>
          %get3A_267 = arith.index_cast %scan3A_117 : i32 to index
          %get3A_268 = arith.constant 112 : index
          %get3A_269 = tpu.vector_load %arg10[%get3A_267, %get3A_268] {strides = array<i32>} : memref<80x128xf32, #tpu.memory_space<vmem>>, vector<1x16xf32>,
          %get3A_270 = vector.shape_cast %get3A_269 : vector<1x16xf32> to vector<16xf32>
          %get3A_271 = arith.index_cast %scan3A_117 : i32 to index
          %get3A_272 = arith.constant 48 : index
          %get3A_273 = tpu.vector_load %arg11[%get3A_271, %get3A_272] {strides = array<i32>} : memref<80x128xf32, #tpu.memory_space<vmem>>, vector<1x16xf32>,
          %get3A_274 = vector.shape_cast %get3A_273 : vector<1x16xf32> to vector<16xf32>
          %add3A_275 = arith.addf %get3A_266, %get3A_274 : vector<16xf32>
          %get3A_276 = arith.index_cast %scan3A_117 : i32 to index
          %get3A_277 = arith.constant 48 : index
          %get3A_278 = tpu.vector_load %arg12[%get3A_276, %get3A_277] {strides = array<i32>} : memref<80x64xf32, #tpu.memory_space<vmem>>, vector<1x16xf32>,
          %get3A_279 = vector.shape_cast %get3A_278 : vector<1x16xf32> to vector<16xf32>
          %add3A_280 = arith.addf %add3A_275, %get3A_279 : vector<16xf32>
          %swap3A_281 = arith.index_cast %scan3A_117 : i32 to index
          %swap3A_282 = arith.constant 48 : index
          %swap3A_283 = tpu.vector_load %arg13[%swap3A_281, %swap3A_282] {strides = array<i32>} : memref<80x64xf32, #tpu.memory_space<vmem>>, vector<1x16xf32>,
          %swap3A_284 = vector.shape_cast %swap3A_283 : vector<1x16xf32> to vector<16xf32>
          %swap3A_285 = vector.shape_cast %add3A_280 : vector<16xf32> to vector<1x16xf32>
          tpu.vector_store %arg13[%swap3A_281, %swap3A_282], %swap3A_285 {strides = array<i32>} : memref<80x64xf32, #tpu.memory_space<vmem>>, vector<1x16xf32>,
          %add3A_286 = arith.addf %scan3A_121, %add3A_280 : vector<16xf32>
          %mul3A_287 = arith.mulf %add3A_280, %add3A_280 : vector<16xf32>
          %add3A_288 = arith.addf %scan3A_125, %mul3A_287 : vector<16xf32>
          %neg3A_289 = arith.constant 0.000000e+00 : f32
          %neg3A_290 = vector.broadcast %neg3A_289 : f32 to vector<16xf32>
          %neg3A_291 = arith.subf %neg3A_290, %add3A_280 : vector<16xf32>
          %exp3A_292 = math.exp %neg3A_291 : vector<16xf32>
          %add3A_293 = arith.constant 1.000000e+00 : f32
          %add3A_294 = vector.broadcast %add3A_293 : f32 to vector<16xf32>
          %add3A_295 = arith.addf %add3A_294, %exp3A_292 : vector<16xf32>
          %div3A_296 = arith.constant 1.000000e+00 : f32
          %div3A_297 = vector.broadcast %div3A_296 : f32 to vector<16xf32>
          %div3A_298 = arith.divf %div3A_297, %add3A_295 : vector<16xf32>
          %swap3A_299 = arith.index_cast %scan3A_117 : i32 to index
          %swap3A_300 = arith.constant 112 : index
          %swap3A_301 = tpu.vector_load %arg14[%swap3A_299, %swap3A_300] {strides = array<i32>} : memref<80x128xf32, #tpu.memory_space<vmem>>, vector<1x16xf32>,
          %swap3A_302 = vector.shape_cast %swap3A_301 : vector<1x16xf32> to vector<16xf32>
          %swap3A_303 = vector.shape_cast %div3A_298 : vector<16xf32> to vector<1x16xf32>
          tpu.vector_store %arg14[%swap3A_299, %swap3A_300], %swap3A_303 {strides = array<i32>} : memref<80x128xf32, #tpu.memory_space<vmem>>, vector<1x16xf32>,
          %mul3A_304 = arith.mulf %div3A_298, %get3A_270 : vector<16xf32>
          %swap3A_305 = arith.index_cast %scan3A_117 : i32 to index
          %swap3A_306 = arith.constant 48 : index
          %swap3A_307 = tpu.vector_load %arg14[%swap3A_305, %swap3A_306] {strides = array<i32>} : memref<80x128xf32, #tpu.memory_space<vmem>>, vector<1x16xf32>,
          %swap3A_308 = vector.shape_cast %swap3A_307 : vector<1x16xf32> to vector<16xf32>
          %swap3A_309 = vector.shape_cast %mul3A_304 : vector<16xf32> to vector<1x16xf32>
          tpu.vector_store %arg14[%swap3A_305, %swap3A_306], %swap3A_309 {strides = array<i32>} : memref<80x128xf32, #tpu.memory_space<vmem>>, vector<1x16xf32>,
          scf.yield %add3A_148, %add3A_192, %add3A_239, %add3A_286, %add3A_150, %add3A_194, %add3A_241, %add3A_288 : vector<16xf32>, vector<16xf32>, vector<16xf32>, vector<16xf32>, vector<16xf32>, vector<16xf32>, vector<16xf32>, vector<16xf32>
        }
        %scan3A_115 = arith.constant 80 : i32
        "tpu.region"() ({
          %run_scoped3A_117 = tpu.sem_alloc : memref<!tpu.dma_semaphore, #tpu.memory_space<semaphore_mem>>
          %dma_start3A = arith.constant 0 : i32
          %dma_start3A_118 = tpu.memref_slice %arg6[%arg0, %add3A_108, %dma_start3A] : memref<2x320000x64xf32, #tpu.memory_space<hbm>> -> memref<1x80x64xf32, #tpu.memory_space<hbm>>
          %dma_start3A_119 = tpu.memref_squeeze %dma_start3A_118 : memref<1x80x64xf32, #tpu.memory_space<hbm>> -> memref<80x64xf32, #tpu.memory_space<hbm>>
          %dma_start3A_120 = arith.constant 0 : i32
          %dma_start3A_121 = tpu.memref_slice %arg6[%arg0, %add3A_108, %dma_start3A_120] : memref<2x320000x64xf32, #tpu.memory_space<hbm>> -> memref<1x80x64xf32, #tpu.memory_space<hbm>>
          %dma_start3A_122 = tpu.memref_squeeze %dma_start3A_121 : memref<1x80x64xf32, #tpu.memory_space<hbm>> -> memref<80x64xf32, #tpu.memory_space<hbm>>
          tpu.enqueue_dma source(%arg13 : memref<80x64xf32, #tpu.memory_space<vmem>>) target(%dma_start3A_122 : memref<80x64xf32, #tpu.memory_space<hbm>>) target_semaphore(%run_scoped3A_117 : memref<!tpu.dma_semaphore, #tpu.memory_space<semaphore_mem>>)
          %dma_wait3A = arith.constant 0 : i32
          %dma_wait3A_123 = tpu.memref_slice %arg6[%arg0, %add3A_108, %dma_wait3A] : memref<2x320000x64xf32, #tpu.memory_space<hbm>> -> memref<1x80x64xf32, #tpu.memory_space<hbm>>
          %dma_wait3A_124 = tpu.memref_squeeze %dma_wait3A_123 : memref<1x80x64xf32, #tpu.memory_space<hbm>> -> memref<80x64xf32, #tpu.memory_space<hbm>>
          %dma_wait3A_125 = arith.constant 0 : i32
          %dma_wait3A_126 = tpu.memref_slice %arg6[%arg0, %add3A_108, %dma_wait3A_125] : memref<2x320000x64xf32, #tpu.memory_space<hbm>> -> memref<1x80x64xf32, #tpu.memory_space<hbm>>
          %dma_wait3A_127 = tpu.memref_squeeze %dma_wait3A_126 : memref<1x80x64xf32, #tpu.memory_space<hbm>> -> memref<80x64xf32, #tpu.memory_space<hbm>>
          tpu.wait_dma2 semaphore(%run_scoped3A_117 : memref<!tpu.dma_semaphore, #tpu.memory_space<semaphore_mem>>) src(%arg13 : memref<80x64xf32, #tpu.memory_space<vmem>>) dst(%dma_wait3A_127 : memref<80x64xf32, #tpu.memory_space<hbm>>)
          tpu.yield
        }) : () -> ()
        %run_scoped3A_116 = arith.constant 2 : i32
        "tpu.region"() ({
          %run_scoped3A_117 = tpu.sem_alloc : memref<!tpu.dma_semaphore, #tpu.memory_space<semaphore_mem>>
          %dma_start3A = arith.constant 0 : i32
          %dma_start3A_118 = tpu.memref_slice %arg9[%scan3A_94, %run_scoped3A_116, %dma_start3A] : memref<10x3x80xi32, #tpu.memory_space<vmem>> -> memref<1x1x80xi32, #tpu.memory_space<vmem>>
          %dma_start3A_119 = tpu.memref_squeeze %dma_start3A_118 : memref<1x1x80xi32, #tpu.memory_space<vmem>> -> memref<80xi32, #tpu.memory_space<vmem>>
          %dma_start3A_120 = arith.constant 0 : i32
          %dma_start3A_121 = arith.constant 0 : i32
          %dma_start3A_122 = tpu.memref_slice %arg17[%dma_start3A_120, %dma_start3A_121] : memref<10112x128xf32, #tpu.memory_space<vmem_shared>> -> memref<10112x128xf32, #tpu.memory_space<vmem_shared>>
          tpu.enqueue_indirect_dma source(%arg14 : memref<80x128xf32, #tpu.memory_space<vmem>>) target(%dma_start3A_122 : memref<10112x128xf32, #tpu.memory_space<vmem_shared>>) offsets(%dma_start3A_119 : memref<80xi32, #tpu.memory_space<vmem>>) semaphore(%run_scoped3A_117 : memref<!tpu.dma_semaphore, #tpu.memory_space<semaphore_mem>>) {add = true}
          %dma_wait3A = arith.constant 0 : i32
          %dma_wait3A_123 = tpu.memref_slice %arg9[%scan3A_94, %run_scoped3A_116, %dma_wait3A] : memref<10x3x80xi32, #tpu.memory_space<vmem>> -> memref<1x1x80xi32, #tpu.memory_space<vmem>>
          %dma_wait3A_124 = tpu.memref_squeeze %dma_wait3A_123 : memref<1x1x80xi32, #tpu.memory_space<vmem>> -> memref<80xi32, #tpu.memory_space<vmem>>
          %dma_wait3A_125 = arith.constant 0 : i32
          %dma_wait3A_126 = arith.constant 0 : i32
          %dma_wait3A_127 = tpu.memref_slice %arg17[%dma_wait3A_125, %dma_wait3A_126] : memref<10112x128xf32, #tpu.memory_space<vmem_shared>> -> memref<10112x128xf32, #tpu.memory_space<vmem_shared>>
          tpu.wait_indirect_dma semaphore(%run_scoped3A_117 : memref<!tpu.dma_semaphore, #tpu.memory_space<semaphore_mem>>) src(%arg14 : memref<80x128xf32, #tpu.memory_space<vmem>>) dst(%dma_wait3A_127 : memref<10112x128xf32, #tpu.memory_space<vmem_shared>>)
          tpu.yield
        }) : () -> ()
        scf.yield %scan3A_114#0, %scan3A_114#1, %scan3A_114#2, %scan3A_114#3, %scan3A_114#4, %scan3A_114#5, %scan3A_114#6, %scan3A_114#7 : vector<16xf32>, vector<16xf32>, vector<16xf32>, vector<16xf32>, vector<16xf32>, vector<16xf32>, vector<16xf32>, vector<16xf32>
      }
      %scan3A_93 = arith.constant 10 : i32
      scf.yield %scan3A_92#0, %scan3A_92#1, %scan3A_92#2, %scan3A_92#3, %scan3A_92#4, %scan3A_92#5, %scan3A_92#6, %scan3A_92#7 : vector<16xf32>, vector<16xf32>, vector<16xf32>, vector<16xf32>, vector<16xf32>, vector<16xf32>, vector<16xf32>, vector<16xf32>
    }
    %scan3A_25 = arith.constant 25 : i32
    %swap3A = arith.constant 0 : i32
    %swap3A_26 = arith.index_cast %swap3A : i32 to index
    %swap3A_27 = arith.constant 0 : index
    %swap3A_28 = tpu.vector_load %arg16[%swap3A_26, %swap3A_27] {strides = array<i32>} : memref<2x64xf32, #tpu.memory_space<vmem>>, vector<1x16xf32>,
    %swap3A_29 = vector.shape_cast %swap3A_28 : vector<1x16xf32> to vector<16xf32>
    %swap3A_30 = vector.shape_cast %scan3A_24#0 : vector<16xf32> to vector<1x16xf32>
    tpu.vector_store %arg16[%swap3A_26, %swap3A_27], %swap3A_30 {strides = array<i32>} : memref<2x64xf32, #tpu.memory_space<vmem>>, vector<1x16xf32>,
    %swap3A_31 = arith.constant 1 : i32
    %swap3A_32 = arith.index_cast %swap3A_31 : i32 to index
    %swap3A_33 = arith.constant 0 : index
    %swap3A_34 = tpu.vector_load %arg16[%swap3A_32, %swap3A_33] {strides = array<i32>} : memref<2x64xf32, #tpu.memory_space<vmem>>, vector<1x16xf32>,
    %swap3A_35 = vector.shape_cast %swap3A_34 : vector<1x16xf32> to vector<16xf32>
    %swap3A_36 = vector.shape_cast %scan3A_24#4 : vector<16xf32> to vector<1x16xf32>
    tpu.vector_store %arg16[%swap3A_32, %swap3A_33], %swap3A_36 {strides = array<i32>} : memref<2x64xf32, #tpu.memory_space<vmem>>, vector<1x16xf32>,
    %swap3A_37 = arith.constant 0 : i32
    %swap3A_38 = arith.index_cast %swap3A_37 : i32 to index
    %swap3A_39 = arith.constant 16 : index
    %swap3A_40 = tpu.vector_load %arg16[%swap3A_38, %swap3A_39] {strides = array<i32>} : memref<2x64xf32, #tpu.memory_space<vmem>>, vector<1x16xf32>,
    %swap3A_41 = vector.shape_cast %swap3A_40 : vector<1x16xf32> to vector<16xf32>
    %swap3A_42 = vector.shape_cast %scan3A_24#1 : vector<16xf32> to vector<1x16xf32>
    tpu.vector_store %arg16[%swap3A_38, %swap3A_39], %swap3A_42 {strides = array<i32>} : memref<2x64xf32, #tpu.memory_space<vmem>>, vector<1x16xf32>,
    %swap3A_43 = arith.constant 1 : i32
    %swap3A_44 = arith.index_cast %swap3A_43 : i32 to index
    %swap3A_45 = arith.constant 16 : index
    %swap3A_46 = tpu.vector_load %arg16[%swap3A_44, %swap3A_45] {strides = array<i32>} : memref<2x64xf32, #tpu.memory_space<vmem>>, vector<1x16xf32>,
    %swap3A_47 = vector.shape_cast %swap3A_46 : vector<1x16xf32> to vector<16xf32>
    %swap3A_48 = vector.shape_cast %scan3A_24#5 : vector<16xf32> to vector<1x16xf32>
    tpu.vector_store %arg16[%swap3A_44, %swap3A_45], %swap3A_48 {strides = array<i32>} : memref<2x64xf32, #tpu.memory_space<vmem>>, vector<1x16xf32>,
    %swap3A_49 = arith.constant 0 : i32
    %swap3A_50 = arith.index_cast %swap3A_49 : i32 to index
    %swap3A_51 = arith.constant 32 : index
    %swap3A_52 = tpu.vector_load %arg16[%swap3A_50, %swap3A_51] {strides = array<i32>} : memref<2x64xf32, #tpu.memory_space<vmem>>, vector<1x16xf32>,
    %swap3A_53 = vector.shape_cast %swap3A_52 : vector<1x16xf32> to vector<16xf32>
    %swap3A_54 = vector.shape_cast %scan3A_24#2 : vector<16xf32> to vector<1x16xf32>
    tpu.vector_store %arg16[%swap3A_50, %swap3A_51], %swap3A_54 {strides = array<i32>} : memref<2x64xf32, #tpu.memory_space<vmem>>, vector<1x16xf32>,
    %swap3A_55 = arith.constant 1 : i32
    %swap3A_56 = arith.index_cast %swap3A_55 : i32 to index
    %swap3A_57 = arith.constant 32 : index
    %swap3A_58 = tpu.vector_load %arg16[%swap3A_56, %swap3A_57] {strides = array<i32>} : memref<2x64xf32, #tpu.memory_space<vmem>>, vector<1x16xf32>,
    %swap3A_59 = vector.shape_cast %swap3A_58 : vector<1x16xf32> to vector<16xf32>
    %swap3A_60 = vector.shape_cast %scan3A_24#6 : vector<16xf32> to vector<1x16xf32>
    tpu.vector_store %arg16[%swap3A_56, %swap3A_57], %swap3A_60 {strides = array<i32>} : memref<2x64xf32, #tpu.memory_space<vmem>>, vector<1x16xf32>,
    %swap3A_61 = arith.constant 0 : i32
    %swap3A_62 = arith.index_cast %swap3A_61 : i32 to index
    %swap3A_63 = arith.constant 48 : index
    %swap3A_64 = tpu.vector_load %arg16[%swap3A_62, %swap3A_63] {strides = array<i32>} : memref<2x64xf32, #tpu.memory_space<vmem>>, vector<1x16xf32>,
    %swap3A_65 = vector.shape_cast %swap3A_64 : vector<1x16xf32> to vector<16xf32>
    %swap3A_66 = vector.shape_cast %scan3A_24#3 : vector<16xf32> to vector<1x16xf32>
    tpu.vector_store %arg16[%swap3A_62, %swap3A_63], %swap3A_66 {strides = array<i32>} : memref<2x64xf32, #tpu.memory_space<vmem>>, vector<1x16xf32>,
    %swap3A_67 = arith.constant 1 : i32
    %swap3A_68 = arith.index_cast %swap3A_67 : i32 to index
    %swap3A_69 = arith.constant 48 : index
    %swap3A_70 = tpu.vector_load %arg16[%swap3A_68, %swap3A_69] {strides = array<i32>} : memref<2x64xf32, #tpu.memory_space<vmem>>, vector<1x16xf32>,
    %swap3A_71 = vector.shape_cast %swap3A_70 : vector<1x16xf32> to vector<16xf32>
    %swap3A_72 = vector.shape_cast %scan3A_24#7 : vector<16xf32> to vector<1x16xf32>
    tpu.vector_store %arg16[%swap3A_68, %swap3A_69], %swap3A_72 {strides = array<i32>} : memref<2x64xf32, #tpu.memory_space<vmem>>, vector<1x16xf32>,
    "tpu.region"() ({
      %run_scoped3A = tpu.sem_alloc : memref<!tpu.dma_semaphore, #tpu.memory_space<semaphore_mem>>
      %dma_start3A = arith.constant 0 : i32
      %dma_start3A_76 = arith.constant 0 : i32
      %dma_start3A_77 = tpu.memref_slice %arg8[%arg0, %arg1, %dma_start3A, %dma_start3A_76] : memref<2x16x2x64xf32, #tpu.memory_space<hbm>> -> memref<1x1x2x64xf32, #tpu.memory_space<hbm>>
      %dma_start3A_78 = tpu.memref_squeeze %dma_start3A_77 : memref<1x1x2x64xf32, #tpu.memory_space<hbm>> -> memref<2x64xf32, #tpu.memory_space<hbm>>
      %dma_start3A_79 = arith.constant 0 : i32
      %dma_start3A_80 = arith.constant 0 : i32
      %dma_start3A_81 = tpu.memref_slice %arg8[%arg0, %arg1, %dma_start3A_79, %dma_start3A_80] : memref<2x16x2x64xf32, #tpu.memory_space<hbm>> -> memref<1x1x2x64xf32, #tpu.memory_space<hbm>>
      %dma_start3A_82 = tpu.memref_squeeze %dma_start3A_81 : memref<1x1x2x64xf32, #tpu.memory_space<hbm>> -> memref<2x64xf32, #tpu.memory_space<hbm>>
      tpu.enqueue_dma source(%arg16 : memref<2x64xf32, #tpu.memory_space<vmem>>) target(%dma_start3A_82 : memref<2x64xf32, #tpu.memory_space<hbm>>) target_semaphore(%run_scoped3A : memref<!tpu.dma_semaphore, #tpu.memory_space<semaphore_mem>>)
      %dma_wait3A = arith.constant 0 : i32
      %dma_wait3A_83 = arith.constant 0 : i32
      %dma_wait3A_84 = tpu.memref_slice %arg8[%arg0, %arg1, %dma_wait3A, %dma_wait3A_83] : memref<2x16x2x64xf32, #tpu.memory_space<hbm>> -> memref<1x1x2x64xf32, #tpu.memory_space<hbm>>
      %dma_wait3A_85 = tpu.memref_squeeze %dma_wait3A_84 : memref<1x1x2x64xf32, #tpu.memory_space<hbm>> -> memref<2x64xf32, #tpu.memory_space<hbm>>
      %dma_wait3A_86 = arith.constant 0 : i32
      %dma_wait3A_87 = arith.constant 0 : i32
      %dma_wait3A_88 = tpu.memref_slice %arg8[%arg0, %arg1, %dma_wait3A_86, %dma_wait3A_87] : memref<2x16x2x64xf32, #tpu.memory_space<hbm>> -> memref<1x1x2x64xf32, #tpu.memory_space<hbm>>
      %dma_wait3A_89 = tpu.memref_squeeze %dma_wait3A_88 : memref<1x1x2x64xf32, #tpu.memory_space<hbm>> -> memref<2x64xf32, #tpu.memory_space<hbm>>
      tpu.wait_dma2 semaphore(%run_scoped3A : memref<!tpu.dma_semaphore, #tpu.memory_space<semaphore_mem>>) src(%arg16 : memref<2x64xf32, #tpu.memory_space<vmem>>) dst(%dma_wait3A_89 : memref<2x64xf32, #tpu.memory_space<hbm>>)
      tpu.yield
    }) : () -> ()
    %barrier3A_73 = arith.constant 0 : index
    tpu.barrier barrier_id(%barrier3A_73)
    %mul3A_74 = arith.constant 632 : i32
    %mul3A_75 = arith.muli %arg1, %mul3A_74 : i32
    "tpu.region"() ({
      %run_scoped3A = tpu.sem_alloc : memref<!tpu.dma_semaphore, #tpu.memory_space<semaphore_mem>>
      %dma_start3A = arith.constant 0 : i32
      %dma_start3A_76 = tpu.memref_slice %arg7[%arg0, %mul3A_75, %dma_start3A] : memref<2x10112x128xf32, #tpu.memory_space<hbm>> -> memref<1x632x128xf32, #tpu.memory_space<hbm>>
      %dma_start3A_77 = tpu.memref_squeeze %dma_start3A_76 : memref<1x632x128xf32, #tpu.memory_space<hbm>> -> memref<632x128xf32, #tpu.memory_space<hbm>>
      %dma_start3A_78 = arith.constant 0 : i32
      %dma_start3A_79 = tpu.memref_slice %arg17[%mul3A_75, %dma_start3A_78] : memref<10112x128xf32, #tpu.memory_space<vmem_shared>> -> memref<632x128xf32, #tpu.memory_space<vmem_shared>>
      tpu.enqueue_dma source(%dma_start3A_79 : memref<632x128xf32, #tpu.memory_space<vmem_shared>>) target(%dma_start3A_77 : memref<632x128xf32, #tpu.memory_space<hbm>>) target_semaphore(%run_scoped3A : memref<!tpu.dma_semaphore, #tpu.memory_space<semaphore_mem>>)
      %dma_wait3A = arith.constant 0 : i32
      %dma_wait3A_80 = tpu.memref_slice %arg7[%arg0, %mul3A_75, %dma_wait3A] : memref<2x10112x128xf32, #tpu.memory_space<hbm>> -> memref<1x632x128xf32, #tpu.memory_space<hbm>>
      %dma_wait3A_81 = tpu.memref_squeeze %dma_wait3A_80 : memref<1x632x128xf32, #tpu.memory_space<hbm>> -> memref<632x128xf32, #tpu.memory_space<hbm>>
      %dma_wait3A_82 = arith.constant 0 : i32
      %dma_wait3A_83 = tpu.memref_slice %arg17[%mul3A_75, %dma_wait3A_82] : memref<10112x128xf32, #tpu.memory_space<vmem_shared>> -> memref<632x128xf32, #tpu.memory_space<vmem_shared>>
      tpu.wait_dma2 semaphore(%run_scoped3A : memref<!tpu.dma_semaphore, #tpu.memory_space<semaphore_mem>>) src(%dma_wait3A_83 : memref<632x128xf32, #tpu.memory_space<vmem_shared>>) dst(%dma_wait3A_81 : memref<632x128xf32, #tpu.memory_space<hbm>>)
      tpu.yield
    }) : () -> ()
    return
  }
}

#map = affine_map<(d0, d1) -> (0, 0)>
#map1 = affine_map<(d0, d1) -> (0, 0, 0)>
#map2 = affine_map<(d0, d1) -> (0, 0, 0, 0)>
module attributes {stable_mosaic.version = 14 : i64} {
  func.func @_sc_edge_kernel(%arg0: i32, %arg1: i32, %arg2: memref<20000x128xf32, #tpu.memory_space<hbm>>, %arg3: memref<20000x128xf32, #tpu.memory_space<hbm>>, %arg4: memref<2x320000x64xf32, #tpu.memory_space<hbm>>, %arg5: memref<2x4010x3x80xi32, #tpu.memory_space<hbm>>, %arg6: memref<2x320000x64xf32, #tpu.memory_space<hbm>>, %arg7: memref<2x10112x128xf32, #tpu.memory_space<hbm>>, %arg8: memref<2x16x2x64xf32, #tpu.memory_space<hbm>>, %arg9: memref<10x3x80xi32, #tpu.memory_space<vmem>>, %arg10: memref<80x128xf32, #tpu.memory_space<vmem>>, %arg11: memref<80x128xf32, #tpu.memory_space<vmem>>, %arg12: memref<80x64xf32, #tpu.memory_space<vmem>>, %arg13: memref<80x64xf32, #tpu.memory_space<vmem>>, %arg14: memref<80x128xf32, #tpu.memory_space<vmem>>, %arg15: memref<16x128xf32, #tpu.memory_space<vmem>>, %arg16: memref<2x64xf32, #tpu.memory_space<vmem>>, %arg17: memref<10112x128xf32, #tpu.memory_space<vmem_shared>>) attributes {dimension_semantics = [#tpu.dimension_semantics<core_parallel>, #tpu.dimension_semantics<subcore_parallel>], iteration_bounds = array<i64: 2, 16>, scalar_prefetch = 0 : i64, scratch_operands = 9 : i64, tpu.core_type = #tpu.core_type<sc_vector_subcore>, window_params = [{transform_indices = #map}, {transform_indices = #map}, {transform_indices = #map1}, {transform_indices = #map2}, {transform_indices = #map1}, {transform_indices = #map1}, {transform_indices = #map2}]} {
    %broadcast_in_dim3A = arith.constant 0.000000e+00 : f32
    %broadcast_in_dim3A_0 = vector.broadcast %broadcast_in_dim3A : f32 to vector<16xf32>
    %scan3A = arith.constant 0 : i32
    %scan3A_1 = arith.constant 0 : i32
    %scan3A_2 = arith.constant 16 : i32
    %scan3A_3 = arith.addi %scan3A_1, %scan3A_2 : i32
    %scan3A_4 = arith.constant 1 : i32
    %scan3A_5 = scf.for %scan3A_76 = %scan3A_1 to %scan3A_3 step %scan3A_4 iter_args(%scan3A_77 = %scan3A) -> (i32)  : i32 {
      %swap3A_78 = arith.index_cast %scan3A_76 : i32 to index
      %swap3A_79 = arith.constant 0 : index
      %swap3A_80 = tpu.vector_load %arg15[%swap3A_78, %swap3A_79] {strides = array<i32>} : memref<16x128xf32, #tpu.memory_space<vmem>>, vector<1x16xf32>,
      %swap3A_81 = vector.shape_cast %swap3A_80 : vector<1x16xf32> to vector<16xf32>
      %swap3A_82 = vector.shape_cast %broadcast_in_dim3A_0 : vector<16xf32> to vector<1x16xf32>
      tpu.vector_store %arg15[%swap3A_78, %swap3A_79], %swap3A_82 {strides = array<i32>} : memref<16x128xf32, #tpu.memory_space<vmem>>, vector<1x16xf32>,
      %swap3A_83 = arith.index_cast %scan3A_76 : i32 to index
      %swap3A_84 = arith.constant 16 : index
      %swap3A_85 = tpu.vector_load %arg15[%swap3A_83, %swap3A_84] {strides = array<i32>} : memref<16x128xf32, #tpu.memory_space<vmem>>, vector<1x16xf32>,
      %swap3A_86 = vector.shape_cast %swap3A_85 : vector<1x16xf32> to vector<16xf32>
      %swap3A_87 = vector.shape_cast %broadcast_in_dim3A_0 : vector<16xf32> to vector<1x16xf32>
      tpu.vector_store %arg15[%swap3A_83, %swap3A_84], %swap3A_87 {strides = array<i32>} : memref<16x128xf32, #tpu.memory_space<vmem>>, vector<1x16xf32>,
      %swap3A_88 = arith.index_cast %scan3A_76 : i32 to index
      %swap3A_89 = arith.constant 32 : index
      %swap3A_90 = tpu.vector_load %arg15[%swap3A_88, %swap3A_89] {strides = array<i32>} : memref<16x128xf32, #tpu.memory_space<vmem>>, vector<1x16xf32>,
      %swap3A_91 = vector.shape_cast %swap3A_90 : vector<1x16xf32> to vector<16xf32>
      %swap3A_92 = vector.shape_cast %broadcast_in_dim3A_0 : vector<16xf32> to vector<1x16xf32>
      tpu.vector_store %arg15[%swap3A_88, %swap3A_89], %swap3A_92 {strides = array<i32>} : memref<16x128xf32, #tpu.memory_space<vmem>>, vector<1x16xf32>,
      %swap3A_93 = arith.index_cast %scan3A_76 : i32 to index
      %swap3A_94 = arith.constant 48 : index
      %swap3A_95 = tpu.vector_load %arg15[%swap3A_93, %swap3A_94] {strides = array<i32>} : memref<16x128xf32, #tpu.memory_space<vmem>>, vector<1x16xf32>,
      %swap3A_96 = vector.shape_cast %swap3A_95 : vector<1x16xf32> to vector<16xf32>
      %swap3A_97 = vector.shape_cast %broadcast_in_dim3A_0 : vector<16xf32> to vector<1x16xf32>
      tpu.vector_store %arg15[%swap3A_93, %swap3A_94], %swap3A_97 {strides = array<i32>} : memref<16x128xf32, #tpu.memory_space<vmem>>, vector<1x16xf32>,
      %swap3A_98 = arith.index_cast %scan3A_76 : i32 to index
      %swap3A_99 = arith.constant 64 : index
      %swap3A_100 = tpu.vector_load %arg15[%swap3A_98, %swap3A_99] {strides = array<i32>} : memref<16x128xf32, #tpu.memory_space<vmem>>, vector<1x16xf32>,
      %swap3A_101 = vector.shape_cast %swap3A_100 : vector<1x16xf32> to vector<16xf32>
      %swap3A_102 = vector.shape_cast %broadcast_in_dim3A_0 : vector<16xf32> to vector<1x16xf32>
      tpu.vector_store %arg15[%swap3A_98, %swap3A_99], %swap3A_102 {strides = array<i32>} : memref<16x128xf32, #tpu.memory_space<vmem>>, vector<1x16xf32>,
      %swap3A_103 = arith.index_cast %scan3A_76 : i32 to index
      %swap3A_104 = arith.constant 80 : index
      %swap3A_105 = tpu.vector_load %arg15[%swap3A_103, %swap3A_104] {strides = array<i32>} : memref<16x128xf32, #tpu.memory_space<vmem>>, vector<1x16xf32>,
      %swap3A_106 = vector.shape_cast %swap3A_105 : vector<1x16xf32> to vector<16xf32>
      %swap3A_107 = vector.shape_cast %broadcast_in_dim3A_0 : vector<16xf32> to vector<1x16xf32>
      tpu.vector_store %arg15[%swap3A_103, %swap3A_104], %swap3A_107 {strides = array<i32>} : memref<16x128xf32, #tpu.memory_space<vmem>>, vector<1x16xf32>,
      %swap3A_108 = arith.index_cast %scan3A_76 : i32 to index
      %swap3A_109 = arith.constant 96 : index
      %swap3A_110 = tpu.vector_load %arg15[%swap3A_108, %swap3A_109] {strides = array<i32>} : memref<16x128xf32, #tpu.memory_space<vmem>>, vector<1x16xf32>,
      %swap3A_111 = vector.shape_cast %swap3A_110 : vector<1x16xf32> to vector<16xf32>
      %swap3A_112 = vector.shape_cast %broadcast_in_dim3A_0 : vector<16xf32> to vector<1x16xf32>
      tpu.vector_store %arg15[%swap3A_108, %swap3A_109], %swap3A_112 {strides = array<i32>} : memref<16x128xf32, #tpu.memory_space<vmem>>, vector<1x16xf32>,
      %swap3A_113 = arith.index_cast %scan3A_76 : i32 to index
      %swap3A_114 = arith.constant 112 : index
      %swap3A_115 = tpu.vector_load %arg15[%swap3A_113, %swap3A_114] {strides = array<i32>} : memref<16x128xf32, #tpu.memory_space<vmem>>, vector<1x16xf32>,
      %swap3A_116 = vector.shape_cast %swap3A_115 : vector<1x16xf32> to vector<16xf32>
      %swap3A_117 = vector.shape_cast %broadcast_in_dim3A_0 : vector<16xf32> to vector<1x16xf32>
      tpu.vector_store %arg15[%swap3A_113, %swap3A_114], %swap3A_117 {strides = array<i32>} : memref<16x128xf32, #tpu.memory_space<vmem>>, vector<1x16xf32>,
      %scan3A_118 = arith.constant 0 : i32
      scf.yield %scan3A_118 : i32
    }
    %scan3A_6 = arith.constant 16 : i32
    %mul3A = arith.constant 632 : i32
    %mul3A_7 = arith.muli %arg1, %mul3A : i32
    %scan3A_8 = arith.constant 0 : i32
    %scan3A_9 = arith.constant 0 : i32
    %scan3A_10 = arith.constant 39 : i32
    %scan3A_11 = arith.addi %scan3A_9, %scan3A_10 : i32
    %scan3A_12 = arith.constant 1 : i32
    %scan3A_13 = scf.for %scan3A_76 = %scan3A_9 to %scan3A_11 step %scan3A_12 iter_args(%scan3A_77 = %scan3A_8) -> (i32)  : i32 {
      %mul3A_78 = arith.constant 16 : i32
      %mul3A_79 = arith.muli %scan3A_76, %mul3A_78 : i32
      %add3A_80 = arith.addi %mul3A_7, %mul3A_79 : i32
      "tpu.region"() ({
        %run_scoped3A = tpu.sem_alloc : memref<!tpu.dma_semaphore, #tpu.memory_space<semaphore_mem>>
        %dma_start3A = arith.constant 0 : i32
        %dma_start3A_82 = tpu.memref_slice %arg17[%add3A_80, %dma_start3A] : memref<10112x128xf32, #tpu.memory_space<vmem_shared>> -> memref<16x128xf32, #tpu.memory_space<vmem_shared>>
        %dma_start3A_83 = arith.constant 0 : i32
        %dma_start3A_84 = tpu.memref_slice %arg17[%add3A_80, %dma_start3A_83] : memref<10112x128xf32, #tpu.memory_space<vmem_shared>> -> memref<16x128xf32, #tpu.memory_space<vmem_shared>>
        tpu.enqueue_dma source(%arg15 : memref<16x128xf32, #tpu.memory_space<vmem>>) target(%dma_start3A_84 : memref<16x128xf32, #tpu.memory_space<vmem_shared>>) target_semaphore(%run_scoped3A : memref<!tpu.dma_semaphore, #tpu.memory_space<semaphore_mem>>)
        %dma_wait3A = arith.constant 0 : i32
        %dma_wait3A_85 = tpu.memref_slice %arg17[%add3A_80, %dma_wait3A] : memref<10112x128xf32, #tpu.memory_space<vmem_shared>> -> memref<16x128xf32, #tpu.memory_space<vmem_shared>>
        %dma_wait3A_86 = arith.constant 0 : i32
        %dma_wait3A_87 = tpu.memref_slice %arg17[%add3A_80, %dma_wait3A_86] : memref<10112x128xf32, #tpu.memory_space<vmem_shared>> -> memref<16x128xf32, #tpu.memory_space<vmem_shared>>
        tpu.wait_dma2 semaphore(%run_scoped3A : memref<!tpu.dma_semaphore, #tpu.memory_space<semaphore_mem>>) src(%arg15 : memref<16x128xf32, #tpu.memory_space<vmem>>) dst(%dma_wait3A_87 : memref<16x128xf32, #tpu.memory_space<vmem_shared>>)
        tpu.yield
      }) : () -> ()
      %scan3A_81 = arith.constant 0 : i32
      scf.yield %scan3A_81 : i32
    }
    %scan3A_14 = arith.constant 39 : i32
    %add3A = arith.constant 624 : i32
    %add3A_15 = arith.addi %mul3A_7, %add3A : i32
    "tpu.region"() ({
      %run_scoped3A = tpu.sem_alloc : memref<!tpu.dma_semaphore, #tpu.memory_space<semaphore_mem>>
      %dma_start3A = arith.constant 0 : i32
      %dma_start3A_76 = arith.constant 0 : i32
      %dma_start3A_77 = tpu.memref_slice %arg15[%dma_start3A, %dma_start3A_76] : memref<16x128xf32, #tpu.memory_space<vmem>> -> memref<8x128xf32, #tpu.memory_space<vmem>>
      %dma_start3A_78 = arith.constant 0 : i32
      %dma_start3A_79 = tpu.memref_slice %arg17[%add3A_15, %dma_start3A_78] : memref<10112x128xf32, #tpu.memory_space<vmem_shared>> -> memref<8x128xf32, #tpu.memory_space<vmem_shared>>
      %dma_start3A_80 = arith.constant 0 : i32
      %dma_start3A_81 = tpu.memref_slice %arg17[%add3A_15, %dma_start3A_80] : memref<10112x128xf32, #tpu.memory_space<vmem_shared>> -> memref<8x128xf32, #tpu.memory_space<vmem_shared>>
      %dma_start3A_82 = arith.constant 0 : i32
      %dma_start3A_83 = arith.constant 0 : i32
      %dma_start3A_84 = tpu.memref_slice %arg15[%dma_start3A_82, %dma_start3A_83] : memref<16x128xf32, #tpu.memory_space<vmem>> -> memref<8x128xf32, #tpu.memory_space<vmem>>
      tpu.enqueue_dma source(%dma_start3A_84 : memref<8x128xf32, #tpu.memory_space<vmem>>) target(%dma_start3A_81 : memref<8x128xf32, #tpu.memory_space<vmem_shared>>) target_semaphore(%run_scoped3A : memref<!tpu.dma_semaphore, #tpu.memory_space<semaphore_mem>>)
      %dma_wait3A = arith.constant 0 : i32
      %dma_wait3A_85 = arith.constant 0 : i32
      %dma_wait3A_86 = tpu.memref_slice %arg15[%dma_wait3A, %dma_wait3A_85] : memref<16x128xf32, #tpu.memory_space<vmem>> -> memref<8x128xf32, #tpu.memory_space<vmem>>
      %dma_wait3A_87 = arith.constant 0 : i32
      %dma_wait3A_88 = tpu.memref_slice %arg17[%add3A_15, %dma_wait3A_87] : memref<10112x128xf32, #tpu.memory_space<vmem_shared>> -> memref<8x128xf32, #tpu.memory_space<vmem_shared>>
      %dma_wait3A_89 = arith.constant 0 : i32
      %dma_wait3A_90 = tpu.memref_slice %arg17[%add3A_15, %dma_wait3A_89] : memref<10112x128xf32, #tpu.memory_space<vmem_shared>> -> memref<8x128xf32, #tpu.memory_space<vmem_shared>>
      %dma_wait3A_91 = arith.constant 0 : i32
      %dma_wait3A_92 = arith.constant 0 : i32
      %dma_wait3A_93 = tpu.memref_slice %arg15[%dma_wait3A_91, %dma_wait3A_92] : memref<16x128xf32, #tpu.memory_space<vmem>> -> memref<8x128xf32, #tpu.memory_space<vmem>>
      tpu.wait_dma2 semaphore(%run_scoped3A : memref<!tpu.dma_semaphore, #tpu.memory_space<semaphore_mem>>) src(%dma_wait3A_93 : memref<8x128xf32, #tpu.memory_space<vmem>>) dst(%dma_wait3A_90 : memref<8x128xf32, #tpu.memory_space<vmem_shared>>)
      tpu.yield
    }) : () -> ()
    %barrier3A = arith.constant 0 : index
    tpu.barrier barrier_id(%barrier3A)
    %mul3A_16 = arith.constant 20000 : i32
    %mul3A_17 = arith.muli %arg1, %mul3A_16 : i32
    %mul3A_18 = arith.constant 250 : i32
    %mul3A_19 = arith.muli %arg1, %mul3A_18 : i32
    %scan3A_20 = arith.constant 0 : i32
    %scan3A_21 = arith.constant 25 : i32
    %scan3A_22 = arith.addi %scan3A_20, %scan3A_21 : i32
    %scan3A_23 = arith.constant 1 : i32
    %scan3A_24:8 = scf.for %scan3A_76 = %scan3A_20 to %scan3A_22 step %scan3A_23 iter_args(%scan3A_77 = %broadcast_in_dim3A_0, %scan3A_78 = %broadcast_in_dim3A_0, %scan3A_79 = %broadcast_in_dim3A_0, %scan3A_80 = %broadcast_in_dim3A_0, %scan3A_81 = %broadcast_in_dim3A_0, %scan3A_82 = %broadcast_in_dim3A_0, %scan3A_83 = %broadcast_in_dim3A_0, %scan3A_84 = %broadcast_in_dim3A_0) -> (vector<16xf32>, vector<16xf32>, vector<16xf32>, vector<16xf32>, vector<16xf32>, vector<16xf32>, vector<16xf32>, vector<16xf32>)  : i32 {
      %mul3A_85 = arith.constant 10 : i32
      %mul3A_86 = arith.muli %scan3A_76, %mul3A_85 : i32
      %add3A_87 = arith.addi %mul3A_19, %mul3A_86 : i32
      "tpu.region"() ({
        %run_scoped3A = tpu.sem_alloc : memref<!tpu.dma_semaphore, #tpu.memory_space<semaphore_mem>>
        %dma_start3A = arith.constant 0 : i32
        %dma_start3A_94 = arith.constant 0 : i32
        %dma_start3A_95 = tpu.memref_slice %arg5[%arg0, %add3A_87, %dma_start3A, %dma_start3A_94] : memref<2x4010x3x80xi32, #tpu.memory_space<hbm>> -> memref<1x10x3x80xi32, #tpu.memory_space<hbm>>
        %dma_start3A_96 = tpu.memref_squeeze %dma_start3A_95 : memref<1x10x3x80xi32, #tpu.memory_space<hbm>> -> memref<10x3x80xi32, #tpu.memory_space<hbm>>
        %dma_start3A_97 = arith.constant 0 : i32
        %dma_start3A_98 = arith.constant 0 : i32
        %dma_start3A_99 = tpu.memref_slice %arg5[%arg0, %add3A_87, %dma_start3A_97, %dma_start3A_98] : memref<2x4010x3x80xi32, #tpu.memory_space<hbm>> -> memref<1x10x3x80xi32, #tpu.memory_space<hbm>>
        %dma_start3A_100 = tpu.memref_squeeze %dma_start3A_99 : memref<1x10x3x80xi32, #tpu.memory_space<hbm>> -> memref<10x3x80xi32, #tpu.memory_space<hbm>>
        tpu.enqueue_dma source(%dma_start3A_100 : memref<10x3x80xi32, #tpu.memory_space<hbm>>) target(%arg9 : memref<10x3x80xi32, #tpu.memory_space<vmem>>) target_semaphore(%run_scoped3A : memref<!tpu.dma_semaphore, #tpu.memory_space<semaphore_mem>>)
        %dma_wait3A = arith.constant 0 : i32
        %dma_wait3A_101 = arith.constant 0 : i32
        %dma_wait3A_102 = tpu.memref_slice %arg5[%arg0, %add3A_87, %dma_wait3A, %dma_wait3A_101] : memref<2x4010x3x80xi32, #tpu.memory_space<hbm>> -> memref<1x10x3x80xi32, #tpu.memory_space<hbm>>
        %dma_wait3A_103 = tpu.memref_squeeze %dma_wait3A_102 : memref<1x10x3x80xi32, #tpu.memory_space<hbm>> -> memref<10x3x80xi32, #tpu.memory_space<hbm>>
        %dma_wait3A_104 = arith.constant 0 : i32
        %dma_wait3A_105 = arith.constant 0 : i32
        %dma_wait3A_106 = tpu.memref_slice %arg5[%arg0, %add3A_87, %dma_wait3A_104, %dma_wait3A_105] : memref<2x4010x3x80xi32, #tpu.memory_space<hbm>> -> memref<1x10x3x80xi32, #tpu.memory_space<hbm>>
        %dma_wait3A_107 = tpu.memref_squeeze %dma_wait3A_106 : memref<1x10x3x80xi32, #tpu.memory_space<hbm>> -> memref<10x3x80xi32, #tpu.memory_space<hbm>>
        tpu.wait_dma2 semaphore(%run_scoped3A : memref<!tpu.dma_semaphore, #tpu.memory_space<semaphore_mem>>) src(%dma_wait3A_107 : memref<10x3x80xi32, #tpu.memory_space<hbm>>) dst(%arg9 : memref<10x3x80xi32, #tpu.memory_space<vmem>>)
        tpu.yield
      }) : () -> ()
      %scan3A_88 = arith.constant 0 : i32
      %scan3A_89 = arith.constant 10 : i32
      %scan3A_90 = arith.addi %scan3A_88, %scan3A_89 : i32
      %scan3A_91 = arith.constant 1 : i32
      %scan3A_92:8 = scf.for %scan3A_94 = %scan3A_88 to %scan3A_90 step %scan3A_91 iter_args(%scan3A_95 = %scan3A_77, %scan3A_96 = %scan3A_78, %scan3A_97 = %scan3A_79, %scan3A_98 = %scan3A_80, %scan3A_99 = %scan3A_81, %scan3A_100 = %scan3A_82, %scan3A_101 = %scan3A_83, %scan3A_102 = %scan3A_84) -> (vector<16xf32>, vector<16xf32>, vector<16xf32>, vector<16xf32>, vector<16xf32>, vector<16xf32>, vector<16xf32>, vector<16xf32>)  : i32 {
        %mul3A_103 = arith.constant 10 : i32
        %mul3A_104 = arith.muli %scan3A_76, %mul3A_103 : i32
        %add3A_105 = arith.addi %mul3A_104, %scan3A_94 : i32
        %mul3A_106 = arith.constant 80 : i32
        %mul3A_107 = arith.muli %add3A_105, %mul3A_106 : i32
        %add3A_108 = arith.addi %mul3A_17, %mul3A_107 : i32
        %run_scoped3A = arith.constant 0 : i32
        "tpu.region"() ({
          %run_scoped3A_117 = tpu.sem_alloc : memref<!tpu.dma_semaphore, #tpu.memory_space<semaphore_mem>>
          %dma_start3A = arith.constant 0 : i32
          %dma_start3A_118 = tpu.memref_slice %arg9[%scan3A_94, %run_scoped3A, %dma_start3A] : memref<10x3x80xi32, #tpu.memory_space<vmem>> -> memref<1x1x80xi32, #tpu.memory_space<vmem>>
          %dma_start3A_119 = tpu.memref_squeeze %dma_start3A_118 : memref<1x1x80xi32, #tpu.memory_space<vmem>> -> memref<80xi32, #tpu.memory_space<vmem>>
          %dma_start3A_120 = arith.constant 0 : i32
          %dma_start3A_121 = arith.constant 0 : i32
          %dma_start3A_122 = tpu.memref_slice %arg2[%dma_start3A_120, %dma_start3A_121] : memref<20000x128xf32, #tpu.memory_space<hbm>> -> memref<20000x128xf32, #tpu.memory_space<hbm>>
          tpu.enqueue_indirect_dma source(%dma_start3A_122 : memref<20000x128xf32, #tpu.memory_space<hbm>>) target(%arg10 : memref<80x128xf32, #tpu.memory_space<vmem>>) offsets(%dma_start3A_119 : memref<80xi32, #tpu.memory_space<vmem>>) semaphore(%run_scoped3A_117 : memref<!tpu.dma_semaphore, #tpu.memory_space<semaphore_mem>>)
          %dma_wait3A = arith.constant 0 : i32
          %dma_wait3A_123 = tpu.memref_slice %arg9[%scan3A_94, %run_scoped3A, %dma_wait3A] : memref<10x3x80xi32, #tpu.memory_space<vmem>> -> memref<1x1x80xi32, #tpu.memory_space<vmem>>
          %dma_wait3A_124 = tpu.memref_squeeze %dma_wait3A_123 : memref<1x1x80xi32, #tpu.memory_space<vmem>> -> memref<80xi32, #tpu.memory_space<vmem>>
          %dma_wait3A_125 = arith.constant 0 : i32
          %dma_wait3A_126 = arith.constant 0 : i32
          %dma_wait3A_127 = tpu.memref_slice %arg2[%dma_wait3A_125, %dma_wait3A_126] : memref<20000x128xf32, #tpu.memory_space<hbm>> -> memref<20000x128xf32, #tpu.memory_space<hbm>>
          tpu.wait_indirect_dma semaphore(%run_scoped3A_117 : memref<!tpu.dma_semaphore, #tpu.memory_space<semaphore_mem>>) src(%dma_wait3A_127 : memref<20000x128xf32, #tpu.memory_space<hbm>>) dst(%arg10 : memref<80x128xf32, #tpu.memory_space<vmem>>)
          tpu.yield
        }) : () -> ()
        %run_scoped3A_109 = arith.constant 1 : i32
        "tpu.region"() ({
          %run_scoped3A_117 = tpu.sem_alloc : memref<!tpu.dma_semaphore, #tpu.memory_space<semaphore_mem>>
          %dma_start3A = arith.constant 0 : i32
          %dma_start3A_118 = tpu.memref_slice %arg9[%scan3A_94, %run_scoped3A_109, %dma_start3A] : memref<10x3x80xi32, #tpu.memory_space<vmem>> -> memref<1x1x80xi32, #tpu.memory_space<vmem>>
          %dma_start3A_119 = tpu.memref_squeeze %dma_start3A_118 : memref<1x1x80xi32, #tpu.memory_space<vmem>> -> memref<80xi32, #tpu.memory_space<vmem>>
          %dma_start3A_120 = arith.constant 0 : i32
          %dma_start3A_121 = arith.constant 0 : i32
          %dma_start3A_122 = tpu.memref_slice %arg3[%dma_start3A_120, %dma_start3A_121] : memref<20000x128xf32, #tpu.memory_space<hbm>> -> memref<20000x128xf32, #tpu.memory_space<hbm>>
          tpu.enqueue_indirect_dma source(%dma_start3A_122 : memref<20000x128xf32, #tpu.memory_space<hbm>>) target(%arg11 : memref<80x128xf32, #tpu.memory_space<vmem>>) offsets(%dma_start3A_119 : memref<80xi32, #tpu.memory_space<vmem>>) semaphore(%run_scoped3A_117 : memref<!tpu.dma_semaphore, #tpu.memory_space<semaphore_mem>>)
          %dma_wait3A = arith.constant 0 : i32
          %dma_wait3A_123 = tpu.memref_slice %arg9[%scan3A_94, %run_scoped3A_109, %dma_wait3A] : memref<10x3x80xi32, #tpu.memory_space<vmem>> -> memref<1x1x80xi32, #tpu.memory_space<vmem>>
          %dma_wait3A_124 = tpu.memref_squeeze %dma_wait3A_123 : memref<1x1x80xi32, #tpu.memory_space<vmem>> -> memref<80xi32, #tpu.memory_space<vmem>>
          %dma_wait3A_125 = arith.constant 0 : i32
          %dma_wait3A_126 = arith.constant 0 : i32
          %dma_wait3A_127 = tpu.memref_slice %arg3[%dma_wait3A_125, %dma_wait3A_126] : memref<20000x128xf32, #tpu.memory_space<hbm>> -> memref<20000x128xf32, #tpu.memory_space<hbm>>
          tpu.wait_indirect_dma semaphore(%run_scoped3A_117 : memref<!tpu.dma_semaphore, #tpu.memory_space<semaphore_mem>>) src(%dma_wait3A_127 : memref<20000x128xf32, #tpu.memory_space<hbm>>) dst(%arg11 : memref<80x128xf32, #tpu.memory_space<vmem>>)
          tpu.yield
        }) : () -> ()
        "tpu.region"() ({
          %run_scoped3A_117 = tpu.sem_alloc : memref<!tpu.dma_semaphore, #tpu.memory_space<semaphore_mem>>
          %dma_start3A = arith.constant 0 : i32
          %dma_start3A_118 = tpu.memref_slice %arg4[%arg0, %add3A_108, %dma_start3A] : memref<2x320000x64xf32, #tpu.memory_space<hbm>> -> memref<1x80x64xf32, #tpu.memory_space<hbm>>
          %dma_start3A_119 = tpu.memref_squeeze %dma_start3A_118 : memref<1x80x64xf32, #tpu.memory_space<hbm>> -> memref<80x64xf32, #tpu.memory_space<hbm>>
          %dma_start3A_120 = arith.constant 0 : i32
          %dma_start3A_121 = tpu.memref_slice %arg4[%arg0, %add3A_108, %dma_start3A_120] : memref<2x320000x64xf32, #tpu.memory_space<hbm>> -> memref<1x80x64xf32, #tpu.memory_space<hbm>>
          %dma_start3A_122 = tpu.memref_squeeze %dma_start3A_121 : memref<1x80x64xf32, #tpu.memory_space<hbm>> -> memref<80x64xf32, #tpu.memory_space<hbm>>
          tpu.enqueue_dma source(%dma_start3A_122 : memref<80x64xf32, #tpu.memory_space<hbm>>) target(%arg12 : memref<80x64xf32, #tpu.memory_space<vmem>>) target_semaphore(%run_scoped3A_117 : memref<!tpu.dma_semaphore, #tpu.memory_space<semaphore_mem>>)
          %dma_wait3A = arith.constant 0 : i32
          %dma_wait3A_123 = tpu.memref_slice %arg4[%arg0, %add3A_108, %dma_wait3A] : memref<2x320000x64xf32, #tpu.memory_space<hbm>> -> memref<1x80x64xf32, #tpu.memory_space<hbm>>
          %dma_wait3A_124 = tpu.memref_squeeze %dma_wait3A_123 : memref<1x80x64xf32, #tpu.memory_space<hbm>> -> memref<80x64xf32, #tpu.memory_space<hbm>>
          %dma_wait3A_125 = arith.constant 0 : i32
          %dma_wait3A_126 = tpu.memref_slice %arg4[%arg0, %add3A_108, %dma_wait3A_125] : memref<2x320000x64xf32, #tpu.memory_space<hbm>> -> memref<1x80x64xf32, #tpu.memory_space<hbm>>
          %dma_wait3A_127 = tpu.memref_squeeze %dma_wait3A_126 : memref<1x80x64xf32, #tpu.memory_space<hbm>> -> memref<80x64xf32, #tpu.memory_space<hbm>>
          tpu.wait_dma2 semaphore(%run_scoped3A_117 : memref<!tpu.dma_semaphore, #tpu.memory_space<semaphore_mem>>) src(%dma_wait3A_127 : memref<80x64xf32, #tpu.memory_space<hbm>>) dst(%arg12 : memref<80x64xf32, #tpu.memory_space<vmem>>)
          tpu.yield
        }) : () -> ()
        %scan3A_110 = arith.constant 0 : i32
        %scan3A_111 = arith.constant 80 : i32
        %scan3A_112 = arith.addi %scan3A_110, %scan3A_111 : i32
        %scan3A_113 = arith.constant 1 : i32
        %scan3A_114:8 = scf.for %scan3A_117 = %scan3A_110 to %scan3A_112 step %scan3A_113 iter_args(%scan3A_118 = %scan3A_95, %scan3A_119 = %scan3A_96, %scan3A_120 = %scan3A_97, %scan3A_121 = %scan3A_98, %scan3A_122 = %scan3A_99, %scan3A_123 = %scan3A_100, %scan3A_124 = %scan3A_101, %scan3A_125 = %scan3A_102) -> (vector<16xf32>, vector<16xf32>, vector<16xf32>, vector<16xf32>, vector<16xf32>, vector<16xf32>, vector<16xf32>, vector<16xf32>)  : i32 {
          %get3A = arith.index_cast %scan3A_117 : i32 to index
          %get3A_126 = arith.constant 0 : index
          %get3A_127 = tpu.vector_load %arg10[%get3A, %get3A_126] {strides = array<i32>} : memref<80x128xf32, #tpu.memory_space<vmem>>, vector<1x16xf32>,
          %get3A_128 = vector.shape_cast %get3A_127 : vector<1x16xf32> to vector<16xf32>
          %get3A_129 = arith.index_cast %scan3A_117 : i32 to index
          %get3A_130 = arith.constant 64 : index
          %get3A_131 = tpu.vector_load %arg10[%get3A_129, %get3A_130] {strides = array<i32>} : memref<80x128xf32, #tpu.memory_space<vmem>>, vector<1x16xf32>,
          %get3A_132 = vector.shape_cast %get3A_131 : vector<1x16xf32> to vector<16xf32>
          %get3A_133 = arith.index_cast %scan3A_117 : i32 to index
          %get3A_134 = arith.constant 0 : index
          %get3A_135 = tpu.vector_load %arg11[%get3A_133, %get3A_134] {strides = array<i32>} : memref<80x128xf32, #tpu.memory_space<vmem>>, vector<1x16xf32>,
          %get3A_136 = vector.shape_cast %get3A_135 : vector<1x16xf32> to vector<16xf32>
          %add3A_137 = arith.addf %get3A_128, %get3A_136 : vector<16xf32>
          %get3A_138 = arith.index_cast %scan3A_117 : i32 to index
          %get3A_139 = arith.constant 0 : index
          %get3A_140 = tpu.vector_load %arg12[%get3A_138, %get3A_139] {strides = array<i32>} : memref<80x64xf32, #tpu.memory_space<vmem>>, vector<1x16xf32>,
          %get3A_141 = vector.shape_cast %get3A_140 : vector<1x16xf32> to vector<16xf32>
          %add3A_142 = arith.addf %add3A_137, %get3A_141 : vector<16xf32>
          %swap3A_143 = arith.index_cast %scan3A_117 : i32 to index
          %swap3A_144 = arith.constant 0 : index
          %swap3A_145 = tpu.vector_load %arg13[%swap3A_143, %swap3A_144] {strides = array<i32>} : memref<80x64xf32, #tpu.memory_space<vmem>>, vector<1x16xf32>,
          %swap3A_146 = vector.shape_cast %swap3A_145 : vector<1x16xf32> to vector<16xf32>
          %swap3A_147 = vector.shape_cast %add3A_142 : vector<16xf32> to vector<1x16xf32>
          tpu.vector_store %arg13[%swap3A_143, %swap3A_144], %swap3A_147 {strides = array<i32>} : memref<80x64xf32, #tpu.memory_space<vmem>>, vector<1x16xf32>,
          %add3A_148 = arith.addf %scan3A_118, %add3A_142 : vector<16xf32>
          %mul3A_149 = arith.mulf %add3A_142, %add3A_142 : vector<16xf32>
          %add3A_150 = arith.addf %scan3A_122, %mul3A_149 : vector<16xf32>
          %neg3A = arith.constant 0.000000e+00 : f32
          %neg3A_151 = vector.broadcast %neg3A : f32 to vector<16xf32>
          %neg3A_152 = arith.subf %neg3A_151, %add3A_142 : vector<16xf32>
          %exp3A = math.exp %neg3A_152 : vector<16xf32>
          %add3A_153 = arith.constant 1.000000e+00 : f32
          %add3A_154 = vector.broadcast %add3A_153 : f32 to vector<16xf32>
          %add3A_155 = arith.addf %add3A_154, %exp3A : vector<16xf32>
          %div3A = arith.constant 1.000000e+00 : f32
          %div3A_156 = vector.broadcast %div3A : f32 to vector<16xf32>
          %div3A_157 = arith.divf %div3A_156, %add3A_155 : vector<16xf32>
          %swap3A_158 = arith.index_cast %scan3A_117 : i32 to index
          %swap3A_159 = arith.constant 64 : index
          %swap3A_160 = tpu.vector_load %arg14[%swap3A_158, %swap3A_159] {strides = array<i32>} : memref<80x128xf32, #tpu.memory_space<vmem>>, vector<1x16xf32>,
          %swap3A_161 = vector.shape_cast %swap3A_160 : vector<1x16xf32> to vector<16xf32>
          %swap3A_162 = vector.shape_cast %div3A_157 : vector<16xf32> to vector<1x16xf32>
          tpu.vector_store %arg14[%swap3A_158, %swap3A_159], %swap3A_162 {strides = array<i32>} : memref<80x128xf32, #tpu.memory_space<vmem>>, vector<1x16xf32>,
          %mul3A_163 = arith.mulf %div3A_157, %get3A_132 : vector<16xf32>
          %swap3A_164 = arith.index_cast %scan3A_117 : i32 to index
          %swap3A_165 = arith.constant 0 : index
          %swap3A_166 = tpu.vector_load %arg14[%swap3A_164, %swap3A_165] {strides = array<i32>} : memref<80x128xf32, #tpu.memory_space<vmem>>, vector<1x16xf32>,
          %swap3A_167 = vector.shape_cast %swap3A_166 : vector<1x16xf32> to vector<16xf32>
          %swap3A_168 = vector.shape_cast %mul3A_163 : vector<16xf32> to vector<1x16xf32>
          tpu.vector_store %arg14[%swap3A_164, %swap3A_165], %swap3A_168 {strides = array<i32>} : memref<80x128xf32, #tpu.memory_space<vmem>>, vector<1x16xf32>,
          %get3A_169 = arith.index_cast %scan3A_117 : i32 to index
          %get3A_170 = arith.constant 16 : index
          %get3A_171 = tpu.vector_load %arg10[%get3A_169, %get3A_170] {strides = array<i32>} : memref<80x128xf32, #tpu.memory_space<vmem>>, vector<1x16xf32>,
          %get3A_172 = vector.shape_cast %get3A_171 : vector<1x16xf32> to vector<16xf32>
          %get3A_173 = arith.index_cast %scan3A_117 : i32 to index
          %get3A_174 = arith.constant 80 : index
          %get3A_175 = tpu.vector_load %arg10[%get3A_173, %get3A_174] {strides = array<i32>} : memref<80x128xf32, #tpu.memory_space<vmem>>, vector<1x16xf32>,
          %get3A_176 = vector.shape_cast %get3A_175 : vector<1x16xf32> to vector<16xf32>
          %get3A_177 = arith.index_cast %scan3A_117 : i32 to index
          %get3A_178 = arith.constant 16 : index
          %get3A_179 = tpu.vector_load %arg11[%get3A_177, %get3A_178] {strides = array<i32>} : memref<80x128xf32, #tpu.memory_space<vmem>>, vector<1x16xf32>,
          %get3A_180 = vector.shape_cast %get3A_179 : vector<1x16xf32> to vector<16xf32>
          %add3A_181 = arith.addf %get3A_172, %get3A_180 : vector<16xf32>
          %get3A_182 = arith.index_cast %scan3A_117 : i32 to index
          %get3A_183 = arith.constant 16 : index
          %get3A_184 = tpu.vector_load %arg12[%get3A_182, %get3A_183] {strides = array<i32>} : memref<80x64xf32, #tpu.memory_space<vmem>>, vector<1x16xf32>,
          %get3A_185 = vector.shape_cast %get3A_184 : vector<1x16xf32> to vector<16xf32>
          %add3A_186 = arith.addf %add3A_181, %get3A_185 : vector<16xf32>
          %swap3A_187 = arith.index_cast %scan3A_117 : i32 to index
          %swap3A_188 = arith.constant 16 : index
          %swap3A_189 = tpu.vector_load %arg13[%swap3A_187, %swap3A_188] {strides = array<i32>} : memref<80x64xf32, #tpu.memory_space<vmem>>, vector<1x16xf32>,
          %swap3A_190 = vector.shape_cast %swap3A_189 : vector<1x16xf32> to vector<16xf32>
          %swap3A_191 = vector.shape_cast %add3A_186 : vector<16xf32> to vector<1x16xf32>
          tpu.vector_store %arg13[%swap3A_187, %swap3A_188], %swap3A_191 {strides = array<i32>} : memref<80x64xf32, #tpu.memory_space<vmem>>, vector<1x16xf32>,
          %add3A_192 = arith.addf %scan3A_119, %add3A_186 : vector<16xf32>
          %mul3A_193 = arith.mulf %add3A_186, %add3A_186 : vector<16xf32>
          %add3A_194 = arith.addf %scan3A_123, %mul3A_193 : vector<16xf32>
          %neg3A_195 = arith.constant 0.000000e+00 : f32
          %neg3A_196 = vector.broadcast %neg3A_195 : f32 to vector<16xf32>
          %neg3A_197 = arith.subf %neg3A_196, %add3A_186 : vector<16xf32>
          %exp3A_198 = math.exp %neg3A_197 : vector<16xf32>
          %add3A_199 = arith.constant 1.000000e+00 : f32
          %add3A_200 = vector.broadcast %add3A_199 : f32 to vector<16xf32>
          %add3A_201 = arith.addf %add3A_200, %exp3A_198 : vector<16xf32>
          %div3A_202 = arith.constant 1.000000e+00 : f32
          %div3A_203 = vector.broadcast %div3A_202 : f32 to vector<16xf32>
          %div3A_204 = arith.divf %div3A_203, %add3A_201 : vector<16xf32>
          %swap3A_205 = arith.index_cast %scan3A_117 : i32 to index
          %swap3A_206 = arith.constant 80 : index
          %swap3A_207 = tpu.vector_load %arg14[%swap3A_205, %swap3A_206] {strides = array<i32>} : memref<80x128xf32, #tpu.memory_space<vmem>>, vector<1x16xf32>,
          %swap3A_208 = vector.shape_cast %swap3A_207 : vector<1x16xf32> to vector<16xf32>
          %swap3A_209 = vector.shape_cast %div3A_204 : vector<16xf32> to vector<1x16xf32>
          tpu.vector_store %arg14[%swap3A_205, %swap3A_206], %swap3A_209 {strides = array<i32>} : memref<80x128xf32, #tpu.memory_space<vmem>>, vector<1x16xf32>,
          %mul3A_210 = arith.mulf %div3A_204, %get3A_176 : vector<16xf32>
          %swap3A_211 = arith.index_cast %scan3A_117 : i32 to index
          %swap3A_212 = arith.constant 16 : index
          %swap3A_213 = tpu.vector_load %arg14[%swap3A_211, %swap3A_212] {strides = array<i32>} : memref<80x128xf32, #tpu.memory_space<vmem>>, vector<1x16xf32>,
          %swap3A_214 = vector.shape_cast %swap3A_213 : vector<1x16xf32> to vector<16xf32>
          %swap3A_215 = vector.shape_cast %mul3A_210 : vector<16xf32> to vector<1x16xf32>
          tpu.vector_store %arg14[%swap3A_211, %swap3A_212], %swap3A_215 {strides = array<i32>} : memref<80x128xf32, #tpu.memory_space<vmem>>, vector<1x16xf32>,
          %get3A_216 = arith.index_cast %scan3A_117 : i32 to index
          %get3A_217 = arith.constant 32 : index
          %get3A_218 = tpu.vector_load %arg10[%get3A_216, %get3A_217] {strides = array<i32>} : memref<80x128xf32, #tpu.memory_space<vmem>>, vector<1x16xf32>,
          %get3A_219 = vector.shape_cast %get3A_218 : vector<1x16xf32> to vector<16xf32>
          %get3A_220 = arith.index_cast %scan3A_117 : i32 to index
          %get3A_221 = arith.constant 96 : index
          %get3A_222 = tpu.vector_load %arg10[%get3A_220, %get3A_221] {strides = array<i32>} : memref<80x128xf32, #tpu.memory_space<vmem>>, vector<1x16xf32>,
          %get3A_223 = vector.shape_cast %get3A_222 : vector<1x16xf32> to vector<16xf32>
          %get3A_224 = arith.index_cast %scan3A_117 : i32 to index
          %get3A_225 = arith.constant 32 : index
          %get3A_226 = tpu.vector_load %arg11[%get3A_224, %get3A_225] {strides = array<i32>} : memref<80x128xf32, #tpu.memory_space<vmem>>, vector<1x16xf32>,
          %get3A_227 = vector.shape_cast %get3A_226 : vector<1x16xf32> to vector<16xf32>
          %add3A_228 = arith.addf %get3A_219, %get3A_227 : vector<16xf32>
          %get3A_229 = arith.index_cast %scan3A_117 : i32 to index
          %get3A_230 = arith.constant 32 : index
          %get3A_231 = tpu.vector_load %arg12[%get3A_229, %get3A_230] {strides = array<i32>} : memref<80x64xf32, #tpu.memory_space<vmem>>, vector<1x16xf32>,
          %get3A_232 = vector.shape_cast %get3A_231 : vector<1x16xf32> to vector<16xf32>
          %add3A_233 = arith.addf %add3A_228, %get3A_232 : vector<16xf32>
          %swap3A_234 = arith.index_cast %scan3A_117 : i32 to index
          %swap3A_235 = arith.constant 32 : index
          %swap3A_236 = tpu.vector_load %arg13[%swap3A_234, %swap3A_235] {strides = array<i32>} : memref<80x64xf32, #tpu.memory_space<vmem>>, vector<1x16xf32>,
          %swap3A_237 = vector.shape_cast %swap3A_236 : vector<1x16xf32> to vector<16xf32>
          %swap3A_238 = vector.shape_cast %add3A_233 : vector<16xf32> to vector<1x16xf32>
          tpu.vector_store %arg13[%swap3A_234, %swap3A_235], %swap3A_238 {strides = array<i32>} : memref<80x64xf32, #tpu.memory_space<vmem>>, vector<1x16xf32>,
          %add3A_239 = arith.addf %scan3A_120, %add3A_233 : vector<16xf32>
          %mul3A_240 = arith.mulf %add3A_233, %add3A_233 : vector<16xf32>
          %add3A_241 = arith.addf %scan3A_124, %mul3A_240 : vector<16xf32>
          %neg3A_242 = arith.constant 0.000000e+00 : f32
          %neg3A_243 = vector.broadcast %neg3A_242 : f32 to vector<16xf32>
          %neg3A_244 = arith.subf %neg3A_243, %add3A_233 : vector<16xf32>
          %exp3A_245 = math.exp %neg3A_244 : vector<16xf32>
          %add3A_246 = arith.constant 1.000000e+00 : f32
          %add3A_247 = vector.broadcast %add3A_246 : f32 to vector<16xf32>
          %add3A_248 = arith.addf %add3A_247, %exp3A_245 : vector<16xf32>
          %div3A_249 = arith.constant 1.000000e+00 : f32
          %div3A_250 = vector.broadcast %div3A_249 : f32 to vector<16xf32>
          %div3A_251 = arith.divf %div3A_250, %add3A_248 : vector<16xf32>
          %swap3A_252 = arith.index_cast %scan3A_117 : i32 to index
          %swap3A_253 = arith.constant 96 : index
          %swap3A_254 = tpu.vector_load %arg14[%swap3A_252, %swap3A_253] {strides = array<i32>} : memref<80x128xf32, #tpu.memory_space<vmem>>, vector<1x16xf32>,
          %swap3A_255 = vector.shape_cast %swap3A_254 : vector<1x16xf32> to vector<16xf32>
          %swap3A_256 = vector.shape_cast %div3A_251 : vector<16xf32> to vector<1x16xf32>
          tpu.vector_store %arg14[%swap3A_252, %swap3A_253], %swap3A_256 {strides = array<i32>} : memref<80x128xf32, #tpu.memory_space<vmem>>, vector<1x16xf32>,
          %mul3A_257 = arith.mulf %div3A_251, %get3A_223 : vector<16xf32>
          %swap3A_258 = arith.index_cast %scan3A_117 : i32 to index
          %swap3A_259 = arith.constant 32 : index
          %swap3A_260 = tpu.vector_load %arg14[%swap3A_258, %swap3A_259] {strides = array<i32>} : memref<80x128xf32, #tpu.memory_space<vmem>>, vector<1x16xf32>,
          %swap3A_261 = vector.shape_cast %swap3A_260 : vector<1x16xf32> to vector<16xf32>
          %swap3A_262 = vector.shape_cast %mul3A_257 : vector<16xf32> to vector<1x16xf32>
          tpu.vector_store %arg14[%swap3A_258, %swap3A_259], %swap3A_262 {strides = array<i32>} : memref<80x128xf32, #tpu.memory_space<vmem>>, vector<1x16xf32>,
          %get3A_263 = arith.index_cast %scan3A_117 : i32 to index
          %get3A_264 = arith.constant 48 : index
          %get3A_265 = tpu.vector_load %arg10[%get3A_263, %get3A_264] {strides = array<i32>} : memref<80x128xf32, #tpu.memory_space<vmem>>, vector<1x16xf32>,
          %get3A_266 = vector.shape_cast %get3A_265 : vector<1x16xf32> to vector<16xf32>
          %get3A_267 = arith.index_cast %scan3A_117 : i32 to index
          %get3A_268 = arith.constant 112 : index
          %get3A_269 = tpu.vector_load %arg10[%get3A_267, %get3A_268] {strides = array<i32>} : memref<80x128xf32, #tpu.memory_space<vmem>>, vector<1x16xf32>,
          %get3A_270 = vector.shape_cast %get3A_269 : vector<1x16xf32> to vector<16xf32>
          %get3A_271 = arith.index_cast %scan3A_117 : i32 to index
          %get3A_272 = arith.constant 48 : index
          %get3A_273 = tpu.vector_load %arg11[%get3A_271, %get3A_272] {strides = array<i32>} : memref<80x128xf32, #tpu.memory_space<vmem>>, vector<1x16xf32>,
          %get3A_274 = vector.shape_cast %get3A_273 : vector<1x16xf32> to vector<16xf32>
          %add3A_275 = arith.addf %get3A_266, %get3A_274 : vector<16xf32>
          %get3A_276 = arith.index_cast %scan3A_117 : i32 to index
          %get3A_277 = arith.constant 48 : index
          %get3A_278 = tpu.vector_load %arg12[%get3A_276, %get3A_277] {strides = array<i32>} : memref<80x64xf32, #tpu.memory_space<vmem>>, vector<1x16xf32>,
          %get3A_279 = vector.shape_cast %get3A_278 : vector<1x16xf32> to vector<16xf32>
          %add3A_280 = arith.addf %add3A_275, %get3A_279 : vector<16xf32>
          %swap3A_281 = arith.index_cast %scan3A_117 : i32 to index
          %swap3A_282 = arith.constant 48 : index
          %swap3A_283 = tpu.vector_load %arg13[%swap3A_281, %swap3A_282] {strides = array<i32>} : memref<80x64xf32, #tpu.memory_space<vmem>>, vector<1x16xf32>,
          %swap3A_284 = vector.shape_cast %swap3A_283 : vector<1x16xf32> to vector<16xf32>
          %swap3A_285 = vector.shape_cast %add3A_280 : vector<16xf32> to vector<1x16xf32>
          tpu.vector_store %arg13[%swap3A_281, %swap3A_282], %swap3A_285 {strides = array<i32>} : memref<80x64xf32, #tpu.memory_space<vmem>>, vector<1x16xf32>,
          %add3A_286 = arith.addf %scan3A_121, %add3A_280 : vector<16xf32>
          %mul3A_287 = arith.mulf %add3A_280, %add3A_280 : vector<16xf32>
          %add3A_288 = arith.addf %scan3A_125, %mul3A_287 : vector<16xf32>
          %neg3A_289 = arith.constant 0.000000e+00 : f32
          %neg3A_290 = vector.broadcast %neg3A_289 : f32 to vector<16xf32>
          %neg3A_291 = arith.subf %neg3A_290, %add3A_280 : vector<16xf32>
          %exp3A_292 = math.exp %neg3A_291 : vector<16xf32>
          %add3A_293 = arith.constant 1.000000e+00 : f32
          %add3A_294 = vector.broadcast %add3A_293 : f32 to vector<16xf32>
          %add3A_295 = arith.addf %add3A_294, %exp3A_292 : vector<16xf32>
          %div3A_296 = arith.constant 1.000000e+00 : f32
          %div3A_297 = vector.broadcast %div3A_296 : f32 to vector<16xf32>
          %div3A_298 = arith.divf %div3A_297, %add3A_295 : vector<16xf32>
          %swap3A_299 = arith.index_cast %scan3A_117 : i32 to index
          %swap3A_300 = arith.constant 112 : index
          %swap3A_301 = tpu.vector_load %arg14[%swap3A_299, %swap3A_300] {strides = array<i32>} : memref<80x128xf32, #tpu.memory_space<vmem>>, vector<1x16xf32>,
          %swap3A_302 = vector.shape_cast %swap3A_301 : vector<1x16xf32> to vector<16xf32>
          %swap3A_303 = vector.shape_cast %div3A_298 : vector<16xf32> to vector<1x16xf32>
          tpu.vector_store %arg14[%swap3A_299, %swap3A_300], %swap3A_303 {strides = array<i32>} : memref<80x128xf32, #tpu.memory_space<vmem>>, vector<1x16xf32>,
          %mul3A_304 = arith.mulf %div3A_298, %get3A_270 : vector<16xf32>
          %swap3A_305 = arith.index_cast %scan3A_117 : i32 to index
          %swap3A_306 = arith.constant 48 : index
          %swap3A_307 = tpu.vector_load %arg14[%swap3A_305, %swap3A_306] {strides = array<i32>} : memref<80x128xf32, #tpu.memory_space<vmem>>, vector<1x16xf32>,
          %swap3A_308 = vector.shape_cast %swap3A_307 : vector<1x16xf32> to vector<16xf32>
          %swap3A_309 = vector.shape_cast %mul3A_304 : vector<16xf32> to vector<1x16xf32>
          tpu.vector_store %arg14[%swap3A_305, %swap3A_306], %swap3A_309 {strides = array<i32>} : memref<80x128xf32, #tpu.memory_space<vmem>>, vector<1x16xf32>,
          scf.yield %add3A_148, %add3A_192, %add3A_239, %add3A_286, %add3A_150, %add3A_194, %add3A_241, %add3A_288 : vector<16xf32>, vector<16xf32>, vector<16xf32>, vector<16xf32>, vector<16xf32>, vector<16xf32>, vector<16xf32>, vector<16xf32>
        }
        %scan3A_115 = arith.constant 80 : i32
        "tpu.region"() ({
          %run_scoped3A_117 = tpu.sem_alloc : memref<!tpu.dma_semaphore, #tpu.memory_space<semaphore_mem>>
          %dma_start3A = arith.constant 0 : i32
          %dma_start3A_118 = tpu.memref_slice %arg6[%arg0, %add3A_108, %dma_start3A] : memref<2x320000x64xf32, #tpu.memory_space<hbm>> -> memref<1x80x64xf32, #tpu.memory_space<hbm>>
          %dma_start3A_119 = tpu.memref_squeeze %dma_start3A_118 : memref<1x80x64xf32, #tpu.memory_space<hbm>> -> memref<80x64xf32, #tpu.memory_space<hbm>>
          %dma_start3A_120 = arith.constant 0 : i32
          %dma_start3A_121 = tpu.memref_slice %arg6[%arg0, %add3A_108, %dma_start3A_120] : memref<2x320000x64xf32, #tpu.memory_space<hbm>> -> memref<1x80x64xf32, #tpu.memory_space<hbm>>
          %dma_start3A_122 = tpu.memref_squeeze %dma_start3A_121 : memref<1x80x64xf32, #tpu.memory_space<hbm>> -> memref<80x64xf32, #tpu.memory_space<hbm>>
          tpu.enqueue_dma source(%arg13 : memref<80x64xf32, #tpu.memory_space<vmem>>) target(%dma_start3A_122 : memref<80x64xf32, #tpu.memory_space<hbm>>) target_semaphore(%run_scoped3A_117 : memref<!tpu.dma_semaphore, #tpu.memory_space<semaphore_mem>>)
          %dma_wait3A = arith.constant 0 : i32
          %dma_wait3A_123 = tpu.memref_slice %arg6[%arg0, %add3A_108, %dma_wait3A] : memref<2x320000x64xf32, #tpu.memory_space<hbm>> -> memref<1x80x64xf32, #tpu.memory_space<hbm>>
          %dma_wait3A_124 = tpu.memref_squeeze %dma_wait3A_123 : memref<1x80x64xf32, #tpu.memory_space<hbm>> -> memref<80x64xf32, #tpu.memory_space<hbm>>
          %dma_wait3A_125 = arith.constant 0 : i32
          %dma_wait3A_126 = tpu.memref_slice %arg6[%arg0, %add3A_108, %dma_wait3A_125] : memref<2x320000x64xf32, #tpu.memory_space<hbm>> -> memref<1x80x64xf32, #tpu.memory_space<hbm>>
          %dma_wait3A_127 = tpu.memref_squeeze %dma_wait3A_126 : memref<1x80x64xf32, #tpu.memory_space<hbm>> -> memref<80x64xf32, #tpu.memory_space<hbm>>
          tpu.wait_dma2 semaphore(%run_scoped3A_117 : memref<!tpu.dma_semaphore, #tpu.memory_space<semaphore_mem>>) src(%arg13 : memref<80x64xf32, #tpu.memory_space<vmem>>) dst(%dma_wait3A_127 : memref<80x64xf32, #tpu.memory_space<hbm>>)
          tpu.yield
        }) : () -> ()
        %run_scoped3A_116 = arith.constant 2 : i32
        "tpu.region"() ({
          %run_scoped3A_117 = tpu.sem_alloc : memref<!tpu.dma_semaphore, #tpu.memory_space<semaphore_mem>>
          %dma_start3A = arith.constant 0 : i32
          %dma_start3A_118 = tpu.memref_slice %arg9[%scan3A_94, %run_scoped3A_116, %dma_start3A] : memref<10x3x80xi32, #tpu.memory_space<vmem>> -> memref<1x1x80xi32, #tpu.memory_space<vmem>>
          %dma_start3A_119 = tpu.memref_squeeze %dma_start3A_118 : memref<1x1x80xi32, #tpu.memory_space<vmem>> -> memref<80xi32, #tpu.memory_space<vmem>>
          %dma_start3A_120 = arith.constant 0 : i32
          %dma_start3A_121 = arith.constant 0 : i32
          %dma_start3A_122 = tpu.memref_slice %arg17[%dma_start3A_120, %dma_start3A_121] : memref<10112x128xf32, #tpu.memory_space<vmem_shared>> -> memref<10112x128xf32, #tpu.memory_space<vmem_shared>>
          tpu.enqueue_indirect_dma source(%arg14 : memref<80x128xf32, #tpu.memory_space<vmem>>) target(%dma_start3A_122 : memref<10112x128xf32, #tpu.memory_space<vmem_shared>>) offsets(%dma_start3A_119 : memref<80xi32, #tpu.memory_space<vmem>>) semaphore(%run_scoped3A_117 : memref<!tpu.dma_semaphore, #tpu.memory_space<semaphore_mem>>) {add = true}
          %dma_wait3A = arith.constant 0 : i32
          %dma_wait3A_123 = tpu.memref_slice %arg9[%scan3A_94, %run_scoped3A_116, %dma_wait3A] : memref<10x3x80xi32, #tpu.memory_space<vmem>> -> memref<1x1x80xi32, #tpu.memory_space<vmem>>
          %dma_wait3A_124 = tpu.memref_squeeze %dma_wait3A_123 : memref<1x1x80xi32, #tpu.memory_space<vmem>> -> memref<80xi32, #tpu.memory_space<vmem>>
          %dma_wait3A_125 = arith.constant 0 : i32
          %dma_wait3A_126 = arith.constant 0 : i32
          %dma_wait3A_127 = tpu.memref_slice %arg17[%dma_wait3A_125, %dma_wait3A_126] : memref<10112x128xf32, #tpu.memory_space<vmem_shared>> -> memref<10112x128xf32, #tpu.memory_space<vmem_shared>>
          tpu.wait_indirect_dma semaphore(%run_scoped3A_117 : memref<!tpu.dma_semaphore, #tpu.memory_space<semaphore_mem>>) src(%arg14 : memref<80x128xf32, #tpu.memory_space<vmem>>) dst(%dma_wait3A_127 : memref<10112x128xf32, #tpu.memory_space<vmem_shared>>)
          tpu.yield
        }) : () -> ()
        scf.yield %scan3A_114#0, %scan3A_114#1, %scan3A_114#2, %scan3A_114#3, %scan3A_114#4, %scan3A_114#5, %scan3A_114#6, %scan3A_114#7 : vector<16xf32>, vector<16xf32>, vector<16xf32>, vector<16xf32>, vector<16xf32>, vector<16xf32>, vector<16xf32>, vector<16xf32>
      }
      %scan3A_93 = arith.constant 10 : i32
      scf.yield %scan3A_92#0, %scan3A_92#1, %scan3A_92#2, %scan3A_92#3, %scan3A_92#4, %scan3A_92#5, %scan3A_92#6, %scan3A_92#7 : vector<16xf32>, vector<16xf32>, vector<16xf32>, vector<16xf32>, vector<16xf32>, vector<16xf32>, vector<16xf32>, vector<16xf32>
    }
    %scan3A_25 = arith.constant 25 : i32
    %swap3A = arith.constant 0 : i32
    %swap3A_26 = arith.index_cast %swap3A : i32 to index
    %swap3A_27 = arith.constant 0 : index
    %swap3A_28 = tpu.vector_load %arg16[%swap3A_26, %swap3A_27] {strides = array<i32>} : memref<2x64xf32, #tpu.memory_space<vmem>>, vector<1x16xf32>,
    %swap3A_29 = vector.shape_cast %swap3A_28 : vector<1x16xf32> to vector<16xf32>
    %swap3A_30 = vector.shape_cast %scan3A_24#0 : vector<16xf32> to vector<1x16xf32>
    tpu.vector_store %arg16[%swap3A_26, %swap3A_27], %swap3A_30 {strides = array<i32>} : memref<2x64xf32, #tpu.memory_space<vmem>>, vector<1x16xf32>,
    %swap3A_31 = arith.constant 1 : i32
    %swap3A_32 = arith.index_cast %swap3A_31 : i32 to index
    %swap3A_33 = arith.constant 0 : index
    %swap3A_34 = tpu.vector_load %arg16[%swap3A_32, %swap3A_33] {strides = array<i32>} : memref<2x64xf32, #tpu.memory_space<vmem>>, vector<1x16xf32>,
    %swap3A_35 = vector.shape_cast %swap3A_34 : vector<1x16xf32> to vector<16xf32>
    %swap3A_36 = vector.shape_cast %scan3A_24#4 : vector<16xf32> to vector<1x16xf32>
    tpu.vector_store %arg16[%swap3A_32, %swap3A_33], %swap3A_36 {strides = array<i32>} : memref<2x64xf32, #tpu.memory_space<vmem>>, vector<1x16xf32>,
    %swap3A_37 = arith.constant 0 : i32
    %swap3A_38 = arith.index_cast %swap3A_37 : i32 to index
    %swap3A_39 = arith.constant 16 : index
    %swap3A_40 = tpu.vector_load %arg16[%swap3A_38, %swap3A_39] {strides = array<i32>} : memref<2x64xf32, #tpu.memory_space<vmem>>, vector<1x16xf32>,
    %swap3A_41 = vector.shape_cast %swap3A_40 : vector<1x16xf32> to vector<16xf32>
    %swap3A_42 = vector.shape_cast %scan3A_24#1 : vector<16xf32> to vector<1x16xf32>
    tpu.vector_store %arg16[%swap3A_38, %swap3A_39], %swap3A_42 {strides = array<i32>} : memref<2x64xf32, #tpu.memory_space<vmem>>, vector<1x16xf32>,
    %swap3A_43 = arith.constant 1 : i32
    %swap3A_44 = arith.index_cast %swap3A_43 : i32 to index
    %swap3A_45 = arith.constant 16 : index
    %swap3A_46 = tpu.vector_load %arg16[%swap3A_44, %swap3A_45] {strides = array<i32>} : memref<2x64xf32, #tpu.memory_space<vmem>>, vector<1x16xf32>,
    %swap3A_47 = vector.shape_cast %swap3A_46 : vector<1x16xf32> to vector<16xf32>
    %swap3A_48 = vector.shape_cast %scan3A_24#5 : vector<16xf32> to vector<1x16xf32>
    tpu.vector_store %arg16[%swap3A_44, %swap3A_45], %swap3A_48 {strides = array<i32>} : memref<2x64xf32, #tpu.memory_space<vmem>>, vector<1x16xf32>,
    %swap3A_49 = arith.constant 0 : i32
    %swap3A_50 = arith.index_cast %swap3A_49 : i32 to index
    %swap3A_51 = arith.constant 32 : index
    %swap3A_52 = tpu.vector_load %arg16[%swap3A_50, %swap3A_51] {strides = array<i32>} : memref<2x64xf32, #tpu.memory_space<vmem>>, vector<1x16xf32>,
    %swap3A_53 = vector.shape_cast %swap3A_52 : vector<1x16xf32> to vector<16xf32>
    %swap3A_54 = vector.shape_cast %scan3A_24#2 : vector<16xf32> to vector<1x16xf32>
    tpu.vector_store %arg16[%swap3A_50, %swap3A_51], %swap3A_54 {strides = array<i32>} : memref<2x64xf32, #tpu.memory_space<vmem>>, vector<1x16xf32>,
    %swap3A_55 = arith.constant 1 : i32
    %swap3A_56 = arith.index_cast %swap3A_55 : i32 to index
    %swap3A_57 = arith.constant 32 : index
    %swap3A_58 = tpu.vector_load %arg16[%swap3A_56, %swap3A_57] {strides = array<i32>} : memref<2x64xf32, #tpu.memory_space<vmem>>, vector<1x16xf32>,
    %swap3A_59 = vector.shape_cast %swap3A_58 : vector<1x16xf32> to vector<16xf32>
    %swap3A_60 = vector.shape_cast %scan3A_24#6 : vector<16xf32> to vector<1x16xf32>
    tpu.vector_store %arg16[%swap3A_56, %swap3A_57], %swap3A_60 {strides = array<i32>} : memref<2x64xf32, #tpu.memory_space<vmem>>, vector<1x16xf32>,
    %swap3A_61 = arith.constant 0 : i32
    %swap3A_62 = arith.index_cast %swap3A_61 : i32 to index
    %swap3A_63 = arith.constant 48 : index
    %swap3A_64 = tpu.vector_load %arg16[%swap3A_62, %swap3A_63] {strides = array<i32>} : memref<2x64xf32, #tpu.memory_space<vmem>>, vector<1x16xf32>,
    %swap3A_65 = vector.shape_cast %swap3A_64 : vector<1x16xf32> to vector<16xf32>
    %swap3A_66 = vector.shape_cast %scan3A_24#3 : vector<16xf32> to vector<1x16xf32>
    tpu.vector_store %arg16[%swap3A_62, %swap3A_63], %swap3A_66 {strides = array<i32>} : memref<2x64xf32, #tpu.memory_space<vmem>>, vector<1x16xf32>,
    %swap3A_67 = arith.constant 1 : i32
    %swap3A_68 = arith.index_cast %swap3A_67 : i32 to index
    %swap3A_69 = arith.constant 48 : index
    %swap3A_70 = tpu.vector_load %arg16[%swap3A_68, %swap3A_69] {strides = array<i32>} : memref<2x64xf32, #tpu.memory_space<vmem>>, vector<1x16xf32>,
    %swap3A_71 = vector.shape_cast %swap3A_70 : vector<1x16xf32> to vector<16xf32>
    %swap3A_72 = vector.shape_cast %scan3A_24#7 : vector<16xf32> to vector<1x16xf32>
    tpu.vector_store %arg16[%swap3A_68, %swap3A_69], %swap3A_72 {strides = array<i32>} : memref<2x64xf32, #tpu.memory_space<vmem>>, vector<1x16xf32>,
    "tpu.region"() ({
      %run_scoped3A = tpu.sem_alloc : memref<!tpu.dma_semaphore, #tpu.memory_space<semaphore_mem>>
      %dma_start3A = arith.constant 0 : i32
      %dma_start3A_76 = arith.constant 0 : i32
      %dma_start3A_77 = tpu.memref_slice %arg8[%arg0, %arg1, %dma_start3A, %dma_start3A_76] : memref<2x16x2x64xf32, #tpu.memory_space<hbm>> -> memref<1x1x2x64xf32, #tpu.memory_space<hbm>>
      %dma_start3A_78 = tpu.memref_squeeze %dma_start3A_77 : memref<1x1x2x64xf32, #tpu.memory_space<hbm>> -> memref<2x64xf32, #tpu.memory_space<hbm>>
      %dma_start3A_79 = arith.constant 0 : i32
      %dma_start3A_80 = arith.constant 0 : i32
      %dma_start3A_81 = tpu.memref_slice %arg8[%arg0, %arg1, %dma_start3A_79, %dma_start3A_80] : memref<2x16x2x64xf32, #tpu.memory_space<hbm>> -> memref<1x1x2x64xf32, #tpu.memory_space<hbm>>
      %dma_start3A_82 = tpu.memref_squeeze %dma_start3A_81 : memref<1x1x2x64xf32, #tpu.memory_space<hbm>> -> memref<2x64xf32, #tpu.memory_space<hbm>>
      tpu.enqueue_dma source(%arg16 : memref<2x64xf32, #tpu.memory_space<vmem>>) target(%dma_start3A_82 : memref<2x64xf32, #tpu.memory_space<hbm>>) target_semaphore(%run_scoped3A : memref<!tpu.dma_semaphore, #tpu.memory_space<semaphore_mem>>)
      %dma_wait3A = arith.constant 0 : i32
      %dma_wait3A_83 = arith.constant 0 : i32
      %dma_wait3A_84 = tpu.memref_slice %arg8[%arg0, %arg1, %dma_wait3A, %dma_wait3A_83] : memref<2x16x2x64xf32, #tpu.memory_space<hbm>> -> memref<1x1x2x64xf32, #tpu.memory_space<hbm>>
      %dma_wait3A_85 = tpu.memref_squeeze %dma_wait3A_84 : memref<1x1x2x64xf32, #tpu.memory_space<hbm>> -> memref<2x64xf32, #tpu.memory_space<hbm>>
      %dma_wait3A_86 = arith.constant 0 : i32
      %dma_wait3A_87 = arith.constant 0 : i32
      %dma_wait3A_88 = tpu.memref_slice %arg8[%arg0, %arg1, %dma_wait3A_86, %dma_wait3A_87] : memref<2x16x2x64xf32, #tpu.memory_space<hbm>> -> memref<1x1x2x64xf32, #tpu.memory_space<hbm>>
      %dma_wait3A_89 = tpu.memref_squeeze %dma_wait3A_88 : memref<1x1x2x64xf32, #tpu.memory_space<hbm>> -> memref<2x64xf32, #tpu.memory_space<hbm>>
      tpu.wait_dma2 semaphore(%run_scoped3A : memref<!tpu.dma_semaphore, #tpu.memory_space<semaphore_mem>>) src(%arg16 : memref<2x64xf32, #tpu.memory_space<vmem>>) dst(%dma_wait3A_89 : memref<2x64xf32, #tpu.memory_space<hbm>>)
      tpu.yield
    }) : () -> ()
    %barrier3A_73 = arith.constant 0 : index
    tpu.barrier barrier_id(%barrier3A_73)
    %mul3A_74 = arith.constant 632 : i32
    %mul3A_75 = arith.muli %arg1, %mul3A_74 : i32
    "tpu.region"() ({
      %run_scoped3A = tpu.sem_alloc : memref<!tpu.dma_semaphore, #tpu.memory_space<semaphore_mem>>
      %dma_start3A = arith.constant 0 : i32
      %dma_start3A_76 = tpu.memref_slice %arg7[%arg0, %mul3A_75, %dma_start3A] : memref<2x10112x128xf32, #tpu.memory_space<hbm>> -> memref<1x632x128xf32, #tpu.memory_space<hbm>>
      %dma_start3A_77 = tpu.memref_squeeze %dma_start3A_76 : memref<1x632x128xf32, #tpu.memory_space<hbm>> -> memref<632x128xf32, #tpu.memory_space<hbm>>
      %dma_start3A_78 = arith.constant 0 : i32
      %dma_start3A_79 = tpu.memref_slice %arg17[%mul3A_75, %dma_start3A_78] : memref<10112x128xf32, #tpu.memory_space<vmem_shared>> -> memref<632x128xf32, #tpu.memory_space<vmem_shared>>
      tpu.enqueue_dma source(%dma_start3A_79 : memref<632x128xf32, #tpu.memory_space<vmem_shared>>) target(%dma_start3A_77 : memref<632x128xf32, #tpu.memory_space<hbm>>) target_semaphore(%run_scoped3A : memref<!tpu.dma_semaphore, #tpu.memory_space<semaphore_mem>>)
      %dma_wait3A = arith.constant 0 : i32
      %dma_wait3A_80 = tpu.memref_slice %arg7[%arg0, %mul3A_75, %dma_wait3A] : memref<2x10112x128xf32, #tpu.memory_space<hbm>> -> memref<1x632x128xf32, #tpu.memory_space<hbm>>
      %dma_wait3A_81 = tpu.memref_squeeze %dma_wait3A_80 : memref<1x632x128xf32, #tpu.memory_space<hbm>> -> memref<632x128xf32, #tpu.memory_space<hbm>>
      %dma_wait3A_82 = arith.constant 0 : i32
      %dma_wait3A_83 = tpu.memref_slice %arg17[%mul3A_75, %dma_wait3A_82] : memref<10112x128xf32, #tpu.memory_space<vmem_shared>> -> memref<632x128xf32, #tpu.memory_space<vmem_shared>>
      tpu.wait_dma2 semaphore(%run_scoped3A : memref<!tpu.dma_semaphore, #tpu.memory_space<semaphore_mem>>) src(%dma_wait3A_83 : memref<632x128xf32, #tpu.memory_space<vmem_shared>>) dst(%dma_wait3A_81 : memref<632x128xf32, #tpu.memory_space<hbm>>)
      tpu.yield
    }) : () -> ()
    return
  }
}

#map = affine_map<(d0, d1) -> (0, 0)>
#map1 = affine_map<(d0, d1) -> (0, 0, 0)>
#map2 = affine_map<(d0, d1) -> (0, 0, 0, 0)>
module attributes {stable_mosaic.version = 14 : i64} {
  func.func @_sc_edge_kernel(%arg0: i32, %arg1: i32, %arg2: memref<20000x128xf32, #tpu.memory_space<hbm>>, %arg3: memref<20000x128xf32, #tpu.memory_space<hbm>>, %arg4: memref<2x320000x64xf32, #tpu.memory_space<hbm>>, %arg5: memref<2x4010x3x80xi32, #tpu.memory_space<hbm>>, %arg6: memref<2x320000x64xf32, #tpu.memory_space<hbm>>, %arg7: memref<2x10112x128xf32, #tpu.memory_space<hbm>>, %arg8: memref<2x16x2x64xf32, #tpu.memory_space<hbm>>, %arg9: memref<10x3x80xi32, #tpu.memory_space<vmem>>, %arg10: memref<80x128xf32, #tpu.memory_space<vmem>>, %arg11: memref<80x128xf32, #tpu.memory_space<vmem>>, %arg12: memref<80x64xf32, #tpu.memory_space<vmem>>, %arg13: memref<80x64xf32, #tpu.memory_space<vmem>>, %arg14: memref<80x128xf32, #tpu.memory_space<vmem>>, %arg15: memref<16x128xf32, #tpu.memory_space<vmem>>, %arg16: memref<2x64xf32, #tpu.memory_space<vmem>>, %arg17: memref<10112x128xf32, #tpu.memory_space<vmem_shared>>) attributes {dimension_semantics = [#tpu.dimension_semantics<core_parallel>, #tpu.dimension_semantics<subcore_parallel>], iteration_bounds = array<i64: 2, 16>, scalar_prefetch = 0 : i64, scratch_operands = 9 : i64, tpu.core_type = #tpu.core_type<sc_vector_subcore>, window_params = [{transform_indices = #map}, {transform_indices = #map}, {transform_indices = #map1}, {transform_indices = #map2}, {transform_indices = #map1}, {transform_indices = #map1}, {transform_indices = #map2}]} {
    %broadcast_in_dim3A = arith.constant 0.000000e+00 : f32
    %broadcast_in_dim3A_0 = vector.broadcast %broadcast_in_dim3A : f32 to vector<16xf32>
    %scan3A = arith.constant 0 : i32
    %scan3A_1 = arith.constant 0 : i32
    %scan3A_2 = arith.constant 16 : i32
    %scan3A_3 = arith.addi %scan3A_1, %scan3A_2 : i32
    %scan3A_4 = arith.constant 1 : i32
    %scan3A_5 = scf.for %scan3A_76 = %scan3A_1 to %scan3A_3 step %scan3A_4 iter_args(%scan3A_77 = %scan3A) -> (i32)  : i32 {
      %swap3A_78 = arith.index_cast %scan3A_76 : i32 to index
      %swap3A_79 = arith.constant 0 : index
      %swap3A_80 = tpu.vector_load %arg15[%swap3A_78, %swap3A_79] {strides = array<i32>} : memref<16x128xf32, #tpu.memory_space<vmem>>, vector<1x16xf32>,
      %swap3A_81 = vector.shape_cast %swap3A_80 : vector<1x16xf32> to vector<16xf32>
      %swap3A_82 = vector.shape_cast %broadcast_in_dim3A_0 : vector<16xf32> to vector<1x16xf32>
      tpu.vector_store %arg15[%swap3A_78, %swap3A_79], %swap3A_82 {strides = array<i32>} : memref<16x128xf32, #tpu.memory_space<vmem>>, vector<1x16xf32>,
      %swap3A_83 = arith.index_cast %scan3A_76 : i32 to index
      %swap3A_84 = arith.constant 16 : index
      %swap3A_85 = tpu.vector_load %arg15[%swap3A_83, %swap3A_84] {strides = array<i32>} : memref<16x128xf32, #tpu.memory_space<vmem>>, vector<1x16xf32>,
      %swap3A_86 = vector.shape_cast %swap3A_85 : vector<1x16xf32> to vector<16xf32>
      %swap3A_87 = vector.shape_cast %broadcast_in_dim3A_0 : vector<16xf32> to vector<1x16xf32>
      tpu.vector_store %arg15[%swap3A_83, %swap3A_84], %swap3A_87 {strides = array<i32>} : memref<16x128xf32, #tpu.memory_space<vmem>>, vector<1x16xf32>,
      %swap3A_88 = arith.index_cast %scan3A_76 : i32 to index
      %swap3A_89 = arith.constant 32 : index
      %swap3A_90 = tpu.vector_load %arg15[%swap3A_88, %swap3A_89] {strides = array<i32>} : memref<16x128xf32, #tpu.memory_space<vmem>>, vector<1x16xf32>,
      %swap3A_91 = vector.shape_cast %swap3A_90 : vector<1x16xf32> to vector<16xf32>
      %swap3A_92 = vector.shape_cast %broadcast_in_dim3A_0 : vector<16xf32> to vector<1x16xf32>
      tpu.vector_store %arg15[%swap3A_88, %swap3A_89], %swap3A_92 {strides = array<i32>} : memref<16x128xf32, #tpu.memory_space<vmem>>, vector<1x16xf32>,
      %swap3A_93 = arith.index_cast %scan3A_76 : i32 to index
      %swap3A_94 = arith.constant 48 : index
      %swap3A_95 = tpu.vector_load %arg15[%swap3A_93, %swap3A_94] {strides = array<i32>} : memref<16x128xf32, #tpu.memory_space<vmem>>, vector<1x16xf32>,
      %swap3A_96 = vector.shape_cast %swap3A_95 : vector<1x16xf32> to vector<16xf32>
      %swap3A_97 = vector.shape_cast %broadcast_in_dim3A_0 : vector<16xf32> to vector<1x16xf32>
      tpu.vector_store %arg15[%swap3A_93, %swap3A_94], %swap3A_97 {strides = array<i32>} : memref<16x128xf32, #tpu.memory_space<vmem>>, vector<1x16xf32>,
      %swap3A_98 = arith.index_cast %scan3A_76 : i32 to index
      %swap3A_99 = arith.constant 64 : index
      %swap3A_100 = tpu.vector_load %arg15[%swap3A_98, %swap3A_99] {strides = array<i32>} : memref<16x128xf32, #tpu.memory_space<vmem>>, vector<1x16xf32>,
      %swap3A_101 = vector.shape_cast %swap3A_100 : vector<1x16xf32> to vector<16xf32>
      %swap3A_102 = vector.shape_cast %broadcast_in_dim3A_0 : vector<16xf32> to vector<1x16xf32>
      tpu.vector_store %arg15[%swap3A_98, %swap3A_99], %swap3A_102 {strides = array<i32>} : memref<16x128xf32, #tpu.memory_space<vmem>>, vector<1x16xf32>,
      %swap3A_103 = arith.index_cast %scan3A_76 : i32 to index
      %swap3A_104 = arith.constant 80 : index
      %swap3A_105 = tpu.vector_load %arg15[%swap3A_103, %swap3A_104] {strides = array<i32>} : memref<16x128xf32, #tpu.memory_space<vmem>>, vector<1x16xf32>,
      %swap3A_106 = vector.shape_cast %swap3A_105 : vector<1x16xf32> to vector<16xf32>
      %swap3A_107 = vector.shape_cast %broadcast_in_dim3A_0 : vector<16xf32> to vector<1x16xf32>
      tpu.vector_store %arg15[%swap3A_103, %swap3A_104], %swap3A_107 {strides = array<i32>} : memref<16x128xf32, #tpu.memory_space<vmem>>, vector<1x16xf32>,
      %swap3A_108 = arith.index_cast %scan3A_76 : i32 to index
      %swap3A_109 = arith.constant 96 : index
      %swap3A_110 = tpu.vector_load %arg15[%swap3A_108, %swap3A_109] {strides = array<i32>} : memref<16x128xf32, #tpu.memory_space<vmem>>, vector<1x16xf32>,
      %swap3A_111 = vector.shape_cast %swap3A_110 : vector<1x16xf32> to vector<16xf32>
      %swap3A_112 = vector.shape_cast %broadcast_in_dim3A_0 : vector<16xf32> to vector<1x16xf32>
      tpu.vector_store %arg15[%swap3A_108, %swap3A_109], %swap3A_112 {strides = array<i32>} : memref<16x128xf32, #tpu.memory_space<vmem>>, vector<1x16xf32>,
      %swap3A_113 = arith.index_cast %scan3A_76 : i32 to index
      %swap3A_114 = arith.constant 112 : index
      %swap3A_115 = tpu.vector_load %arg15[%swap3A_113, %swap3A_114] {strides = array<i32>} : memref<16x128xf32, #tpu.memory_space<vmem>>, vector<1x16xf32>,
      %swap3A_116 = vector.shape_cast %swap3A_115 : vector<1x16xf32> to vector<16xf32>
      %swap3A_117 = vector.shape_cast %broadcast_in_dim3A_0 : vector<16xf32> to vector<1x16xf32>
      tpu.vector_store %arg15[%swap3A_113, %swap3A_114], %swap3A_117 {strides = array<i32>} : memref<16x128xf32, #tpu.memory_space<vmem>>, vector<1x16xf32>,
      %scan3A_118 = arith.constant 0 : i32
      scf.yield %scan3A_118 : i32
    }
    %scan3A_6 = arith.constant 16 : i32
    %mul3A = arith.constant 632 : i32
    %mul3A_7 = arith.muli %arg1, %mul3A : i32
    %scan3A_8 = arith.constant 0 : i32
    %scan3A_9 = arith.constant 0 : i32
    %scan3A_10 = arith.constant 39 : i32
    %scan3A_11 = arith.addi %scan3A_9, %scan3A_10 : i32
    %scan3A_12 = arith.constant 1 : i32
    %scan3A_13 = scf.for %scan3A_76 = %scan3A_9 to %scan3A_11 step %scan3A_12 iter_args(%scan3A_77 = %scan3A_8) -> (i32)  : i32 {
      %mul3A_78 = arith.constant 16 : i32
      %mul3A_79 = arith.muli %scan3A_76, %mul3A_78 : i32
      %add3A_80 = arith.addi %mul3A_7, %mul3A_79 : i32
      "tpu.region"() ({
        %run_scoped3A = tpu.sem_alloc : memref<!tpu.dma_semaphore, #tpu.memory_space<semaphore_mem>>
        %dma_start3A = arith.constant 0 : i32
        %dma_start3A_82 = tpu.memref_slice %arg17[%add3A_80, %dma_start3A] : memref<10112x128xf32, #tpu.memory_space<vmem_shared>> -> memref<16x128xf32, #tpu.memory_space<vmem_shared>>
        %dma_start3A_83 = arith.constant 0 : i32
        %dma_start3A_84 = tpu.memref_slice %arg17[%add3A_80, %dma_start3A_83] : memref<10112x128xf32, #tpu.memory_space<vmem_shared>> -> memref<16x128xf32, #tpu.memory_space<vmem_shared>>
        tpu.enqueue_dma source(%arg15 : memref<16x128xf32, #tpu.memory_space<vmem>>) target(%dma_start3A_84 : memref<16x128xf32, #tpu.memory_space<vmem_shared>>) target_semaphore(%run_scoped3A : memref<!tpu.dma_semaphore, #tpu.memory_space<semaphore_mem>>)
        %dma_wait3A = arith.constant 0 : i32
        %dma_wait3A_85 = tpu.memref_slice %arg17[%add3A_80, %dma_wait3A] : memref<10112x128xf32, #tpu.memory_space<vmem_shared>> -> memref<16x128xf32, #tpu.memory_space<vmem_shared>>
        %dma_wait3A_86 = arith.constant 0 : i32
        %dma_wait3A_87 = tpu.memref_slice %arg17[%add3A_80, %dma_wait3A_86] : memref<10112x128xf32, #tpu.memory_space<vmem_shared>> -> memref<16x128xf32, #tpu.memory_space<vmem_shared>>
        tpu.wait_dma2 semaphore(%run_scoped3A : memref<!tpu.dma_semaphore, #tpu.memory_space<semaphore_mem>>) src(%arg15 : memref<16x128xf32, #tpu.memory_space<vmem>>) dst(%dma_wait3A_87 : memref<16x128xf32, #tpu.memory_space<vmem_shared>>)
        tpu.yield
      }) : () -> ()
      %scan3A_81 = arith.constant 0 : i32
      scf.yield %scan3A_81 : i32
    }
    %scan3A_14 = arith.constant 39 : i32
    %add3A = arith.constant 624 : i32
    %add3A_15 = arith.addi %mul3A_7, %add3A : i32
    "tpu.region"() ({
      %run_scoped3A = tpu.sem_alloc : memref<!tpu.dma_semaphore, #tpu.memory_space<semaphore_mem>>
      %dma_start3A = arith.constant 0 : i32
      %dma_start3A_76 = arith.constant 0 : i32
      %dma_start3A_77 = tpu.memref_slice %arg15[%dma_start3A, %dma_start3A_76] : memref<16x128xf32, #tpu.memory_space<vmem>> -> memref<8x128xf32, #tpu.memory_space<vmem>>
      %dma_start3A_78 = arith.constant 0 : i32
      %dma_start3A_79 = tpu.memref_slice %arg17[%add3A_15, %dma_start3A_78] : memref<10112x128xf32, #tpu.memory_space<vmem_shared>> -> memref<8x128xf32, #tpu.memory_space<vmem_shared>>
      %dma_start3A_80 = arith.constant 0 : i32
      %dma_start3A_81 = tpu.memref_slice %arg17[%add3A_15, %dma_start3A_80] : memref<10112x128xf32, #tpu.memory_space<vmem_shared>> -> memref<8x128xf32, #tpu.memory_space<vmem_shared>>
      %dma_start3A_82 = arith.constant 0 : i32
      %dma_start3A_83 = arith.constant 0 : i32
      %dma_start3A_84 = tpu.memref_slice %arg15[%dma_start3A_82, %dma_start3A_83] : memref<16x128xf32, #tpu.memory_space<vmem>> -> memref<8x128xf32, #tpu.memory_space<vmem>>
      tpu.enqueue_dma source(%dma_start3A_84 : memref<8x128xf32, #tpu.memory_space<vmem>>) target(%dma_start3A_81 : memref<8x128xf32, #tpu.memory_space<vmem_shared>>) target_semaphore(%run_scoped3A : memref<!tpu.dma_semaphore, #tpu.memory_space<semaphore_mem>>)
      %dma_wait3A = arith.constant 0 : i32
      %dma_wait3A_85 = arith.constant 0 : i32
      %dma_wait3A_86 = tpu.memref_slice %arg15[%dma_wait3A, %dma_wait3A_85] : memref<16x128xf32, #tpu.memory_space<vmem>> -> memref<8x128xf32, #tpu.memory_space<vmem>>
      %dma_wait3A_87 = arith.constant 0 : i32
      %dma_wait3A_88 = tpu.memref_slice %arg17[%add3A_15, %dma_wait3A_87] : memref<10112x128xf32, #tpu.memory_space<vmem_shared>> -> memref<8x128xf32, #tpu.memory_space<vmem_shared>>
      %dma_wait3A_89 = arith.constant 0 : i32
      %dma_wait3A_90 = tpu.memref_slice %arg17[%add3A_15, %dma_wait3A_89] : memref<10112x128xf32, #tpu.memory_space<vmem_shared>> -> memref<8x128xf32, #tpu.memory_space<vmem_shared>>
      %dma_wait3A_91 = arith.constant 0 : i32
      %dma_wait3A_92 = arith.constant 0 : i32
      %dma_wait3A_93 = tpu.memref_slice %arg15[%dma_wait3A_91, %dma_wait3A_92] : memref<16x128xf32, #tpu.memory_space<vmem>> -> memref<8x128xf32, #tpu.memory_space<vmem>>
      tpu.wait_dma2 semaphore(%run_scoped3A : memref<!tpu.dma_semaphore, #tpu.memory_space<semaphore_mem>>) src(%dma_wait3A_93 : memref<8x128xf32, #tpu.memory_space<vmem>>) dst(%dma_wait3A_90 : memref<8x128xf32, #tpu.memory_space<vmem_shared>>)
      tpu.yield
    }) : () -> ()
    %barrier3A = arith.constant 0 : index
    tpu.barrier barrier_id(%barrier3A)
    %mul3A_16 = arith.constant 20000 : i32
    %mul3A_17 = arith.muli %arg1, %mul3A_16 : i32
    %mul3A_18 = arith.constant 250 : i32
    %mul3A_19 = arith.muli %arg1, %mul3A_18 : i32
    %scan3A_20 = arith.constant 0 : i32
    %scan3A_21 = arith.constant 25 : i32
    %scan3A_22 = arith.addi %scan3A_20, %scan3A_21 : i32
    %scan3A_23 = arith.constant 1 : i32
    %scan3A_24:8 = scf.for %scan3A_76 = %scan3A_20 to %scan3A_22 step %scan3A_23 iter_args(%scan3A_77 = %broadcast_in_dim3A_0, %scan3A_78 = %broadcast_in_dim3A_0, %scan3A_79 = %broadcast_in_dim3A_0, %scan3A_80 = %broadcast_in_dim3A_0, %scan3A_81 = %broadcast_in_dim3A_0, %scan3A_82 = %broadcast_in_dim3A_0, %scan3A_83 = %broadcast_in_dim3A_0, %scan3A_84 = %broadcast_in_dim3A_0) -> (vector<16xf32>, vector<16xf32>, vector<16xf32>, vector<16xf32>, vector<16xf32>, vector<16xf32>, vector<16xf32>, vector<16xf32>)  : i32 {
      %mul3A_85 = arith.constant 10 : i32
      %mul3A_86 = arith.muli %scan3A_76, %mul3A_85 : i32
      %add3A_87 = arith.addi %mul3A_19, %mul3A_86 : i32
      "tpu.region"() ({
        %run_scoped3A = tpu.sem_alloc : memref<!tpu.dma_semaphore, #tpu.memory_space<semaphore_mem>>
        %dma_start3A = arith.constant 0 : i32
        %dma_start3A_94 = arith.constant 0 : i32
        %dma_start3A_95 = tpu.memref_slice %arg5[%arg0, %add3A_87, %dma_start3A, %dma_start3A_94] : memref<2x4010x3x80xi32, #tpu.memory_space<hbm>> -> memref<1x10x3x80xi32, #tpu.memory_space<hbm>>
        %dma_start3A_96 = tpu.memref_squeeze %dma_start3A_95 : memref<1x10x3x80xi32, #tpu.memory_space<hbm>> -> memref<10x3x80xi32, #tpu.memory_space<hbm>>
        %dma_start3A_97 = arith.constant 0 : i32
        %dma_start3A_98 = arith.constant 0 : i32
        %dma_start3A_99 = tpu.memref_slice %arg5[%arg0, %add3A_87, %dma_start3A_97, %dma_start3A_98] : memref<2x4010x3x80xi32, #tpu.memory_space<hbm>> -> memref<1x10x3x80xi32, #tpu.memory_space<hbm>>
        %dma_start3A_100 = tpu.memref_squeeze %dma_start3A_99 : memref<1x10x3x80xi32, #tpu.memory_space<hbm>> -> memref<10x3x80xi32, #tpu.memory_space<hbm>>
        tpu.enqueue_dma source(%dma_start3A_100 : memref<10x3x80xi32, #tpu.memory_space<hbm>>) target(%arg9 : memref<10x3x80xi32, #tpu.memory_space<vmem>>) target_semaphore(%run_scoped3A : memref<!tpu.dma_semaphore, #tpu.memory_space<semaphore_mem>>)
        %dma_wait3A = arith.constant 0 : i32
        %dma_wait3A_101 = arith.constant 0 : i32
        %dma_wait3A_102 = tpu.memref_slice %arg5[%arg0, %add3A_87, %dma_wait3A, %dma_wait3A_101] : memref<2x4010x3x80xi32, #tpu.memory_space<hbm>> -> memref<1x10x3x80xi32, #tpu.memory_space<hbm>>
        %dma_wait3A_103 = tpu.memref_squeeze %dma_wait3A_102 : memref<1x10x3x80xi32, #tpu.memory_space<hbm>> -> memref<10x3x80xi32, #tpu.memory_space<hbm>>
        %dma_wait3A_104 = arith.constant 0 : i32
        %dma_wait3A_105 = arith.constant 0 : i32
        %dma_wait3A_106 = tpu.memref_slice %arg5[%arg0, %add3A_87, %dma_wait3A_104, %dma_wait3A_105] : memref<2x4010x3x80xi32, #tpu.memory_space<hbm>> -> memref<1x10x3x80xi32, #tpu.memory_space<hbm>>
        %dma_wait3A_107 = tpu.memref_squeeze %dma_wait3A_106 : memref<1x10x3x80xi32, #tpu.memory_space<hbm>> -> memref<10x3x80xi32, #tpu.memory_space<hbm>>
        tpu.wait_dma2 semaphore(%run_scoped3A : memref<!tpu.dma_semaphore, #tpu.memory_space<semaphore_mem>>) src(%dma_wait3A_107 : memref<10x3x80xi32, #tpu.memory_space<hbm>>) dst(%arg9 : memref<10x3x80xi32, #tpu.memory_space<vmem>>)
        tpu.yield
      }) : () -> ()
      %scan3A_88 = arith.constant 0 : i32
      %scan3A_89 = arith.constant 10 : i32
      %scan3A_90 = arith.addi %scan3A_88, %scan3A_89 : i32
      %scan3A_91 = arith.constant 1 : i32
      %scan3A_92:8 = scf.for %scan3A_94 = %scan3A_88 to %scan3A_90 step %scan3A_91 iter_args(%scan3A_95 = %scan3A_77, %scan3A_96 = %scan3A_78, %scan3A_97 = %scan3A_79, %scan3A_98 = %scan3A_80, %scan3A_99 = %scan3A_81, %scan3A_100 = %scan3A_82, %scan3A_101 = %scan3A_83, %scan3A_102 = %scan3A_84) -> (vector<16xf32>, vector<16xf32>, vector<16xf32>, vector<16xf32>, vector<16xf32>, vector<16xf32>, vector<16xf32>, vector<16xf32>)  : i32 {
        %mul3A_103 = arith.constant 10 : i32
        %mul3A_104 = arith.muli %scan3A_76, %mul3A_103 : i32
        %add3A_105 = arith.addi %mul3A_104, %scan3A_94 : i32
        %mul3A_106 = arith.constant 80 : i32
        %mul3A_107 = arith.muli %add3A_105, %mul3A_106 : i32
        %add3A_108 = arith.addi %mul3A_17, %mul3A_107 : i32
        %run_scoped3A = arith.constant 0 : i32
        "tpu.region"() ({
          %run_scoped3A_117 = tpu.sem_alloc : memref<!tpu.dma_semaphore, #tpu.memory_space<semaphore_mem>>
          %dma_start3A = arith.constant 0 : i32
          %dma_start3A_118 = tpu.memref_slice %arg9[%scan3A_94, %run_scoped3A, %dma_start3A] : memref<10x3x80xi32, #tpu.memory_space<vmem>> -> memref<1x1x80xi32, #tpu.memory_space<vmem>>
          %dma_start3A_119 = tpu.memref_squeeze %dma_start3A_118 : memref<1x1x80xi32, #tpu.memory_space<vmem>> -> memref<80xi32, #tpu.memory_space<vmem>>
          %dma_start3A_120 = arith.constant 0 : i32
          %dma_start3A_121 = arith.constant 0 : i32
          %dma_start3A_122 = tpu.memref_slice %arg2[%dma_start3A_120, %dma_start3A_121] : memref<20000x128xf32, #tpu.memory_space<hbm>> -> memref<20000x128xf32, #tpu.memory_space<hbm>>
          tpu.enqueue_indirect_dma source(%dma_start3A_122 : memref<20000x128xf32, #tpu.memory_space<hbm>>) target(%arg10 : memref<80x128xf32, #tpu.memory_space<vmem>>) offsets(%dma_start3A_119 : memref<80xi32, #tpu.memory_space<vmem>>) semaphore(%run_scoped3A_117 : memref<!tpu.dma_semaphore, #tpu.memory_space<semaphore_mem>>)
          %dma_wait3A = arith.constant 0 : i32
          %dma_wait3A_123 = tpu.memref_slice %arg9[%scan3A_94, %run_scoped3A, %dma_wait3A] : memref<10x3x80xi32, #tpu.memory_space<vmem>> -> memref<1x1x80xi32, #tpu.memory_space<vmem>>
          %dma_wait3A_124 = tpu.memref_squeeze %dma_wait3A_123 : memref<1x1x80xi32, #tpu.memory_space<vmem>> -> memref<80xi32, #tpu.memory_space<vmem>>
          %dma_wait3A_125 = arith.constant 0 : i32
          %dma_wait3A_126 = arith.constant 0 : i32
          %dma_wait3A_127 = tpu.memref_slice %arg2[%dma_wait3A_125, %dma_wait3A_126] : memref<20000x128xf32, #tpu.memory_space<hbm>> -> memref<20000x128xf32, #tpu.memory_space<hbm>>
          tpu.wait_indirect_dma semaphore(%run_scoped3A_117 : memref<!tpu.dma_semaphore, #tpu.memory_space<semaphore_mem>>) src(%dma_wait3A_127 : memref<20000x128xf32, #tpu.memory_space<hbm>>) dst(%arg10 : memref<80x128xf32, #tpu.memory_space<vmem>>)
          tpu.yield
        }) : () -> ()
        %run_scoped3A_109 = arith.constant 1 : i32
        "tpu.region"() ({
          %run_scoped3A_117 = tpu.sem_alloc : memref<!tpu.dma_semaphore, #tpu.memory_space<semaphore_mem>>
          %dma_start3A = arith.constant 0 : i32
          %dma_start3A_118 = tpu.memref_slice %arg9[%scan3A_94, %run_scoped3A_109, %dma_start3A] : memref<10x3x80xi32, #tpu.memory_space<vmem>> -> memref<1x1x80xi32, #tpu.memory_space<vmem>>
          %dma_start3A_119 = tpu.memref_squeeze %dma_start3A_118 : memref<1x1x80xi32, #tpu.memory_space<vmem>> -> memref<80xi32, #tpu.memory_space<vmem>>
          %dma_start3A_120 = arith.constant 0 : i32
          %dma_start3A_121 = arith.constant 0 : i32
          %dma_start3A_122 = tpu.memref_slice %arg3[%dma_start3A_120, %dma_start3A_121] : memref<20000x128xf32, #tpu.memory_space<hbm>> -> memref<20000x128xf32, #tpu.memory_space<hbm>>
          tpu.enqueue_indirect_dma source(%dma_start3A_122 : memref<20000x128xf32, #tpu.memory_space<hbm>>) target(%arg11 : memref<80x128xf32, #tpu.memory_space<vmem>>) offsets(%dma_start3A_119 : memref<80xi32, #tpu.memory_space<vmem>>) semaphore(%run_scoped3A_117 : memref<!tpu.dma_semaphore, #tpu.memory_space<semaphore_mem>>)
          %dma_wait3A = arith.constant 0 : i32
          %dma_wait3A_123 = tpu.memref_slice %arg9[%scan3A_94, %run_scoped3A_109, %dma_wait3A] : memref<10x3x80xi32, #tpu.memory_space<vmem>> -> memref<1x1x80xi32, #tpu.memory_space<vmem>>
          %dma_wait3A_124 = tpu.memref_squeeze %dma_wait3A_123 : memref<1x1x80xi32, #tpu.memory_space<vmem>> -> memref<80xi32, #tpu.memory_space<vmem>>
          %dma_wait3A_125 = arith.constant 0 : i32
          %dma_wait3A_126 = arith.constant 0 : i32
          %dma_wait3A_127 = tpu.memref_slice %arg3[%dma_wait3A_125, %dma_wait3A_126] : memref<20000x128xf32, #tpu.memory_space<hbm>> -> memref<20000x128xf32, #tpu.memory_space<hbm>>
          tpu.wait_indirect_dma semaphore(%run_scoped3A_117 : memref<!tpu.dma_semaphore, #tpu.memory_space<semaphore_mem>>) src(%dma_wait3A_127 : memref<20000x128xf32, #tpu.memory_space<hbm>>) dst(%arg11 : memref<80x128xf32, #tpu.memory_space<vmem>>)
          tpu.yield
        }) : () -> ()
        "tpu.region"() ({
          %run_scoped3A_117 = tpu.sem_alloc : memref<!tpu.dma_semaphore, #tpu.memory_space<semaphore_mem>>
          %dma_start3A = arith.constant 0 : i32
          %dma_start3A_118 = tpu.memref_slice %arg4[%arg0, %add3A_108, %dma_start3A] : memref<2x320000x64xf32, #tpu.memory_space<hbm>> -> memref<1x80x64xf32, #tpu.memory_space<hbm>>
          %dma_start3A_119 = tpu.memref_squeeze %dma_start3A_118 : memref<1x80x64xf32, #tpu.memory_space<hbm>> -> memref<80x64xf32, #tpu.memory_space<hbm>>
          %dma_start3A_120 = arith.constant 0 : i32
          %dma_start3A_121 = tpu.memref_slice %arg4[%arg0, %add3A_108, %dma_start3A_120] : memref<2x320000x64xf32, #tpu.memory_space<hbm>> -> memref<1x80x64xf32, #tpu.memory_space<hbm>>
          %dma_start3A_122 = tpu.memref_squeeze %dma_start3A_121 : memref<1x80x64xf32, #tpu.memory_space<hbm>> -> memref<80x64xf32, #tpu.memory_space<hbm>>
          tpu.enqueue_dma source(%dma_start3A_122 : memref<80x64xf32, #tpu.memory_space<hbm>>) target(%arg12 : memref<80x64xf32, #tpu.memory_space<vmem>>) target_semaphore(%run_scoped3A_117 : memref<!tpu.dma_semaphore, #tpu.memory_space<semaphore_mem>>)
          %dma_wait3A = arith.constant 0 : i32
          %dma_wait3A_123 = tpu.memref_slice %arg4[%arg0, %add3A_108, %dma_wait3A] : memref<2x320000x64xf32, #tpu.memory_space<hbm>> -> memref<1x80x64xf32, #tpu.memory_space<hbm>>
          %dma_wait3A_124 = tpu.memref_squeeze %dma_wait3A_123 : memref<1x80x64xf32, #tpu.memory_space<hbm>> -> memref<80x64xf32, #tpu.memory_space<hbm>>
          %dma_wait3A_125 = arith.constant 0 : i32
          %dma_wait3A_126 = tpu.memref_slice %arg4[%arg0, %add3A_108, %dma_wait3A_125] : memref<2x320000x64xf32, #tpu.memory_space<hbm>> -> memref<1x80x64xf32, #tpu.memory_space<hbm>>
          %dma_wait3A_127 = tpu.memref_squeeze %dma_wait3A_126 : memref<1x80x64xf32, #tpu.memory_space<hbm>> -> memref<80x64xf32, #tpu.memory_space<hbm>>
          tpu.wait_dma2 semaphore(%run_scoped3A_117 : memref<!tpu.dma_semaphore, #tpu.memory_space<semaphore_mem>>) src(%dma_wait3A_127 : memref<80x64xf32, #tpu.memory_space<hbm>>) dst(%arg12 : memref<80x64xf32, #tpu.memory_space<vmem>>)
          tpu.yield
        }) : () -> ()
        %scan3A_110 = arith.constant 0 : i32
        %scan3A_111 = arith.constant 80 : i32
        %scan3A_112 = arith.addi %scan3A_110, %scan3A_111 : i32
        %scan3A_113 = arith.constant 1 : i32
        %scan3A_114:8 = scf.for %scan3A_117 = %scan3A_110 to %scan3A_112 step %scan3A_113 iter_args(%scan3A_118 = %scan3A_95, %scan3A_119 = %scan3A_96, %scan3A_120 = %scan3A_97, %scan3A_121 = %scan3A_98, %scan3A_122 = %scan3A_99, %scan3A_123 = %scan3A_100, %scan3A_124 = %scan3A_101, %scan3A_125 = %scan3A_102) -> (vector<16xf32>, vector<16xf32>, vector<16xf32>, vector<16xf32>, vector<16xf32>, vector<16xf32>, vector<16xf32>, vector<16xf32>)  : i32 {
          %get3A = arith.index_cast %scan3A_117 : i32 to index
          %get3A_126 = arith.constant 0 : index
          %get3A_127 = tpu.vector_load %arg10[%get3A, %get3A_126] {strides = array<i32>} : memref<80x128xf32, #tpu.memory_space<vmem>>, vector<1x16xf32>,
          %get3A_128 = vector.shape_cast %get3A_127 : vector<1x16xf32> to vector<16xf32>
          %get3A_129 = arith.index_cast %scan3A_117 : i32 to index
          %get3A_130 = arith.constant 64 : index
          %get3A_131 = tpu.vector_load %arg10[%get3A_129, %get3A_130] {strides = array<i32>} : memref<80x128xf32, #tpu.memory_space<vmem>>, vector<1x16xf32>,
          %get3A_132 = vector.shape_cast %get3A_131 : vector<1x16xf32> to vector<16xf32>
          %get3A_133 = arith.index_cast %scan3A_117 : i32 to index
          %get3A_134 = arith.constant 0 : index
          %get3A_135 = tpu.vector_load %arg11[%get3A_133, %get3A_134] {strides = array<i32>} : memref<80x128xf32, #tpu.memory_space<vmem>>, vector<1x16xf32>,
          %get3A_136 = vector.shape_cast %get3A_135 : vector<1x16xf32> to vector<16xf32>
          %add3A_137 = arith.addf %get3A_128, %get3A_136 : vector<16xf32>
          %get3A_138 = arith.index_cast %scan3A_117 : i32 to index
          %get3A_139 = arith.constant 0 : index
          %get3A_140 = tpu.vector_load %arg12[%get3A_138, %get3A_139] {strides = array<i32>} : memref<80x64xf32, #tpu.memory_space<vmem>>, vector<1x16xf32>,
          %get3A_141 = vector.shape_cast %get3A_140 : vector<1x16xf32> to vector<16xf32>
          %add3A_142 = arith.addf %add3A_137, %get3A_141 : vector<16xf32>
          %swap3A_143 = arith.index_cast %scan3A_117 : i32 to index
          %swap3A_144 = arith.constant 0 : index
          %swap3A_145 = tpu.vector_load %arg13[%swap3A_143, %swap3A_144] {strides = array<i32>} : memref<80x64xf32, #tpu.memory_space<vmem>>, vector<1x16xf32>,
          %swap3A_146 = vector.shape_cast %swap3A_145 : vector<1x16xf32> to vector<16xf32>
          %swap3A_147 = vector.shape_cast %add3A_142 : vector<16xf32> to vector<1x16xf32>
          tpu.vector_store %arg13[%swap3A_143, %swap3A_144], %swap3A_147 {strides = array<i32>} : memref<80x64xf32, #tpu.memory_space<vmem>>, vector<1x16xf32>,
          %add3A_148 = arith.addf %scan3A_118, %add3A_142 : vector<16xf32>
          %mul3A_149 = arith.mulf %add3A_142, %add3A_142 : vector<16xf32>
          %add3A_150 = arith.addf %scan3A_122, %mul3A_149 : vector<16xf32>
          %neg3A = arith.constant 0.000000e+00 : f32
          %neg3A_151 = vector.broadcast %neg3A : f32 to vector<16xf32>
          %neg3A_152 = arith.subf %neg3A_151, %add3A_142 : vector<16xf32>
          %exp3A = math.exp %neg3A_152 : vector<16xf32>
          %add3A_153 = arith.constant 1.000000e+00 : f32
          %add3A_154 = vector.broadcast %add3A_153 : f32 to vector<16xf32>
          %add3A_155 = arith.addf %add3A_154, %exp3A : vector<16xf32>
          %div3A = arith.constant 1.000000e+00 : f32
          %div3A_156 = vector.broadcast %div3A : f32 to vector<16xf32>
          %div3A_157 = arith.divf %div3A_156, %add3A_155 : vector<16xf32>
          %swap3A_158 = arith.index_cast %scan3A_117 : i32 to index
          %swap3A_159 = arith.constant 64 : index
          %swap3A_160 = tpu.vector_load %arg14[%swap3A_158, %swap3A_159] {strides = array<i32>} : memref<80x128xf32, #tpu.memory_space<vmem>>, vector<1x16xf32>,
          %swap3A_161 = vector.shape_cast %swap3A_160 : vector<1x16xf32> to vector<16xf32>
          %swap3A_162 = vector.shape_cast %div3A_157 : vector<16xf32> to vector<1x16xf32>
          tpu.vector_store %arg14[%swap3A_158, %swap3A_159], %swap3A_162 {strides = array<i32>} : memref<80x128xf32, #tpu.memory_space<vmem>>, vector<1x16xf32>,
          %mul3A_163 = arith.mulf %div3A_157, %get3A_132 : vector<16xf32>
          %swap3A_164 = arith.index_cast %scan3A_117 : i32 to index
          %swap3A_165 = arith.constant 0 : index
          %swap3A_166 = tpu.vector_load %arg14[%swap3A_164, %swap3A_165] {strides = array<i32>} : memref<80x128xf32, #tpu.memory_space<vmem>>, vector<1x16xf32>,
          %swap3A_167 = vector.shape_cast %swap3A_166 : vector<1x16xf32> to vector<16xf32>
          %swap3A_168 = vector.shape_cast %mul3A_163 : vector<16xf32> to vector<1x16xf32>
          tpu.vector_store %arg14[%swap3A_164, %swap3A_165], %swap3A_168 {strides = array<i32>} : memref<80x128xf32, #tpu.memory_space<vmem>>, vector<1x16xf32>,
          %get3A_169 = arith.index_cast %scan3A_117 : i32 to index
          %get3A_170 = arith.constant 16 : index
          %get3A_171 = tpu.vector_load %arg10[%get3A_169, %get3A_170] {strides = array<i32>} : memref<80x128xf32, #tpu.memory_space<vmem>>, vector<1x16xf32>,
          %get3A_172 = vector.shape_cast %get3A_171 : vector<1x16xf32> to vector<16xf32>
          %get3A_173 = arith.index_cast %scan3A_117 : i32 to index
          %get3A_174 = arith.constant 80 : index
          %get3A_175 = tpu.vector_load %arg10[%get3A_173, %get3A_174] {strides = array<i32>} : memref<80x128xf32, #tpu.memory_space<vmem>>, vector<1x16xf32>,
          %get3A_176 = vector.shape_cast %get3A_175 : vector<1x16xf32> to vector<16xf32>
          %get3A_177 = arith.index_cast %scan3A_117 : i32 to index
          %get3A_178 = arith.constant 16 : index
          %get3A_179 = tpu.vector_load %arg11[%get3A_177, %get3A_178] {strides = array<i32>} : memref<80x128xf32, #tpu.memory_space<vmem>>, vector<1x16xf32>,
          %get3A_180 = vector.shape_cast %get3A_179 : vector<1x16xf32> to vector<16xf32>
          %add3A_181 = arith.addf %get3A_172, %get3A_180 : vector<16xf32>
          %get3A_182 = arith.index_cast %scan3A_117 : i32 to index
          %get3A_183 = arith.constant 16 : index
          %get3A_184 = tpu.vector_load %arg12[%get3A_182, %get3A_183] {strides = array<i32>} : memref<80x64xf32, #tpu.memory_space<vmem>>, vector<1x16xf32>,
          %get3A_185 = vector.shape_cast %get3A_184 : vector<1x16xf32> to vector<16xf32>
          %add3A_186 = arith.addf %add3A_181, %get3A_185 : vector<16xf32>
          %swap3A_187 = arith.index_cast %scan3A_117 : i32 to index
          %swap3A_188 = arith.constant 16 : index
          %swap3A_189 = tpu.vector_load %arg13[%swap3A_187, %swap3A_188] {strides = array<i32>} : memref<80x64xf32, #tpu.memory_space<vmem>>, vector<1x16xf32>,
          %swap3A_190 = vector.shape_cast %swap3A_189 : vector<1x16xf32> to vector<16xf32>
          %swap3A_191 = vector.shape_cast %add3A_186 : vector<16xf32> to vector<1x16xf32>
          tpu.vector_store %arg13[%swap3A_187, %swap3A_188], %swap3A_191 {strides = array<i32>} : memref<80x64xf32, #tpu.memory_space<vmem>>, vector<1x16xf32>,
          %add3A_192 = arith.addf %scan3A_119, %add3A_186 : vector<16xf32>
          %mul3A_193 = arith.mulf %add3A_186, %add3A_186 : vector<16xf32>
          %add3A_194 = arith.addf %scan3A_123, %mul3A_193 : vector<16xf32>
          %neg3A_195 = arith.constant 0.000000e+00 : f32
          %neg3A_196 = vector.broadcast %neg3A_195 : f32 to vector<16xf32>
          %neg3A_197 = arith.subf %neg3A_196, %add3A_186 : vector<16xf32>
          %exp3A_198 = math.exp %neg3A_197 : vector<16xf32>
          %add3A_199 = arith.constant 1.000000e+00 : f32
          %add3A_200 = vector.broadcast %add3A_199 : f32 to vector<16xf32>
          %add3A_201 = arith.addf %add3A_200, %exp3A_198 : vector<16xf32>
          %div3A_202 = arith.constant 1.000000e+00 : f32
          %div3A_203 = vector.broadcast %div3A_202 : f32 to vector<16xf32>
          %div3A_204 = arith.divf %div3A_203, %add3A_201 : vector<16xf32>
          %swap3A_205 = arith.index_cast %scan3A_117 : i32 to index
          %swap3A_206 = arith.constant 80 : index
          %swap3A_207 = tpu.vector_load %arg14[%swap3A_205, %swap3A_206] {strides = array<i32>} : memref<80x128xf32, #tpu.memory_space<vmem>>, vector<1x16xf32>,
          %swap3A_208 = vector.shape_cast %swap3A_207 : vector<1x16xf32> to vector<16xf32>
          %swap3A_209 = vector.shape_cast %div3A_204 : vector<16xf32> to vector<1x16xf32>
          tpu.vector_store %arg14[%swap3A_205, %swap3A_206], %swap3A_209 {strides = array<i32>} : memref<80x128xf32, #tpu.memory_space<vmem>>, vector<1x16xf32>,
          %mul3A_210 = arith.mulf %div3A_204, %get3A_176 : vector<16xf32>
          %swap3A_211 = arith.index_cast %scan3A_117 : i32 to index
          %swap3A_212 = arith.constant 16 : index
          %swap3A_213 = tpu.vector_load %arg14[%swap3A_211, %swap3A_212] {strides = array<i32>} : memref<80x128xf32, #tpu.memory_space<vmem>>, vector<1x16xf32>,
          %swap3A_214 = vector.shape_cast %swap3A_213 : vector<1x16xf32> to vector<16xf32>
          %swap3A_215 = vector.shape_cast %mul3A_210 : vector<16xf32> to vector<1x16xf32>
          tpu.vector_store %arg14[%swap3A_211, %swap3A_212], %swap3A_215 {strides = array<i32>} : memref<80x128xf32, #tpu.memory_space<vmem>>, vector<1x16xf32>,
          %get3A_216 = arith.index_cast %scan3A_117 : i32 to index
          %get3A_217 = arith.constant 32 : index
          %get3A_218 = tpu.vector_load %arg10[%get3A_216, %get3A_217] {strides = array<i32>} : memref<80x128xf32, #tpu.memory_space<vmem>>, vector<1x16xf32>,
          %get3A_219 = vector.shape_cast %get3A_218 : vector<1x16xf32> to vector<16xf32>
          %get3A_220 = arith.index_cast %scan3A_117 : i32 to index
          %get3A_221 = arith.constant 96 : index
          %get3A_222 = tpu.vector_load %arg10[%get3A_220, %get3A_221] {strides = array<i32>} : memref<80x128xf32, #tpu.memory_space<vmem>>, vector<1x16xf32>,
          %get3A_223 = vector.shape_cast %get3A_222 : vector<1x16xf32> to vector<16xf32>
          %get3A_224 = arith.index_cast %scan3A_117 : i32 to index
          %get3A_225 = arith.constant 32 : index
          %get3A_226 = tpu.vector_load %arg11[%get3A_224, %get3A_225] {strides = array<i32>} : memref<80x128xf32, #tpu.memory_space<vmem>>, vector<1x16xf32>,
          %get3A_227 = vector.shape_cast %get3A_226 : vector<1x16xf32> to vector<16xf32>
          %add3A_228 = arith.addf %get3A_219, %get3A_227 : vector<16xf32>
          %get3A_229 = arith.index_cast %scan3A_117 : i32 to index
          %get3A_230 = arith.constant 32 : index
          %get3A_231 = tpu.vector_load %arg12[%get3A_229, %get3A_230] {strides = array<i32>} : memref<80x64xf32, #tpu.memory_space<vmem>>, vector<1x16xf32>,
          %get3A_232 = vector.shape_cast %get3A_231 : vector<1x16xf32> to vector<16xf32>
          %add3A_233 = arith.addf %add3A_228, %get3A_232 : vector<16xf32>
          %swap3A_234 = arith.index_cast %scan3A_117 : i32 to index
          %swap3A_235 = arith.constant 32 : index
          %swap3A_236 = tpu.vector_load %arg13[%swap3A_234, %swap3A_235] {strides = array<i32>} : memref<80x64xf32, #tpu.memory_space<vmem>>, vector<1x16xf32>,
          %swap3A_237 = vector.shape_cast %swap3A_236 : vector<1x16xf32> to vector<16xf32>
          %swap3A_238 = vector.shape_cast %add3A_233 : vector<16xf32> to vector<1x16xf32>
          tpu.vector_store %arg13[%swap3A_234, %swap3A_235], %swap3A_238 {strides = array<i32>} : memref<80x64xf32, #tpu.memory_space<vmem>>, vector<1x16xf32>,
          %add3A_239 = arith.addf %scan3A_120, %add3A_233 : vector<16xf32>
          %mul3A_240 = arith.mulf %add3A_233, %add3A_233 : vector<16xf32>
          %add3A_241 = arith.addf %scan3A_124, %mul3A_240 : vector<16xf32>
          %neg3A_242 = arith.constant 0.000000e+00 : f32
          %neg3A_243 = vector.broadcast %neg3A_242 : f32 to vector<16xf32>
          %neg3A_244 = arith.subf %neg3A_243, %add3A_233 : vector<16xf32>
          %exp3A_245 = math.exp %neg3A_244 : vector<16xf32>
          %add3A_246 = arith.constant 1.000000e+00 : f32
          %add3A_247 = vector.broadcast %add3A_246 : f32 to vector<16xf32>
          %add3A_248 = arith.addf %add3A_247, %exp3A_245 : vector<16xf32>
          %div3A_249 = arith.constant 1.000000e+00 : f32
          %div3A_250 = vector.broadcast %div3A_249 : f32 to vector<16xf32>
          %div3A_251 = arith.divf %div3A_250, %add3A_248 : vector<16xf32>
          %swap3A_252 = arith.index_cast %scan3A_117 : i32 to index
          %swap3A_253 = arith.constant 96 : index
          %swap3A_254 = tpu.vector_load %arg14[%swap3A_252, %swap3A_253] {strides = array<i32>} : memref<80x128xf32, #tpu.memory_space<vmem>>, vector<1x16xf32>,
          %swap3A_255 = vector.shape_cast %swap3A_254 : vector<1x16xf32> to vector<16xf32>
          %swap3A_256 = vector.shape_cast %div3A_251 : vector<16xf32> to vector<1x16xf32>
          tpu.vector_store %arg14[%swap3A_252, %swap3A_253], %swap3A_256 {strides = array<i32>} : memref<80x128xf32, #tpu.memory_space<vmem>>, vector<1x16xf32>,
          %mul3A_257 = arith.mulf %div3A_251, %get3A_223 : vector<16xf32>
          %swap3A_258 = arith.index_cast %scan3A_117 : i32 to index
          %swap3A_259 = arith.constant 32 : index
          %swap3A_260 = tpu.vector_load %arg14[%swap3A_258, %swap3A_259] {strides = array<i32>} : memref<80x128xf32, #tpu.memory_space<vmem>>, vector<1x16xf32>,
          %swap3A_261 = vector.shape_cast %swap3A_260 : vector<1x16xf32> to vector<16xf32>
          %swap3A_262 = vector.shape_cast %mul3A_257 : vector<16xf32> to vector<1x16xf32>
          tpu.vector_store %arg14[%swap3A_258, %swap3A_259], %swap3A_262 {strides = array<i32>} : memref<80x128xf32, #tpu.memory_space<vmem>>, vector<1x16xf32>,
          %get3A_263 = arith.index_cast %scan3A_117 : i32 to index
          %get3A_264 = arith.constant 48 : index
          %get3A_265 = tpu.vector_load %arg10[%get3A_263, %get3A_264] {strides = array<i32>} : memref<80x128xf32, #tpu.memory_space<vmem>>, vector<1x16xf32>,
          %get3A_266 = vector.shape_cast %get3A_265 : vector<1x16xf32> to vector<16xf32>
          %get3A_267 = arith.index_cast %scan3A_117 : i32 to index
          %get3A_268 = arith.constant 112 : index
          %get3A_269 = tpu.vector_load %arg10[%get3A_267, %get3A_268] {strides = array<i32>} : memref<80x128xf32, #tpu.memory_space<vmem>>, vector<1x16xf32>,
          %get3A_270 = vector.shape_cast %get3A_269 : vector<1x16xf32> to vector<16xf32>
          %get3A_271 = arith.index_cast %scan3A_117 : i32 to index
          %get3A_272 = arith.constant 48 : index
          %get3A_273 = tpu.vector_load %arg11[%get3A_271, %get3A_272] {strides = array<i32>} : memref<80x128xf32, #tpu.memory_space<vmem>>, vector<1x16xf32>,
          %get3A_274 = vector.shape_cast %get3A_273 : vector<1x16xf32> to vector<16xf32>
          %add3A_275 = arith.addf %get3A_266, %get3A_274 : vector<16xf32>
          %get3A_276 = arith.index_cast %scan3A_117 : i32 to index
          %get3A_277 = arith.constant 48 : index
          %get3A_278 = tpu.vector_load %arg12[%get3A_276, %get3A_277] {strides = array<i32>} : memref<80x64xf32, #tpu.memory_space<vmem>>, vector<1x16xf32>,
          %get3A_279 = vector.shape_cast %get3A_278 : vector<1x16xf32> to vector<16xf32>
          %add3A_280 = arith.addf %add3A_275, %get3A_279 : vector<16xf32>
          %swap3A_281 = arith.index_cast %scan3A_117 : i32 to index
          %swap3A_282 = arith.constant 48 : index
          %swap3A_283 = tpu.vector_load %arg13[%swap3A_281, %swap3A_282] {strides = array<i32>} : memref<80x64xf32, #tpu.memory_space<vmem>>, vector<1x16xf32>,
          %swap3A_284 = vector.shape_cast %swap3A_283 : vector<1x16xf32> to vector<16xf32>
          %swap3A_285 = vector.shape_cast %add3A_280 : vector<16xf32> to vector<1x16xf32>
          tpu.vector_store %arg13[%swap3A_281, %swap3A_282], %swap3A_285 {strides = array<i32>} : memref<80x64xf32, #tpu.memory_space<vmem>>, vector<1x16xf32>,
          %add3A_286 = arith.addf %scan3A_121, %add3A_280 : vector<16xf32>
          %mul3A_287 = arith.mulf %add3A_280, %add3A_280 : vector<16xf32>
          %add3A_288 = arith.addf %scan3A_125, %mul3A_287 : vector<16xf32>
          %neg3A_289 = arith.constant 0.000000e+00 : f32
          %neg3A_290 = vector.broadcast %neg3A_289 : f32 to vector<16xf32>
          %neg3A_291 = arith.subf %neg3A_290, %add3A_280 : vector<16xf32>
          %exp3A_292 = math.exp %neg3A_291 : vector<16xf32>
          %add3A_293 = arith.constant 1.000000e+00 : f32
          %add3A_294 = vector.broadcast %add3A_293 : f32 to vector<16xf32>
          %add3A_295 = arith.addf %add3A_294, %exp3A_292 : vector<16xf32>
          %div3A_296 = arith.constant 1.000000e+00 : f32
          %div3A_297 = vector.broadcast %div3A_296 : f32 to vector<16xf32>
          %div3A_298 = arith.divf %div3A_297, %add3A_295 : vector<16xf32>
          %swap3A_299 = arith.index_cast %scan3A_117 : i32 to index
          %swap3A_300 = arith.constant 112 : index
          %swap3A_301 = tpu.vector_load %arg14[%swap3A_299, %swap3A_300] {strides = array<i32>} : memref<80x128xf32, #tpu.memory_space<vmem>>, vector<1x16xf32>,
          %swap3A_302 = vector.shape_cast %swap3A_301 : vector<1x16xf32> to vector<16xf32>
          %swap3A_303 = vector.shape_cast %div3A_298 : vector<16xf32> to vector<1x16xf32>
          tpu.vector_store %arg14[%swap3A_299, %swap3A_300], %swap3A_303 {strides = array<i32>} : memref<80x128xf32, #tpu.memory_space<vmem>>, vector<1x16xf32>,
          %mul3A_304 = arith.mulf %div3A_298, %get3A_270 : vector<16xf32>
          %swap3A_305 = arith.index_cast %scan3A_117 : i32 to index
          %swap3A_306 = arith.constant 48 : index
          %swap3A_307 = tpu.vector_load %arg14[%swap3A_305, %swap3A_306] {strides = array<i32>} : memref<80x128xf32, #tpu.memory_space<vmem>>, vector<1x16xf32>,
          %swap3A_308 = vector.shape_cast %swap3A_307 : vector<1x16xf32> to vector<16xf32>
          %swap3A_309 = vector.shape_cast %mul3A_304 : vector<16xf32> to vector<1x16xf32>
          tpu.vector_store %arg14[%swap3A_305, %swap3A_306], %swap3A_309 {strides = array<i32>} : memref<80x128xf32, #tpu.memory_space<vmem>>, vector<1x16xf32>,
          scf.yield %add3A_148, %add3A_192, %add3A_239, %add3A_286, %add3A_150, %add3A_194, %add3A_241, %add3A_288 : vector<16xf32>, vector<16xf32>, vector<16xf32>, vector<16xf32>, vector<16xf32>, vector<16xf32>, vector<16xf32>, vector<16xf32>
        }
        %scan3A_115 = arith.constant 80 : i32
        "tpu.region"() ({
          %run_scoped3A_117 = tpu.sem_alloc : memref<!tpu.dma_semaphore, #tpu.memory_space<semaphore_mem>>
          %dma_start3A = arith.constant 0 : i32
          %dma_start3A_118 = tpu.memref_slice %arg6[%arg0, %add3A_108, %dma_start3A] : memref<2x320000x64xf32, #tpu.memory_space<hbm>> -> memref<1x80x64xf32, #tpu.memory_space<hbm>>
          %dma_start3A_119 = tpu.memref_squeeze %dma_start3A_118 : memref<1x80x64xf32, #tpu.memory_space<hbm>> -> memref<80x64xf32, #tpu.memory_space<hbm>>
          %dma_start3A_120 = arith.constant 0 : i32
          %dma_start3A_121 = tpu.memref_slice %arg6[%arg0, %add3A_108, %dma_start3A_120] : memref<2x320000x64xf32, #tpu.memory_space<hbm>> -> memref<1x80x64xf32, #tpu.memory_space<hbm>>
          %dma_start3A_122 = tpu.memref_squeeze %dma_start3A_121 : memref<1x80x64xf32, #tpu.memory_space<hbm>> -> memref<80x64xf32, #tpu.memory_space<hbm>>
          tpu.enqueue_dma source(%arg13 : memref<80x64xf32, #tpu.memory_space<vmem>>) target(%dma_start3A_122 : memref<80x64xf32, #tpu.memory_space<hbm>>) target_semaphore(%run_scoped3A_117 : memref<!tpu.dma_semaphore, #tpu.memory_space<semaphore_mem>>)
          %dma_wait3A = arith.constant 0 : i32
          %dma_wait3A_123 = tpu.memref_slice %arg6[%arg0, %add3A_108, %dma_wait3A] : memref<2x320000x64xf32, #tpu.memory_space<hbm>> -> memref<1x80x64xf32, #tpu.memory_space<hbm>>
          %dma_wait3A_124 = tpu.memref_squeeze %dma_wait3A_123 : memref<1x80x64xf32, #tpu.memory_space<hbm>> -> memref<80x64xf32, #tpu.memory_space<hbm>>
          %dma_wait3A_125 = arith.constant 0 : i32
          %dma_wait3A_126 = tpu.memref_slice %arg6[%arg0, %add3A_108, %dma_wait3A_125] : memref<2x320000x64xf32, #tpu.memory_space<hbm>> -> memref<1x80x64xf32, #tpu.memory_space<hbm>>
          %dma_wait3A_127 = tpu.memref_squeeze %dma_wait3A_126 : memref<1x80x64xf32, #tpu.memory_space<hbm>> -> memref<80x64xf32, #tpu.memory_space<hbm>>
          tpu.wait_dma2 semaphore(%run_scoped3A_117 : memref<!tpu.dma_semaphore, #tpu.memory_space<semaphore_mem>>) src(%arg13 : memref<80x64xf32, #tpu.memory_space<vmem>>) dst(%dma_wait3A_127 : memref<80x64xf32, #tpu.memory_space<hbm>>)
          tpu.yield
        }) : () -> ()
        %run_scoped3A_116 = arith.constant 2 : i32
        "tpu.region"() ({
          %run_scoped3A_117 = tpu.sem_alloc : memref<!tpu.dma_semaphore, #tpu.memory_space<semaphore_mem>>
          %dma_start3A = arith.constant 0 : i32
          %dma_start3A_118 = tpu.memref_slice %arg9[%scan3A_94, %run_scoped3A_116, %dma_start3A] : memref<10x3x80xi32, #tpu.memory_space<vmem>> -> memref<1x1x80xi32, #tpu.memory_space<vmem>>
          %dma_start3A_119 = tpu.memref_squeeze %dma_start3A_118 : memref<1x1x80xi32, #tpu.memory_space<vmem>> -> memref<80xi32, #tpu.memory_space<vmem>>
          %dma_start3A_120 = arith.constant 0 : i32
          %dma_start3A_121 = arith.constant 0 : i32
          %dma_start3A_122 = tpu.memref_slice %arg17[%dma_start3A_120, %dma_start3A_121] : memref<10112x128xf32, #tpu.memory_space<vmem_shared>> -> memref<10112x128xf32, #tpu.memory_space<vmem_shared>>
          tpu.enqueue_indirect_dma source(%arg14 : memref<80x128xf32, #tpu.memory_space<vmem>>) target(%dma_start3A_122 : memref<10112x128xf32, #tpu.memory_space<vmem_shared>>) offsets(%dma_start3A_119 : memref<80xi32, #tpu.memory_space<vmem>>) semaphore(%run_scoped3A_117 : memref<!tpu.dma_semaphore, #tpu.memory_space<semaphore_mem>>) {add = true}
          %dma_wait3A = arith.constant 0 : i32
          %dma_wait3A_123 = tpu.memref_slice %arg9[%scan3A_94, %run_scoped3A_116, %dma_wait3A] : memref<10x3x80xi32, #tpu.memory_space<vmem>> -> memref<1x1x80xi32, #tpu.memory_space<vmem>>
          %dma_wait3A_124 = tpu.memref_squeeze %dma_wait3A_123 : memref<1x1x80xi32, #tpu.memory_space<vmem>> -> memref<80xi32, #tpu.memory_space<vmem>>
          %dma_wait3A_125 = arith.constant 0 : i32
          %dma_wait3A_126 = arith.constant 0 : i32
          %dma_wait3A_127 = tpu.memref_slice %arg17[%dma_wait3A_125, %dma_wait3A_126] : memref<10112x128xf32, #tpu.memory_space<vmem_shared>> -> memref<10112x128xf32, #tpu.memory_space<vmem_shared>>
          tpu.wait_indirect_dma semaphore(%run_scoped3A_117 : memref<!tpu.dma_semaphore, #tpu.memory_space<semaphore_mem>>) src(%arg14 : memref<80x128xf32, #tpu.memory_space<vmem>>) dst(%dma_wait3A_127 : memref<10112x128xf32, #tpu.memory_space<vmem_shared>>)
          tpu.yield
        }) : () -> ()
        scf.yield %scan3A_114#0, %scan3A_114#1, %scan3A_114#2, %scan3A_114#3, %scan3A_114#4, %scan3A_114#5, %scan3A_114#6, %scan3A_114#7 : vector<16xf32>, vector<16xf32>, vector<16xf32>, vector<16xf32>, vector<16xf32>, vector<16xf32>, vector<16xf32>, vector<16xf32>
      }
      %scan3A_93 = arith.constant 10 : i32
      scf.yield %scan3A_92#0, %scan3A_92#1, %scan3A_92#2, %scan3A_92#3, %scan3A_92#4, %scan3A_92#5, %scan3A_92#6, %scan3A_92#7 : vector<16xf32>, vector<16xf32>, vector<16xf32>, vector<16xf32>, vector<16xf32>, vector<16xf32>, vector<16xf32>, vector<16xf32>
    }
    %scan3A_25 = arith.constant 25 : i32
    %swap3A = arith.constant 0 : i32
    %swap3A_26 = arith.index_cast %swap3A : i32 to index
    %swap3A_27 = arith.constant 0 : index
    %swap3A_28 = tpu.vector_load %arg16[%swap3A_26, %swap3A_27] {strides = array<i32>} : memref<2x64xf32, #tpu.memory_space<vmem>>, vector<1x16xf32>,
    %swap3A_29 = vector.shape_cast %swap3A_28 : vector<1x16xf32> to vector<16xf32>
    %swap3A_30 = vector.shape_cast %scan3A_24#0 : vector<16xf32> to vector<1x16xf32>
    tpu.vector_store %arg16[%swap3A_26, %swap3A_27], %swap3A_30 {strides = array<i32>} : memref<2x64xf32, #tpu.memory_space<vmem>>, vector<1x16xf32>,
    %swap3A_31 = arith.constant 1 : i32
    %swap3A_32 = arith.index_cast %swap3A_31 : i32 to index
    %swap3A_33 = arith.constant 0 : index
    %swap3A_34 = tpu.vector_load %arg16[%swap3A_32, %swap3A_33] {strides = array<i32>} : memref<2x64xf32, #tpu.memory_space<vmem>>, vector<1x16xf32>,
    %swap3A_35 = vector.shape_cast %swap3A_34 : vector<1x16xf32> to vector<16xf32>
    %swap3A_36 = vector.shape_cast %scan3A_24#4 : vector<16xf32> to vector<1x16xf32>
    tpu.vector_store %arg16[%swap3A_32, %swap3A_33], %swap3A_36 {strides = array<i32>} : memref<2x64xf32, #tpu.memory_space<vmem>>, vector<1x16xf32>,
    %swap3A_37 = arith.constant 0 : i32
    %swap3A_38 = arith.index_cast %swap3A_37 : i32 to index
    %swap3A_39 = arith.constant 16 : index
    %swap3A_40 = tpu.vector_load %arg16[%swap3A_38, %swap3A_39] {strides = array<i32>} : memref<2x64xf32, #tpu.memory_space<vmem>>, vector<1x16xf32>,
    %swap3A_41 = vector.shape_cast %swap3A_40 : vector<1x16xf32> to vector<16xf32>
    %swap3A_42 = vector.shape_cast %scan3A_24#1 : vector<16xf32> to vector<1x16xf32>
    tpu.vector_store %arg16[%swap3A_38, %swap3A_39], %swap3A_42 {strides = array<i32>} : memref<2x64xf32, #tpu.memory_space<vmem>>, vector<1x16xf32>,
    %swap3A_43 = arith.constant 1 : i32
    %swap3A_44 = arith.index_cast %swap3A_43 : i32 to index
    %swap3A_45 = arith.constant 16 : index
    %swap3A_46 = tpu.vector_load %arg16[%swap3A_44, %swap3A_45] {strides = array<i32>} : memref<2x64xf32, #tpu.memory_space<vmem>>, vector<1x16xf32>,
    %swap3A_47 = vector.shape_cast %swap3A_46 : vector<1x16xf32> to vector<16xf32>
    %swap3A_48 = vector.shape_cast %scan3A_24#5 : vector<16xf32> to vector<1x16xf32>
    tpu.vector_store %arg16[%swap3A_44, %swap3A_45], %swap3A_48 {strides = array<i32>} : memref<2x64xf32, #tpu.memory_space<vmem>>, vector<1x16xf32>,
    %swap3A_49 = arith.constant 0 : i32
    %swap3A_50 = arith.index_cast %swap3A_49 : i32 to index
    %swap3A_51 = arith.constant 32 : index
    %swap3A_52 = tpu.vector_load %arg16[%swap3A_50, %swap3A_51] {strides = array<i32>} : memref<2x64xf32, #tpu.memory_space<vmem>>, vector<1x16xf32>,
    %swap3A_53 = vector.shape_cast %swap3A_52 : vector<1x16xf32> to vector<16xf32>
    %swap3A_54 = vector.shape_cast %scan3A_24#2 : vector<16xf32> to vector<1x16xf32>
    tpu.vector_store %arg16[%swap3A_50, %swap3A_51], %swap3A_54 {strides = array<i32>} : memref<2x64xf32, #tpu.memory_space<vmem>>, vector<1x16xf32>,
    %swap3A_55 = arith.constant 1 : i32
    %swap3A_56 = arith.index_cast %swap3A_55 : i32 to index
    %swap3A_57 = arith.constant 32 : index
    %swap3A_58 = tpu.vector_load %arg16[%swap3A_56, %swap3A_57] {strides = array<i32>} : memref<2x64xf32, #tpu.memory_space<vmem>>, vector<1x16xf32>,
    %swap3A_59 = vector.shape_cast %swap3A_58 : vector<1x16xf32> to vector<16xf32>
    %swap3A_60 = vector.shape_cast %scan3A_24#6 : vector<16xf32> to vector<1x16xf32>
    tpu.vector_store %arg16[%swap3A_56, %swap3A_57], %swap3A_60 {strides = array<i32>} : memref<2x64xf32, #tpu.memory_space<vmem>>, vector<1x16xf32>,
    %swap3A_61 = arith.constant 0 : i32
    %swap3A_62 = arith.index_cast %swap3A_61 : i32 to index
    %swap3A_63 = arith.constant 48 : index
    %swap3A_64 = tpu.vector_load %arg16[%swap3A_62, %swap3A_63] {strides = array<i32>} : memref<2x64xf32, #tpu.memory_space<vmem>>, vector<1x16xf32>,
    %swap3A_65 = vector.shape_cast %swap3A_64 : vector<1x16xf32> to vector<16xf32>
    %swap3A_66 = vector.shape_cast %scan3A_24#3 : vector<16xf32> to vector<1x16xf32>
    tpu.vector_store %arg16[%swap3A_62, %swap3A_63], %swap3A_66 {strides = array<i32>} : memref<2x64xf32, #tpu.memory_space<vmem>>, vector<1x16xf32>,
    %swap3A_67 = arith.constant 1 : i32
    %swap3A_68 = arith.index_cast %swap3A_67 : i32 to index
    %swap3A_69 = arith.constant 48 : index
    %swap3A_70 = tpu.vector_load %arg16[%swap3A_68, %swap3A_69] {strides = array<i32>} : memref<2x64xf32, #tpu.memory_space<vmem>>, vector<1x16xf32>,
    %swap3A_71 = vector.shape_cast %swap3A_70 : vector<1x16xf32> to vector<16xf32>
    %swap3A_72 = vector.shape_cast %scan3A_24#7 : vector<16xf32> to vector<1x16xf32>
    tpu.vector_store %arg16[%swap3A_68, %swap3A_69], %swap3A_72 {strides = array<i32>} : memref<2x64xf32, #tpu.memory_space<vmem>>, vector<1x16xf32>,
    "tpu.region"() ({
      %run_scoped3A = tpu.sem_alloc : memref<!tpu.dma_semaphore, #tpu.memory_space<semaphore_mem>>
      %dma_start3A = arith.constant 0 : i32
      %dma_start3A_76 = arith.constant 0 : i32
      %dma_start3A_77 = tpu.memref_slice %arg8[%arg0, %arg1, %dma_start3A, %dma_start3A_76] : memref<2x16x2x64xf32, #tpu.memory_space<hbm>> -> memref<1x1x2x64xf32, #tpu.memory_space<hbm>>
      %dma_start3A_78 = tpu.memref_squeeze %dma_start3A_77 : memref<1x1x2x64xf32, #tpu.memory_space<hbm>> -> memref<2x64xf32, #tpu.memory_space<hbm>>
      %dma_start3A_79 = arith.constant 0 : i32
      %dma_start3A_80 = arith.constant 0 : i32
      %dma_start3A_81 = tpu.memref_slice %arg8[%arg0, %arg1, %dma_start3A_79, %dma_start3A_80] : memref<2x16x2x64xf32, #tpu.memory_space<hbm>> -> memref<1x1x2x64xf32, #tpu.memory_space<hbm>>
      %dma_start3A_82 = tpu.memref_squeeze %dma_start3A_81 : memref<1x1x2x64xf32, #tpu.memory_space<hbm>> -> memref<2x64xf32, #tpu.memory_space<hbm>>
      tpu.enqueue_dma source(%arg16 : memref<2x64xf32, #tpu.memory_space<vmem>>) target(%dma_start3A_82 : memref<2x64xf32, #tpu.memory_space<hbm>>) target_semaphore(%run_scoped3A : memref<!tpu.dma_semaphore, #tpu.memory_space<semaphore_mem>>)
      %dma_wait3A = arith.constant 0 : i32
      %dma_wait3A_83 = arith.constant 0 : i32
      %dma_wait3A_84 = tpu.memref_slice %arg8[%arg0, %arg1, %dma_wait3A, %dma_wait3A_83] : memref<2x16x2x64xf32, #tpu.memory_space<hbm>> -> memref<1x1x2x64xf32, #tpu.memory_space<hbm>>
      %dma_wait3A_85 = tpu.memref_squeeze %dma_wait3A_84 : memref<1x1x2x64xf32, #tpu.memory_space<hbm>> -> memref<2x64xf32, #tpu.memory_space<hbm>>
      %dma_wait3A_86 = arith.constant 0 : i32
      %dma_wait3A_87 = arith.constant 0 : i32
      %dma_wait3A_88 = tpu.memref_slice %arg8[%arg0, %arg1, %dma_wait3A_86, %dma_wait3A_87] : memref<2x16x2x64xf32, #tpu.memory_space<hbm>> -> memref<1x1x2x64xf32, #tpu.memory_space<hbm>>
      %dma_wait3A_89 = tpu.memref_squeeze %dma_wait3A_88 : memref<1x1x2x64xf32, #tpu.memory_space<hbm>> -> memref<2x64xf32, #tpu.memory_space<hbm>>
      tpu.wait_dma2 semaphore(%run_scoped3A : memref<!tpu.dma_semaphore, #tpu.memory_space<semaphore_mem>>) src(%arg16 : memref<2x64xf32, #tpu.memory_space<vmem>>) dst(%dma_wait3A_89 : memref<2x64xf32, #tpu.memory_space<hbm>>)
      tpu.yield
    }) : () -> ()
    %barrier3A_73 = arith.constant 0 : index
    tpu.barrier barrier_id(%barrier3A_73)
    %mul3A_74 = arith.constant 632 : i32
    %mul3A_75 = arith.muli %arg1, %mul3A_74 : i32
    "tpu.region"() ({
      %run_scoped3A = tpu.sem_alloc : memref<!tpu.dma_semaphore, #tpu.memory_space<semaphore_mem>>
      %dma_start3A = arith.constant 0 : i32
      %dma_start3A_76 = tpu.memref_slice %arg7[%arg0, %mul3A_75, %dma_start3A] : memref<2x10112x128xf32, #tpu.memory_space<hbm>> -> memref<1x632x128xf32, #tpu.memory_space<hbm>>
      %dma_start3A_77 = tpu.memref_squeeze %dma_start3A_76 : memref<1x632x128xf32, #tpu.memory_space<hbm>> -> memref<632x128xf32, #tpu.memory_space<hbm>>
      %dma_start3A_78 = arith.constant 0 : i32
      %dma_start3A_79 = tpu.memref_slice %arg17[%mul3A_75, %dma_start3A_78] : memref<10112x128xf32, #tpu.memory_space<vmem_shared>> -> memref<632x128xf32, #tpu.memory_space<vmem_shared>>
      tpu.enqueue_dma source(%dma_start3A_79 : memref<632x128xf32, #tpu.memory_space<vmem_shared>>) target(%dma_start3A_77 : memref<632x128xf32, #tpu.memory_space<hbm>>) target_semaphore(%run_scoped3A : memref<!tpu.dma_semaphore, #tpu.memory_space<semaphore_mem>>)
      %dma_wait3A = arith.constant 0 : i32
      %dma_wait3A_80 = tpu.memref_slice %arg7[%arg0, %mul3A_75, %dma_wait3A] : memref<2x10112x128xf32, #tpu.memory_space<hbm>> -> memref<1x632x128xf32, #tpu.memory_space<hbm>>
      %dma_wait3A_81 = tpu.memref_squeeze %dma_wait3A_80 : memref<1x632x128xf32, #tpu.memory_space<hbm>> -> memref<632x128xf32, #tpu.memory_space<hbm>>
      %dma_wait3A_82 = arith.constant 0 : i32
      %dma_wait3A_83 = tpu.memref_slice %arg17[%mul3A_75, %dma_wait3A_82] : memref<10112x128xf32, #tpu.memory_space<vmem_shared>> -> memref<632x128xf32, #tpu.memory_space<vmem_shared>>
      tpu.wait_dma2 semaphore(%run_scoped3A : memref<!tpu.dma_semaphore, #tpu.memory_space<semaphore_mem>>) src(%dma_wait3A_83 : memref<632x128xf32, #tpu.memory_space<vmem_shared>>) dst(%dma_wait3A_81 : memref<632x128xf32, #tpu.memory_space<hbm>>)
      tpu.yield
    }) : () -> ()
    return
  }
}

#map = affine_map<(d0, d1) -> (0, 0)>
#map1 = affine_map<(d0, d1) -> (0, 0, 0)>
#map2 = affine_map<(d0, d1) -> (0, 0, 0, 0)>
module attributes {stable_mosaic.version = 14 : i64} {
  func.func @_sc_edge_kernel(%arg0: i32, %arg1: i32, %arg2: memref<20000x128xf32, #tpu.memory_space<hbm>>, %arg3: memref<20000x128xf32, #tpu.memory_space<hbm>>, %arg4: memref<2x320000x64xf32, #tpu.memory_space<hbm>>, %arg5: memref<2x4010x3x80xi32, #tpu.memory_space<hbm>>, %arg6: memref<2x320000x64xf32, #tpu.memory_space<hbm>>, %arg7: memref<2x10112x128xf32, #tpu.memory_space<hbm>>, %arg8: memref<2x16x2x64xf32, #tpu.memory_space<hbm>>, %arg9: memref<10x3x80xi32, #tpu.memory_space<vmem>>, %arg10: memref<80x128xf32, #tpu.memory_space<vmem>>, %arg11: memref<80x128xf32, #tpu.memory_space<vmem>>, %arg12: memref<80x64xf32, #tpu.memory_space<vmem>>, %arg13: memref<80x64xf32, #tpu.memory_space<vmem>>, %arg14: memref<80x128xf32, #tpu.memory_space<vmem>>, %arg15: memref<16x128xf32, #tpu.memory_space<vmem>>, %arg16: memref<2x64xf32, #tpu.memory_space<vmem>>, %arg17: memref<10112x128xf32, #tpu.memory_space<vmem_shared>>) attributes {dimension_semantics = [#tpu.dimension_semantics<core_parallel>, #tpu.dimension_semantics<subcore_parallel>], iteration_bounds = array<i64: 2, 16>, scalar_prefetch = 0 : i64, scratch_operands = 9 : i64, tpu.core_type = #tpu.core_type<sc_vector_subcore>, window_params = [{transform_indices = #map}, {transform_indices = #map}, {transform_indices = #map1}, {transform_indices = #map2}, {transform_indices = #map1}, {transform_indices = #map1}, {transform_indices = #map2}]} {
    %broadcast_in_dim3A = arith.constant 0.000000e+00 : f32
    %broadcast_in_dim3A_0 = vector.broadcast %broadcast_in_dim3A : f32 to vector<16xf32>
    %scan3A = arith.constant 0 : i32
    %scan3A_1 = arith.constant 0 : i32
    %scan3A_2 = arith.constant 16 : i32
    %scan3A_3 = arith.addi %scan3A_1, %scan3A_2 : i32
    %scan3A_4 = arith.constant 1 : i32
    %scan3A_5 = scf.for %scan3A_76 = %scan3A_1 to %scan3A_3 step %scan3A_4 iter_args(%scan3A_77 = %scan3A) -> (i32)  : i32 {
      %swap3A_78 = arith.index_cast %scan3A_76 : i32 to index
      %swap3A_79 = arith.constant 0 : index
      %swap3A_80 = tpu.vector_load %arg15[%swap3A_78, %swap3A_79] {strides = array<i32>} : memref<16x128xf32, #tpu.memory_space<vmem>>, vector<1x16xf32>,
      %swap3A_81 = vector.shape_cast %swap3A_80 : vector<1x16xf32> to vector<16xf32>
      %swap3A_82 = vector.shape_cast %broadcast_in_dim3A_0 : vector<16xf32> to vector<1x16xf32>
      tpu.vector_store %arg15[%swap3A_78, %swap3A_79], %swap3A_82 {strides = array<i32>} : memref<16x128xf32, #tpu.memory_space<vmem>>, vector<1x16xf32>,
      %swap3A_83 = arith.index_cast %scan3A_76 : i32 to index
      %swap3A_84 = arith.constant 16 : index
      %swap3A_85 = tpu.vector_load %arg15[%swap3A_83, %swap3A_84] {strides = array<i32>} : memref<16x128xf32, #tpu.memory_space<vmem>>, vector<1x16xf32>,
      %swap3A_86 = vector.shape_cast %swap3A_85 : vector<1x16xf32> to vector<16xf32>
      %swap3A_87 = vector.shape_cast %broadcast_in_dim3A_0 : vector<16xf32> to vector<1x16xf32>
      tpu.vector_store %arg15[%swap3A_83, %swap3A_84], %swap3A_87 {strides = array<i32>} : memref<16x128xf32, #tpu.memory_space<vmem>>, vector<1x16xf32>,
      %swap3A_88 = arith.index_cast %scan3A_76 : i32 to index
      %swap3A_89 = arith.constant 32 : index
      %swap3A_90 = tpu.vector_load %arg15[%swap3A_88, %swap3A_89] {strides = array<i32>} : memref<16x128xf32, #tpu.memory_space<vmem>>, vector<1x16xf32>,
      %swap3A_91 = vector.shape_cast %swap3A_90 : vector<1x16xf32> to vector<16xf32>
      %swap3A_92 = vector.shape_cast %broadcast_in_dim3A_0 : vector<16xf32> to vector<1x16xf32>
      tpu.vector_store %arg15[%swap3A_88, %swap3A_89], %swap3A_92 {strides = array<i32>} : memref<16x128xf32, #tpu.memory_space<vmem>>, vector<1x16xf32>,
      %swap3A_93 = arith.index_cast %scan3A_76 : i32 to index
      %swap3A_94 = arith.constant 48 : index
      %swap3A_95 = tpu.vector_load %arg15[%swap3A_93, %swap3A_94] {strides = array<i32>} : memref<16x128xf32, #tpu.memory_space<vmem>>, vector<1x16xf32>,
      %swap3A_96 = vector.shape_cast %swap3A_95 : vector<1x16xf32> to vector<16xf32>
      %swap3A_97 = vector.shape_cast %broadcast_in_dim3A_0 : vector<16xf32> to vector<1x16xf32>
      tpu.vector_store %arg15[%swap3A_93, %swap3A_94], %swap3A_97 {strides = array<i32>} : memref<16x128xf32, #tpu.memory_space<vmem>>, vector<1x16xf32>,
      %swap3A_98 = arith.index_cast %scan3A_76 : i32 to index
      %swap3A_99 = arith.constant 64 : index
      %swap3A_100 = tpu.vector_load %arg15[%swap3A_98, %swap3A_99] {strides = array<i32>} : memref<16x128xf32, #tpu.memory_space<vmem>>, vector<1x16xf32>,
      %swap3A_101 = vector.shape_cast %swap3A_100 : vector<1x16xf32> to vector<16xf32>
      %swap3A_102 = vector.shape_cast %broadcast_in_dim3A_0 : vector<16xf32> to vector<1x16xf32>
      tpu.vector_store %arg15[%swap3A_98, %swap3A_99], %swap3A_102 {strides = array<i32>} : memref<16x128xf32, #tpu.memory_space<vmem>>, vector<1x16xf32>,
      %swap3A_103 = arith.index_cast %scan3A_76 : i32 to index
      %swap3A_104 = arith.constant 80 : index
      %swap3A_105 = tpu.vector_load %arg15[%swap3A_103, %swap3A_104] {strides = array<i32>} : memref<16x128xf32, #tpu.memory_space<vmem>>, vector<1x16xf32>,
      %swap3A_106 = vector.shape_cast %swap3A_105 : vector<1x16xf32> to vector<16xf32>
      %swap3A_107 = vector.shape_cast %broadcast_in_dim3A_0 : vector<16xf32> to vector<1x16xf32>
      tpu.vector_store %arg15[%swap3A_103, %swap3A_104], %swap3A_107 {strides = array<i32>} : memref<16x128xf32, #tpu.memory_space<vmem>>, vector<1x16xf32>,
      %swap3A_108 = arith.index_cast %scan3A_76 : i32 to index
      %swap3A_109 = arith.constant 96 : index
      %swap3A_110 = tpu.vector_load %arg15[%swap3A_108, %swap3A_109] {strides = array<i32>} : memref<16x128xf32, #tpu.memory_space<vmem>>, vector<1x16xf32>,
      %swap3A_111 = vector.shape_cast %swap3A_110 : vector<1x16xf32> to vector<16xf32>
      %swap3A_112 = vector.shape_cast %broadcast_in_dim3A_0 : vector<16xf32> to vector<1x16xf32>
      tpu.vector_store %arg15[%swap3A_108, %swap3A_109], %swap3A_112 {strides = array<i32>} : memref<16x128xf32, #tpu.memory_space<vmem>>, vector<1x16xf32>,
      %swap3A_113 = arith.index_cast %scan3A_76 : i32 to index
      %swap3A_114 = arith.constant 112 : index
      %swap3A_115 = tpu.vector_load %arg15[%swap3A_113, %swap3A_114] {strides = array<i32>} : memref<16x128xf32, #tpu.memory_space<vmem>>, vector<1x16xf32>,
      %swap3A_116 = vector.shape_cast %swap3A_115 : vector<1x16xf32> to vector<16xf32>
      %swap3A_117 = vector.shape_cast %broadcast_in_dim3A_0 : vector<16xf32> to vector<1x16xf32>
      tpu.vector_store %arg15[%swap3A_113, %swap3A_114], %swap3A_117 {strides = array<i32>} : memref<16x128xf32, #tpu.memory_space<vmem>>, vector<1x16xf32>,
      %scan3A_118 = arith.constant 0 : i32
      scf.yield %scan3A_118 : i32
    }
    %scan3A_6 = arith.constant 16 : i32
    %mul3A = arith.constant 632 : i32
    %mul3A_7 = arith.muli %arg1, %mul3A : i32
    %scan3A_8 = arith.constant 0 : i32
    %scan3A_9 = arith.constant 0 : i32
    %scan3A_10 = arith.constant 39 : i32
    %scan3A_11 = arith.addi %scan3A_9, %scan3A_10 : i32
    %scan3A_12 = arith.constant 1 : i32
    %scan3A_13 = scf.for %scan3A_76 = %scan3A_9 to %scan3A_11 step %scan3A_12 iter_args(%scan3A_77 = %scan3A_8) -> (i32)  : i32 {
      %mul3A_78 = arith.constant 16 : i32
      %mul3A_79 = arith.muli %scan3A_76, %mul3A_78 : i32
      %add3A_80 = arith.addi %mul3A_7, %mul3A_79 : i32
      "tpu.region"() ({
        %run_scoped3A = tpu.sem_alloc : memref<!tpu.dma_semaphore, #tpu.memory_space<semaphore_mem>>
        %dma_start3A = arith.constant 0 : i32
        %dma_start3A_82 = tpu.memref_slice %arg17[%add3A_80, %dma_start3A] : memref<10112x128xf32, #tpu.memory_space<vmem_shared>> -> memref<16x128xf32, #tpu.memory_space<vmem_shared>>
        %dma_start3A_83 = arith.constant 0 : i32
        %dma_start3A_84 = tpu.memref_slice %arg17[%add3A_80, %dma_start3A_83] : memref<10112x128xf32, #tpu.memory_space<vmem_shared>> -> memref<16x128xf32, #tpu.memory_space<vmem_shared>>
        tpu.enqueue_dma source(%arg15 : memref<16x128xf32, #tpu.memory_space<vmem>>) target(%dma_start3A_84 : memref<16x128xf32, #tpu.memory_space<vmem_shared>>) target_semaphore(%run_scoped3A : memref<!tpu.dma_semaphore, #tpu.memory_space<semaphore_mem>>)
        %dma_wait3A = arith.constant 0 : i32
        %dma_wait3A_85 = tpu.memref_slice %arg17[%add3A_80, %dma_wait3A] : memref<10112x128xf32, #tpu.memory_space<vmem_shared>> -> memref<16x128xf32, #tpu.memory_space<vmem_shared>>
        %dma_wait3A_86 = arith.constant 0 : i32
        %dma_wait3A_87 = tpu.memref_slice %arg17[%add3A_80, %dma_wait3A_86] : memref<10112x128xf32, #tpu.memory_space<vmem_shared>> -> memref<16x128xf32, #tpu.memory_space<vmem_shared>>
        tpu.wait_dma2 semaphore(%run_scoped3A : memref<!tpu.dma_semaphore, #tpu.memory_space<semaphore_mem>>) src(%arg15 : memref<16x128xf32, #tpu.memory_space<vmem>>) dst(%dma_wait3A_87 : memref<16x128xf32, #tpu.memory_space<vmem_shared>>)
        tpu.yield
      }) : () -> ()
      %scan3A_81 = arith.constant 0 : i32
      scf.yield %scan3A_81 : i32
    }
    %scan3A_14 = arith.constant 39 : i32
    %add3A = arith.constant 624 : i32
    %add3A_15 = arith.addi %mul3A_7, %add3A : i32
    "tpu.region"() ({
      %run_scoped3A = tpu.sem_alloc : memref<!tpu.dma_semaphore, #tpu.memory_space<semaphore_mem>>
      %dma_start3A = arith.constant 0 : i32
      %dma_start3A_76 = arith.constant 0 : i32
      %dma_start3A_77 = tpu.memref_slice %arg15[%dma_start3A, %dma_start3A_76] : memref<16x128xf32, #tpu.memory_space<vmem>> -> memref<8x128xf32, #tpu.memory_space<vmem>>
      %dma_start3A_78 = arith.constant 0 : i32
      %dma_start3A_79 = tpu.memref_slice %arg17[%add3A_15, %dma_start3A_78] : memref<10112x128xf32, #tpu.memory_space<vmem_shared>> -> memref<8x128xf32, #tpu.memory_space<vmem_shared>>
      %dma_start3A_80 = arith.constant 0 : i32
      %dma_start3A_81 = tpu.memref_slice %arg17[%add3A_15, %dma_start3A_80] : memref<10112x128xf32, #tpu.memory_space<vmem_shared>> -> memref<8x128xf32, #tpu.memory_space<vmem_shared>>
      %dma_start3A_82 = arith.constant 0 : i32
      %dma_start3A_83 = arith.constant 0 : i32
      %dma_start3A_84 = tpu.memref_slice %arg15[%dma_start3A_82, %dma_start3A_83] : memref<16x128xf32, #tpu.memory_space<vmem>> -> memref<8x128xf32, #tpu.memory_space<vmem>>
      tpu.enqueue_dma source(%dma_start3A_84 : memref<8x128xf32, #tpu.memory_space<vmem>>) target(%dma_start3A_81 : memref<8x128xf32, #tpu.memory_space<vmem_shared>>) target_semaphore(%run_scoped3A : memref<!tpu.dma_semaphore, #tpu.memory_space<semaphore_mem>>)
      %dma_wait3A = arith.constant 0 : i32
      %dma_wait3A_85 = arith.constant 0 : i32
      %dma_wait3A_86 = tpu.memref_slice %arg15[%dma_wait3A, %dma_wait3A_85] : memref<16x128xf32, #tpu.memory_space<vmem>> -> memref<8x128xf32, #tpu.memory_space<vmem>>
      %dma_wait3A_87 = arith.constant 0 : i32
      %dma_wait3A_88 = tpu.memref_slice %arg17[%add3A_15, %dma_wait3A_87] : memref<10112x128xf32, #tpu.memory_space<vmem_shared>> -> memref<8x128xf32, #tpu.memory_space<vmem_shared>>
      %dma_wait3A_89 = arith.constant 0 : i32
      %dma_wait3A_90 = tpu.memref_slice %arg17[%add3A_15, %dma_wait3A_89] : memref<10112x128xf32, #tpu.memory_space<vmem_shared>> -> memref<8x128xf32, #tpu.memory_space<vmem_shared>>
      %dma_wait3A_91 = arith.constant 0 : i32
      %dma_wait3A_92 = arith.constant 0 : i32
      %dma_wait3A_93 = tpu.memref_slice %arg15[%dma_wait3A_91, %dma_wait3A_92] : memref<16x128xf32, #tpu.memory_space<vmem>> -> memref<8x128xf32, #tpu.memory_space<vmem>>
      tpu.wait_dma2 semaphore(%run_scoped3A : memref<!tpu.dma_semaphore, #tpu.memory_space<semaphore_mem>>) src(%dma_wait3A_93 : memref<8x128xf32, #tpu.memory_space<vmem>>) dst(%dma_wait3A_90 : memref<8x128xf32, #tpu.memory_space<vmem_shared>>)
      tpu.yield
    }) : () -> ()
    %barrier3A = arith.constant 0 : index
    tpu.barrier barrier_id(%barrier3A)
    %mul3A_16 = arith.constant 20000 : i32
    %mul3A_17 = arith.muli %arg1, %mul3A_16 : i32
    %mul3A_18 = arith.constant 250 : i32
    %mul3A_19 = arith.muli %arg1, %mul3A_18 : i32
    %scan3A_20 = arith.constant 0 : i32
    %scan3A_21 = arith.constant 25 : i32
    %scan3A_22 = arith.addi %scan3A_20, %scan3A_21 : i32
    %scan3A_23 = arith.constant 1 : i32
    %scan3A_24:8 = scf.for %scan3A_76 = %scan3A_20 to %scan3A_22 step %scan3A_23 iter_args(%scan3A_77 = %broadcast_in_dim3A_0, %scan3A_78 = %broadcast_in_dim3A_0, %scan3A_79 = %broadcast_in_dim3A_0, %scan3A_80 = %broadcast_in_dim3A_0, %scan3A_81 = %broadcast_in_dim3A_0, %scan3A_82 = %broadcast_in_dim3A_0, %scan3A_83 = %broadcast_in_dim3A_0, %scan3A_84 = %broadcast_in_dim3A_0) -> (vector<16xf32>, vector<16xf32>, vector<16xf32>, vector<16xf32>, vector<16xf32>, vector<16xf32>, vector<16xf32>, vector<16xf32>)  : i32 {
      %mul3A_85 = arith.constant 10 : i32
      %mul3A_86 = arith.muli %scan3A_76, %mul3A_85 : i32
      %add3A_87 = arith.addi %mul3A_19, %mul3A_86 : i32
      "tpu.region"() ({
        %run_scoped3A = tpu.sem_alloc : memref<!tpu.dma_semaphore, #tpu.memory_space<semaphore_mem>>
        %dma_start3A = arith.constant 0 : i32
        %dma_start3A_94 = arith.constant 0 : i32
        %dma_start3A_95 = tpu.memref_slice %arg5[%arg0, %add3A_87, %dma_start3A, %dma_start3A_94] : memref<2x4010x3x80xi32, #tpu.memory_space<hbm>> -> memref<1x10x3x80xi32, #tpu.memory_space<hbm>>
        %dma_start3A_96 = tpu.memref_squeeze %dma_start3A_95 : memref<1x10x3x80xi32, #tpu.memory_space<hbm>> -> memref<10x3x80xi32, #tpu.memory_space<hbm>>
        %dma_start3A_97 = arith.constant 0 : i32
        %dma_start3A_98 = arith.constant 0 : i32
        %dma_start3A_99 = tpu.memref_slice %arg5[%arg0, %add3A_87, %dma_start3A_97, %dma_start3A_98] : memref<2x4010x3x80xi32, #tpu.memory_space<hbm>> -> memref<1x10x3x80xi32, #tpu.memory_space<hbm>>
        %dma_start3A_100 = tpu.memref_squeeze %dma_start3A_99 : memref<1x10x3x80xi32, #tpu.memory_space<hbm>> -> memref<10x3x80xi32, #tpu.memory_space<hbm>>
        tpu.enqueue_dma source(%dma_start3A_100 : memref<10x3x80xi32, #tpu.memory_space<hbm>>) target(%arg9 : memref<10x3x80xi32, #tpu.memory_space<vmem>>) target_semaphore(%run_scoped3A : memref<!tpu.dma_semaphore, #tpu.memory_space<semaphore_mem>>)
        %dma_wait3A = arith.constant 0 : i32
        %dma_wait3A_101 = arith.constant 0 : i32
        %dma_wait3A_102 = tpu.memref_slice %arg5[%arg0, %add3A_87, %dma_wait3A, %dma_wait3A_101] : memref<2x4010x3x80xi32, #tpu.memory_space<hbm>> -> memref<1x10x3x80xi32, #tpu.memory_space<hbm>>
        %dma_wait3A_103 = tpu.memref_squeeze %dma_wait3A_102 : memref<1x10x3x80xi32, #tpu.memory_space<hbm>> -> memref<10x3x80xi32, #tpu.memory_space<hbm>>
        %dma_wait3A_104 = arith.constant 0 : i32
        %dma_wait3A_105 = arith.constant 0 : i32
        %dma_wait3A_106 = tpu.memref_slice %arg5[%arg0, %add3A_87, %dma_wait3A_104, %dma_wait3A_105] : memref<2x4010x3x80xi32, #tpu.memory_space<hbm>> -> memref<1x10x3x80xi32, #tpu.memory_space<hbm>>
        %dma_wait3A_107 = tpu.memref_squeeze %dma_wait3A_106 : memref<1x10x3x80xi32, #tpu.memory_space<hbm>> -> memref<10x3x80xi32, #tpu.memory_space<hbm>>
        tpu.wait_dma2 semaphore(%run_scoped3A : memref<!tpu.dma_semaphore, #tpu.memory_space<semaphore_mem>>) src(%dma_wait3A_107 : memref<10x3x80xi32, #tpu.memory_space<hbm>>) dst(%arg9 : memref<10x3x80xi32, #tpu.memory_space<vmem>>)
        tpu.yield
      }) : () -> ()
      %scan3A_88 = arith.constant 0 : i32
      %scan3A_89 = arith.constant 10 : i32
      %scan3A_90 = arith.addi %scan3A_88, %scan3A_89 : i32
      %scan3A_91 = arith.constant 1 : i32
      %scan3A_92:8 = scf.for %scan3A_94 = %scan3A_88 to %scan3A_90 step %scan3A_91 iter_args(%scan3A_95 = %scan3A_77, %scan3A_96 = %scan3A_78, %scan3A_97 = %scan3A_79, %scan3A_98 = %scan3A_80, %scan3A_99 = %scan3A_81, %scan3A_100 = %scan3A_82, %scan3A_101 = %scan3A_83, %scan3A_102 = %scan3A_84) -> (vector<16xf32>, vector<16xf32>, vector<16xf32>, vector<16xf32>, vector<16xf32>, vector<16xf32>, vector<16xf32>, vector<16xf32>)  : i32 {
        %mul3A_103 = arith.constant 10 : i32
        %mul3A_104 = arith.muli %scan3A_76, %mul3A_103 : i32
        %add3A_105 = arith.addi %mul3A_104, %scan3A_94 : i32
        %mul3A_106 = arith.constant 80 : i32
        %mul3A_107 = arith.muli %add3A_105, %mul3A_106 : i32
        %add3A_108 = arith.addi %mul3A_17, %mul3A_107 : i32
        %run_scoped3A = arith.constant 0 : i32
        "tpu.region"() ({
          %run_scoped3A_117 = tpu.sem_alloc : memref<!tpu.dma_semaphore, #tpu.memory_space<semaphore_mem>>
          %dma_start3A = arith.constant 0 : i32
          %dma_start3A_118 = tpu.memref_slice %arg9[%scan3A_94, %run_scoped3A, %dma_start3A] : memref<10x3x80xi32, #tpu.memory_space<vmem>> -> memref<1x1x80xi32, #tpu.memory_space<vmem>>
          %dma_start3A_119 = tpu.memref_squeeze %dma_start3A_118 : memref<1x1x80xi32, #tpu.memory_space<vmem>> -> memref<80xi32, #tpu.memory_space<vmem>>
          %dma_start3A_120 = arith.constant 0 : i32
          %dma_start3A_121 = arith.constant 0 : i32
          %dma_start3A_122 = tpu.memref_slice %arg2[%dma_start3A_120, %dma_start3A_121] : memref<20000x128xf32, #tpu.memory_space<hbm>> -> memref<20000x128xf32, #tpu.memory_space<hbm>>
          tpu.enqueue_indirect_dma source(%dma_start3A_122 : memref<20000x128xf32, #tpu.memory_space<hbm>>) target(%arg10 : memref<80x128xf32, #tpu.memory_space<vmem>>) offsets(%dma_start3A_119 : memref<80xi32, #tpu.memory_space<vmem>>) semaphore(%run_scoped3A_117 : memref<!tpu.dma_semaphore, #tpu.memory_space<semaphore_mem>>)
          %dma_wait3A = arith.constant 0 : i32
          %dma_wait3A_123 = tpu.memref_slice %arg9[%scan3A_94, %run_scoped3A, %dma_wait3A] : memref<10x3x80xi32, #tpu.memory_space<vmem>> -> memref<1x1x80xi32, #tpu.memory_space<vmem>>
          %dma_wait3A_124 = tpu.memref_squeeze %dma_wait3A_123 : memref<1x1x80xi32, #tpu.memory_space<vmem>> -> memref<80xi32, #tpu.memory_space<vmem>>
          %dma_wait3A_125 = arith.constant 0 : i32
          %dma_wait3A_126 = arith.constant 0 : i32
          %dma_wait3A_127 = tpu.memref_slice %arg2[%dma_wait3A_125, %dma_wait3A_126] : memref<20000x128xf32, #tpu.memory_space<hbm>> -> memref<20000x128xf32, #tpu.memory_space<hbm>>
          tpu.wait_indirect_dma semaphore(%run_scoped3A_117 : memref<!tpu.dma_semaphore, #tpu.memory_space<semaphore_mem>>) src(%dma_wait3A_127 : memref<20000x128xf32, #tpu.memory_space<hbm>>) dst(%arg10 : memref<80x128xf32, #tpu.memory_space<vmem>>)
          tpu.yield
        }) : () -> ()
        %run_scoped3A_109 = arith.constant 1 : i32
        "tpu.region"() ({
          %run_scoped3A_117 = tpu.sem_alloc : memref<!tpu.dma_semaphore, #tpu.memory_space<semaphore_mem>>
          %dma_start3A = arith.constant 0 : i32
          %dma_start3A_118 = tpu.memref_slice %arg9[%scan3A_94, %run_scoped3A_109, %dma_start3A] : memref<10x3x80xi32, #tpu.memory_space<vmem>> -> memref<1x1x80xi32, #tpu.memory_space<vmem>>
          %dma_start3A_119 = tpu.memref_squeeze %dma_start3A_118 : memref<1x1x80xi32, #tpu.memory_space<vmem>> -> memref<80xi32, #tpu.memory_space<vmem>>
          %dma_start3A_120 = arith.constant 0 : i32
          %dma_start3A_121 = arith.constant 0 : i32
          %dma_start3A_122 = tpu.memref_slice %arg3[%dma_start3A_120, %dma_start3A_121] : memref<20000x128xf32, #tpu.memory_space<hbm>> -> memref<20000x128xf32, #tpu.memory_space<hbm>>
          tpu.enqueue_indirect_dma source(%dma_start3A_122 : memref<20000x128xf32, #tpu.memory_space<hbm>>) target(%arg11 : memref<80x128xf32, #tpu.memory_space<vmem>>) offsets(%dma_start3A_119 : memref<80xi32, #tpu.memory_space<vmem>>) semaphore(%run_scoped3A_117 : memref<!tpu.dma_semaphore, #tpu.memory_space<semaphore_mem>>)
          %dma_wait3A = arith.constant 0 : i32
          %dma_wait3A_123 = tpu.memref_slice %arg9[%scan3A_94, %run_scoped3A_109, %dma_wait3A] : memref<10x3x80xi32, #tpu.memory_space<vmem>> -> memref<1x1x80xi32, #tpu.memory_space<vmem>>
          %dma_wait3A_124 = tpu.memref_squeeze %dma_wait3A_123 : memref<1x1x80xi32, #tpu.memory_space<vmem>> -> memref<80xi32, #tpu.memory_space<vmem>>
          %dma_wait3A_125 = arith.constant 0 : i32
          %dma_wait3A_126 = arith.constant 0 : i32
          %dma_wait3A_127 = tpu.memref_slice %arg3[%dma_wait3A_125, %dma_wait3A_126] : memref<20000x128xf32, #tpu.memory_space<hbm>> -> memref<20000x128xf32, #tpu.memory_space<hbm>>
          tpu.wait_indirect_dma semaphore(%run_scoped3A_117 : memref<!tpu.dma_semaphore, #tpu.memory_space<semaphore_mem>>) src(%dma_wait3A_127 : memref<20000x128xf32, #tpu.memory_space<hbm>>) dst(%arg11 : memref<80x128xf32, #tpu.memory_space<vmem>>)
          tpu.yield
        }) : () -> ()
        "tpu.region"() ({
          %run_scoped3A_117 = tpu.sem_alloc : memref<!tpu.dma_semaphore, #tpu.memory_space<semaphore_mem>>
          %dma_start3A = arith.constant 0 : i32
          %dma_start3A_118 = tpu.memref_slice %arg4[%arg0, %add3A_108, %dma_start3A] : memref<2x320000x64xf32, #tpu.memory_space<hbm>> -> memref<1x80x64xf32, #tpu.memory_space<hbm>>
          %dma_start3A_119 = tpu.memref_squeeze %dma_start3A_118 : memref<1x80x64xf32, #tpu.memory_space<hbm>> -> memref<80x64xf32, #tpu.memory_space<hbm>>
          %dma_start3A_120 = arith.constant 0 : i32
          %dma_start3A_121 = tpu.memref_slice %arg4[%arg0, %add3A_108, %dma_start3A_120] : memref<2x320000x64xf32, #tpu.memory_space<hbm>> -> memref<1x80x64xf32, #tpu.memory_space<hbm>>
          %dma_start3A_122 = tpu.memref_squeeze %dma_start3A_121 : memref<1x80x64xf32, #tpu.memory_space<hbm>> -> memref<80x64xf32, #tpu.memory_space<hbm>>
          tpu.enqueue_dma source(%dma_start3A_122 : memref<80x64xf32, #tpu.memory_space<hbm>>) target(%arg12 : memref<80x64xf32, #tpu.memory_space<vmem>>) target_semaphore(%run_scoped3A_117 : memref<!tpu.dma_semaphore, #tpu.memory_space<semaphore_mem>>)
          %dma_wait3A = arith.constant 0 : i32
          %dma_wait3A_123 = tpu.memref_slice %arg4[%arg0, %add3A_108, %dma_wait3A] : memref<2x320000x64xf32, #tpu.memory_space<hbm>> -> memref<1x80x64xf32, #tpu.memory_space<hbm>>
          %dma_wait3A_124 = tpu.memref_squeeze %dma_wait3A_123 : memref<1x80x64xf32, #tpu.memory_space<hbm>> -> memref<80x64xf32, #tpu.memory_space<hbm>>
          %dma_wait3A_125 = arith.constant 0 : i32
          %dma_wait3A_126 = tpu.memref_slice %arg4[%arg0, %add3A_108, %dma_wait3A_125] : memref<2x320000x64xf32, #tpu.memory_space<hbm>> -> memref<1x80x64xf32, #tpu.memory_space<hbm>>
          %dma_wait3A_127 = tpu.memref_squeeze %dma_wait3A_126 : memref<1x80x64xf32, #tpu.memory_space<hbm>> -> memref<80x64xf32, #tpu.memory_space<hbm>>
          tpu.wait_dma2 semaphore(%run_scoped3A_117 : memref<!tpu.dma_semaphore, #tpu.memory_space<semaphore_mem>>) src(%dma_wait3A_127 : memref<80x64xf32, #tpu.memory_space<hbm>>) dst(%arg12 : memref<80x64xf32, #tpu.memory_space<vmem>>)
          tpu.yield
        }) : () -> ()
        %scan3A_110 = arith.constant 0 : i32
        %scan3A_111 = arith.constant 80 : i32
        %scan3A_112 = arith.addi %scan3A_110, %scan3A_111 : i32
        %scan3A_113 = arith.constant 1 : i32
        %scan3A_114:8 = scf.for %scan3A_117 = %scan3A_110 to %scan3A_112 step %scan3A_113 iter_args(%scan3A_118 = %scan3A_95, %scan3A_119 = %scan3A_96, %scan3A_120 = %scan3A_97, %scan3A_121 = %scan3A_98, %scan3A_122 = %scan3A_99, %scan3A_123 = %scan3A_100, %scan3A_124 = %scan3A_101, %scan3A_125 = %scan3A_102) -> (vector<16xf32>, vector<16xf32>, vector<16xf32>, vector<16xf32>, vector<16xf32>, vector<16xf32>, vector<16xf32>, vector<16xf32>)  : i32 {
          %get3A = arith.index_cast %scan3A_117 : i32 to index
          %get3A_126 = arith.constant 0 : index
          %get3A_127 = tpu.vector_load %arg10[%get3A, %get3A_126] {strides = array<i32>} : memref<80x128xf32, #tpu.memory_space<vmem>>, vector<1x16xf32>,
          %get3A_128 = vector.shape_cast %get3A_127 : vector<1x16xf32> to vector<16xf32>
          %get3A_129 = arith.index_cast %scan3A_117 : i32 to index
          %get3A_130 = arith.constant 64 : index
          %get3A_131 = tpu.vector_load %arg10[%get3A_129, %get3A_130] {strides = array<i32>} : memref<80x128xf32, #tpu.memory_space<vmem>>, vector<1x16xf32>,
          %get3A_132 = vector.shape_cast %get3A_131 : vector<1x16xf32> to vector<16xf32>
          %get3A_133 = arith.index_cast %scan3A_117 : i32 to index
          %get3A_134 = arith.constant 0 : index
          %get3A_135 = tpu.vector_load %arg11[%get3A_133, %get3A_134] {strides = array<i32>} : memref<80x128xf32, #tpu.memory_space<vmem>>, vector<1x16xf32>,
          %get3A_136 = vector.shape_cast %get3A_135 : vector<1x16xf32> to vector<16xf32>
          %add3A_137 = arith.addf %get3A_128, %get3A_136 : vector<16xf32>
          %get3A_138 = arith.index_cast %scan3A_117 : i32 to index
          %get3A_139 = arith.constant 0 : index
          %get3A_140 = tpu.vector_load %arg12[%get3A_138, %get3A_139] {strides = array<i32>} : memref<80x64xf32, #tpu.memory_space<vmem>>, vector<1x16xf32>,
          %get3A_141 = vector.shape_cast %get3A_140 : vector<1x16xf32> to vector<16xf32>
          %add3A_142 = arith.addf %add3A_137, %get3A_141 : vector<16xf32>
          %swap3A_143 = arith.index_cast %scan3A_117 : i32 to index
          %swap3A_144 = arith.constant 0 : index
          %swap3A_145 = tpu.vector_load %arg13[%swap3A_143, %swap3A_144] {strides = array<i32>} : memref<80x64xf32, #tpu.memory_space<vmem>>, vector<1x16xf32>,
          %swap3A_146 = vector.shape_cast %swap3A_145 : vector<1x16xf32> to vector<16xf32>
          %swap3A_147 = vector.shape_cast %add3A_142 : vector<16xf32> to vector<1x16xf32>
          tpu.vector_store %arg13[%swap3A_143, %swap3A_144], %swap3A_147 {strides = array<i32>} : memref<80x64xf32, #tpu.memory_space<vmem>>, vector<1x16xf32>,
          %add3A_148 = arith.addf %scan3A_118, %add3A_142 : vector<16xf32>
          %mul3A_149 = arith.mulf %add3A_142, %add3A_142 : vector<16xf32>
          %add3A_150 = arith.addf %scan3A_122, %mul3A_149 : vector<16xf32>
          %neg3A = arith.constant 0.000000e+00 : f32
          %neg3A_151 = vector.broadcast %neg3A : f32 to vector<16xf32>
          %neg3A_152 = arith.subf %neg3A_151, %add3A_142 : vector<16xf32>
          %exp3A = math.exp %neg3A_152 : vector<16xf32>
          %add3A_153 = arith.constant 1.000000e+00 : f32
          %add3A_154 = vector.broadcast %add3A_153 : f32 to vector<16xf32>
          %add3A_155 = arith.addf %add3A_154, %exp3A : vector<16xf32>
          %div3A = arith.constant 1.000000e+00 : f32
          %div3A_156 = vector.broadcast %div3A : f32 to vector<16xf32>
          %div3A_157 = arith.divf %div3A_156, %add3A_155 : vector<16xf32>
          %swap3A_158 = arith.index_cast %scan3A_117 : i32 to index
          %swap3A_159 = arith.constant 64 : index
          %swap3A_160 = tpu.vector_load %arg14[%swap3A_158, %swap3A_159] {strides = array<i32>} : memref<80x128xf32, #tpu.memory_space<vmem>>, vector<1x16xf32>,
          %swap3A_161 = vector.shape_cast %swap3A_160 : vector<1x16xf32> to vector<16xf32>
          %swap3A_162 = vector.shape_cast %div3A_157 : vector<16xf32> to vector<1x16xf32>
          tpu.vector_store %arg14[%swap3A_158, %swap3A_159], %swap3A_162 {strides = array<i32>} : memref<80x128xf32, #tpu.memory_space<vmem>>, vector<1x16xf32>,
          %mul3A_163 = arith.mulf %div3A_157, %get3A_132 : vector<16xf32>
          %swap3A_164 = arith.index_cast %scan3A_117 : i32 to index
          %swap3A_165 = arith.constant 0 : index
          %swap3A_166 = tpu.vector_load %arg14[%swap3A_164, %swap3A_165] {strides = array<i32>} : memref<80x128xf32, #tpu.memory_space<vmem>>, vector<1x16xf32>,
          %swap3A_167 = vector.shape_cast %swap3A_166 : vector<1x16xf32> to vector<16xf32>
          %swap3A_168 = vector.shape_cast %mul3A_163 : vector<16xf32> to vector<1x16xf32>
          tpu.vector_store %arg14[%swap3A_164, %swap3A_165], %swap3A_168 {strides = array<i32>} : memref<80x128xf32, #tpu.memory_space<vmem>>, vector<1x16xf32>,
          %get3A_169 = arith.index_cast %scan3A_117 : i32 to index
          %get3A_170 = arith.constant 16 : index
          %get3A_171 = tpu.vector_load %arg10[%get3A_169, %get3A_170] {strides = array<i32>} : memref<80x128xf32, #tpu.memory_space<vmem>>, vector<1x16xf32>,
          %get3A_172 = vector.shape_cast %get3A_171 : vector<1x16xf32> to vector<16xf32>
          %get3A_173 = arith.index_cast %scan3A_117 : i32 to index
          %get3A_174 = arith.constant 80 : index
          %get3A_175 = tpu.vector_load %arg10[%get3A_173, %get3A_174] {strides = array<i32>} : memref<80x128xf32, #tpu.memory_space<vmem>>, vector<1x16xf32>,
          %get3A_176 = vector.shape_cast %get3A_175 : vector<1x16xf32> to vector<16xf32>
          %get3A_177 = arith.index_cast %scan3A_117 : i32 to index
          %get3A_178 = arith.constant 16 : index
          %get3A_179 = tpu.vector_load %arg11[%get3A_177, %get3A_178] {strides = array<i32>} : memref<80x128xf32, #tpu.memory_space<vmem>>, vector<1x16xf32>,
          %get3A_180 = vector.shape_cast %get3A_179 : vector<1x16xf32> to vector<16xf32>
          %add3A_181 = arith.addf %get3A_172, %get3A_180 : vector<16xf32>
          %get3A_182 = arith.index_cast %scan3A_117 : i32 to index
          %get3A_183 = arith.constant 16 : index
          %get3A_184 = tpu.vector_load %arg12[%get3A_182, %get3A_183] {strides = array<i32>} : memref<80x64xf32, #tpu.memory_space<vmem>>, vector<1x16xf32>,
          %get3A_185 = vector.shape_cast %get3A_184 : vector<1x16xf32> to vector<16xf32>
          %add3A_186 = arith.addf %add3A_181, %get3A_185 : vector<16xf32>
          %swap3A_187 = arith.index_cast %scan3A_117 : i32 to index
          %swap3A_188 = arith.constant 16 : index
          %swap3A_189 = tpu.vector_load %arg13[%swap3A_187, %swap3A_188] {strides = array<i32>} : memref<80x64xf32, #tpu.memory_space<vmem>>, vector<1x16xf32>,
          %swap3A_190 = vector.shape_cast %swap3A_189 : vector<1x16xf32> to vector<16xf32>
          %swap3A_191 = vector.shape_cast %add3A_186 : vector<16xf32> to vector<1x16xf32>
          tpu.vector_store %arg13[%swap3A_187, %swap3A_188], %swap3A_191 {strides = array<i32>} : memref<80x64xf32, #tpu.memory_space<vmem>>, vector<1x16xf32>,
          %add3A_192 = arith.addf %scan3A_119, %add3A_186 : vector<16xf32>
          %mul3A_193 = arith.mulf %add3A_186, %add3A_186 : vector<16xf32>
          %add3A_194 = arith.addf %scan3A_123, %mul3A_193 : vector<16xf32>
          %neg3A_195 = arith.constant 0.000000e+00 : f32
          %neg3A_196 = vector.broadcast %neg3A_195 : f32 to vector<16xf32>
          %neg3A_197 = arith.subf %neg3A_196, %add3A_186 : vector<16xf32>
          %exp3A_198 = math.exp %neg3A_197 : vector<16xf32>
          %add3A_199 = arith.constant 1.000000e+00 : f32
          %add3A_200 = vector.broadcast %add3A_199 : f32 to vector<16xf32>
          %add3A_201 = arith.addf %add3A_200, %exp3A_198 : vector<16xf32>
          %div3A_202 = arith.constant 1.000000e+00 : f32
          %div3A_203 = vector.broadcast %div3A_202 : f32 to vector<16xf32>
          %div3A_204 = arith.divf %div3A_203, %add3A_201 : vector<16xf32>
          %swap3A_205 = arith.index_cast %scan3A_117 : i32 to index
          %swap3A_206 = arith.constant 80 : index
          %swap3A_207 = tpu.vector_load %arg14[%swap3A_205, %swap3A_206] {strides = array<i32>} : memref<80x128xf32, #tpu.memory_space<vmem>>, vector<1x16xf32>,
          %swap3A_208 = vector.shape_cast %swap3A_207 : vector<1x16xf32> to vector<16xf32>
          %swap3A_209 = vector.shape_cast %div3A_204 : vector<16xf32> to vector<1x16xf32>
          tpu.vector_store %arg14[%swap3A_205, %swap3A_206], %swap3A_209 {strides = array<i32>} : memref<80x128xf32, #tpu.memory_space<vmem>>, vector<1x16xf32>,
          %mul3A_210 = arith.mulf %div3A_204, %get3A_176 : vector<16xf32>
          %swap3A_211 = arith.index_cast %scan3A_117 : i32 to index
          %swap3A_212 = arith.constant 16 : index
          %swap3A_213 = tpu.vector_load %arg14[%swap3A_211, %swap3A_212] {strides = array<i32>} : memref<80x128xf32, #tpu.memory_space<vmem>>, vector<1x16xf32>,
          %swap3A_214 = vector.shape_cast %swap3A_213 : vector<1x16xf32> to vector<16xf32>
          %swap3A_215 = vector.shape_cast %mul3A_210 : vector<16xf32> to vector<1x16xf32>
          tpu.vector_store %arg14[%swap3A_211, %swap3A_212], %swap3A_215 {strides = array<i32>} : memref<80x128xf32, #tpu.memory_space<vmem>>, vector<1x16xf32>,
          %get3A_216 = arith.index_cast %scan3A_117 : i32 to index
          %get3A_217 = arith.constant 32 : index
          %get3A_218 = tpu.vector_load %arg10[%get3A_216, %get3A_217] {strides = array<i32>} : memref<80x128xf32, #tpu.memory_space<vmem>>, vector<1x16xf32>,
          %get3A_219 = vector.shape_cast %get3A_218 : vector<1x16xf32> to vector<16xf32>
          %get3A_220 = arith.index_cast %scan3A_117 : i32 to index
          %get3A_221 = arith.constant 96 : index
          %get3A_222 = tpu.vector_load %arg10[%get3A_220, %get3A_221] {strides = array<i32>} : memref<80x128xf32, #tpu.memory_space<vmem>>, vector<1x16xf32>,
          %get3A_223 = vector.shape_cast %get3A_222 : vector<1x16xf32> to vector<16xf32>
          %get3A_224 = arith.index_cast %scan3A_117 : i32 to index
          %get3A_225 = arith.constant 32 : index
          %get3A_226 = tpu.vector_load %arg11[%get3A_224, %get3A_225] {strides = array<i32>} : memref<80x128xf32, #tpu.memory_space<vmem>>, vector<1x16xf32>,
          %get3A_227 = vector.shape_cast %get3A_226 : vector<1x16xf32> to vector<16xf32>
          %add3A_228 = arith.addf %get3A_219, %get3A_227 : vector<16xf32>
          %get3A_229 = arith.index_cast %scan3A_117 : i32 to index
          %get3A_230 = arith.constant 32 : index
          %get3A_231 = tpu.vector_load %arg12[%get3A_229, %get3A_230] {strides = array<i32>} : memref<80x64xf32, #tpu.memory_space<vmem>>, vector<1x16xf32>,
          %get3A_232 = vector.shape_cast %get3A_231 : vector<1x16xf32> to vector<16xf32>
          %add3A_233 = arith.addf %add3A_228, %get3A_232 : vector<16xf32>
          %swap3A_234 = arith.index_cast %scan3A_117 : i32 to index
          %swap3A_235 = arith.constant 32 : index
          %swap3A_236 = tpu.vector_load %arg13[%swap3A_234, %swap3A_235] {strides = array<i32>} : memref<80x64xf32, #tpu.memory_space<vmem>>, vector<1x16xf32>,
          %swap3A_237 = vector.shape_cast %swap3A_236 : vector<1x16xf32> to vector<16xf32>
          %swap3A_238 = vector.shape_cast %add3A_233 : vector<16xf32> to vector<1x16xf32>
          tpu.vector_store %arg13[%swap3A_234, %swap3A_235], %swap3A_238 {strides = array<i32>} : memref<80x64xf32, #tpu.memory_space<vmem>>, vector<1x16xf32>,
          %add3A_239 = arith.addf %scan3A_120, %add3A_233 : vector<16xf32>
          %mul3A_240 = arith.mulf %add3A_233, %add3A_233 : vector<16xf32>
          %add3A_241 = arith.addf %scan3A_124, %mul3A_240 : vector<16xf32>
          %neg3A_242 = arith.constant 0.000000e+00 : f32
          %neg3A_243 = vector.broadcast %neg3A_242 : f32 to vector<16xf32>
          %neg3A_244 = arith.subf %neg3A_243, %add3A_233 : vector<16xf32>
          %exp3A_245 = math.exp %neg3A_244 : vector<16xf32>
          %add3A_246 = arith.constant 1.000000e+00 : f32
          %add3A_247 = vector.broadcast %add3A_246 : f32 to vector<16xf32>
          %add3A_248 = arith.addf %add3A_247, %exp3A_245 : vector<16xf32>
          %div3A_249 = arith.constant 1.000000e+00 : f32
          %div3A_250 = vector.broadcast %div3A_249 : f32 to vector<16xf32>
          %div3A_251 = arith.divf %div3A_250, %add3A_248 : vector<16xf32>
          %swap3A_252 = arith.index_cast %scan3A_117 : i32 to index
          %swap3A_253 = arith.constant 96 : index
          %swap3A_254 = tpu.vector_load %arg14[%swap3A_252, %swap3A_253] {strides = array<i32>} : memref<80x128xf32, #tpu.memory_space<vmem>>, vector<1x16xf32>,
          %swap3A_255 = vector.shape_cast %swap3A_254 : vector<1x16xf32> to vector<16xf32>
          %swap3A_256 = vector.shape_cast %div3A_251 : vector<16xf32> to vector<1x16xf32>
          tpu.vector_store %arg14[%swap3A_252, %swap3A_253], %swap3A_256 {strides = array<i32>} : memref<80x128xf32, #tpu.memory_space<vmem>>, vector<1x16xf32>,
          %mul3A_257 = arith.mulf %div3A_251, %get3A_223 : vector<16xf32>
          %swap3A_258 = arith.index_cast %scan3A_117 : i32 to index
          %swap3A_259 = arith.constant 32 : index
          %swap3A_260 = tpu.vector_load %arg14[%swap3A_258, %swap3A_259] {strides = array<i32>} : memref<80x128xf32, #tpu.memory_space<vmem>>, vector<1x16xf32>,
          %swap3A_261 = vector.shape_cast %swap3A_260 : vector<1x16xf32> to vector<16xf32>
          %swap3A_262 = vector.shape_cast %mul3A_257 : vector<16xf32> to vector<1x16xf32>
          tpu.vector_store %arg14[%swap3A_258, %swap3A_259], %swap3A_262 {strides = array<i32>} : memref<80x128xf32, #tpu.memory_space<vmem>>, vector<1x16xf32>,
          %get3A_263 = arith.index_cast %scan3A_117 : i32 to index
          %get3A_264 = arith.constant 48 : index
          %get3A_265 = tpu.vector_load %arg10[%get3A_263, %get3A_264] {strides = array<i32>} : memref<80x128xf32, #tpu.memory_space<vmem>>, vector<1x16xf32>,
          %get3A_266 = vector.shape_cast %get3A_265 : vector<1x16xf32> to vector<16xf32>
          %get3A_267 = arith.index_cast %scan3A_117 : i32 to index
          %get3A_268 = arith.constant 112 : index
          %get3A_269 = tpu.vector_load %arg10[%get3A_267, %get3A_268] {strides = array<i32>} : memref<80x128xf32, #tpu.memory_space<vmem>>, vector<1x16xf32>,
          %get3A_270 = vector.shape_cast %get3A_269 : vector<1x16xf32> to vector<16xf32>
          %get3A_271 = arith.index_cast %scan3A_117 : i32 to index
          %get3A_272 = arith.constant 48 : index
          %get3A_273 = tpu.vector_load %arg11[%get3A_271, %get3A_272] {strides = array<i32>} : memref<80x128xf32, #tpu.memory_space<vmem>>, vector<1x16xf32>,
          %get3A_274 = vector.shape_cast %get3A_273 : vector<1x16xf32> to vector<16xf32>
          %add3A_275 = arith.addf %get3A_266, %get3A_274 : vector<16xf32>
          %get3A_276 = arith.index_cast %scan3A_117 : i32 to index
          %get3A_277 = arith.constant 48 : index
          %get3A_278 = tpu.vector_load %arg12[%get3A_276, %get3A_277] {strides = array<i32>} : memref<80x64xf32, #tpu.memory_space<vmem>>, vector<1x16xf32>,
          %get3A_279 = vector.shape_cast %get3A_278 : vector<1x16xf32> to vector<16xf32>
          %add3A_280 = arith.addf %add3A_275, %get3A_279 : vector<16xf32>
          %swap3A_281 = arith.index_cast %scan3A_117 : i32 to index
          %swap3A_282 = arith.constant 48 : index
          %swap3A_283 = tpu.vector_load %arg13[%swap3A_281, %swap3A_282] {strides = array<i32>} : memref<80x64xf32, #tpu.memory_space<vmem>>, vector<1x16xf32>,
          %swap3A_284 = vector.shape_cast %swap3A_283 : vector<1x16xf32> to vector<16xf32>
          %swap3A_285 = vector.shape_cast %add3A_280 : vector<16xf32> to vector<1x16xf32>
          tpu.vector_store %arg13[%swap3A_281, %swap3A_282], %swap3A_285 {strides = array<i32>} : memref<80x64xf32, #tpu.memory_space<vmem>>, vector<1x16xf32>,
          %add3A_286 = arith.addf %scan3A_121, %add3A_280 : vector<16xf32>
          %mul3A_287 = arith.mulf %add3A_280, %add3A_280 : vector<16xf32>
          %add3A_288 = arith.addf %scan3A_125, %mul3A_287 : vector<16xf32>
          %neg3A_289 = arith.constant 0.000000e+00 : f32
          %neg3A_290 = vector.broadcast %neg3A_289 : f32 to vector<16xf32>
          %neg3A_291 = arith.subf %neg3A_290, %add3A_280 : vector<16xf32>
          %exp3A_292 = math.exp %neg3A_291 : vector<16xf32>
          %add3A_293 = arith.constant 1.000000e+00 : f32
          %add3A_294 = vector.broadcast %add3A_293 : f32 to vector<16xf32>
          %add3A_295 = arith.addf %add3A_294, %exp3A_292 : vector<16xf32>
          %div3A_296 = arith.constant 1.000000e+00 : f32
          %div3A_297 = vector.broadcast %div3A_296 : f32 to vector<16xf32>
          %div3A_298 = arith.divf %div3A_297, %add3A_295 : vector<16xf32>
          %swap3A_299 = arith.index_cast %scan3A_117 : i32 to index
          %swap3A_300 = arith.constant 112 : index
          %swap3A_301 = tpu.vector_load %arg14[%swap3A_299, %swap3A_300] {strides = array<i32>} : memref<80x128xf32, #tpu.memory_space<vmem>>, vector<1x16xf32>,
          %swap3A_302 = vector.shape_cast %swap3A_301 : vector<1x16xf32> to vector<16xf32>
          %swap3A_303 = vector.shape_cast %div3A_298 : vector<16xf32> to vector<1x16xf32>
          tpu.vector_store %arg14[%swap3A_299, %swap3A_300], %swap3A_303 {strides = array<i32>} : memref<80x128xf32, #tpu.memory_space<vmem>>, vector<1x16xf32>,
          %mul3A_304 = arith.mulf %div3A_298, %get3A_270 : vector<16xf32>
          %swap3A_305 = arith.index_cast %scan3A_117 : i32 to index
          %swap3A_306 = arith.constant 48 : index
          %swap3A_307 = tpu.vector_load %arg14[%swap3A_305, %swap3A_306] {strides = array<i32>} : memref<80x128xf32, #tpu.memory_space<vmem>>, vector<1x16xf32>,
          %swap3A_308 = vector.shape_cast %swap3A_307 : vector<1x16xf32> to vector<16xf32>
          %swap3A_309 = vector.shape_cast %mul3A_304 : vector<16xf32> to vector<1x16xf32>
          tpu.vector_store %arg14[%swap3A_305, %swap3A_306], %swap3A_309 {strides = array<i32>} : memref<80x128xf32, #tpu.memory_space<vmem>>, vector<1x16xf32>,
          scf.yield %add3A_148, %add3A_192, %add3A_239, %add3A_286, %add3A_150, %add3A_194, %add3A_241, %add3A_288 : vector<16xf32>, vector<16xf32>, vector<16xf32>, vector<16xf32>, vector<16xf32>, vector<16xf32>, vector<16xf32>, vector<16xf32>
        }
        %scan3A_115 = arith.constant 80 : i32
        "tpu.region"() ({
          %run_scoped3A_117 = tpu.sem_alloc : memref<!tpu.dma_semaphore, #tpu.memory_space<semaphore_mem>>
          %dma_start3A = arith.constant 0 : i32
          %dma_start3A_118 = tpu.memref_slice %arg6[%arg0, %add3A_108, %dma_start3A] : memref<2x320000x64xf32, #tpu.memory_space<hbm>> -> memref<1x80x64xf32, #tpu.memory_space<hbm>>
          %dma_start3A_119 = tpu.memref_squeeze %dma_start3A_118 : memref<1x80x64xf32, #tpu.memory_space<hbm>> -> memref<80x64xf32, #tpu.memory_space<hbm>>
          %dma_start3A_120 = arith.constant 0 : i32
          %dma_start3A_121 = tpu.memref_slice %arg6[%arg0, %add3A_108, %dma_start3A_120] : memref<2x320000x64xf32, #tpu.memory_space<hbm>> -> memref<1x80x64xf32, #tpu.memory_space<hbm>>
          %dma_start3A_122 = tpu.memref_squeeze %dma_start3A_121 : memref<1x80x64xf32, #tpu.memory_space<hbm>> -> memref<80x64xf32, #tpu.memory_space<hbm>>
          tpu.enqueue_dma source(%arg13 : memref<80x64xf32, #tpu.memory_space<vmem>>) target(%dma_start3A_122 : memref<80x64xf32, #tpu.memory_space<hbm>>) target_semaphore(%run_scoped3A_117 : memref<!tpu.dma_semaphore, #tpu.memory_space<semaphore_mem>>)
          %dma_wait3A = arith.constant 0 : i32
          %dma_wait3A_123 = tpu.memref_slice %arg6[%arg0, %add3A_108, %dma_wait3A] : memref<2x320000x64xf32, #tpu.memory_space<hbm>> -> memref<1x80x64xf32, #tpu.memory_space<hbm>>
          %dma_wait3A_124 = tpu.memref_squeeze %dma_wait3A_123 : memref<1x80x64xf32, #tpu.memory_space<hbm>> -> memref<80x64xf32, #tpu.memory_space<hbm>>
          %dma_wait3A_125 = arith.constant 0 : i32
          %dma_wait3A_126 = tpu.memref_slice %arg6[%arg0, %add3A_108, %dma_wait3A_125] : memref<2x320000x64xf32, #tpu.memory_space<hbm>> -> memref<1x80x64xf32, #tpu.memory_space<hbm>>
          %dma_wait3A_127 = tpu.memref_squeeze %dma_wait3A_126 : memref<1x80x64xf32, #tpu.memory_space<hbm>> -> memref<80x64xf32, #tpu.memory_space<hbm>>
          tpu.wait_dma2 semaphore(%run_scoped3A_117 : memref<!tpu.dma_semaphore, #tpu.memory_space<semaphore_mem>>) src(%arg13 : memref<80x64xf32, #tpu.memory_space<vmem>>) dst(%dma_wait3A_127 : memref<80x64xf32, #tpu.memory_space<hbm>>)
          tpu.yield
        }) : () -> ()
        %run_scoped3A_116 = arith.constant 2 : i32
        "tpu.region"() ({
          %run_scoped3A_117 = tpu.sem_alloc : memref<!tpu.dma_semaphore, #tpu.memory_space<semaphore_mem>>
          %dma_start3A = arith.constant 0 : i32
          %dma_start3A_118 = tpu.memref_slice %arg9[%scan3A_94, %run_scoped3A_116, %dma_start3A] : memref<10x3x80xi32, #tpu.memory_space<vmem>> -> memref<1x1x80xi32, #tpu.memory_space<vmem>>
          %dma_start3A_119 = tpu.memref_squeeze %dma_start3A_118 : memref<1x1x80xi32, #tpu.memory_space<vmem>> -> memref<80xi32, #tpu.memory_space<vmem>>
          %dma_start3A_120 = arith.constant 0 : i32
          %dma_start3A_121 = arith.constant 0 : i32
          %dma_start3A_122 = tpu.memref_slice %arg17[%dma_start3A_120, %dma_start3A_121] : memref<10112x128xf32, #tpu.memory_space<vmem_shared>> -> memref<10112x128xf32, #tpu.memory_space<vmem_shared>>
          tpu.enqueue_indirect_dma source(%arg14 : memref<80x128xf32, #tpu.memory_space<vmem>>) target(%dma_start3A_122 : memref<10112x128xf32, #tpu.memory_space<vmem_shared>>) offsets(%dma_start3A_119 : memref<80xi32, #tpu.memory_space<vmem>>) semaphore(%run_scoped3A_117 : memref<!tpu.dma_semaphore, #tpu.memory_space<semaphore_mem>>) {add = true}
          %dma_wait3A = arith.constant 0 : i32
          %dma_wait3A_123 = tpu.memref_slice %arg9[%scan3A_94, %run_scoped3A_116, %dma_wait3A] : memref<10x3x80xi32, #tpu.memory_space<vmem>> -> memref<1x1x80xi32, #tpu.memory_space<vmem>>
          %dma_wait3A_124 = tpu.memref_squeeze %dma_wait3A_123 : memref<1x1x80xi32, #tpu.memory_space<vmem>> -> memref<80xi32, #tpu.memory_space<vmem>>
          %dma_wait3A_125 = arith.constant 0 : i32
          %dma_wait3A_126 = arith.constant 0 : i32
          %dma_wait3A_127 = tpu.memref_slice %arg17[%dma_wait3A_125, %dma_wait3A_126] : memref<10112x128xf32, #tpu.memory_space<vmem_shared>> -> memref<10112x128xf32, #tpu.memory_space<vmem_shared>>
          tpu.wait_indirect_dma semaphore(%run_scoped3A_117 : memref<!tpu.dma_semaphore, #tpu.memory_space<semaphore_mem>>) src(%arg14 : memref<80x128xf32, #tpu.memory_space<vmem>>) dst(%dma_wait3A_127 : memref<10112x128xf32, #tpu.memory_space<vmem_shared>>)
          tpu.yield
        }) : () -> ()
        scf.yield %scan3A_114#0, %scan3A_114#1, %scan3A_114#2, %scan3A_114#3, %scan3A_114#4, %scan3A_114#5, %scan3A_114#6, %scan3A_114#7 : vector<16xf32>, vector<16xf32>, vector<16xf32>, vector<16xf32>, vector<16xf32>, vector<16xf32>, vector<16xf32>, vector<16xf32>
      }
      %scan3A_93 = arith.constant 10 : i32
      scf.yield %scan3A_92#0, %scan3A_92#1, %scan3A_92#2, %scan3A_92#3, %scan3A_92#4, %scan3A_92#5, %scan3A_92#6, %scan3A_92#7 : vector<16xf32>, vector<16xf32>, vector<16xf32>, vector<16xf32>, vector<16xf32>, vector<16xf32>, vector<16xf32>, vector<16xf32>
    }
    %scan3A_25 = arith.constant 25 : i32
    %swap3A = arith.constant 0 : i32
    %swap3A_26 = arith.index_cast %swap3A : i32 to index
    %swap3A_27 = arith.constant 0 : index
    %swap3A_28 = tpu.vector_load %arg16[%swap3A_26, %swap3A_27] {strides = array<i32>} : memref<2x64xf32, #tpu.memory_space<vmem>>, vector<1x16xf32>,
    %swap3A_29 = vector.shape_cast %swap3A_28 : vector<1x16xf32> to vector<16xf32>
    %swap3A_30 = vector.shape_cast %scan3A_24#0 : vector<16xf32> to vector<1x16xf32>
    tpu.vector_store %arg16[%swap3A_26, %swap3A_27], %swap3A_30 {strides = array<i32>} : memref<2x64xf32, #tpu.memory_space<vmem>>, vector<1x16xf32>,
    %swap3A_31 = arith.constant 1 : i32
    %swap3A_32 = arith.index_cast %swap3A_31 : i32 to index
    %swap3A_33 = arith.constant 0 : index
    %swap3A_34 = tpu.vector_load %arg16[%swap3A_32, %swap3A_33] {strides = array<i32>} : memref<2x64xf32, #tpu.memory_space<vmem>>, vector<1x16xf32>,
    %swap3A_35 = vector.shape_cast %swap3A_34 : vector<1x16xf32> to vector<16xf32>
    %swap3A_36 = vector.shape_cast %scan3A_24#4 : vector<16xf32> to vector<1x16xf32>
    tpu.vector_store %arg16[%swap3A_32, %swap3A_33], %swap3A_36 {strides = array<i32>} : memref<2x64xf32, #tpu.memory_space<vmem>>, vector<1x16xf32>,
    %swap3A_37 = arith.constant 0 : i32
    %swap3A_38 = arith.index_cast %swap3A_37 : i32 to index
    %swap3A_39 = arith.constant 16 : index
    %swap3A_40 = tpu.vector_load %arg16[%swap3A_38, %swap3A_39] {strides = array<i32>} : memref<2x64xf32, #tpu.memory_space<vmem>>, vector<1x16xf32>,
    %swap3A_41 = vector.shape_cast %swap3A_40 : vector<1x16xf32> to vector<16xf32>
    %swap3A_42 = vector.shape_cast %scan3A_24#1 : vector<16xf32> to vector<1x16xf32>
    tpu.vector_store %arg16[%swap3A_38, %swap3A_39], %swap3A_42 {strides = array<i32>} : memref<2x64xf32, #tpu.memory_space<vmem>>, vector<1x16xf32>,
    %swap3A_43 = arith.constant 1 : i32
    %swap3A_44 = arith.index_cast %swap3A_43 : i32 to index
    %swap3A_45 = arith.constant 16 : index
    %swap3A_46 = tpu.vector_load %arg16[%swap3A_44, %swap3A_45] {strides = array<i32>} : memref<2x64xf32, #tpu.memory_space<vmem>>, vector<1x16xf32>,
    %swap3A_47 = vector.shape_cast %swap3A_46 : vector<1x16xf32> to vector<16xf32>
    %swap3A_48 = vector.shape_cast %scan3A_24#5 : vector<16xf32> to vector<1x16xf32>
    tpu.vector_store %arg16[%swap3A_44, %swap3A_45], %swap3A_48 {strides = array<i32>} : memref<2x64xf32, #tpu.memory_space<vmem>>, vector<1x16xf32>,
    %swap3A_49 = arith.constant 0 : i32
    %swap3A_50 = arith.index_cast %swap3A_49 : i32 to index
    %swap3A_51 = arith.constant 32 : index
    %swap3A_52 = tpu.vector_load %arg16[%swap3A_50, %swap3A_51] {strides = array<i32>} : memref<2x64xf32, #tpu.memory_space<vmem>>, vector<1x16xf32>,
    %swap3A_53 = vector.shape_cast %swap3A_52 : vector<1x16xf32> to vector<16xf32>
    %swap3A_54 = vector.shape_cast %scan3A_24#2 : vector<16xf32> to vector<1x16xf32>
    tpu.vector_store %arg16[%swap3A_50, %swap3A_51], %swap3A_54 {strides = array<i32>} : memref<2x64xf32, #tpu.memory_space<vmem>>, vector<1x16xf32>,
    %swap3A_55 = arith.constant 1 : i32
    %swap3A_56 = arith.index_cast %swap3A_55 : i32 to index
    %swap3A_57 = arith.constant 32 : index
    %swap3A_58 = tpu.vector_load %arg16[%swap3A_56, %swap3A_57] {strides = array<i32>} : memref<2x64xf32, #tpu.memory_space<vmem>>, vector<1x16xf32>,
    %swap3A_59 = vector.shape_cast %swap3A_58 : vector<1x16xf32> to vector<16xf32>
    %swap3A_60 = vector.shape_cast %scan3A_24#6 : vector<16xf32> to vector<1x16xf32>
    tpu.vector_store %arg16[%swap3A_56, %swap3A_57], %swap3A_60 {strides = array<i32>} : memref<2x64xf32, #tpu.memory_space<vmem>>, vector<1x16xf32>,
    %swap3A_61 = arith.constant 0 : i32
    %swap3A_62 = arith.index_cast %swap3A_61 : i32 to index
    %swap3A_63 = arith.constant 48 : index
    %swap3A_64 = tpu.vector_load %arg16[%swap3A_62, %swap3A_63] {strides = array<i32>} : memref<2x64xf32, #tpu.memory_space<vmem>>, vector<1x16xf32>,
    %swap3A_65 = vector.shape_cast %swap3A_64 : vector<1x16xf32> to vector<16xf32>
    %swap3A_66 = vector.shape_cast %scan3A_24#3 : vector<16xf32> to vector<1x16xf32>
    tpu.vector_store %arg16[%swap3A_62, %swap3A_63], %swap3A_66 {strides = array<i32>} : memref<2x64xf32, #tpu.memory_space<vmem>>, vector<1x16xf32>,
    %swap3A_67 = arith.constant 1 : i32
    %swap3A_68 = arith.index_cast %swap3A_67 : i32 to index
    %swap3A_69 = arith.constant 48 : index
    %swap3A_70 = tpu.vector_load %arg16[%swap3A_68, %swap3A_69] {strides = array<i32>} : memref<2x64xf32, #tpu.memory_space<vmem>>, vector<1x16xf32>,
    %swap3A_71 = vector.shape_cast %swap3A_70 : vector<1x16xf32> to vector<16xf32>
    %swap3A_72 = vector.shape_cast %scan3A_24#7 : vector<16xf32> to vector<1x16xf32>
    tpu.vector_store %arg16[%swap3A_68, %swap3A_69], %swap3A_72 {strides = array<i32>} : memref<2x64xf32, #tpu.memory_space<vmem>>, vector<1x16xf32>,
    "tpu.region"() ({
      %run_scoped3A = tpu.sem_alloc : memref<!tpu.dma_semaphore, #tpu.memory_space<semaphore_mem>>
      %dma_start3A = arith.constant 0 : i32
      %dma_start3A_76 = arith.constant 0 : i32
      %dma_start3A_77 = tpu.memref_slice %arg8[%arg0, %arg1, %dma_start3A, %dma_start3A_76] : memref<2x16x2x64xf32, #tpu.memory_space<hbm>> -> memref<1x1x2x64xf32, #tpu.memory_space<hbm>>
      %dma_start3A_78 = tpu.memref_squeeze %dma_start3A_77 : memref<1x1x2x64xf32, #tpu.memory_space<hbm>> -> memref<2x64xf32, #tpu.memory_space<hbm>>
      %dma_start3A_79 = arith.constant 0 : i32
      %dma_start3A_80 = arith.constant 0 : i32
      %dma_start3A_81 = tpu.memref_slice %arg8[%arg0, %arg1, %dma_start3A_79, %dma_start3A_80] : memref<2x16x2x64xf32, #tpu.memory_space<hbm>> -> memref<1x1x2x64xf32, #tpu.memory_space<hbm>>
      %dma_start3A_82 = tpu.memref_squeeze %dma_start3A_81 : memref<1x1x2x64xf32, #tpu.memory_space<hbm>> -> memref<2x64xf32, #tpu.memory_space<hbm>>
      tpu.enqueue_dma source(%arg16 : memref<2x64xf32, #tpu.memory_space<vmem>>) target(%dma_start3A_82 : memref<2x64xf32, #tpu.memory_space<hbm>>) target_semaphore(%run_scoped3A : memref<!tpu.dma_semaphore, #tpu.memory_space<semaphore_mem>>)
      %dma_wait3A = arith.constant 0 : i32
      %dma_wait3A_83 = arith.constant 0 : i32
      %dma_wait3A_84 = tpu.memref_slice %arg8[%arg0, %arg1, %dma_wait3A, %dma_wait3A_83] : memref<2x16x2x64xf32, #tpu.memory_space<hbm>> -> memref<1x1x2x64xf32, #tpu.memory_space<hbm>>
      %dma_wait3A_85 = tpu.memref_squeeze %dma_wait3A_84 : memref<1x1x2x64xf32, #tpu.memory_space<hbm>> -> memref<2x64xf32, #tpu.memory_space<hbm>>
      %dma_wait3A_86 = arith.constant 0 : i32
      %dma_wait3A_87 = arith.constant 0 : i32
      %dma_wait3A_88 = tpu.memref_slice %arg8[%arg0, %arg1, %dma_wait3A_86, %dma_wait3A_87] : memref<2x16x2x64xf32, #tpu.memory_space<hbm>> -> memref<1x1x2x64xf32, #tpu.memory_space<hbm>>
      %dma_wait3A_89 = tpu.memref_squeeze %dma_wait3A_88 : memref<1x1x2x64xf32, #tpu.memory_space<hbm>> -> memref<2x64xf32, #tpu.memory_space<hbm>>
      tpu.wait_dma2 semaphore(%run_scoped3A : memref<!tpu.dma_semaphore, #tpu.memory_space<semaphore_mem>>) src(%arg16 : memref<2x64xf32, #tpu.memory_space<vmem>>) dst(%dma_wait3A_89 : memref<2x64xf32, #tpu.memory_space<hbm>>)
      tpu.yield
    }) : () -> ()
    %barrier3A_73 = arith.constant 0 : index
    tpu.barrier barrier_id(%barrier3A_73)
    %mul3A_74 = arith.constant 632 : i32
    %mul3A_75 = arith.muli %arg1, %mul3A_74 : i32
    "tpu.region"() ({
      %run_scoped3A = tpu.sem_alloc : memref<!tpu.dma_semaphore, #tpu.memory_space<semaphore_mem>>
      %dma_start3A = arith.constant 0 : i32
      %dma_start3A_76 = tpu.memref_slice %arg7[%arg0, %mul3A_75, %dma_start3A] : memref<2x10112x128xf32, #tpu.memory_space<hbm>> -> memref<1x632x128xf32, #tpu.memory_space<hbm>>
      %dma_start3A_77 = tpu.memref_squeeze %dma_start3A_76 : memref<1x632x128xf32, #tpu.memory_space<hbm>> -> memref<632x128xf32, #tpu.memory_space<hbm>>
      %dma_start3A_78 = arith.constant 0 : i32
      %dma_start3A_79 = tpu.memref_slice %arg17[%mul3A_75, %dma_start3A_78] : memref<10112x128xf32, #tpu.memory_space<vmem_shared>> -> memref<632x128xf32, #tpu.memory_space<vmem_shared>>
      tpu.enqueue_dma source(%dma_start3A_79 : memref<632x128xf32, #tpu.memory_space<vmem_shared>>) target(%dma_start3A_77 : memref<632x128xf32, #tpu.memory_space<hbm>>) target_semaphore(%run_scoped3A : memref<!tpu.dma_semaphore, #tpu.memory_space<semaphore_mem>>)
      %dma_wait3A = arith.constant 0 : i32
      %dma_wait3A_80 = tpu.memref_slice %arg7[%arg0, %mul3A_75, %dma_wait3A] : memref<2x10112x128xf32, #tpu.memory_space<hbm>> -> memref<1x632x128xf32, #tpu.memory_space<hbm>>
      %dma_wait3A_81 = tpu.memref_squeeze %dma_wait3A_80 : memref<1x632x128xf32, #tpu.memory_space<hbm>> -> memref<632x128xf32, #tpu.memory_space<hbm>>
      %dma_wait3A_82 = arith.constant 0 : i32
      %dma_wait3A_83 = tpu.memref_slice %arg17[%mul3A_75, %dma_wait3A_82] : memref<10112x128xf32, #tpu.memory_space<vmem_shared>> -> memref<632x128xf32, #tpu.memory_space<vmem_shared>>
      tpu.wait_dma2 semaphore(%run_scoped3A : memref<!tpu.dma_semaphore, #tpu.memory_space<semaphore_mem>>) src(%dma_wait3A_83 : memref<632x128xf32, #tpu.memory_space<vmem_shared>>) dst(%dma_wait3A_81 : memref<632x128xf32, #tpu.memory_space<hbm>>)
      tpu.yield
    }) : () -> ()
    return
  }
}

module attributes {stable_mosaic.version = 14 : i64} {
  func.func @_embed_e_kernel(%arg0: i32, %arg1: memref<2000x16xf32, #tpu.memory_space<vmem>>, %arg2: memref<16x128xf32, #tpu.memory_space<vmem>>, %arg3: memref<1x128xf32, #tpu.memory_space<vmem>>, %arg4: memref<128x128xf32, #tpu.memory_space<vmem>>, %arg5: memref<1x128xf32, #tpu.memory_space<vmem>>, %arg6: memref<2x2000x64xf32, #tpu.memory_space<vmem>>, %arg7: memref<2x2000x64xf32, #tpu.memory_space<vmem>>) attributes {dimension_semantics = [#tpu.dimension_semantics<arbitrary>], iteration_bounds = array<i64: 160>, scalar_prefetch = 0 : i64, scratch_operands = 0 : i64, tpu.core_type = #tpu.core_type<tc>, window_params = [{transform_indices = @transform_0, window_bounds = array<i64: 2000, 16>}, {pipeline_mode = #tpu.pipeline_mode<synchronous>, transform_indices = @transform_1, window_bounds = array<i64: 16, 128>}, {pipeline_mode = #tpu.pipeline_mode<synchronous>, transform_indices = @transform_2, window_bounds = array<i64: 1, 128>}, {pipeline_mode = #tpu.pipeline_mode<synchronous>, transform_indices = @transform_3, window_bounds = array<i64: 128, 128>}, {pipeline_mode = #tpu.pipeline_mode<synchronous>, transform_indices = @transform_4, window_bounds = array<i64: 1, 128>}, {transform_indices = @transform_5, window_bounds = array<i64: 2, 2000, 64>}, {transform_indices = @transform_6, window_bounds = array<i64: 2, 2000, 64>}]} {
    %get3A = arith.constant 0 : index
    %get3A_0 = arith.constant 0 : index
    %get3A_1 = vector.load %arg1[%get3A, %get3A_0] : memref<2000x16xf32, #tpu.memory_space<vmem>>, vector<2000x16xf32>
    %get3A_2 = arith.constant 0 : index
    %get3A_3 = arith.constant 0 : index
    %get3A_4 = vector.load %arg2[%get3A_2, %get3A_3] : memref<16x128xf32, #tpu.memory_space<vmem>>, vector<16x128xf32>
    %dot_general3A = arith.constant dense<0.000000e+00> : vector<2000x128xf32>
    %dot_general3A_5 = tpu.matmul %get3A_1, %get3A_4, %dot_general3A {dimension_numbers = #tpu.dot_dimension_numbers<[1], [0], [0], [1], [0, 0, 1, 1], [], []>, transpose_lhs_hint = false} : vector<2000x16xf32>, vector<16x128xf32>, vector<2000x128xf32> -> vector<2000x128xf32>
    %get3A_6 = arith.constant 0 : index
    %get3A_7 = arith.constant 0 : index
    %get3A_8 = vector.load %arg3[%get3A_6, %get3A_7] : memref<1x128xf32, #tpu.memory_space<vmem>>, vector<1x128xf32>
    %add3A = vector.broadcast %get3A_8 : vector<1x128xf32> to vector<2000x128xf32>
    %add3A_9 = arith.addf %dot_general3A_5, %add3A : vector<2000x128xf32>
    %slice3A = vector.extract_strided_slice %add3A_9 {offsets = [0, 0], sizes = [2000, 64], strides = [1, 1]} : vector<2000x128xf32> to vector<2000x64xf32>
    %swap3A = arith.constant 0 : index
    %swap3A_10 = arith.constant 0 : index
    %swap3A_11 = arith.constant 0 : index
    %swap3A_12 = vector.load %arg6[%swap3A, %swap3A_10, %swap3A_11] : memref<2x2000x64xf32, #tpu.memory_space<vmem>>, vector<1x2000x64xf32>
    %swap3A_13 = vector.shape_cast %swap3A_12 : vector<1x2000x64xf32> to vector<2000x64xf32>
    %swap3A_14 = vector.shape_cast %slice3A : vector<2000x64xf32> to vector<1x2000x64xf32>
    tpu.vector_store %arg6[%swap3A, %swap3A_10, %swap3A_11], %swap3A_14 {strides = array<i32>} : memref<2x2000x64xf32, #tpu.memory_space<vmem>>, vector<1x2000x64xf32>,
    %slice3A_15 = vector.extract_strided_slice %add3A_9 {offsets = [0, 64], sizes = [2000, 64], strides = [1, 1]} : vector<2000x128xf32> to vector<2000x64xf32>
    %swap3A_16 = arith.constant 1 : index
    %swap3A_17 = arith.constant 0 : index
    %swap3A_18 = arith.constant 0 : index
    %swap3A_19 = vector.load %arg6[%swap3A_16, %swap3A_17, %swap3A_18] : memref<2x2000x64xf32, #tpu.memory_space<vmem>>, vector<1x2000x64xf32>
    %swap3A_20 = vector.shape_cast %swap3A_19 : vector<1x2000x64xf32> to vector<2000x64xf32>
    %swap3A_21 = vector.shape_cast %slice3A_15 : vector<2000x64xf32> to vector<1x2000x64xf32>
    tpu.vector_store %arg6[%swap3A_16, %swap3A_17, %swap3A_18], %swap3A_21 {strides = array<i32>} : memref<2x2000x64xf32, #tpu.memory_space<vmem>>, vector<1x2000x64xf32>,
    %get3A_22 = arith.constant 0 : index
    %get3A_23 = arith.constant 0 : index
    %get3A_24 = vector.load %arg4[%get3A_22, %get3A_23] : memref<128x128xf32, #tpu.memory_space<vmem>>, vector<128x128xf32>
    %dot_general3A_25 = arith.constant dense<0.000000e+00> : vector<2000x128xf32>
    %dot_general3A_26 = tpu.matmul %add3A_9, %get3A_24, %dot_general3A_25 {dimension_numbers = #tpu.dot_dimension_numbers<[1], [0], [0], [1], [0, 0, 1, 1], [], []>, transpose_lhs_hint = false} : vector<2000x128xf32>, vector<128x128xf32>, vector<2000x128xf32> -> vector<2000x128xf32>
    %get3A_27 = arith.constant 0 : index
    %get3A_28 = arith.constant 0 : index
    %get3A_29 = vector.load %arg5[%get3A_27, %get3A_28] : memref<1x128xf32, #tpu.memory_space<vmem>>, vector<1x128xf32>
    %add3A_30 = vector.broadcast %get3A_29 : vector<1x128xf32> to vector<2000x128xf32>
    %add3A_31 = arith.addf %dot_general3A_26, %add3A_30 : vector<2000x128xf32>
    %slice3A_32 = vector.extract_strided_slice %add3A_31 {offsets = [0, 0], sizes = [2000, 64], strides = [1, 1]} : vector<2000x128xf32> to vector<2000x64xf32>
    %swap3A_33 = arith.constant 0 : index
    %swap3A_34 = arith.constant 0 : index
    %swap3A_35 = arith.constant 0 : index
    %swap3A_36 = vector.load %arg7[%swap3A_33, %swap3A_34, %swap3A_35] : memref<2x2000x64xf32, #tpu.memory_space<vmem>>, vector<1x2000x64xf32>
    %swap3A_37 = vector.shape_cast %swap3A_36 : vector<1x2000x64xf32> to vector<2000x64xf32>
    %swap3A_38 = vector.shape_cast %slice3A_32 : vector<2000x64xf32> to vector<1x2000x64xf32>
    tpu.vector_store %arg7[%swap3A_33, %swap3A_34, %swap3A_35], %swap3A_38 {strides = array<i32>} : memref<2x2000x64xf32, #tpu.memory_space<vmem>>, vector<1x2000x64xf32>,
    %slice3A_39 = vector.extract_strided_slice %add3A_31 {offsets = [0, 64], sizes = [2000, 64], strides = [1, 1]} : vector<2000x128xf32> to vector<2000x64xf32>
    %swap3A_40 = arith.constant 1 : index
    %swap3A_41 = arith.constant 0 : index
    %swap3A_42 = arith.constant 0 : index
    %swap3A_43 = vector.load %arg7[%swap3A_40, %swap3A_41, %swap3A_42] : memref<2x2000x64xf32, #tpu.memory_space<vmem>>, vector<1x2000x64xf32>
    %swap3A_44 = vector.shape_cast %swap3A_43 : vector<1x2000x64xf32> to vector<2000x64xf32>
    %swap3A_45 = vector.shape_cast %slice3A_39 : vector<2000x64xf32> to vector<1x2000x64xf32>
    tpu.vector_store %arg7[%swap3A_40, %swap3A_41, %swap3A_42], %swap3A_45 {strides = array<i32>} : memref<2x2000x64xf32, #tpu.memory_space<vmem>>, vector<1x2000x64xf32>,
    return
  }
  func.func @transform_0(%arg0: i32) -> (i32, i32) {
    %c0_i32 = arith.constant 0 : i32
    %c0_i32_0 = arith.constant 0 : i32
    return %arg0, %c0_i32 : i32, i32
  }
  func.func @transform_1(%arg0: i32) -> (i32, i32) {
    %c0_i32 = arith.constant 0 : i32
    %c0_i32_0 = arith.constant 0 : i32
    %c0_i32_1 = arith.constant 0 : i32
    return %c0_i32, %c0_i32_0 : i32, i32
  }
  func.func @transform_2(%arg0: i32) -> (i32, i32) {
    %c0_i32 = arith.constant 0 : i32
    %c0_i32_0 = arith.constant 0 : i32
    %c0_i32_1 = arith.constant 0 : i32
    return %c0_i32, %c0_i32_0 : i32, i32
  }
  func.func @transform_3(%arg0: i32) -> (i32, i32) {
    %c0_i32 = arith.constant 0 : i32
    %c0_i32_0 = arith.constant 0 : i32
    %c0_i32_1 = arith.constant 0 : i32
    return %c0_i32, %c0_i32_0 : i32, i32
  }
  func.func @transform_4(%arg0: i32) -> (i32, i32) {
    %c0_i32 = arith.constant 0 : i32
    %c0_i32_0 = arith.constant 0 : i32
    %c0_i32_1 = arith.constant 0 : i32
    return %c0_i32, %c0_i32_0 : i32, i32
  }
  func.func @transform_5(%arg0: i32) -> (i32, i32, i32) {
    %c0_i32 = arith.constant 0 : i32
    %c0_i32_0 = arith.constant 0 : i32
    %c0_i32_1 = arith.constant 0 : i32
    return %c0_i32, %arg0, %c0_i32_0 : i32, i32, i32
  }
  func.func @transform_6(%arg0: i32) -> (i32, i32, i32) {
    %c0_i32 = arith.constant 0 : i32
    %c0_i32_0 = arith.constant 0 : i32
    %c0_i32_1 = arith.constant 0 : i32
    return %c0_i32, %arg0, %c0_i32_0 : i32, i32, i32
  }
}

module attributes {stable_mosaic.version = 14 : i64} {
  func.func @_embed_h_kernel(%arg0: memref<10000x128xf32, #tpu.memory_space<vmem>>, %arg1: memref<128x128xf32, #tpu.memory_space<vmem>>, %arg2: memref<1x128xf32, #tpu.memory_space<vmem>>, %arg3: memref<10000x128xf32, #tpu.memory_space<vmem>>) attributes {dimension_semantics = [], scalar_prefetch = 0 : i64, scratch_operands = 0 : i64, tpu.core_type = #tpu.core_type<tc>} {
    %get3A = arith.constant 0 : index
    %get3A_0 = arith.constant 0 : index
    %get3A_1 = vector.load %arg0[%get3A, %get3A_0] : memref<10000x128xf32, #tpu.memory_space<vmem>>, vector<10000x128xf32>
    %get3A_2 = arith.constant 0 : index
    %get3A_3 = arith.constant 0 : index
    %get3A_4 = vector.load %arg1[%get3A_2, %get3A_3] : memref<128x128xf32, #tpu.memory_space<vmem>>, vector<128x128xf32>
    %dot_general3A = arith.constant dense<0.000000e+00> : vector<10000x128xf32>
    %dot_general3A_5 = tpu.matmul %get3A_1, %get3A_4, %dot_general3A {dimension_numbers = #tpu.dot_dimension_numbers<[1], [0], [0], [1], [0, 0, 1, 1], [], []>, transpose_lhs_hint = false} : vector<10000x128xf32>, vector<128x128xf32>, vector<10000x128xf32> -> vector<10000x128xf32>
    %get3A_6 = arith.constant 0 : index
    %get3A_7 = arith.constant 0 : index
    %get3A_8 = vector.load %arg2[%get3A_6, %get3A_7] : memref<1x128xf32, #tpu.memory_space<vmem>>, vector<1x128xf32>
    %add3A = vector.broadcast %get3A_8 : vector<1x128xf32> to vector<10000x128xf32>
    %add3A_9 = arith.addf %dot_general3A_5, %add3A : vector<10000x128xf32>
    %swap3A = arith.constant 0 : index
    %swap3A_10 = arith.constant 0 : index
    %swap3A_11 = vector.load %arg3[%swap3A, %swap3A_10] : memref<10000x128xf32, #tpu.memory_space<vmem>>, vector<10000x128xf32>
    tpu.vector_store %arg3[%swap3A, %swap3A_10], %add3A_9 {strides = array<i32>} : memref<10000x128xf32, #tpu.memory_space<vmem>>, vector<10000x128xf32>,
    return
  }
}

module attributes {stable_mosaic.version = 14 : i64} {
  func.func @_node_mm_kernel(%arg0: i32, %arg1: memref<2000x128xf32, #tpu.memory_space<vmem>>, %arg2: memref<128x128xf32, #tpu.memory_space<vmem>>, %arg3: memref<1x128xf32, #tpu.memory_space<vmem>>, %arg4: memref<2x128x128xf32, #tpu.memory_space<vmem>>, %arg5: memref<2x1x128xf32, #tpu.memory_space<vmem>>, %arg6: memref<2x128x128xf32, #tpu.memory_space<vmem>>, %arg7: memref<2x1x128xf32, #tpu.memory_space<vmem>>, %arg8: memref<2000x128xf32, #tpu.memory_space<vmem>>, %arg9: memref<2x2000x128xf32, #tpu.memory_space<vmem>>, %arg10: memref<2x2000x128xf32, #tpu.memory_space<vmem>>) attributes {dimension_semantics = [#tpu.dimension_semantics<arbitrary>], iteration_bounds = array<i64: 5>, scalar_prefetch = 0 : i64, scratch_operands = 0 : i64, tpu.core_type = #tpu.core_type<tc>, window_params = [{transform_indices = @transform_0, window_bounds = array<i64: 2000, 128>}, {pipeline_mode = #tpu.pipeline_mode<synchronous>, transform_indices = @transform_1, window_bounds = array<i64: 128, 128>}, {pipeline_mode = #tpu.pipeline_mode<synchronous>, transform_indices = @transform_2, window_bounds = array<i64: 1, 128>}, {pipeline_mode = #tpu.pipeline_mode<synchronous>, transform_indices = @transform_3, window_bounds = array<i64: 2, 128, 128>}, {pipeline_mode = #tpu.pipeline_mode<synchronous>, transform_indices = @transform_4, window_bounds = array<i64: 2, 1, 128>}, {pipeline_mode = #tpu.pipeline_mode<synchronous>, transform_indices = @transform_5, window_bounds = array<i64: 2, 128, 128>}, {pipeline_mode = #tpu.pipeline_mode<synchronous>, transform_indices = @transform_6, window_bounds = array<i64: 2, 1, 128>}, {transform_indices = @transform_7, window_bounds = array<i64: 2000, 128>}, {transform_indices = @transform_8, window_bounds = array<i64: 2, 2000, 128>}, {transform_indices = @transform_9, window_bounds = array<i64: 2, 2000, 128>}]} {
    %get3A = arith.constant 0 : index
    %get3A_0 = arith.constant 0 : index
    %get3A_1 = vector.load %arg1[%get3A, %get3A_0] : memref<2000x128xf32, #tpu.memory_space<vmem>>, vector<2000x128xf32>
    %get3A_2 = arith.constant 0 : index
    %get3A_3 = arith.constant 0 : index
    %get3A_4 = vector.load %arg2[%get3A_2, %get3A_3] : memref<128x128xf32, #tpu.memory_space<vmem>>, vector<128x128xf32>
    %dot_general3A = arith.constant dense<0.000000e+00> : vector<2000x128xf32>
    %dot_general3A_5 = tpu.matmul %get3A_1, %get3A_4, %dot_general3A {dimension_numbers = #tpu.dot_dimension_numbers<[1], [0], [0], [1], [0, 0, 1, 1], [], []>, transpose_lhs_hint = false} : vector<2000x128xf32>, vector<128x128xf32>, vector<2000x128xf32> -> vector<2000x128xf32>
    %get3A_6 = arith.constant 0 : index
    %get3A_7 = arith.constant 0 : index
    %get3A_8 = vector.load %arg3[%get3A_6, %get3A_7] : memref<1x128xf32, #tpu.memory_space<vmem>>, vector<1x128xf32>
    %add3A = vector.broadcast %get3A_8 : vector<1x128xf32> to vector<2000x128xf32>
    %add3A_9 = arith.addf %dot_general3A_5, %add3A : vector<2000x128xf32>
    %swap3A = arith.constant 0 : index
    %swap3A_10 = arith.constant 0 : index
    %swap3A_11 = vector.load %arg8[%swap3A, %swap3A_10] : memref<2000x128xf32, #tpu.memory_space<vmem>>, vector<2000x128xf32>
    tpu.vector_store %arg8[%swap3A, %swap3A_10], %add3A_9 {strides = array<i32>} : memref<2000x128xf32, #tpu.memory_space<vmem>>, vector<2000x128xf32>,
    %get3A_12 = arith.constant 0 : index
    %get3A_13 = arith.constant 0 : index
    %get3A_14 = arith.constant 0 : index
    %get3A_15 = vector.load %arg4[%get3A_12, %get3A_13, %get3A_14] : memref<2x128x128xf32, #tpu.memory_space<vmem>>, vector<1x128x128xf32>
    %get3A_16 = vector.shape_cast %get3A_15 : vector<1x128x128xf32> to vector<128x128xf32>
    %dot_general3A_17 = arith.constant dense<0.000000e+00> : vector<2000x128xf32>
    %dot_general3A_18 = tpu.matmul %get3A_1, %get3A_16, %dot_general3A_17 {dimension_numbers = #tpu.dot_dimension_numbers<[1], [0], [0], [1], [0, 0, 1, 1], [], []>, transpose_lhs_hint = false} : vector<2000x128xf32>, vector<128x128xf32>, vector<2000x128xf32> -> vector<2000x128xf32>
    %get3A_19 = arith.constant 0 : index
    %get3A_20 = arith.constant 0 : index
    %get3A_21 = arith.constant 0 : index
    %get3A_22 = vector.load %arg5[%get3A_19, %get3A_20, %get3A_21] : memref<2x1x128xf32, #tpu.memory_space<vmem>>, vector<1x1x128xf32>
    %get3A_23 = vector.shape_cast %get3A_22 : vector<1x1x128xf32> to vector<1x128xf32>
    %add3A_24 = vector.broadcast %get3A_23 : vector<1x128xf32> to vector<2000x128xf32>
    %add3A_25 = arith.addf %dot_general3A_18, %add3A_24 : vector<2000x128xf32>
    %swap3A_26 = arith.constant 0 : index
    %swap3A_27 = arith.constant 0 : index
    %swap3A_28 = arith.constant 0 : index
    %swap3A_29 = vector.load %arg9[%swap3A_26, %swap3A_27, %swap3A_28] : memref<2x2000x128xf32, #tpu.memory_space<vmem>>, vector<1x2000x128xf32>
    %swap3A_30 = vector.shape_cast %swap3A_29 : vector<1x2000x128xf32> to vector<2000x128xf32>
    %swap3A_31 = vector.shape_cast %add3A_25 : vector<2000x128xf32> to vector<1x2000x128xf32>
    tpu.vector_store %arg9[%swap3A_26, %swap3A_27, %swap3A_28], %swap3A_31 {strides = array<i32>} : memref<2x2000x128xf32, #tpu.memory_space<vmem>>, vector<1x2000x128xf32>,
    %get3A_32 = arith.constant 0 : index
    %get3A_33 = arith.constant 0 : index
    %get3A_34 = arith.constant 0 : index
    %get3A_35 = vector.load %arg6[%get3A_32, %get3A_33, %get3A_34] : memref<2x128x128xf32, #tpu.memory_space<vmem>>, vector<1x128x128xf32>
    %get3A_36 = vector.shape_cast %get3A_35 : vector<1x128x128xf32> to vector<128x128xf32>
    %dot_general3A_37 = arith.constant dense<0.000000e+00> : vector<2000x128xf32>
    %dot_general3A_38 = tpu.matmul %get3A_1, %get3A_36, %dot_general3A_37 {dimension_numbers = #tpu.dot_dimension_numbers<[1], [0], [0], [1], [0, 0, 1, 1], [], []>, transpose_lhs_hint = false} : vector<2000x128xf32>, vector<128x128xf32>, vector<2000x128xf32> -> vector<2000x128xf32>
    %get3A_39 = arith.constant 0 : index
    %get3A_40 = arith.constant 0 : index
    %get3A_41 = arith.constant 0 : index
    %get3A_42 = vector.load %arg7[%get3A_39, %get3A_40, %get3A_41] : memref<2x1x128xf32, #tpu.memory_space<vmem>>, vector<1x1x128xf32>
    %get3A_43 = vector.shape_cast %get3A_42 : vector<1x1x128xf32> to vector<1x128xf32>
    %add3A_44 = vector.broadcast %get3A_43 : vector<1x128xf32> to vector<2000x128xf32>
    %add3A_45 = arith.addf %dot_general3A_38, %add3A_44 : vector<2000x128xf32>
    %swap3A_46 = arith.constant 0 : index
    %swap3A_47 = arith.constant 0 : index
    %swap3A_48 = arith.constant 0 : index
    %swap3A_49 = vector.load %arg10[%swap3A_46, %swap3A_47, %swap3A_48] : memref<2x2000x128xf32, #tpu.memory_space<vmem>>, vector<1x2000x128xf32>
    %swap3A_50 = vector.shape_cast %swap3A_49 : vector<1x2000x128xf32> to vector<2000x128xf32>
    %swap3A_51 = vector.shape_cast %add3A_45 : vector<2000x128xf32> to vector<1x2000x128xf32>
    tpu.vector_store %arg10[%swap3A_46, %swap3A_47, %swap3A_48], %swap3A_51 {strides = array<i32>} : memref<2x2000x128xf32, #tpu.memory_space<vmem>>, vector<1x2000x128xf32>,
    %get3A_52 = arith.constant 1 : index
    %get3A_53 = arith.constant 0 : index
    %get3A_54 = arith.constant 0 : index
    %get3A_55 = vector.load %arg4[%get3A_52, %get3A_53, %get3A_54] : memref<2x128x128xf32, #tpu.memory_space<vmem>>, vector<1x128x128xf32>
    %get3A_56 = vector.shape_cast %get3A_55 : vector<1x128x128xf32> to vector<128x128xf32>
    %dot_general3A_57 = arith.constant dense<0.000000e+00> : vector<2000x128xf32>
    %dot_general3A_58 = tpu.matmul %get3A_1, %get3A_56, %dot_general3A_57 {dimension_numbers = #tpu.dot_dimension_numbers<[1], [0], [0], [1], [0, 0, 1, 1], [], []>, transpose_lhs_hint = false} : vector<2000x128xf32>, vector<128x128xf32>, vector<2000x128xf32> -> vector<2000x128xf32>
    %get3A_59 = arith.constant 1 : index
    %get3A_60 = arith.constant 0 : index
    %get3A_61 = arith.constant 0 : index
    %get3A_62 = vector.load %arg5[%get3A_59, %get3A_60, %get3A_61] : memref<2x1x128xf32, #tpu.memory_space<vmem>>, vector<1x1x128xf32>
    %get3A_63 = vector.shape_cast %get3A_62 : vector<1x1x128xf32> to vector<1x128xf32>
    %add3A_64 = vector.broadcast %get3A_63 : vector<1x128xf32> to vector<2000x128xf32>
    %add3A_65 = arith.addf %dot_general3A_58, %add3A_64 : vector<2000x128xf32>
    %swap3A_66 = arith.constant 1 : index
    %swap3A_67 = arith.constant 0 : index
    %swap3A_68 = arith.constant 0 : index
    %swap3A_69 = vector.load %arg9[%swap3A_66, %swap3A_67, %swap3A_68] : memref<2x2000x128xf32, #tpu.memory_space<vmem>>, vector<1x2000x128xf32>
    %swap3A_70 = vector.shape_cast %swap3A_69 : vector<1x2000x128xf32> to vector<2000x128xf32>
    %swap3A_71 = vector.shape_cast %add3A_65 : vector<2000x128xf32> to vector<1x2000x128xf32>
    tpu.vector_store %arg9[%swap3A_66, %swap3A_67, %swap3A_68], %swap3A_71 {strides = array<i32>} : memref<2x2000x128xf32, #tpu.memory_space<vmem>>, vector<1x2000x128xf32>,
    %get3A_72 = arith.constant 1 : index
    %get3A_73 = arith.constant 0 : index
    %get3A_74 = arith.constant 0 : index
    %get3A_75 = vector.load %arg6[%get3A_72, %get3A_73, %get3A_74] : memref<2x128x128xf32, #tpu.memory_space<vmem>>, vector<1x128x128xf32>
    %get3A_76 = vector.shape_cast %get3A_75 : vector<1x128x128xf32> to vector<128x128xf32>
    %dot_general3A_77 = arith.constant dense<0.000000e+00> : vector<2000x128xf32>
    %dot_general3A_78 = tpu.matmul %get3A_1, %get3A_76, %dot_general3A_77 {dimension_numbers = #tpu.dot_dimension_numbers<[1], [0], [0], [1], [0, 0, 1, 1], [], []>, transpose_lhs_hint = false} : vector<2000x128xf32>, vector<128x128xf32>, vector<2000x128xf32> -> vector<2000x128xf32>
    %get3A_79 = arith.constant 1 : index
    %get3A_80 = arith.constant 0 : index
    %get3A_81 = arith.constant 0 : index
    %get3A_82 = vector.load %arg7[%get3A_79, %get3A_80, %get3A_81] : memref<2x1x128xf32, #tpu.memory_space<vmem>>, vector<1x1x128xf32>
    %get3A_83 = vector.shape_cast %get3A_82 : vector<1x1x128xf32> to vector<1x128xf32>
    %add3A_84 = vector.broadcast %get3A_83 : vector<1x128xf32> to vector<2000x128xf32>
    %add3A_85 = arith.addf %dot_general3A_78, %add3A_84 : vector<2000x128xf32>
    %swap3A_86 = arith.constant 1 : index
    %swap3A_87 = arith.constant 0 : index
    %swap3A_88 = arith.constant 0 : index
    %swap3A_89 = vector.load %arg10[%swap3A_86, %swap3A_87, %swap3A_88] : memref<2x2000x128xf32, #tpu.memory_space<vmem>>, vector<1x2000x128xf32>
    %swap3A_90 = vector.shape_cast %swap3A_89 : vector<1x2000x128xf32> to vector<2000x128xf32>
    %swap3A_91 = vector.shape_cast %add3A_85 : vector<2000x128xf32> to vector<1x2000x128xf32>
    tpu.vector_store %arg10[%swap3A_86, %swap3A_87, %swap3A_88], %swap3A_91 {strides = array<i32>} : memref<2x2000x128xf32, #tpu.memory_space<vmem>>, vector<1x2000x128xf32>,
    return
  }
  func.func @transform_0(%arg0: i32) -> (i32, i32) {
    %c0_i32 = arith.constant 0 : i32
    %c0_i32_0 = arith.constant 0 : i32
    return %arg0, %c0_i32 : i32, i32
  }
  func.func @transform_1(%arg0: i32) -> (i32, i32) {
    %c0_i32 = arith.constant 0 : i32
    %c0_i32_0 = arith.constant 0 : i32
    %c0_i32_1 = arith.constant 0 : i32
    return %c0_i32, %c0_i32_0 : i32, i32
  }
  func.func @transform_2(%arg0: i32) -> (i32, i32) {
    %c0_i32 = arith.constant 0 : i32
    %c0_i32_0 = arith.constant 0 : i32
    %c0_i32_1 = arith.constant 0 : i32
    return %c0_i32, %c0_i32_0 : i32, i32
  }
  func.func @transform_3(%arg0: i32) -> (i32, i32, i32) {
    %c0_i32 = arith.constant 0 : i32
    %c0_i32_0 = arith.constant 0 : i32
    %c0_i32_1 = arith.constant 0 : i32
    %c0_i32_2 = arith.constant 0 : i32
    return %c0_i32, %c0_i32_0, %c0_i32_1 : i32, i32, i32
  }
  func.func @transform_4(%arg0: i32) -> (i32, i32, i32) {
    %c0_i32 = arith.constant 0 : i32
    %c0_i32_0 = arith.constant 0 : i32
    %c0_i32_1 = arith.constant 0 : i32
    %c0_i32_2 = arith.constant 0 : i32
    return %c0_i32, %c0_i32_0, %c0_i32_1 : i32, i32, i32
  }
  func.func @transform_5(%arg0: i32) -> (i32, i32, i32) {
    %c0_i32 = arith.constant 0 : i32
    %c0_i32_0 = arith.constant 0 : i32
    %c0_i32_1 = arith.constant 0 : i32
    %c0_i32_2 = arith.constant 0 : i32
    return %c0_i32, %c0_i32_0, %c0_i32_1 : i32, i32, i32
  }
  func.func @transform_6(%arg0: i32) -> (i32, i32, i32) {
    %c0_i32 = arith.constant 0 : i32
    %c0_i32_0 = arith.constant 0 : i32
    %c0_i32_1 = arith.constant 0 : i32
    %c0_i32_2 = arith.constant 0 : i32
    return %c0_i32, %c0_i32_0, %c0_i32_1 : i32, i32, i32
  }
  func.func @transform_7(%arg0: i32) -> (i32, i32) {
    %c0_i32 = arith.constant 0 : i32
    %c0_i32_0 = arith.constant 0 : i32
    return %arg0, %c0_i32 : i32, i32
  }
  func.func @transform_8(%arg0: i32) -> (i32, i32, i32) {
    %c0_i32 = arith.constant 0 : i32
    %c0_i32_0 = arith.constant 0 : i32
    %c0_i32_1 = arith.constant 0 : i32
    return %c0_i32, %arg0, %c0_i32_0 : i32, i32, i32
  }
  func.func @transform_9(%arg0: i32) -> (i32, i32, i32) {
    %c0_i32 = arith.constant 0 : i32
    %c0_i32_0 = arith.constant 0 : i32
    %c0_i32_1 = arith.constant 0 : i32
    return %c0_i32, %arg0, %c0_i32_0 : i32, i32, i32
  }
}

module attributes {stable_mosaic.version = 14 : i64} {
  func.func @_node_update_kernel(%arg0: memref<10000x128xf32, #tpu.memory_space<vmem>>, %arg1: memref<2x10112x128xf32, #tpu.memory_space<vmem>>, %arg2: memref<10000x128xf32, #tpu.memory_space<vmem>>, %arg3: memref<2x16x2x64xf32, #tpu.memory_space<vmem>>, %arg4: memref<1x128xf32, #tpu.memory_space<vmem>>, %arg5: memref<1x128xf32, #tpu.memory_space<vmem>>, %arg6: memref<2x64xf32, #tpu.memory_space<vmem>>, %arg7: memref<2x64xf32, #tpu.memory_space<vmem>>, %arg8: memref<10000x128xf32, #tpu.memory_space<vmem>>, %arg9: memref<2x64xf32, #tpu.memory_space<vmem>>, %arg10: memref<2x64xf32, #tpu.memory_space<vmem>>) attributes {dimension_semantics = [], scalar_prefetch = 0 : i64, scratch_operands = 0 : i64, tpu.core_type = #tpu.core_type<tc>} {
    %get3A = arith.constant 0 : index
    %get3A_0 = arith.constant 0 : index
    %get3A_1 = arith.constant 0 : index
    %get3A_2 = vector.load %arg1[%get3A, %get3A_0, %get3A_1] : memref<2x10112x128xf32, #tpu.memory_space<vmem>>, vector<1x10000x64xf32>
    %get3A_3 = vector.shape_cast %get3A_2 : vector<1x10000x64xf32> to vector<10000x64xf32>
    %get3A_4 = arith.constant 1 : index
    %get3A_5 = arith.constant 0 : index
    %get3A_6 = arith.constant 0 : index
    %get3A_7 = vector.load %arg1[%get3A_4, %get3A_5, %get3A_6] : memref<2x10112x128xf32, #tpu.memory_space<vmem>>, vector<1x10000x64xf32>
    %get3A_8 = vector.shape_cast %get3A_7 : vector<1x10000x64xf32> to vector<10000x64xf32>
    %concatenate3A = tpu.concatenate %get3A_3, %get3A_8 in 1 : vector<10000x64xf32>, vector<10000x64xf32> -> vector<10000x128xf32>
    %get3A_9 = arith.constant 0 : index
    %get3A_10 = arith.constant 0 : index
    %get3A_11 = arith.constant 64 : index
    %get3A_12 = vector.load %arg1[%get3A_9, %get3A_10, %get3A_11] : memref<2x10112x128xf32, #tpu.memory_space<vmem>>, vector<1x10000x64xf32>
    %get3A_13 = vector.shape_cast %get3A_12 : vector<1x10000x64xf32> to vector<10000x64xf32>
    %get3A_14 = arith.constant 1 : index
    %get3A_15 = arith.constant 0 : index
    %get3A_16 = arith.constant 64 : index
    %get3A_17 = vector.load %arg1[%get3A_14, %get3A_15, %get3A_16] : memref<2x10112x128xf32, #tpu.memory_space<vmem>>, vector<1x10000x64xf32>
    %get3A_18 = vector.shape_cast %get3A_17 : vector<1x10000x64xf32> to vector<10000x64xf32>
    %concatenate3A_19 = tpu.concatenate %get3A_13, %get3A_18 in 1 : vector<10000x64xf32>, vector<10000x64xf32> -> vector<10000x128xf32>
    %get3A_20 = arith.constant 0 : index
    %get3A_21 = arith.constant 0 : index
    %get3A_22 = vector.load %arg0[%get3A_20, %get3A_21] : memref<10000x128xf32, #tpu.memory_space<vmem>>, vector<10000x128xf32>
    %add3A = arith.constant 9.99999997E-7 : f32
    %add3A_23 = vector.broadcast %add3A : f32 to vector<10000x128xf32>
    %add3A_24 = arith.addf %concatenate3A_19, %add3A_23 : vector<10000x128xf32>
    %div3A = arith.divf %concatenate3A, %add3A_24 : vector<10000x128xf32>
    %add3A_25 = arith.addf %get3A_22, %div3A : vector<10000x128xf32>
    %reduce_sum3A = arith.constant dense<0.000000e+00> : vector<128xf32>
    %reduce_sum3A_26 = vector.multi_reduction <add>, %add3A_25, %reduce_sum3A [0] : vector<10000x128xf32> to vector<128xf32>
    %broadcast_in_dim3A = vector.shape_cast %reduce_sum3A_26 : vector<128xf32> to vector<1x128xf32>
    %div3A_27 = arith.constant 1.000000e+04 : f32
    %div3A_28 = vector.broadcast %div3A_27 : f32 to vector<1x128xf32>
    %div3A_29 = arith.divf %broadcast_in_dim3A, %div3A_28 : vector<1x128xf32>
    %sub3A = vector.broadcast %div3A_29 : vector<1x128xf32> to vector<10000x128xf32>
    %sub3A_30 = arith.subf %add3A_25, %sub3A : vector<10000x128xf32>
    %integer_pow3A = arith.mulf %sub3A_30, %sub3A_30 : vector<10000x128xf32>
    %reduce_sum3A_31 = arith.constant dense<0.000000e+00> : vector<128xf32>
    %reduce_sum3A_32 = vector.multi_reduction <add>, %integer_pow3A, %reduce_sum3A_31 [0] : vector<10000x128xf32> to vector<128xf32>
    %broadcast_in_dim3A_33 = vector.shape_cast %reduce_sum3A_32 : vector<128xf32> to vector<1x128xf32>
    %div3A_34 = arith.constant 1.000000e+04 : f32
    %div3A_35 = vector.broadcast %div3A_34 : f32 to vector<1x128xf32>
    %div3A_36 = arith.divf %broadcast_in_dim3A_33, %div3A_35 : vector<1x128xf32>
    %get3A_37 = arith.constant 0 : index
    %get3A_38 = arith.constant 0 : index
    %get3A_39 = vector.load %arg4[%get3A_37, %get3A_38] : memref<1x128xf32, #tpu.memory_space<vmem>>, vector<1x128xf32>
    %sub3A_40 = vector.broadcast %div3A_29 : vector<1x128xf32> to vector<10000x128xf32>
    %sub3A_41 = arith.subf %add3A_25, %sub3A_40 : vector<10000x128xf32>
    %mul3A = vector.broadcast %get3A_39 : vector<1x128xf32> to vector<10000x128xf32>
    %mul3A_42 = arith.mulf %mul3A, %sub3A_41 : vector<10000x128xf32>
    %add3A_43 = arith.constant 9.99999974E-6 : f32
    %add3A_44 = vector.broadcast %add3A_43 : f32 to vector<1x128xf32>
    %add3A_45 = arith.addf %div3A_36, %add3A_44 : vector<1x128xf32>
    %rsqrt3A = math.rsqrt %add3A_45 : vector<1x128xf32>
    %mul3A_46 = vector.broadcast %rsqrt3A : vector<1x128xf32> to vector<10000x128xf32>
    %mul3A_47 = arith.mulf %mul3A_42, %mul3A_46 : vector<10000x128xf32>
    %get3A_48 = arith.constant 0 : index
    %get3A_49 = arith.constant 0 : index
    %get3A_50 = vector.load %arg5[%get3A_48, %get3A_49] : memref<1x128xf32, #tpu.memory_space<vmem>>, vector<1x128xf32>
    %add3A_51 = vector.broadcast %get3A_50 : vector<1x128xf32> to vector<10000x128xf32>
    %add3A_52 = arith.addf %mul3A_47, %add3A_51 : vector<10000x128xf32>
    %get3A_53 = arith.constant 0 : index
    %get3A_54 = arith.constant 0 : index
    %get3A_55 = vector.load %arg2[%get3A_53, %get3A_54] : memref<10000x128xf32, #tpu.memory_space<vmem>>, vector<10000x128xf32>
    %max3A = arith.constant 0.000000e+00 : f32
    %max3A_56 = vector.broadcast %max3A : f32 to vector<10000x128xf32>
    %max3A_57 = arith.maximumf %add3A_52, %max3A_56 : vector<10000x128xf32>
    %add3A_58 = arith.addf %get3A_55, %max3A_57 : vector<10000x128xf32>
    %swap3A = arith.constant 0 : index
    %swap3A_59 = arith.constant 0 : index
    %swap3A_60 = vector.load %arg8[%swap3A, %swap3A_59] : memref<10000x128xf32, #tpu.memory_space<vmem>>, vector<10000x128xf32>
    tpu.vector_store %arg8[%swap3A, %swap3A_59], %add3A_58 {strides = array<i32>} : memref<10000x128xf32, #tpu.memory_space<vmem>>, vector<10000x128xf32>,
    %get3A_61 = arith.constant 0 : index
    %get3A_62 = arith.constant 0 : index
    %get3A_63 = arith.constant 0 : index
    %get3A_64 = arith.constant 0 : index
    %get3A_65 = vector.load %arg3[%get3A_61, %get3A_62, %get3A_63, %get3A_64] : memref<2x16x2x64xf32, #tpu.memory_space<vmem>>, vector<2x16x2x64xf32>
    %slice3A = vector.extract_strided_slice %get3A_65 {offsets = [0, 0, 0, 0], sizes = [2, 16, 1, 64], strides = [1, 1, 1, 1]} : vector<2x16x2x64xf32> to vector<2x16x1x64xf32>
    %squeeze3A = vector.shape_cast %slice3A : vector<2x16x1x64xf32> to vector<2x16x64xf32>
    %reduce_sum3A_66 = arith.constant dense<0.000000e+00> : vector<2x64xf32>
    %reduce_sum3A_67 = vector.multi_reduction <add>, %squeeze3A, %reduce_sum3A_66 [1] : vector<2x16x64xf32> to vector<2x64xf32>
    %slice3A_68 = vector.extract_strided_slice %get3A_65 {offsets = [0, 0, 1, 0], sizes = [2, 16, 1, 64], strides = [1, 1, 1, 1]} : vector<2x16x2x64xf32> to vector<2x16x1x64xf32>
    %squeeze3A_69 = vector.shape_cast %slice3A_68 : vector<2x16x1x64xf32> to vector<2x16x64xf32>
    %reduce_sum3A_70 = arith.constant dense<0.000000e+00> : vector<2x64xf32>
    %reduce_sum3A_71 = vector.multi_reduction <add>, %squeeze3A_69, %reduce_sum3A_70 [1] : vector<2x16x64xf32> to vector<2x64xf32>
    %div3A_72 = arith.constant 3.200000e+05 : f32
    %div3A_73 = vector.broadcast %div3A_72 : f32 to vector<2x64xf32>
    %div3A_74 = arith.divf %reduce_sum3A_67, %div3A_73 : vector<2x64xf32>
    %div3A_75 = arith.constant 3.200000e+05 : f32
    %div3A_76 = vector.broadcast %div3A_75 : f32 to vector<2x64xf32>
    %div3A_77 = arith.divf %reduce_sum3A_71, %div3A_76 : vector<2x64xf32>
    %mul3A_78 = arith.mulf %div3A_74, %div3A_74 : vector<2x64xf32>
    %sub3A_79 = arith.subf %div3A_77, %mul3A_78 : vector<2x64xf32>
    %get3A_80 = arith.constant 0 : index
    %get3A_81 = arith.constant 0 : index
    %get3A_82 = vector.load %arg6[%get3A_80, %get3A_81] : memref<2x64xf32, #tpu.memory_space<vmem>>, vector<2x64xf32>
    %add3A_83 = arith.constant 9.99999974E-6 : f32
    %add3A_84 = vector.broadcast %add3A_83 : f32 to vector<2x64xf32>
    %add3A_85 = arith.addf %sub3A_79, %add3A_84 : vector<2x64xf32>
    %rsqrt3A_86 = math.rsqrt %add3A_85 : vector<2x64xf32>
    %mul3A_87 = arith.mulf %get3A_82, %rsqrt3A_86 : vector<2x64xf32>
    %swap3A_88 = arith.constant 0 : index
    %swap3A_89 = arith.constant 0 : index
    %swap3A_90 = vector.load %arg9[%swap3A_88, %swap3A_89] : memref<2x64xf32, #tpu.memory_space<vmem>>, vector<2x64xf32>
    tpu.vector_store %arg9[%swap3A_88, %swap3A_89], %mul3A_87 {strides = array<i32>} : memref<2x64xf32, #tpu.memory_space<vmem>>, vector<2x64xf32>,
    %get3A_91 = arith.constant 0 : index
    %get3A_92 = arith.constant 0 : index
    %get3A_93 = vector.load %arg7[%get3A_91, %get3A_92] : memref<2x64xf32, #tpu.memory_space<vmem>>, vector<2x64xf32>
    %mul3A_94 = arith.mulf %mul3A_87, %div3A_74 : vector<2x64xf32>
    %sub3A_95 = arith.subf %get3A_93, %mul3A_94 : vector<2x64xf32>
    %swap3A_96 = arith.constant 0 : index
    %swap3A_97 = arith.constant 0 : index
    %swap3A_98 = vector.load %arg10[%swap3A_96, %swap3A_97] : memref<2x64xf32, #tpu.memory_space<vmem>>, vector<2x64xf32>
    tpu.vector_store %arg10[%swap3A_96, %swap3A_97], %sub3A_95 {strides = array<i32>} : memref<2x64xf32, #tpu.memory_space<vmem>>, vector<2x64xf32>,
    return
  }
}

module attributes {stable_mosaic.version = 14 : i64} {
  func.func @_edge_update_kernel(%arg0: i32, %arg1: memref<2x2000x64xf32, #tpu.memory_space<vmem>>, %arg2: memref<2x2000x64xf32, #tpu.memory_space<vmem>>, %arg3: memref<2x64xf32, #tpu.memory_space<vmem>>, %arg4: memref<2x64xf32, #tpu.memory_space<vmem>>, %arg5: memref<128x128xf32, #tpu.memory_space<vmem>>, %arg6: memref<1x128xf32, #tpu.memory_space<vmem>>, %arg7: memref<2x2000x64xf32, #tpu.memory_space<vmem>>, %arg8: memref<2x2000x64xf32, #tpu.memory_space<vmem>>) attributes {dimension_semantics = [#tpu.dimension_semantics<arbitrary>], iteration_bounds = array<i64: 160>, scalar_prefetch = 0 : i64, scratch_operands = 0 : i64, tpu.core_type = #tpu.core_type<tc>, window_params = [{transform_indices = @transform_0, window_bounds = array<i64: 2, 2000, 64>}, {transform_indices = @transform_1, window_bounds = array<i64: 2, 2000, 64>}, {pipeline_mode = #tpu.pipeline_mode<synchronous>, transform_indices = @transform_2, window_bounds = array<i64: 2, 64>}, {pipeline_mode = #tpu.pipeline_mode<synchronous>, transform_indices = @transform_3, window_bounds = array<i64: 2, 64>}, {pipeline_mode = #tpu.pipeline_mode<synchronous>, transform_indices = @transform_4, window_bounds = array<i64: 128, 128>}, {pipeline_mode = #tpu.pipeline_mode<synchronous>, transform_indices = @transform_5, window_bounds = array<i64: 1, 128>}, {transform_indices = @transform_6, window_bounds = array<i64: 2, 2000, 64>}, {transform_indices = @transform_7, window_bounds = array<i64: 2, 2000, 64>}]} {
    %get3A = arith.constant 0 : index
    %get3A_0 = arith.constant 0 : index
    %get3A_1 = arith.constant 0 : index
    %get3A_2 = vector.load %arg1[%get3A, %get3A_0, %get3A_1] : memref<2x2000x64xf32, #tpu.memory_space<vmem>>, vector<2x2000x64xf32>
    %get3A_3 = arith.constant 0 : index
    %get3A_4 = arith.constant 0 : index
    %get3A_5 = vector.load %arg3[%get3A_3, %get3A_4] : memref<2x64xf32, #tpu.memory_space<vmem>>, vector<2x64xf32>
    %get3A_6 = arith.constant 0 : index
    %get3A_7 = arith.constant 0 : index
    %get3A_8 = vector.load %arg4[%get3A_6, %get3A_7] : memref<2x64xf32, #tpu.memory_space<vmem>>, vector<2x64xf32>
    %broadcast_in_dim3A = vector.shape_cast %get3A_5 : vector<2x64xf32> to vector<2x1x64xf32>
    %mul3A = vector.broadcast %broadcast_in_dim3A : vector<2x1x64xf32> to vector<2x2000x64xf32>
    %mul3A_9 = arith.mulf %get3A_2, %mul3A : vector<2x2000x64xf32>
    %broadcast_in_dim3A_10 = vector.shape_cast %get3A_8 : vector<2x64xf32> to vector<2x1x64xf32>
    %add3A = vector.broadcast %broadcast_in_dim3A_10 : vector<2x1x64xf32> to vector<2x2000x64xf32>
    %add3A_11 = arith.addf %mul3A_9, %add3A : vector<2x2000x64xf32>
    %max3A = arith.constant 0.000000e+00 : f32
    %max3A_12 = vector.broadcast %max3A : f32 to vector<2x2000x64xf32>
    %max3A_13 = arith.maximumf %add3A_11, %max3A_12 : vector<2x2000x64xf32>
    %get3A_14 = arith.constant 0 : index
    %get3A_15 = arith.constant 0 : index
    %get3A_16 = arith.constant 0 : index
    %get3A_17 = vector.load %arg2[%get3A_14, %get3A_15, %get3A_16] : memref<2x2000x64xf32, #tpu.memory_space<vmem>>, vector<2x2000x64xf32>
    %add3A_18 = arith.addf %get3A_17, %max3A_13 : vector<2x2000x64xf32>
    %swap3A = arith.constant 0 : index
    %swap3A_19 = arith.constant 0 : index
    %swap3A_20 = arith.constant 0 : index
    %swap3A_21 = vector.load %arg7[%swap3A, %swap3A_19, %swap3A_20] : memref<2x2000x64xf32, #tpu.memory_space<vmem>>, vector<2x2000x64xf32>
    tpu.vector_store %arg7[%swap3A, %swap3A_19, %swap3A_20], %add3A_18 {strides = array<i32>} : memref<2x2000x64xf32, #tpu.memory_space<vmem>>, vector<2x2000x64xf32>,
    %slice3A = vector.extract_strided_slice %add3A_18 {offsets = [0, 0, 0], sizes = [1, 2000, 64], strides = [1, 1, 1]} : vector<2x2000x64xf32> to vector<1x2000x64xf32>
    %squeeze3A = vector.shape_cast %slice3A : vector<1x2000x64xf32> to vector<2000x64xf32>
    %slice3A_22 = vector.extract_strided_slice %add3A_18 {offsets = [1, 0, 0], sizes = [1, 2000, 64], strides = [1, 1, 1]} : vector<2x2000x64xf32> to vector<1x2000x64xf32>
    %squeeze3A_23 = vector.shape_cast %slice3A_22 : vector<1x2000x64xf32> to vector<2000x64xf32>
    %concatenate3A = tpu.concatenate %squeeze3A, %squeeze3A_23 in 1 : vector<2000x64xf32>, vector<2000x64xf32> -> vector<2000x128xf32>
    %get3A_24 = arith.constant 0 : index
    %get3A_25 = arith.constant 0 : index
    %get3A_26 = vector.load %arg5[%get3A_24, %get3A_25] : memref<128x128xf32, #tpu.memory_space<vmem>>, vector<128x128xf32>
    %dot_general3A = arith.constant dense<0.000000e+00> : vector<2000x128xf32>
    %dot_general3A_27 = tpu.matmul %concatenate3A, %get3A_26, %dot_general3A {dimension_numbers = #tpu.dot_dimension_numbers<[1], [0], [0], [1], [0, 0, 1, 1], [], []>, transpose_lhs_hint = false} : vector<2000x128xf32>, vector<128x128xf32>, vector<2000x128xf32> -> vector<2000x128xf32>
    %get3A_28 = arith.constant 0 : index
    %get3A_29 = arith.constant 0 : index
    %get3A_30 = vector.load %arg6[%get3A_28, %get3A_29] : memref<1x128xf32, #tpu.memory_space<vmem>>, vector<1x128xf32>
    %add3A_31 = vector.broadcast %get3A_30 : vector<1x128xf32> to vector<2000x128xf32>
    %add3A_32 = arith.addf %dot_general3A_27, %add3A_31 : vector<2000x128xf32>
    %slice3A_33 = vector.extract_strided_slice %add3A_32 {offsets = [0, 0], sizes = [2000, 64], strides = [1, 1]} : vector<2000x128xf32> to vector<2000x64xf32>
    %swap3A_34 = arith.constant 0 : index
    %swap3A_35 = arith.constant 0 : index
    %swap3A_36 = arith.constant 0 : index
    %swap3A_37 = vector.load %arg8[%swap3A_34, %swap3A_35, %swap3A_36] : memref<2x2000x64xf32, #tpu.memory_space<vmem>>, vector<1x2000x64xf32>
    %swap3A_38 = vector.shape_cast %swap3A_37 : vector<1x2000x64xf32> to vector<2000x64xf32>
    %swap3A_39 = vector.shape_cast %slice3A_33 : vector<2000x64xf32> to vector<1x2000x64xf32>
    tpu.vector_store %arg8[%swap3A_34, %swap3A_35, %swap3A_36], %swap3A_39 {strides = array<i32>} : memref<2x2000x64xf32, #tpu.memory_space<vmem>>, vector<1x2000x64xf32>,
    %slice3A_40 = vector.extract_strided_slice %add3A_32 {offsets = [0, 64], sizes = [2000, 64], strides = [1, 1]} : vector<2000x128xf32> to vector<2000x64xf32>
    %swap3A_41 = arith.constant 1 : index
    %swap3A_42 = arith.constant 0 : index
    %swap3A_43 = arith.constant 0 : index
    %swap3A_44 = vector.load %arg8[%swap3A_41, %swap3A_42, %swap3A_43] : memref<2x2000x64xf32, #tpu.memory_space<vmem>>, vector<1x2000x64xf32>
    %swap3A_45 = vector.shape_cast %swap3A_44 : vector<1x2000x64xf32> to vector<2000x64xf32>
    %swap3A_46 = vector.shape_cast %slice3A_40 : vector<2000x64xf32> to vector<1x2000x64xf32>
    tpu.vector_store %arg8[%swap3A_41, %swap3A_42, %swap3A_43], %swap3A_46 {strides = array<i32>} : memref<2x2000x64xf32, #tpu.memory_space<vmem>>, vector<1x2000x64xf32>,
    return
  }
  func.func @transform_0(%arg0: i32) -> (i32, i32, i32) {
    %c0_i32 = arith.constant 0 : i32
    %c0_i32_0 = arith.constant 0 : i32
    %c0_i32_1 = arith.constant 0 : i32
    return %c0_i32, %arg0, %c0_i32_0 : i32, i32, i32
  }
  func.func @transform_1(%arg0: i32) -> (i32, i32, i32) {
    %c0_i32 = arith.constant 0 : i32
    %c0_i32_0 = arith.constant 0 : i32
    %c0_i32_1 = arith.constant 0 : i32
    return %c0_i32, %arg0, %c0_i32_0 : i32, i32, i32
  }
  func.func @transform_2(%arg0: i32) -> (i32, i32) {
    %c0_i32 = arith.constant 0 : i32
    %c0_i32_0 = arith.constant 0 : i32
    %c0_i32_1 = arith.constant 0 : i32
    return %c0_i32, %c0_i32_0 : i32, i32
  }
  func.func @transform_3(%arg0: i32) -> (i32, i32) {
    %c0_i32 = arith.constant 0 : i32
    %c0_i32_0 = arith.constant 0 : i32
    %c0_i32_1 = arith.constant 0 : i32
    return %c0_i32, %c0_i32_0 : i32, i32
  }
  func.func @transform_4(%arg0: i32) -> (i32, i32) {
    %c0_i32 = arith.constant 0 : i32
    %c0_i32_0 = arith.constant 0 : i32
    %c0_i32_1 = arith.constant 0 : i32
    return %c0_i32, %c0_i32_0 : i32, i32
  }
  func.func @transform_5(%arg0: i32) -> (i32, i32) {
    %c0_i32 = arith.constant 0 : i32
    %c0_i32_0 = arith.constant 0 : i32
    %c0_i32_1 = arith.constant 0 : i32
    return %c0_i32, %c0_i32_0 : i32, i32
  }
  func.func @transform_6(%arg0: i32) -> (i32, i32, i32) {
    %c0_i32 = arith.constant 0 : i32
    %c0_i32_0 = arith.constant 0 : i32
    %c0_i32_1 = arith.constant 0 : i32
    return %c0_i32, %arg0, %c0_i32_0 : i32, i32, i32
  }
  func.func @transform_7(%arg0: i32) -> (i32, i32, i32) {
    %c0_i32 = arith.constant 0 : i32
    %c0_i32_0 = arith.constant 0 : i32
    %c0_i32_1 = arith.constant 0 : i32
    return %c0_i32, %arg0, %c0_i32_0 : i32, i32, i32
  }
}

module attributes {stable_mosaic.version = 14 : i64} {
  func.func @_node_update_kernel(%arg0: memref<10000x128xf32, #tpu.memory_space<vmem>>, %arg1: memref<2x10112x128xf32, #tpu.memory_space<vmem>>, %arg2: memref<10000x128xf32, #tpu.memory_space<vmem>>, %arg3: memref<2x16x2x64xf32, #tpu.memory_space<vmem>>, %arg4: memref<1x128xf32, #tpu.memory_space<vmem>>, %arg5: memref<1x128xf32, #tpu.memory_space<vmem>>, %arg6: memref<2x64xf32, #tpu.memory_space<vmem>>, %arg7: memref<2x64xf32, #tpu.memory_space<vmem>>, %arg8: memref<10000x128xf32, #tpu.memory_space<vmem>>, %arg9: memref<2x64xf32, #tpu.memory_space<vmem>>, %arg10: memref<2x64xf32, #tpu.memory_space<vmem>>) attributes {dimension_semantics = [], scalar_prefetch = 0 : i64, scratch_operands = 0 : i64, tpu.core_type = #tpu.core_type<tc>} {
    %get3A = arith.constant 0 : index
    %get3A_0 = arith.constant 0 : index
    %get3A_1 = arith.constant 0 : index
    %get3A_2 = vector.load %arg1[%get3A, %get3A_0, %get3A_1] : memref<2x10112x128xf32, #tpu.memory_space<vmem>>, vector<1x10000x64xf32>
    %get3A_3 = vector.shape_cast %get3A_2 : vector<1x10000x64xf32> to vector<10000x64xf32>
    %get3A_4 = arith.constant 1 : index
    %get3A_5 = arith.constant 0 : index
    %get3A_6 = arith.constant 0 : index
    %get3A_7 = vector.load %arg1[%get3A_4, %get3A_5, %get3A_6] : memref<2x10112x128xf32, #tpu.memory_space<vmem>>, vector<1x10000x64xf32>
    %get3A_8 = vector.shape_cast %get3A_7 : vector<1x10000x64xf32> to vector<10000x64xf32>
    %concatenate3A = tpu.concatenate %get3A_3, %get3A_8 in 1 : vector<10000x64xf32>, vector<10000x64xf32> -> vector<10000x128xf32>
    %get3A_9 = arith.constant 0 : index
    %get3A_10 = arith.constant 0 : index
    %get3A_11 = arith.constant 64 : index
    %get3A_12 = vector.load %arg1[%get3A_9, %get3A_10, %get3A_11] : memref<2x10112x128xf32, #tpu.memory_space<vmem>>, vector<1x10000x64xf32>
    %get3A_13 = vector.shape_cast %get3A_12 : vector<1x10000x64xf32> to vector<10000x64xf32>
    %get3A_14 = arith.constant 1 : index
    %get3A_15 = arith.constant 0 : index
    %get3A_16 = arith.constant 64 : index
    %get3A_17 = vector.load %arg1[%get3A_14, %get3A_15, %get3A_16] : memref<2x10112x128xf32, #tpu.memory_space<vmem>>, vector<1x10000x64xf32>
    %get3A_18 = vector.shape_cast %get3A_17 : vector<1x10000x64xf32> to vector<10000x64xf32>
    %concatenate3A_19 = tpu.concatenate %get3A_13, %get3A_18 in 1 : vector<10000x64xf32>, vector<10000x64xf32> -> vector<10000x128xf32>
    %get3A_20 = arith.constant 0 : index
    %get3A_21 = arith.constant 0 : index
    %get3A_22 = vector.load %arg0[%get3A_20, %get3A_21] : memref<10000x128xf32, #tpu.memory_space<vmem>>, vector<10000x128xf32>
    %add3A = arith.constant 9.99999997E-7 : f32
    %add3A_23 = vector.broadcast %add3A : f32 to vector<10000x128xf32>
    %add3A_24 = arith.addf %concatenate3A_19, %add3A_23 : vector<10000x128xf32>
    %div3A = arith.divf %concatenate3A, %add3A_24 : vector<10000x128xf32>
    %add3A_25 = arith.addf %get3A_22, %div3A : vector<10000x128xf32>
    %reduce_sum3A = arith.constant dense<0.000000e+00> : vector<128xf32>
    %reduce_sum3A_26 = vector.multi_reduction <add>, %add3A_25, %reduce_sum3A [0] : vector<10000x128xf32> to vector<128xf32>
    %broadcast_in_dim3A = vector.shape_cast %reduce_sum3A_26 : vector<128xf32> to vector<1x128xf32>
    %div3A_27 = arith.constant 1.000000e+04 : f32
    %div3A_28 = vector.broadcast %div3A_27 : f32 to vector<1x128xf32>
    %div3A_29 = arith.divf %broadcast_in_dim3A, %div3A_28 : vector<1x128xf32>
    %sub3A = vector.broadcast %div3A_29 : vector<1x128xf32> to vector<10000x128xf32>
    %sub3A_30 = arith.subf %add3A_25, %sub3A : vector<10000x128xf32>
    %integer_pow3A = arith.mulf %sub3A_30, %sub3A_30 : vector<10000x128xf32>
    %reduce_sum3A_31 = arith.constant dense<0.000000e+00> : vector<128xf32>
    %reduce_sum3A_32 = vector.multi_reduction <add>, %integer_pow3A, %reduce_sum3A_31 [0] : vector<10000x128xf32> to vector<128xf32>
    %broadcast_in_dim3A_33 = vector.shape_cast %reduce_sum3A_32 : vector<128xf32> to vector<1x128xf32>
    %div3A_34 = arith.constant 1.000000e+04 : f32
    %div3A_35 = vector.broadcast %div3A_34 : f32 to vector<1x128xf32>
    %div3A_36 = arith.divf %broadcast_in_dim3A_33, %div3A_35 : vector<1x128xf32>
    %get3A_37 = arith.constant 0 : index
    %get3A_38 = arith.constant 0 : index
    %get3A_39 = vector.load %arg4[%get3A_37, %get3A_38] : memref<1x128xf32, #tpu.memory_space<vmem>>, vector<1x128xf32>
    %sub3A_40 = vector.broadcast %div3A_29 : vector<1x128xf32> to vector<10000x128xf32>
    %sub3A_41 = arith.subf %add3A_25, %sub3A_40 : vector<10000x128xf32>
    %mul3A = vector.broadcast %get3A_39 : vector<1x128xf32> to vector<10000x128xf32>
    %mul3A_42 = arith.mulf %mul3A, %sub3A_41 : vector<10000x128xf32>
    %add3A_43 = arith.constant 9.99999974E-6 : f32
    %add3A_44 = vector.broadcast %add3A_43 : f32 to vector<1x128xf32>
    %add3A_45 = arith.addf %div3A_36, %add3A_44 : vector<1x128xf32>
    %rsqrt3A = math.rsqrt %add3A_45 : vector<1x128xf32>
    %mul3A_46 = vector.broadcast %rsqrt3A : vector<1x128xf32> to vector<10000x128xf32>
    %mul3A_47 = arith.mulf %mul3A_42, %mul3A_46 : vector<10000x128xf32>
    %get3A_48 = arith.constant 0 : index
    %get3A_49 = arith.constant 0 : index
    %get3A_50 = vector.load %arg5[%get3A_48, %get3A_49] : memref<1x128xf32, #tpu.memory_space<vmem>>, vector<1x128xf32>
    %add3A_51 = vector.broadcast %get3A_50 : vector<1x128xf32> to vector<10000x128xf32>
    %add3A_52 = arith.addf %mul3A_47, %add3A_51 : vector<10000x128xf32>
    %get3A_53 = arith.constant 0 : index
    %get3A_54 = arith.constant 0 : index
    %get3A_55 = vector.load %arg2[%get3A_53, %get3A_54] : memref<10000x128xf32, #tpu.memory_space<vmem>>, vector<10000x128xf32>
    %max3A = arith.constant 0.000000e+00 : f32
    %max3A_56 = vector.broadcast %max3A : f32 to vector<10000x128xf32>
    %max3A_57 = arith.maximumf %add3A_52, %max3A_56 : vector<10000x128xf32>
    %add3A_58 = arith.addf %get3A_55, %max3A_57 : vector<10000x128xf32>
    %swap3A = arith.constant 0 : index
    %swap3A_59 = arith.constant 0 : index
    %swap3A_60 = vector.load %arg8[%swap3A, %swap3A_59] : memref<10000x128xf32, #tpu.memory_space<vmem>>, vector<10000x128xf32>
    tpu.vector_store %arg8[%swap3A, %swap3A_59], %add3A_58 {strides = array<i32>} : memref<10000x128xf32, #tpu.memory_space<vmem>>, vector<10000x128xf32>,
    %get3A_61 = arith.constant 0 : index
    %get3A_62 = arith.constant 0 : index
    %get3A_63 = arith.constant 0 : index
    %get3A_64 = arith.constant 0 : index
    %get3A_65 = vector.load %arg3[%get3A_61, %get3A_62, %get3A_63, %get3A_64] : memref<2x16x2x64xf32, #tpu.memory_space<vmem>>, vector<2x16x2x64xf32>
    %slice3A = vector.extract_strided_slice %get3A_65 {offsets = [0, 0, 0, 0], sizes = [2, 16, 1, 64], strides = [1, 1, 1, 1]} : vector<2x16x2x64xf32> to vector<2x16x1x64xf32>
    %squeeze3A = vector.shape_cast %slice3A : vector<2x16x1x64xf32> to vector<2x16x64xf32>
    %reduce_sum3A_66 = arith.constant dense<0.000000e+00> : vector<2x64xf32>
    %reduce_sum3A_67 = vector.multi_reduction <add>, %squeeze3A, %reduce_sum3A_66 [1] : vector<2x16x64xf32> to vector<2x64xf32>
    %slice3A_68 = vector.extract_strided_slice %get3A_65 {offsets = [0, 0, 1, 0], sizes = [2, 16, 1, 64], strides = [1, 1, 1, 1]} : vector<2x16x2x64xf32> to vector<2x16x1x64xf32>
    %squeeze3A_69 = vector.shape_cast %slice3A_68 : vector<2x16x1x64xf32> to vector<2x16x64xf32>
    %reduce_sum3A_70 = arith.constant dense<0.000000e+00> : vector<2x64xf32>
    %reduce_sum3A_71 = vector.multi_reduction <add>, %squeeze3A_69, %reduce_sum3A_70 [1] : vector<2x16x64xf32> to vector<2x64xf32>
    %div3A_72 = arith.constant 3.200000e+05 : f32
    %div3A_73 = vector.broadcast %div3A_72 : f32 to vector<2x64xf32>
    %div3A_74 = arith.divf %reduce_sum3A_67, %div3A_73 : vector<2x64xf32>
    %div3A_75 = arith.constant 3.200000e+05 : f32
    %div3A_76 = vector.broadcast %div3A_75 : f32 to vector<2x64xf32>
    %div3A_77 = arith.divf %reduce_sum3A_71, %div3A_76 : vector<2x64xf32>
    %mul3A_78 = arith.mulf %div3A_74, %div3A_74 : vector<2x64xf32>
    %sub3A_79 = arith.subf %div3A_77, %mul3A_78 : vector<2x64xf32>
    %get3A_80 = arith.constant 0 : index
    %get3A_81 = arith.constant 0 : index
    %get3A_82 = vector.load %arg6[%get3A_80, %get3A_81] : memref<2x64xf32, #tpu.memory_space<vmem>>, vector<2x64xf32>
    %add3A_83 = arith.constant 9.99999974E-6 : f32
    %add3A_84 = vector.broadcast %add3A_83 : f32 to vector<2x64xf32>
    %add3A_85 = arith.addf %sub3A_79, %add3A_84 : vector<2x64xf32>
    %rsqrt3A_86 = math.rsqrt %add3A_85 : vector<2x64xf32>
    %mul3A_87 = arith.mulf %get3A_82, %rsqrt3A_86 : vector<2x64xf32>
    %swap3A_88 = arith.constant 0 : index
    %swap3A_89 = arith.constant 0 : index
    %swap3A_90 = vector.load %arg9[%swap3A_88, %swap3A_89] : memref<2x64xf32, #tpu.memory_space<vmem>>, vector<2x64xf32>
    tpu.vector_store %arg9[%swap3A_88, %swap3A_89], %mul3A_87 {strides = array<i32>} : memref<2x64xf32, #tpu.memory_space<vmem>>, vector<2x64xf32>,
    %get3A_91 = arith.constant 0 : index
    %get3A_92 = arith.constant 0 : index
    %get3A_93 = vector.load %arg7[%get3A_91, %get3A_92] : memref<2x64xf32, #tpu.memory_space<vmem>>, vector<2x64xf32>
    %mul3A_94 = arith.mulf %mul3A_87, %div3A_74 : vector<2x64xf32>
    %sub3A_95 = arith.subf %get3A_93, %mul3A_94 : vector<2x64xf32>
    %swap3A_96 = arith.constant 0 : index
    %swap3A_97 = arith.constant 0 : index
    %swap3A_98 = vector.load %arg10[%swap3A_96, %swap3A_97] : memref<2x64xf32, #tpu.memory_space<vmem>>, vector<2x64xf32>
    tpu.vector_store %arg10[%swap3A_96, %swap3A_97], %sub3A_95 {strides = array<i32>} : memref<2x64xf32, #tpu.memory_space<vmem>>, vector<2x64xf32>,
    return
  }
}

module attributes {stable_mosaic.version = 14 : i64} {
  func.func @_readout_kernel(%arg0: memref<10000x128xf32, #tpu.memory_space<vmem>>, %arg1: memref<128x64xf32, #tpu.memory_space<vmem>>, %arg2: memref<1x64xf32, #tpu.memory_space<vmem>>, %arg3: memref<64x32xf32, #tpu.memory_space<vmem>>, %arg4: memref<1x32xf32, #tpu.memory_space<vmem>>, %arg5: memref<32x10xf32, #tpu.memory_space<vmem>>, %arg6: memref<1x10xf32, #tpu.memory_space<vmem>>, %arg7: memref<10000x10xf32, #tpu.memory_space<vmem>>) attributes {dimension_semantics = [], scalar_prefetch = 0 : i64, scratch_operands = 0 : i64, tpu.core_type = #tpu.core_type<tc>} {
    %get3A = arith.constant 0 : index
    %get3A_0 = arith.constant 0 : index
    %get3A_1 = vector.load %arg0[%get3A, %get3A_0] : memref<10000x128xf32, #tpu.memory_space<vmem>>, vector<10000x128xf32>
    %get3A_2 = arith.constant 0 : index
    %get3A_3 = arith.constant 0 : index
    %get3A_4 = vector.load %arg1[%get3A_2, %get3A_3] : memref<128x64xf32, #tpu.memory_space<vmem>>, vector<128x64xf32>
    %dot_general3A = arith.constant dense<0.000000e+00> : vector<10000x64xf32>
    %dot_general3A_5 = tpu.matmul %get3A_1, %get3A_4, %dot_general3A {dimension_numbers = #tpu.dot_dimension_numbers<[1], [0], [0], [1], [0, 0, 1, 1], [], []>, transpose_lhs_hint = false} : vector<10000x128xf32>, vector<128x64xf32>, vector<10000x64xf32> -> vector<10000x64xf32>
    %get3A_6 = arith.constant 0 : index
    %get3A_7 = arith.constant 0 : index
    %get3A_8 = vector.load %arg2[%get3A_6, %get3A_7] : memref<1x64xf32, #tpu.memory_space<vmem>>, vector<1x64xf32>
    %add3A = vector.broadcast %get3A_8 : vector<1x64xf32> to vector<10000x64xf32>
    %add3A_9 = arith.addf %dot_general3A_5, %add3A : vector<10000x64xf32>
    %max3A = arith.constant 0.000000e+00 : f32
    %max3A_10 = vector.broadcast %max3A : f32 to vector<10000x64xf32>
    %max3A_11 = arith.maximumf %add3A_9, %max3A_10 : vector<10000x64xf32>
    %get3A_12 = arith.constant 0 : index
    %get3A_13 = arith.constant 0 : index
    %get3A_14 = vector.load %arg3[%get3A_12, %get3A_13] : memref<64x32xf32, #tpu.memory_space<vmem>>, vector<64x32xf32>
    %dot_general3A_15 = arith.constant dense<0.000000e+00> : vector<10000x32xf32>
    %dot_general3A_16 = tpu.matmul %max3A_11, %get3A_14, %dot_general3A_15 {dimension_numbers = #tpu.dot_dimension_numbers<[1], [0], [0], [1], [0, 0, 1, 1], [], []>, transpose_lhs_hint = false} : vector<10000x64xf32>, vector<64x32xf32>, vector<10000x32xf32> -> vector<10000x32xf32>
    %get3A_17 = arith.constant 0 : index
    %get3A_18 = arith.constant 0 : index
    %get3A_19 = vector.load %arg4[%get3A_17, %get3A_18] : memref<1x32xf32, #tpu.memory_space<vmem>>, vector<1x32xf32>
    %add3A_20 = vector.broadcast %get3A_19 : vector<1x32xf32> to vector<10000x32xf32>
    %add3A_21 = arith.addf %dot_general3A_16, %add3A_20 : vector<10000x32xf32>
    %max3A_22 = arith.constant 0.000000e+00 : f32
    %max3A_23 = vector.broadcast %max3A_22 : f32 to vector<10000x32xf32>
    %max3A_24 = arith.maximumf %add3A_21, %max3A_23 : vector<10000x32xf32>
    %get3A_25 = arith.constant 0 : index
    %get3A_26 = arith.constant 0 : index
    %get3A_27 = vector.load %arg5[%get3A_25, %get3A_26] : memref<32x10xf32, #tpu.memory_space<vmem>>, vector<32x10xf32>
    %dot_general3A_28 = arith.constant dense<0.000000e+00> : vector<10000x10xf32>
    %dot_general3A_29 = tpu.matmul %max3A_24, %get3A_27, %dot_general3A_28 {dimension_numbers = #tpu.dot_dimension_numbers<[1], [0], [0], [1], [0, 0, 1, 1], [], []>, transpose_lhs_hint = false} : vector<10000x32xf32>, vector<32x10xf32>, vector<10000x10xf32> -> vector<10000x10xf32>
    %get3A_30 = arith.constant 0 : index
    %get3A_31 = arith.constant 0 : index
    %get3A_32 = vector.load %arg6[%get3A_30, %get3A_31] : memref<1x10xf32, #tpu.memory_space<vmem>>, vector<1x10xf32>
    %add3A_33 = vector.broadcast %get3A_32 : vector<1x10xf32> to vector<10000x10xf32>
    %add3A_34 = arith.addf %dot_general3A_29, %add3A_33 : vector<10000x10xf32>
    %swap3A = arith.constant 0 : index
    %swap3A_35 = arith.constant 0 : index
    %swap3A_36 = vector.load %arg7[%swap3A, %swap3A_35] : memref<10000x10xf32, #tpu.memory_space<vmem>>, vector<10000x10xf32>
    tpu.vector_store %arg7[%swap3A, %swap3A_35], %add3A_34 {strides = array<i32>} : memref<10000x10xf32, #tpu.memory_space<vmem>>, vector<10000x10xf32>,
    return
  }
}

</mosaic_0001>

<sc_bundles>
// kernel: kernel.20.cloned.1.call-start
scs
__scs_entry_jumppad:
0x0: {  	(pc) =	sbr.rel $0x88, $3  }
0x1: {  	(tag) =	ssettag $0x0;
	lr =	simm.s32 $0x1  }
0x2: {  	[smem:$0x3F86] =	sst lr;
	_ =	strace $0xD0000000  }
0x3: {  	_ = 	snop  }
0x4: {  	_ = 	snop  }
0x5: {  	_ = 	snop  }
0x6: {  	_ = 	snop  }
0x7: {  	_ = 	snop  }
__scs_overlays_trampoline_lowered:
0x8: {  	[smem:$0x3F95] =	sst s0  }
0x9: {  	[smem:$0x3F96] =	sst s1  }
0xa: {  	[smem:$0x3F97] =	sst s2  }
0xb: {  	[smem:$0x3F98] =	sst s3  }
0xc: {  	[smem:$0x3F99] =	sst s4  }
0xd: {  	[smem:$0x3F9A] =	sst s5  }
0xe: {  	[smem:$0x3F9B] =	sst s6  }
0xf: {  	[smem:$0x3F9C] =	sst s7  }
0x10: {  	[smem:$0x3F9D] =	sst s8  }
0x11: {  	[smem:$0x3F9E] =	sst s9;
	s0 =	simm.s32 @!p0 $0x0  }
0x12: {  	s1 =	sld [smem:$0x3F84];
	s0 =	simm.s32 @p0 $0x1  }
0x13: {  	[smem:$0x3F9F] =	sst s0;
	s0 =	simm.s32 @!p1 $0x0  }
0x14: {  	s2 =	sld [smem:$0x3F83];
	s0 =	simm.s32 @p1 $0x1  }
0x15: {  	[smem:$0x3FA0] =	sst s0;
	s0 =	simm.s32 @!p2 $0x0  }
0x16: {  	s3 =	sld [smem:$0x3FDB];
	s0 =	simm.s32 @p2 $0x1  }
0x17: {  	s4 =	simm.s32 $0x1BF5;
	[smem:$0x3FA2] =	sst s0  }
0x18: {  	s0 =	sld [smem:$0x3F85];
	_ =	swait.ge [sflag:s4], $0x0  }
0x19: {  	s7 =	sld [smem:$0x3F86]  }
0x1a: {  	s8 =	sadd.s32 $0xFFFFE003, lr  }
0x1b: {  	s9 =	sadd.s32 $0xFFFFFEF7, lr;
	s5 =	simm.s32 $0xFFFFFFFF;
	p2 =	slt.u32 s8, $0xFFFFF086  }
0x1c: {  	p1 =	slt.u32 s9, $0xF7A;
	s5 =	simm.s32 @!p2 $0x0  }
0x1d: {  	s5 =	simm.s32 @p1 $0x1;
	p0 =	seq.s32 s7, s2  }
0x1e: {  	s7 =	smul.u32 @!p0 $0xF7A, s2;
	p2 =	seq.s32 @!p0 s5, $0x0  }
0x1f: {  	s9 =	smul.u32 $0xF7A, s1;
	s8 =	simm.s32 @!p0 $0x1BF5;
	p2 =	por !p2, p0  }
0x20: {  	[sflag:s8] =	ssyncset.s32 @!p0 $0xFFFFF086;
	s6 =	sadd.s32 @!p0 s3, s7;
	s7 =	simm.s32 @!p0 $0x108  }
0x21: {  	s3 =	sadd.s32 s3, s9;
	s6 =	sadd.s32 @!p0 $0x88, s6;
	s7 =	simm.s32 @p2 $0x1082  }
0x22: {  	[simem:s7], [sflag:s8] =	dma.local @!p0 [hbm:s6], $0xF7A  }
0x23: {  	s9 =	sor.u32 $0xD0000000, s2;
	s6 =	simm.s32 $0x108;
	_ =	swait.ge @!p0 [sflag:s8], $0x0  }
0x24: {  	s3 =	sadd.s32 $0x88, s3;
	s6 =	simm.s32 @!p1 $0x1082;
	[sflag:s4] =	ssyncset.s32 $0xFFFFF086  }
0x25: {  	[simem:s6], [sflag:s4] =	dma.local [hbm:s3], $0xF7A  }
0x26: {  	[smem:$0x3F86] =	sst s1;
	(tag) =	ssettag s2;
	_ =	strace s9  }
0x27: {  	s1 =	sld [smem:$0x3F96]  }
0x28: {  	s2 =	sld [smem:$0x3F97]  }
0x29: {  	s4 =	sld [smem:$0x3F99]  }
0x2a: {  	p0 =	seq.s32 s5, $0x0;
	s5 =	sld [smem:$0x3F9A]  }
0x2b: {  	s6 =	sld [smem:$0x3F9B]  }
0x2c: {  	s7 =	sld [smem:$0x3F9C]  }
0x2d: {  	s3 =	simm.s32 $0x108;
	s8 =	sld [smem:$0x3F9D]  }
0x2e: {  	s3 =	simm.s32 @!p0 $0x1082;
	s9 =	sld [smem:$0x3F9E]  }
0x2f: {  	lr =	sadd.s32 s0, s3;
	s0 =	sld [smem:$0x3F95]  }
0x30: {  	s3 =	sld [smem:$0x3F98]  }
0x31: {  	[smem:$0x3FA1] =	sst s10  }
0x32: {  	s10 =	sld [smem:$0x3F9F];
	_ =	sdelay $0x3  }
0x33: {  	p0 =	seq.s32 s10, $0x1;
	s10 =	sld [smem:$0x3FA1];
	_ =	sdelay $0x3  }
0x34: {  	[smem:$0x3FA1] =	sst s10  }
0x35: {  	s10 =	sld [smem:$0x3FA0];
	_ =	sdelay $0x3  }
0x36: {  	p1 =	seq.s32 s10, $0x1;
	s10 =	sld [smem:$0x3FA1];
	_ =	sdelay $0x3  }
0x37: {  	[smem:$0x3FA1] =	sst s10  }
0x38: {  	s10 =	sld [smem:$0x3FA2]  }
0x39: {  	_ = 	snop;
	(pc) =	sbr.ind lr, $3  }
0x3a: {  	_ = 	snop  }
0x3b: {  	_ = 	snop  }
0x3c: {  	p2 =	seq.s32 s10, $0x1;
	s10 =	sld [smem:$0x3FA1]  }
0x3d: {  	_ =	shalt  }
0x3e: {  	_ =	shalt  }
0x3f: {  	_ =	shalt  }
0x40: {  	_ =	shalt  }
0x41: {  	_ =	shalt  }
0x42: {  	_ =	shalt  }
0x43: {  	_ =	shalt  }
0x44: {  	_ =	shalt  }
0x45: {  	_ =	shalt  }
0x46: {  	_ =	shalt  }
0x47: {  	_ =	shalt  }
0x48: {  	_ =	shalt  }
0x49: {  	_ =	shalt  }
0x4a: {  	_ =	shalt  }
0x4b: {  	_ =	shalt  }
0x4c: {  	_ =	shalt  }
0x4d: {  	_ =	shalt  }
0x4e: {  	_ =	shalt  }
0x4f: {  	_ =	shalt  }
0x50: {  	_ =	shalt  }
0x51: {  	_ =	shalt  }
0x52: {  	_ =	shalt  }
0x53: {  	_ =	shalt  }
0x54: {  	_ =	shalt  }
0x55: {  	_ =	shalt  }
0x56: {  	_ =	shalt  }
0x57: {  	_ =	shalt  }
0x58: {  	_ =	shalt  }
0x59: {  	_ =	shalt  }
0x5a: {  	_ =	shalt  }
0x5b: {  	_ =	shalt  }
0x5c: {  	_ =	shalt  }
0x5d: {  	_ =	shalt  }
0x5e: {  	_ =	shalt  }
0x5f: {  	_ =	shalt  }
0x60: {  	_ =	shalt  }
0x61: {  	_ =	shalt  }
0x62: {  	_ =	shalt  }
0x63: {  	_ =	shalt  }
0x64: {  	_ =	shalt  }
0x65: {  	_ =	shalt  }
0x66: {  	_ =	shalt  }
0x67: {  	_ =	shalt  }
0x68: {  	_ =	shalt  }
0x69: {  	_ =	shalt  }
0x6a: {  	_ =	shalt  }
0x6b: {  	_ =	shalt  }
0x6c: {  	_ =	shalt  }
0x6d: {  	_ =	shalt  }
0x6e: {  	_ =	shalt  }
0x6f: {  	_ =	shalt  }
0x70: {  	_ =	shalt  }
0x71: {  	_ =	shalt  }
0x72: {  	_ =	shalt  }
0x73: {  	_ =	shalt  }
0x74: {  	_ =	shalt  }
0x75: {  	_ =	shalt  }
0x76: {  	_ =	shalt  }
0x77: {  	_ =	shalt  }
0x78: {  	_ =	shalt  }
0x79: {  	_ =	shalt  }
0x7a: {  	_ =	shalt  }
0x7b: {  	_ =	shalt  }
0x7c: {  	_ =	shalt  }
0x7d: {  	_ =	shalt  }
0x7e: {  	_ =	shalt  }
0x7f: {  	_ =	shalt  }
0x80: {  	_ =	shalt  }
0x81: {  	_ =	shalt  }
0x82: {  	_ =	shalt  }
0x83: {  	_ =	shalt  }
0x84: {  	_ =	shalt  }
0x85: {  	_ =	shalt  }
0x86: {  	_ =	shalt  }
0x87: {  	_ =	shalt  }
.Lfunc_end0:
.L_simem_size_0:
called_computation_lowered:
.L_overlay_start_0:
0x88: {  	s2 =	sld [smem:$0x3FD9]  }
0x89: {  	s3 =	sld [smem:$0x3FFE];
	_ =	sdelay $0x1  }
0x8a: {  	s1 =	srdreg.scid  }
0x8b: {  	s0 =	sand.u32 $0x1, s1  }
0x8c: {  	s16 =	sshll.u32 s0, $0xA;
	s2 =	sadd.s32 s3, s2  }
0x8d: {  	s2 =	sadd.s32 s2, s16  }
0x8e: {  	[smem:$0x3FAD] =	sst s2  }
0x8f: {  	_ = 	snop  }
0x90: {  	(tm) =	ssettm $0x1  }
0x91: {  	s17 =	sld [smem:$0x3FFB];
	_ =	sdelay $0x3  }
0x92: {  	_ =	strace s17  }
0x93: {  	s2 =	sld [smem:$0x3FFC];
	_ =	sdelay $0x3  }
0x94: {  	_ =	strace s2  }
0x95: {  	s2 =	sld [smem:$0x3FFD];
	_ =	sdelay $0x3  }
0x96: {  	_ =	strace s2  }
0x97: {  	_ =	strace $0x8FFFFFFF  }
0x98: {  	s18 =	sld [smem:$0x3FDB];
	_ =	sdelay $0x1  }
0x99: {  	s19 =	simm.s32 $_scs_section_size  }
0x9a: {  	s4 =	simm.s32 $_size__tile_overlayer_lowered;
	s5 =	simm.s32 $_tile_overlayer_lowered  }
0x9b: {  	s22 =	simm.s32 $0x1BFF;
	s21 =	sshll.u32 s5, $0x1;
	s2 =	sadd.s32 s19, s18  }
0x9c: {  	s6 =	simm.s32 $0x0;
	s20 =	sshll.u32 s4, $0x1;
	s4 =	sadd.s32 s21, s2  }
0x9d: {  	[timem:s6], [sflag:s22] =	dma.local [hbm:s4], s20  }
0x9e: {  	_ =	swait.ge [sflag:s22], s20  }
0x9f: {  	s3 =	ssub.s32 $0x0, s20;
	[sflag:s22] =	ssyncset.done $0x0  }
0xa0: {  	[sflag:s22] =	ssyncadd.s32 s3;
	_ =	sdelay $0x1  }
0xa1: {  	s23 =	simm.s32 $0x1B8B  }
0xa2: {  	_ =	swait.ge [sflag:s23], $0x1  }
0xa3: {  	[sflag:s23] =	ssyncset.done $0x0  }
0xa4: {  	s25 =	simm.s32 $0x1B8E;
	s24 =	sld [smem:$0x3FFE];
	[sflag:s23] =	ssyncadd.s32 $0xFFFFFFFF  }
0xa5: {  	s26 =	simm.s32 $execute0_lowered;
	[smem:$0x3FD2] =	sst s25  }
0xa6: {  	s4 =	sshll.u32 s26, $0x1;
	_ =	strace $0x80000046;
	[dreg:$0x1] =	wrdreg $0xFFFFFFFF  }
0xa7: {  	s28 =	simm.s32 $_size_execute0_lowered;
	s2 =	sadd.s32 s2, s4;
	[dreg:$0x0] =	wrdreg $0x0  }
0xa8: {  	s4 =	sshll.u32 s28, $0x1;
	[dreg:$0x2] =	wrdreg s2  }
0xa9: {  	[dreg:$0x3] =	wrdreg s4  }
0xaa: {  	[dreg:$0x4] =	wrdreg $0xC0  }
0xab: {  	_ =	task [dreg:s6], $0x5FFFF  }
0xac: {  	[dreg:$0x1] =	wrdreg $0xFFFFFFFF  }
0xad: {  	[dreg:$0x0] =	wrdreg $0x60  }
0xae: {  	[dreg:$0x2] =	wrdreg s24  }
0xaf: {  	[dreg:$0x3] =	wrdreg $0xB1E00  }
0xb0: {  	[dreg:$0x4] =	wrdreg $0x9  }
0xb1: {  	_ =	task.clear_ibuf [dreg:s6], $0x5FFFF;
	_ =	strace $0x90000046  }
0xb2: {  	s29 =	simm.s32 $0x9;
	_ =	strace $0x80000048  }
0xb3: {  	_ =	swait.ge [sflag:s29], $0x1  }
0xb4: {  	[sflag:s29] =	ssyncadd.s32 $0xFFFFFFFF  }
0xb5: {  	_ =	strace $0x90000048  }
0xb6: {  	_ =	sfence  }
0xb7: {  	s30 =	sld [smem:$0x0];
	_ =	sdelay $0x2  }
0xb8: {  	s31 =	sshll.u32 s1, $0xD;
	s1 =	sshrl.u32 s1, $0x2  }
0xb9: {  	s3 =	sand.u32 $0x4000, s31;
	s1 =	sadd.s32 s1, s30  }
0xba: {  	s0 =	sor.u32 s3, s0;
	s1 =	sshll.u32 s1, $0x11  }
0xbb: {  	s0 =	sor.u32 s1, s0  }
0xbc: {  	s0 =	sadd.s32 $0x8F2B, s0  }
0xbd: {  	[sflag:s0] =	ssyncadd.remote.s32 $0x1  }
0xbe: {  	_ =	sfence.sel $0xFFFF  }
0xbf: {  	[dreg:$0x0] =	wrdreg $0xFFFFFFFF;
	(pc) =	sbr.abs _section_cstart, $3  }
0xc0: {  	[dreg:$0x1] =	wrdreg $0xFFFFFFFF  }
0xc1: {  	_ =	task.clear_ibuf [dreg:s6], $0x2FFFF;
	_ =	strace $0x9FFFFFFF  }
0xc2: {  	(tm) =	ssettm $0x7FFFFFFF  }
0xc3: {  	_ =	shalt  }
tec
execute0_lowered:
.L_overlay_start_1:
0x0: {  	(tag) =	ssettag $0x1  }
0x1: {  	s0 =	rddreg [dreg:$0x0];
	s1 =	srdreg.scid  }
0x2: {  	s2 =	rddreg [dreg:$0x1];
	s14 =	stileid.u32;
	s3 =	simm.s32 $0x0  }
0x3: {  	s18 =	simm.s32 $0xA960;
	s19 =	simm.s32 $0x1;
	s20 =	simm.s32 $0x50  }
0x4: {  	s21 =	simm.s32 $0x960;
	s22 =	simm.s32 $0x3160;
	s23 =	simm.s32 $0x5960  }
0x5: {  	s24 =	simm.s32 $0x6D60;
	s1 =	sand.u32 $0x1, s1;
	s7 =	smul.u32 $0x13C00, s14  }
0x6: {  	[smem:$0x7FF] =	sst s3;
	s4 =	sadd.s32 $0x5B9A00, s0;
	s6 =	sadd.s32 $0x62600, s0  }
0x7: {  	s25 =	sadd.s32 $0x25C00, s0;
	s26 =	sshll.u32 s14, $0x4;
	s11 =	smul.u32 $0x4F000, s14  }
0x8: {  	s5 =	smul.u32 $0x13C000, s1;
	_ =	strace $0x80000047;
	s10 =	ssub.s32 $0x2, s1  }
0x9: {  	[dreg:$0x3] =	wrdreg s25;
	s16 =	sshll.u32 s1, $0x8;
	s12 =	sshrl.u32 s10, $0x1  }
0xa: {  	s11 =	sshrl.u32 s11, $0x2;
	s30 =	sadd.s32 s7, s2;
	s8 =	sadd.s32 s7, s5  }
0xb: {  	s5 =	sadd.s32 $0x56B800, s0;
	s15 =	ssub.s32 s10, s12;
	s10 =	smul.u32 $0xFA, s14  }
0xc: {  	s11 =	sadd.s32 s11, s2;
	s12 =	smul.u32 $0xEAF60, s1;
	s9 =	sshrl.u32 s8, $0x3  }
0xd: {  	s8 =	sadd.s32 $0x62EE00, s0;
	s28 =	sadd.s32 $0x13800, s11;
	s31 =	smax.u32 s15, $0x1  }
0xe: {  	s13 =	sadd.s32 s9, s0;
	s0 =	sadd.s32 s26, s0;
	[dreg:$0x4] =	wrdreg s28  }
0xf: {  	[dreg:$0x7] =	wrdreg s31;
	s0 =	sadd.s32 s16, s0;
	s29 =	sadd.s32 $0xB10E00, s13  }
0x10: {  	s9 =	smul.u32 $0x4E20, s14;
	s0 =	sadd.s32 $0x1CC00, s0;
	[dreg:$0x6] =	wrdreg s29  }
0x11: {  	s14 =	smul.u32 $0x1388000, s1;
	[dreg:$0x5] =	wrdreg s0;
	s0 =	sshrl.u32 s30, $0x3  }
0x12: {  	v0 =	vimm.f32 $0.0e+00;
	s26 =	simm.s32 $0x8160;
	s1 =	simm.s32 $0x0;
	[dreg:$0x8] =	wrdreg s0  }
.LBB2_1:
0x13: {  	[dreg:$0x9] =	wrdreg s1;
	s0 =	simm.s32 $0x0;
	s1 =	simm.s32 $0x200  }
.LBB2_2:
0x14: {  	p0 =	sne.s32 s1, $0x1E00;
	[tilespmem:s0+$0xA9D0] =	vst v0  }
0x15: {  	[tilespmem:s0+$0xA960] =	vst v0  }
0x16: {  	[tilespmem:s0+$0xA970] =	vst v0  }
.Ltmp0:
0x17: {  	[tilespmem:s0+$0xA980] =	vst v0;
	(pc) =	sbr.rel @p0 .LBB2_2-.Ltmp0, $4  }
0x18: {  	[tilespmem:s0+$0xA990] =	vst v0  }
0x19: {  	[tilespmem:s0+$0xA9A0] =	vst v0  }
0x1a: {  	[tilespmem:s0+$0xA9B0] =	vst v0  }
0x1b: {  	[tilespmem:s0+$0xA9C0] =	vst v0;
	s0 =	sshra.s32 s1, $0x2;
	s1 =	sadd.s32 $0x200, s1  }
0x1c: {  	[tilespmem:s0+$0xA9D0] =	vst v0  }
0x1d: {  	[tilespmem:s0+$0xA960] =	vst v0  }
0x1e: {  	[tilespmem:s0+$0xA970] =	vst v0  }
0x1f: {  	[tilespmem:s0+$0xA980] =	vst v0  }
0x20: {  	[tilespmem:s0+$0xA990] =	vst v0  }
0x21: {  	[tilespmem:s0+$0xA9A0] =	vst v0  }
0x22: {  	[tilespmem:s0+$0xA9B0] =	vst v0  }
0x23: {  	[tilespmem:s0+$0xA9C0] =	vst v0;
	s31 =	sadd.s32 $0x0, s11  }
0x24: {  	[spmem:s31] =	stream.linear.scatter [tilespmem:s18], [sflag:$0x1], $0x800, $0x38;
	[tilespmem:$0x1EDE0] =	vst v63  }
0x25: {  	s0 =	simm.s32 $0x2000;
	_ =	swait.ge [sflag:s19], $0x800  }
.LBB2_4:
0x26: {  	s1 =	sshra.s32 s0, $0x2;
	[sflag:s19] =	ssyncset.done $0x0;
	p0 =	sne.s32 s0, $0x4C000  }
.Ltmp1:
0x27: {  	s1 =	sadd.s32 s1, s11;
	[sflag:s19] =	ssyncadd.s32 $0xFFFFF800;
	(pc) =	sbr.rel @p0 .LBB2_4-.Ltmp1, $3  }
0x28: {  	[spmem:s1] =	stream.linear.scatter [tilespmem:s18], [sflag:$0x1], $0x800, $0x38;
	[tilespmem:$0x1EDE0] =	vst v63  }
0x29: {  	s0 =	sadd.s32 $0x2000, s0;
	_ =	sdelay $0x1  }
0x2a: {  	_ =	swait.ge [sflag:s19], $0x800  }
0x2b: {  	[sflag:s19] =	ssyncset.done $0x0  }
0x2c: {  	s0 =	rddreg [dreg:$0x4];
	[sflag:s19] =	ssyncadd.s32 $0xFFFFF800  }
0x2d: {  	[spmem:s0] =	stream.linear.scatter [tilespmem:s18], [sflag:$0x1], $0x400, $0x38;
	[tilespmem:$0x1EDE0] =	vst v63  }
0x2e: {  	_ =	swait.ge [sflag:s19], $0x400  }
0x2f: {  	v8 =	vimm.f32 $0.0e+00;
	v4 =	vimm.f32 $0.0e+00;
	[sflag:s19] =	ssyncset.done $0x0  }
0x30: {  	v2 =	vimm.f32 $0.0e+00;
	v6 =	vimm.f32 $0.0e+00;
	v7 =	vimm.f32 $0.0e+00;
	[sflag:s19] =	ssyncadd.s32 $0xFFFFFC00  }
0x31: {  	v3 =	vimm.f32 $0.0e+00;
	v1 =	vimm.f32 $0.0e+00;
	v5 =	vimm.f32 $0.0e+00;
	s31 =	simm.s32 $0x0;
	[bflag:$0x0] =	sbarrier.arrive $0xFFFF  }
.LBB2_6:
0x32: {  	s0 =	smul.u32 $0xA, s31;
	_ =	sdelay $0x1  }
0x33: {  	s1 =	sadd.s32 s10, s0  }
0x34: {  	s1 =	smul.u32 $0xF0, s1;
	_ =	sdelay $0x1  }
0x35: {  	s1 =	sadd.s32 s12, s1  }
0x36: {  	s7 =	rddreg [dreg:$0x3];
	s1 =	sshrl.u32 s1, $0x3  }
0x37: {  	s30 =	simm.s32 $0x0;
	s1 =	sadd.s32 s7, s1  }
0x38: {  	[tilespmem:s30], [sflag:$0x1] =	stream.linear.gather [hbm4b:s1+s30], $0x960, $0x38;
	[tilespmem:$0x1EDE0] =	vst v63  }
0x39: {  	_ =	swait.ge [sflag:s19], $0x960  }
0x3a: {  	[sflag:s19] =	ssyncset.done $0x0  }
0x3b: {  	s28 =	simm.s32 $0x0;
	[sflag:s19] =	ssyncadd.s32 $0xFFFFF6A0  }
.LBB2_7:
0x3c: {  	s1 =	smul.u32 $0x3C0, s28  }
0x3d: {  	s7 =	sadd.s32 s0, s28  }
0x3e: {  	s7 =	smul.u32 $0x50, s7;
	s1 =	sshra.s32 s1, $0x2  }
0x3f: {  	[tilespmem:s21], [sflag:$0x1] =	stream.indirect.gather [hbm4b:s4+s20], $0x80, s1, s20, $0xb8;
	[tilespmem:$0x1EDE0] =	vst v63  }
0x40: {  	_ =	swait.ge [sflag:s19], $0x2800  }
0x41: {  	s7 =	sadd.s32 s9, s7;
	[sflag:s19] =	ssyncset.done $0x0  }
0x42: {  	s13 =	sadd.s32 $0x50, s1;
	s7 =	sshll.u32 s7, $0x6;
	[sflag:s19] =	ssyncadd.s32 $0xFFFFD800  }
0x43: {  	[tilespmem:s22], [sflag:$0x1] =	stream.indirect.gather [hbm4b:s5+s20], $0x80, s13, s20, $0xb8;
	[tilespmem:$0x1EDE0] =	vst v63  }
0x44: {  	s7 =	sadd.s32 s14, s7;
	_ =	swait.ge [sflag:s19], $0x2800  }
0x45: {  	s13 =	sshrl.u32 s7, $0x3;
	[sflag:s19] =	ssyncset.done $0x0  }
0x46: {  	s15 =	simm.s32 $0x0;
	s7 =	sadd.s32 s6, s13;
	[sflag:s19] =	ssyncadd.s32 $0xFFFFD800  }
0x47: {  	[tilespmem:s23], [sflag:$0x1] =	stream.linear.gather [hbm4b:s7+s15], $0x1400, $0x38;
	[tilespmem:$0x1EDE0] =	vst v63  }
0x48: {  	_ =	swait.ge [sflag:s19], $0x1400  }
0x49: {  	[sflag:s19] =	ssyncset.done $0x0  }
0x4a: {  	s15 =	simm.s32 $0x0;
	[sflag:s19] =	ssyncadd.s32 $0xFFFFEC00  }
0x4b: {  	v9 =	vld [tilespmem:s15+$0x960]  }
0x4c: {  	v10 =	vld [tilespmem:s15+$0x3160]  }
0x4d: {  	s17 =	simm.s32 $0x5980  }
0x4e: {  	v11 =	vld [tilespmem:s17+$0xFFFFFFE0];
	_ =	sdelay $0x2  }
0x4f: {  	v9 =	vadd.f32 v10, v9;
	_ =	sdelay $0x1  }
0x50: {  	v9 =	vadd.f32 v11, v9;
	_ =	sdelay $0x1  }
0x51: {  	v10 =	vsub.f32 $0.0e+00, v9;
	_ =	sdelay $0x1  }
0x52: {  	v10 =	vmul.f32 $1.442695020e+00, v10;
	_ =	sdelay $0x1  }
0x53: {  	(erf) = vpow2.f32 v10;
	_ =	sdelay $0x8  }
0x54: {  	v10 =	vpop (erf)  }
0x55: {  	v10 =	vadd.f32 $1.000000000e+00, v10;
	_ =	sdelay $0x1  }
0x56: {  	(erf) = vrcp.f32 v10;
	_ =	sdelay $0x4  }
0x57: {  	v10 =	vld [tilespmem:s15+$0x9A0];
	_ =	sdelay $0x2  }
0x58: {  	s16 =	simm.s32 $0x6D80  }
0x59: {  	[tilespmem:s16+$0xFFFFFFE0] =	vst v9;
	v11 =	vpop (erf)  }
0x5a: {  	v12 =	vld [tilespmem:s15+$0x970];
	v10 =	vmul.f32 v11, v10  }
0x5b: {  	[tilespmem:s15+$0x81A0] =	vst v11;
	v11 =	vld [tilespmem:s15+$0x3170]  }
0x5c: {  	[tilespmem:s15+$0x8160] =	vst v10  }
0x5d: {  	v10 =	vld [tilespmem:s17+$0xFFFFFFF0];
	_ =	sdelay $0x2  }
0x5e: {  	v11 =	vadd.f32 v11, v12;
	_ =	sdelay $0x1  }
0x5f: {  	v10 =	vadd.f32 v10, v11;
	_ =	sdelay $0x1  }
0x60: {  	v11 =	vsub.f32 $0.0e+00, v10;
	_ =	sdelay $0x1  }
0x61: {  	v11 =	vmul.f32 $1.442695020e+00, v11;
	_ =	sdelay $0x1  }
0x62: {  	(erf) = vpow2.f32 v11;
	_ =	sdelay $0x8  }
0x63: {  	v11 =	vpop (erf)  }
0x64: {  	v11 =	vadd.f32 $1.000000000e+00, v11;
	_ =	sdelay $0x1  }
0x65: {  	(erf) = vrcp.f32 v11;
	_ =	sdelay $0x4  }
0x66: {  	v11 =	vld [tilespmem:s15+$0x9B0];
	_ =	sdelay $0x3  }
0x67: {  	[tilespmem:s16+$0xFFFFFFF0] =	vst v10;
	v13 =	vpop (erf)  }
0x68: {  	v58 =	vld [tilespmem:s15+$0x980];
	v11 =	vmul.f32 v13, v11  }
0x69: {  	v14 =	vld [tilespmem:s15+$0x3180];
	[tilespmem:s15+$0x81B0] =	vst v13  }
0x6a: {  	[tilespmem:s15+$0x8170] =	vst v11  }
0x6b: {  	v11 =	vld [tilespmem:s17+$0x0];
	_ =	sdelay $0x2  }
0x6c: {  	v12 =	vadd.f32 v14, v58;
	_ =	sdelay $0x1  }
0x6d: {  	v11 =	vadd.f32 v11, v12;
	_ =	sdelay $0x1  }
0x6e: {  	v12 =	vsub.f32 $0.0e+00, v11;
	_ =	sdelay $0x1  }
0x6f: {  	v12 =	vmul.f32 $1.442695020e+00, v12;
	_ =	sdelay $0x1  }
0x70: {  	(erf) = vpow2.f32 v12;
	_ =	sdelay $0x8  }
0x71: {  	v12 =	vpop (erf)  }
0x72: {  	v12 =	vadd.f32 $1.000000000e+00, v12;
	_ =	sdelay $0x1  }
0x73: {  	(erf) = vrcp.f32 v12;
	_ =	sdelay $0x4  }
0x74: {  	v59 =	vld [tilespmem:s15+$0x9C0];
	_ =	sdelay $0x3  }
0x75: {  	[tilespmem:s16+$0x0] =	vst v11;
	v15 =	vpop (erf)  }
0x76: {  	v60 =	vld [tilespmem:s15+$0x990];
	v12 =	vmul.f32 v15, v59  }
0x77: {  	v61 =	vld [tilespmem:s15+$0x3190];
	[tilespmem:s15+$0x81C0] =	vst v15  }
0x78: {  	[tilespmem:s15+$0x8180] =	vst v12  }
0x79: {  	v12 =	vld [tilespmem:s17+$0x10];
	_ =	sdelay $0x2  }
0x7a: {  	v13 =	vadd.f32 v61, v60;
	_ =	sdelay $0x1  }
0x7b: {  	v12 =	vadd.f32 v12, v13;
	_ =	sdelay $0x1  }
0x7c: {  	v13 =	vsub.f32 $0.0e+00, v12;
	_ =	sdelay $0x1  }
0x7d: {  	v13 =	vmul.f32 $1.442695020e+00, v13;
	_ =	sdelay $0x1  }
0x7e: {  	(erf) = vpow2.f32 v13;
	_ =	sdelay $0x8  }
0x7f: {  	v13 =	vpop (erf)  }
0x80: {  	v13 =	vadd.f32 $1.000000000e+00, v13;
	_ =	sdelay $0x1  }
0x81: {  	(erf) = vrcp.f32 v13;
	_ =	sdelay $0x4  }
0x82: {  	v62 =	vmul.f32 v9, v9;
	v16 =	vld [tilespmem:s15+$0x9D0]  }
0x83: {  	v63 =	vmul.f32 v10, v10  }
0x84: {  	v5 =	vadd.f32 v9, v5;
	v6 =	vadd.f32 v62, v6;
	v9 =	vmul.f32 v11, v11  }
0x85: {  	v1 =	vadd.f32 v10, v1;
	v2 =	vadd.f32 v63, v2;
	v10 =	vmul.f32 v12, v12  }
0x86: {  	s30 =	simm.s32 $0x80;
	v3 =	vadd.f32 v11, v3;
	v4 =	vadd.f32 v9, v4;
	[tilespmem:s16+$0x10] =	vst v12;
	v11 =	vpop (erf)  }
0x87: {  	s25 =	simm.s32 $0x400;
	v7 =	vadd.f32 v12, v7;
	v9 =	vld [tilespmem:s30+$0x960];
	v8 =	vadd.f32 v10, v8;
	[tilespmem:s15+$0x81D0] =	vst v11;
	v10 =	vmul.f32 v11, v16  }
.LBB2_8:
0x88: {  	s16 =	sadd.s32 $0x40, s16  }
0x89: {  	v11 =	vld [tilespmem:s30+$0x3160];
	s17 =	sadd.s32 $0x40, s17;
	s29 =	smov.u32 s25;
	s7 =	sadd.s32 $0x200, s25  }
0x8a: {  	p0 =	sne.s32 s25, $0x9E00;
	[tilespmem:s15+$0x8190] =	vst v10;
	s15 =	smov.u32 s30  }
0x8b: {  	v10 =	vld [tilespmem:s17+$0xFFFFFFE0];
	_ =	sdelay $0x2  }
0x8c: {  	v9 =	vadd.f32 v11, v9;
	_ =	sdelay $0x1  }
0x8d: {  	v9 =	vadd.f32 v10, v9;
	_ =	sdelay $0x1  }
0x8e: {  	v5 =	vadd.f32 v9, v5;
	v10 =	vmul.f32 v9, v9;
	v11 =	vsub.f32 $0.0e+00, v9;
	_ =	sdelay $0x1  }
0x8f: {  	v6 =	vadd.f32 v10, v6;
	v10 =	vmul.f32 $1.442695020e+00, v11;
	_ =	sdelay $0x1  }
0x90: {  	(erf) = vpow2.f32 v10;
	_ =	sdelay $0x8  }
0x91: {  	v10 =	vpop (erf)  }
0x92: {  	v10 =	vadd.f32 $1.000000000e+00, v10;
	_ =	sdelay $0x1  }
0x93: {  	(erf) = vrcp.f32 v10;
	_ =	sdelay $0x4  }
0x94: {  	v10 =	vld [tilespmem:s15+$0x9A0];
	_ =	sdelay $0x3  }
0x95: {  	[tilespmem:s16+$0xFFFFFFE0] =	vst v9;
	v9 =	vpop (erf)  }
0x96: {  	v10 =	vmul.f32 v9, v10;
	v11 =	vld [tilespmem:s15+$0x970]  }
0x97: {  	[tilespmem:s15+$0x81A0] =	vst v9;
	v9 =	vld [tilespmem:s15+$0x3170]  }
0x98: {  	[tilespmem:s15+$0x8160] =	vst v10  }
0x99: {  	v10 =	vld [tilespmem:s17+$0xFFFFFFF0];
	_ =	sdelay $0x2  }
0x9a: {  	v9 =	vadd.f32 v9, v11;
	_ =	sdelay $0x1  }
0x9b: {  	v9 =	vadd.f32 v10, v9  }
0x9c: {  	v10 =	vld [tilespmem:s15+$0x9B0]  }
0x9d: {  	[tilespmem:s16+$0xFFFFFFF0] =	vst v9;
	v1 =	vadd.f32 v9, v1;
	v11 =	vmul.f32 v9, v9;
	v9 =	vsub.f32 $0.0e+00, v9  }
0x9e: {  	v12 =	vld [tilespmem:s15+$0x980]  }
0x9f: {  	v2 =	vadd.f32 v11, v2;
	v9 =	vmul.f32 $1.442695020e+00, v9;
	v11 =	vld [tilespmem:s15+$0x3180];
	_ =	sdelay $0x1  }
0xa0: {  	(erf) = vpow2.f32 v9;
	_ =	sdelay $0x2  }
0xa1: {  	v9 =	vadd.f32 v11, v12;
	_ =	sdelay $0x5  }
0xa2: {  	v11 =	vpop (erf)  }
0xa3: {  	v11 =	vadd.f32 $1.000000000e+00, v11;
	_ =	sdelay $0x1  }
0xa4: {  	(erf) = vrcp.f32 v11;
	_ =	sdelay $0x8  }
0xa5: {  	v11 =	vpop (erf)  }
0xa6: {  	[tilespmem:s15+$0x81B0] =	vst v11;
	v10 =	vmul.f32 v11, v10;
	_ =	sdelay $0x1  }
0xa7: {  	[tilespmem:s15+$0x8170] =	vst v10  }
0xa8: {  	v10 =	vld [tilespmem:s17+$0x0];
	_ =	sdelay $0x4  }
0xa9: {  	v9 =	vadd.f32 v10, v9  }
0xaa: {  	v10 =	vld [tilespmem:s15+$0x9C0]  }
0xab: {  	[tilespmem:s16+$0x0] =	vst v9;
	v3 =	vadd.f32 v9, v3;
	v11 =	vmul.f32 v9, v9;
	v9 =	vsub.f32 $0.0e+00, v9  }
0xac: {  	v12 =	vld [tilespmem:s15+$0x990]  }
0xad: {  	v4 =	vadd.f32 v11, v4;
	v9 =	vmul.f32 $1.442695020e+00, v9;
	v11 =	vld [tilespmem:s15+$0x3190]  }
0xae: {  	v13 =	vld [tilespmem:s15+$0x9D0]  }
0xaf: {  	(erf) = vpow2.f32 v9;
	_ =	sdelay $0x2  }
0xb0: {  	v9 =	vadd.f32 v11, v12;
	_ =	sdelay $0x5  }
0xb1: {  	v11 =	vpop (erf)  }
0xb2: {  	v11 =	vadd.f32 $1.000000000e+00, v11;
	_ =	sdelay $0x1  }
0xb3: {  	(erf) = vrcp.f32 v11;
	_ =	sdelay $0x8  }
0xb4: {  	v11 =	vpop (erf)  }
0xb5: {  	[tilespmem:s15+$0x81C0] =	vst v11;
	v10 =	vmul.f32 v11, v10;
	_ =	sdelay $0x1  }
0xb6: {  	[tilespmem:s15+$0x8180] =	vst v10  }
0xb7: {  	v10 =	vld [tilespmem:s17+$0x10];
	_ =	sdelay $0x4  }
0xb8: {  	v9 =	vadd.f32 v10, v9;
	_ =	sdelay $0x1  }
0xb9: {  	[tilespmem:s16+$0x10] =	vst v9;
	v7 =	vadd.f32 v9, v7;
	v10 =	vmul.f32 v9, v9;
	v9 =	vsub.f32 $0.0e+00, v9;
	_ =	sdelay $0x1  }
0xba: {  	v8 =	vadd.f32 v10, v8;
	v9 =	vmul.f32 $1.442695020e+00, v9;
	_ =	sdelay $0x1  }
0xbb: {  	(erf) = vpow2.f32 v9;
	_ =	sdelay $0x8  }
0xbc: {  	v9 =	vpop (erf)  }
0xbd: {  	v9 =	vadd.f32 $1.000000000e+00, v9;
	_ =	sdelay $0x1  }
0xbe: {  	(erf) = vrcp.f32 v9;
	_ =	sdelay $0x5  }
.Ltmp2:
0xbf: {  	(pc) =	sbr.rel @p0 .LBB2_8-.Ltmp2, $3  }
0xc0: {  	_ =	sdelay $0x1  }
0xc1: {  	s30 =	sshra.s32 s29, $0x2;
	v10 =	vpop (erf)  }
0xc2: {  	s25 =	smov.u32 s7;
	v9 =	vld [tilespmem:s30+$0x960];
	[tilespmem:s15+$0x81D0] =	vst v10;
	v10 =	vmul.f32 v10, v13  }
0xc3: {  	v11 =	vld [tilespmem:s30+$0x3160]  }
0xc4: {  	s7 =	sadd.s32 $0x40, s17;
	[tilespmem:s15+$0x8190] =	vst v10  }
0xc5: {  	v10 =	vld [tilespmem:s7+$0xFFFFFFE0];
	_ =	sdelay $0x2  }
0xc6: {  	v9 =	vadd.f32 v11, v9;
	_ =	sdelay $0x1  }
0xc7: {  	v9 =	vadd.f32 v10, v9;
	_ =	sdelay $0x1  }
0xc8: {  	v10 =	vsub.f32 $0.0e+00, v9;
	_ =	sdelay $0x1  }
0xc9: {  	v10 =	vmul.f32 $1.442695020e+00, v10;
	_ =	sdelay $0x1  }
0xca: {  	(erf) = vpow2.f32 v10;
	_ =	sdelay $0x8  }
0xcb: {  	v10 =	vpop (erf)  }
0xcc: {  	v10 =	vadd.f32 $1.000000000e+00, v10;
	_ =	sdelay $0x1  }
0xcd: {  	(erf) = vrcp.f32 v10;
	_ =	sdelay $0x4  }
0xce: {  	v10 =	vld [tilespmem:s30+$0x9A0];
	_ =	sdelay $0x2  }
0xcf: {  	s29 =	sadd.s32 $0x40, s16  }
0xd0: {  	[tilespmem:s29+$0xFFFFFFE0] =	vst v9;
	v11 =	vpop (erf)  }
0xd1: {  	v12 =	vld [tilespmem:s30+$0x970];
	v10 =	vmul.f32 v11, v10  }
0xd2: {  	[tilespmem:s30+$0x81A0] =	vst v11;
	v11 =	vld [tilespmem:s30+$0x3170]  }
0xd3: {  	[tilespmem:s30+$0x8160] =	vst v10  }
0xd4: {  	v10 =	vld [tilespmem:s7+$0xFFFFFFF0];
	_ =	sdelay $0x2  }
0xd5: {  	v11 =	vadd.f32 v11, v12;
	_ =	sdelay $0x1  }
0xd6: {  	v10 =	vadd.f32 v10, v11;
	_ =	sdelay $0x1  }
0xd7: {  	v11 =	vsub.f32 $0.0e+00, v10;
	_ =	sdelay $0x1  }
0xd8: {  	v11 =	vmul.f32 $1.442695020e+00, v11;
	_ =	sdelay $0x1  }
0xd9: {  	(erf) = vpow2.f32 v11;
	_ =	sdelay $0x8  }
0xda: {  	v11 =	vpop (erf)  }
0xdb: {  	v11 =	vadd.f32 $1.000000000e+00, v11;
	_ =	sdelay $0x1  }
0xdc: {  	(erf) = vrcp.f32 v11;
	_ =	sdelay $0x4  }
0xdd: {  	v11 =	vld [tilespmem:s30+$0x9B0];
	_ =	sdelay $0x3  }
0xde: {  	[tilespmem:s29+$0xFFFFFFF0] =	vst v10;
	v13 =	vpop (erf)  }
0xdf: {  	v57 =	vld [tilespmem:s30+$0x980];
	v11 =	vmul.f32 v13, v11  }
0xe0: {  	v14 =	vld [tilespmem:s30+$0x3180];
	[tilespmem:s30+$0x81B0] =	vst v13  }
0xe1: {  	[tilespmem:s30+$0x8170] =	vst v11  }
0xe2: {  	v11 =	vld [tilespmem:s7+$0x0];
	_ =	sdelay $0x2  }
0xe3: {  	v12 =	vadd.f32 v14, v57;
	_ =	sdelay $0x1  }
0xe4: {  	v11 =	vadd.f32 v11, v12;
	_ =	sdelay $0x1  }
0xe5: {  	v12 =	vsub.f32 $0.0e+00, v11;
	_ =	sdelay $0x1  }
0xe6: {  	v12 =	vmul.f32 $1.442695020e+00, v12;
	_ =	sdelay $0x1  }
0xe7: {  	(erf) = vpow2.f32 v12;
	_ =	sdelay $0x8  }
0xe8: {  	v12 =	vpop (erf)  }
0xe9: {  	v12 =	vadd.f32 $1.000000000e+00, v12;
	_ =	sdelay $0x1  }
0xea: {  	(erf) = vrcp.f32 v12;
	_ =	sdelay $0x4  }
0xeb: {  	v58 =	vld [tilespmem:s30+$0x9C0];
	_ =	sdelay $0x3  }
0xec: {  	[tilespmem:s29+$0x0] =	vst v11;
	v15 =	vpop (erf)  }
0xed: {  	v59 =	vld [tilespmem:s30+$0x990];
	v12 =	vmul.f32 v15, v58  }
0xee: {  	v60 =	vld [tilespmem:s30+$0x3190];
	[tilespmem:s30+$0x81C0] =	vst v15  }
0xef: {  	[tilespmem:s30+$0x8180] =	vst v12  }
0xf0: {  	v12 =	vld [tilespmem:s7+$0x10];
	_ =	sdelay $0x2  }
0xf1: {  	v13 =	vadd.f32 v60, v59;
	_ =	sdelay $0x1  }
0xf2: {  	v12 =	vadd.f32 v12, v13;
	_ =	sdelay $0x1  }
0xf3: {  	v13 =	vsub.f32 $0.0e+00, v12;
	_ =	sdelay $0x1  }
0xf4: {  	v13 =	vmul.f32 $1.442695020e+00, v13;
	_ =	sdelay $0x1  }
0xf5: {  	(erf) = vpow2.f32 v13;
	_ =	sdelay $0x8  }
0xf6: {  	v13 =	vpop (erf)  }
0xf7: {  	v13 =	vadd.f32 $1.000000000e+00, v13;
	_ =	sdelay $0x1  }
0xf8: {  	(erf) = vrcp.f32 v13;
	_ =	sdelay $0x4  }
0xf9: {  	v16 =	vld [tilespmem:s30+$0x9D0];
	_ =	sdelay $0x3  }
0xfa: {  	v13 =	vpop (erf)  }
0xfb: {  	[tilespmem:s29+$0x10] =	vst v12;
	v61 =	vmul.f32 v13, v16  }
0xfc: {  	[tilespmem:s30+$0x81D0] =	vst v13  }
0xfd: {  	[tilespmem:s30+$0x8190] =	vst v61;
	s30 =	sadd.s32 s8, s13  }
0xfe: {  	[hbm4b:s30+s3] =	stream.linear.scatter [tilespmem:s24], [sflag:$0x1], $0x1400, $0x38;
	[tilespmem:$0x1EDE0] =	vst v63  }
0xff: {  	s28 =	sadd.s32 $0x1, s28;
	_ =	swait.ge [sflag:s19], $0x1400  }
0x100: {  	p0 =	sne.s32 s28, $0xA;
	v62 =	vmul.f32 v9, v9;
	[sflag:s19] =	ssyncset.done $0x0  }
.Ltmp3:
0x101: {  	s1 =	sadd.s32 $0xA0, s1;
	v63 =	vmul.f32 v10, v10;
	[sflag:s19] =	ssyncadd.s32 $0xFFFFEC00;
	(pc) =	sbr.rel @p0 .LBB2_7-.Ltmp3, $4  }
0x102: {  	v5 =	vadd.f32 v9, v5;
	v6 =	vadd.f32 v62, v6;
	v9 =	vmul.f32 v11, v11;
	[spmem:s2] =	stream.indirect.scatter.add.f32 [tilespmem:s26], [sflag:$0x1], $0x80, s1, s20, $0xb8;
	[tilespmem:$0x1EDE0] =	vst v63  }
0x103: {  	v1 =	vadd.f32 v10, v1;
	v2 =	vadd.f32 v63, v2;
	v10 =	vmul.f32 v12, v12;
	_ =	swait.ge [sflag:s19], $0x2800  }
0x104: {  	v3 =	vadd.f32 v11, v3;
	v4 =	vadd.f32 v9, v4;
	[sflag:s19] =	ssyncset.done $0x0  }
0x105: {  	v7 =	vadd.f32 v12, v7;
	v8 =	vadd.f32 v10, v8;
	[sflag:s19] =	ssyncadd.s32 $0xFFFFD800  }
0x106: {  	s31 =	sadd.s32 $0x1, s31  }
0x107: {  	p0 =	sne.s32 s31, $0x19  }
.Ltmp4:
0x108: {  	_ = 	snop;
	(pc) =	sbr.rel @p0 .LBB2_6-.Ltmp4, $1  }
0x109: {  	_ =	sdelay $0x3  }
0x10a: {  	[tilespmem:$0xB160] =	vst v5  }
0x10b: {  	[tilespmem:$0xB1A0] =	vst v6  }
0x10c: {  	[tilespmem:$0xB170] =	vst v1  }
0x10d: {  	[tilespmem:$0xB1B0] =	vst v2  }
0x10e: {  	[tilespmem:$0xB180] =	vst v3  }
0x10f: {  	[tilespmem:$0xB1C0] =	vst v4  }
0x110: {  	[tilespmem:$0xB190] =	vst v7  }
0x111: {  	[tilespmem:$0xB1D0] =	vst v8;
	s0 =	rddreg [dreg:$0x5];
	s1 =	simm.s32 $0xB160  }
0x112: {  	[hbm4b:s0+s3] =	stream.linear.scatter [tilespmem:s1], [sflag:$0x1], $0x80, $0x38;
	[tilespmem:$0x1EDE0] =	vst v63  }
0x113: {  	_ =	swait.ge [sflag:s19], $0x80  }
0x114: {  	[sflag:s19] =	ssyncset.done $0x0  }
0x115: {  	[sflag:s19] =	ssyncadd.s32 $0xFFFFFF80  }
0x116: {  	s28 =	stileid.u32;
	[bflag:$0x0] =	sbarrier.arrive $0xFFFF  }
0x117: {  	s0 =	sshll.u32 s28, $0x6;
	s29 =	rddreg [dreg:$0x6]  }
0x118: {  	s0 =	sor.u32 $0x1C01, s0;
	s7 =	rddreg [dreg:$0x8]  }
0x119: {  	[hbm:s29], [sflag:s0] =	dma.local [spmem:s7], $0x2780  }
0x11a: {  	_ =	swait.ge [sflag:s19], $0x2780  }
0x11b: {  	s30 =	rddreg [dreg:$0x9]  }
0x11c: {  	s31 =	rddreg [dreg:$0x7];
	s1 =	sadd.s32 $0x1, s30  }
0x11d: {  	p0 =	sne.s32 s1, s31  }
.Ltmp5:
0x11e: {  	_ = 	snop;
	(pc) =	sbr.rel @p0 .LBB2_1-.Ltmp5, $3  }
0x11f: {  	_ =	sdelay $0x1  }
0x120: {  	[sflag:s19] =	ssyncset.done $0x0  }
0x121: {  	[sflag:s19] =	ssyncadd.s32 $0xFFFFD880  }
0x122: {  	_ =	sfence.sel $0x180000  }
0x123: {  	[bflag:$0x0] =	sbarrier.arrive $0xFFFF  }
0x124: {  	_ =	strace $0x90000047  }
0x125: {  	s0 =	stileid.u32;
	[bflag:$0x2] =	sbarrier.arrive $0xFFFF  }
0x126: {  	p0 =	sne.s32 s0, $0x0;
	s0 =	rddreg [dreg:$0x2]  }
0x127: {  	s0 =	sadd.s32 @!p0 $0x100000, s0  }
0x128: {  	[sflag:s0] =	ssyncadd.tile.s32 @!p0 $0x1;
	_ =	shalt  }
.Lfunc_end2:
_tile_overlayer_lowered:
.L_overlay_start_2:
0x129: {  	(tag) =	ssettag $0x2  }
0x12a: {  	s0 =	rddreg [dreg:$0x0];
	s2 =	stileid.u32  }
0x12b: {  	s1 =	rddreg [dreg:$0x1];
	p0 =	sne.s32 s2, $0x0  }
0x12c: {  	s3 =	rddreg [dreg:$0x2];
	[bflag:$0x3] =	sbarrier.arrive $0xFFFF;
	s2 =	simm.s32 @!p0 $0x1C01  }
0x12d: {  	[timem:s3], [sflag:s2] =	dma.local @!p0 [hbm:s0], s1  }
0x12e: {  	s0 =	simm.s32 @!p0 $0x1  }
0x12f: {  	_ =	swait.ge @!p0 [sflag:s0], s1  }
0x130: {  	s1 =	ssub.s32 @!p0 $0x0, s1;
	[sflag:s0] =	ssyncset.done @!p0 $0x0  }
0x131: {  	[sflag:s0] =	ssyncadd.s32 @!p0 s1  }
0x132: {  	[bflag:$0x3] =	sbarrier.arrive $0xFFFF  }
0x133: {  	_ =	shalt  }

// kernel: kernel.23.cloned.1.call-start
scs
__scs_entry_jumppad:
0x0: {  	(pc) =	sbr.rel $0x88, $3  }
0x1: {  	(tag) =	ssettag $0x0;
	lr =	simm.s32 $0x1  }
0x2: {  	[smem:$0x3F86] =	sst lr;
	_ =	strace $0xD0000000  }
0x3: {  	_ = 	snop  }
0x4: {  	_ = 	snop  }
0x5: {  	_ = 	snop  }
0x6: {  	_ = 	snop  }
0x7: {  	_ = 	snop  }
__scs_overlays_trampoline_lowered:
0x8: {  	[smem:$0x3F95] =	sst s0  }
0x9: {  	[smem:$0x3F96] =	sst s1  }
0xa: {  	[smem:$0x3F97] =	sst s2  }
0xb: {  	[smem:$0x3F98] =	sst s3  }
0xc: {  	[smem:$0x3F99] =	sst s4  }
0xd: {  	[smem:$0x3F9A] =	sst s5  }
0xe: {  	[smem:$0x3F9B] =	sst s6  }
0xf: {  	[smem:$0x3F9C] =	sst s7  }
0x10: {  	[smem:$0x3F9D] =	sst s8  }
0x11: {  	[smem:$0x3F9E] =	sst s9;
	s0 =	simm.s32 @!p0 $0x0  }
0x12: {  	s1 =	sld [smem:$0x3F84];
	s0 =	simm.s32 @p0 $0x1  }
0x13: {  	[smem:$0x3F9F] =	sst s0;
	s0 =	simm.s32 @!p1 $0x0  }
0x14: {  	s2 =	sld [smem:$0x3F83];
	s0 =	simm.s32 @p1 $0x1  }
0x15: {  	[smem:$0x3FA0] =	sst s0;
	s0 =	simm.s32 @!p2 $0x0  }
0x16: {  	s3 =	sld [smem:$0x3FDB];
	s0 =	simm.s32 @p2 $0x1  }
0x17: {  	s4 =	simm.s32 $0x1BF5;
	[smem:$0x3FA2] =	sst s0  }
0x18: {  	s0 =	sld [smem:$0x3F85];
	_ =	swait.ge [sflag:s4], $0x0  }
0x19: {  	s7 =	sld [smem:$0x3F86]  }
0x1a: {  	s8 =	sadd.s32 $0xFFFFE003, lr  }
0x1b: {  	s9 =	sadd.s32 $0xFFFFFEF7, lr;
	s5 =	simm.s32 $0xFFFFFFFF;
	p2 =	slt.u32 s8, $0xFFFFF086  }
0x1c: {  	p1 =	slt.u32 s9, $0xF7A;
	s5 =	simm.s32 @!p2 $0x0  }
0x1d: {  	s5 =	simm.s32 @p1 $0x1;
	p0 =	seq.s32 s7, s2  }
0x1e: {  	s7 =	smul.u32 @!p0 $0xF7A, s2;
	p2 =	seq.s32 @!p0 s5, $0x0  }
0x1f: {  	s9 =	smul.u32 $0xF7A, s1;
	s8 =	simm.s32 @!p0 $0x1BF5;
	p2 =	por !p2, p0  }
0x20: {  	[sflag:s8] =	ssyncset.s32 @!p0 $0xFFFFF086;
	s6 =	sadd.s32 @!p0 s3, s7;
	s7 =	simm.s32 @!p0 $0x108  }
0x21: {  	s3 =	sadd.s32 s3, s9;
	s6 =	sadd.s32 @!p0 $0x88, s6;
	s7 =	simm.s32 @p2 $0x1082  }
0x22: {  	[simem:s7], [sflag:s8] =	dma.local @!p0 [hbm:s6], $0xF7A  }
0x23: {  	s9 =	sor.u32 $0xD0000000, s2;
	s6 =	simm.s32 $0x108;
	_ =	swait.ge @!p0 [sflag:s8], $0x0  }
0x24: {  	s3 =	sadd.s32 $0x88, s3;
	s6 =	simm.s32 @!p1 $0x1082;
	[sflag:s4] =	ssyncset.s32 $0xFFFFF086  }
0x25: {  	[simem:s6], [sflag:s4] =	dma.local [hbm:s3], $0xF7A  }
0x26: {  	[smem:$0x3F86] =	sst s1;
	(tag) =	ssettag s2;
	_ =	strace s9  }
0x27: {  	s1 =	sld [smem:$0x3F96]  }
0x28: {  	s2 =	sld [smem:$0x3F97]  }
0x29: {  	s4 =	sld [smem:$0x3F99]  }
0x2a: {  	p0 =	seq.s32 s5, $0x0;
	s5 =	sld [smem:$0x3F9A]  }
0x2b: {  	s6 =	sld [smem:$0x3F9B]  }
0x2c: {  	s7 =	sld [smem:$0x3F9C]  }
0x2d: {  	s3 =	simm.s32 $0x108;
	s8 =	sld [smem:$0x3F9D]  }
0x2e: {  	s3 =	simm.s32 @!p0 $0x1082;
	s9 =	sld [smem:$0x3F9E]  }
0x2f: {  	lr =	sadd.s32 s0, s3;
	s0 =	sld [smem:$0x3F95]  }
0x30: {  	s3 =	sld [smem:$0x3F98]  }
0x31: {  	[smem:$0x3FA1] =	sst s10  }
0x32: {  	s10 =	sld [smem:$0x3F9F];
	_ =	sdelay $0x3  }
0x33: {  	p0 =	seq.s32 s10, $0x1;
	s10 =	sld [smem:$0x3FA1];
	_ =	sdelay $0x3  }
0x34: {  	[smem:$0x3FA1] =	sst s10  }
0x35: {  	s10 =	sld [smem:$0x3FA0];
	_ =	sdelay $0x3  }
0x36: {  	p1 =	seq.s32 s10, $0x1;
	s10 =	sld [smem:$0x3FA1];
	_ =	sdelay $0x3  }
0x37: {  	[smem:$0x3FA1] =	sst s10  }
0x38: {  	s10 =	sld [smem:$0x3FA2]  }
0x39: {  	_ = 	snop;
	(pc) =	sbr.ind lr, $3  }
0x3a: {  	_ = 	snop  }
0x3b: {  	_ = 	snop  }
0x3c: {  	p2 =	seq.s32 s10, $0x1;
	s10 =	sld [smem:$0x3FA1]  }
0x3d: {  	_ =	shalt  }
0x3e: {  	_ =	shalt  }
0x3f: {  	_ =	shalt  }
0x40: {  	_ =	shalt  }
0x41: {  	_ =	shalt  }
0x42: {  	_ =	shalt  }
0x43: {  	_ =	shalt  }
0x44: {  	_ =	shalt  }
0x45: {  	_ =	shalt  }
0x46: {  	_ =	shalt  }
0x47: {  	_ =	shalt  }
0x48: {  	_ =	shalt  }
0x49: {  	_ =	shalt  }
0x4a: {  	_ =	shalt  }
0x4b: {  	_ =	shalt  }
0x4c: {  	_ =	shalt  }
0x4d: {  	_ =	shalt  }
0x4e: {  	_ =	shalt  }
0x4f: {  	_ =	shalt  }
0x50: {  	_ =	shalt  }
0x51: {  	_ =	shalt  }
0x52: {  	_ =	shalt  }
0x53: {  	_ =	shalt  }
0x54: {  	_ =	shalt  }
0x55: {  	_ =	shalt  }
0x56: {  	_ =	shalt  }
0x57: {  	_ =	shalt  }
0x58: {  	_ =	shalt  }
0x59: {  	_ =	shalt  }
0x5a: {  	_ =	shalt  }
0x5b: {  	_ =	shalt  }
0x5c: {  	_ =	shalt  }
0x5d: {  	_ =	shalt  }
0x5e: {  	_ =	shalt  }
0x5f: {  	_ =	shalt  }
0x60: {  	_ =	shalt  }
0x61: {  	_ =	shalt  }
0x62: {  	_ =	shalt  }
0x63: {  	_ =	shalt  }
0x64: {  	_ =	shalt  }
0x65: {  	_ =	shalt  }
0x66: {  	_ =	shalt  }
0x67: {  	_ =	shalt  }
0x68: {  	_ =	shalt  }
0x69: {  	_ =	shalt  }
0x6a: {  	_ =	shalt  }
0x6b: {  	_ =	shalt  }
0x6c: {  	_ =	shalt  }
0x6d: {  	_ =	shalt  }
0x6e: {  	_ =	shalt  }
0x6f: {  	_ =	shalt  }
0x70: {  	_ =	shalt  }
0x71: {  	_ =	shalt  }
0x72: {  	_ =	shalt  }
0x73: {  	_ =	shalt  }
0x74: {  	_ =	shalt  }
0x75: {  	_ =	shalt  }
0x76: {  	_ =	shalt  }
0x77: {  	_ =	shalt  }
0x78: {  	_ =	shalt  }
0x79: {  	_ =	shalt  }
0x7a: {  	_ =	shalt  }
0x7b: {  	_ =	shalt  }
0x7c: {  	_ =	shalt  }
0x7d: {  	_ =	shalt  }
0x7e: {  	_ =	shalt  }
0x7f: {  	_ =	shalt  }
0x80: {  	_ =	shalt  }
0x81: {  	_ =	shalt  }
0x82: {  	_ =	shalt  }
0x83: {  	_ =	shalt  }
0x84: {  	_ =	shalt  }
0x85: {  	_ =	shalt  }
0x86: {  	_ =	shalt  }
0x87: {  	_ =	shalt  }
.Lfunc_end0:
.L_simem_size_0:
called_computation.1_lowered:
.L_overlay_start_0:
0x88: {  	s2 =	sld [smem:$0x3FD9]  }
0x89: {  	s3 =	sld [smem:$0x3FFE];
	_ =	sdelay $0x1  }
0x8a: {  	s1 =	srdreg.scid  }
0x8b: {  	s0 =	sand.u32 $0x1, s1  }
0x8c: {  	s16 =	sshll.u32 s0, $0xA;
	s2 =	sadd.s32 s3, s2  }
0x8d: {  	s2 =	sadd.s32 s2, s16  }
0x8e: {  	[smem:$0x3FAD] =	sst s2  }
0x8f: {  	_ = 	snop  }
0x90: {  	(tm) =	ssettm $0x1  }
0x91: {  	s17 =	sld [smem:$0x3FFB];
	_ =	sdelay $0x3  }
0x92: {  	_ =	strace s17  }
0x93: {  	s2 =	sld [smem:$0x3FFC];
	_ =	sdelay $0x3  }
0x94: {  	_ =	strace s2  }
0x95: {  	s2 =	sld [smem:$0x3FFD];
	_ =	sdelay $0x3  }
0x96: {  	_ =	strace s2  }
0x97: {  	_ =	strace $0x8FFFFFFF  }
0x98: {  	s18 =	sld [smem:$0x3FDB];
	_ =	sdelay $0x1  }
0x99: {  	s19 =	simm.s32 $_scs_section_size  }
0x9a: {  	s4 =	simm.s32 $_size__tile_overlayer_lowered;
	s5 =	simm.s32 $_tile_overlayer_lowered  }
0x9b: {  	s22 =	simm.s32 $0x1BFF;
	s21 =	sshll.u32 s5, $0x1;
	s2 =	sadd.s32 s19, s18  }
0x9c: {  	s6 =	simm.s32 $0x0;
	s20 =	sshll.u32 s4, $0x1;
	s4 =	sadd.s32 s21, s2  }
0x9d: {  	[timem:s6], [sflag:s22] =	dma.local [hbm:s4], s20  }
0x9e: {  	_ =	swait.ge [sflag:s22], s20  }
0x9f: {  	s3 =	ssub.s32 $0x0, s20;
	[sflag:s22] =	ssyncset.done $0x0  }
0xa0: {  	[sflag:s22] =	ssyncadd.s32 s3;
	_ =	sdelay $0x1  }
0xa1: {  	s23 =	simm.s32 $0x1B8B  }
0xa2: {  	_ =	swait.ge [sflag:s23], $0x1  }
0xa3: {  	[sflag:s23] =	ssyncset.done $0x0  }
0xa4: {  	s25 =	simm.s32 $0x1B8E;
	s24 =	sld [smem:$0x3FFE];
	[sflag:s23] =	ssyncadd.s32 $0xFFFFFFFF  }
0xa5: {  	s26 =	simm.s32 $execute0_lowered;
	[smem:$0x3FD2] =	sst s25  }
0xa6: {  	s4 =	sshll.u32 s26, $0x1;
	_ =	strace $0x80000049;
	[dreg:$0x1] =	wrdreg $0xFFFFFFFF  }
0xa7: {  	s28 =	simm.s32 $_size_execute0_lowered;
	s2 =	sadd.s32 s2, s4;
	[dreg:$0x0] =	wrdreg $0x0  }
0xa8: {  	s4 =	sshll.u32 s28, $0x1;
	[dreg:$0x2] =	wrdreg s2  }
0xa9: {  	[dreg:$0x3] =	wrdreg s4  }
0xaa: {  	[dreg:$0x4] =	wrdreg $0xC0  }
0xab: {  	_ =	task [dreg:s6], $0x5FFFF  }
0xac: {  	[dreg:$0x1] =	wrdreg $0xFFFFFFFF  }
0xad: {  	[dreg:$0x0] =	wrdreg $0x60  }
0xae: {  	[dreg:$0x2] =	wrdreg s24  }
0xaf: {  	[dreg:$0x3] =	wrdreg $0xB1E00  }
0xb0: {  	[dreg:$0x4] =	wrdreg $0x9  }
0xb1: {  	_ =	task.clear_ibuf [dreg:s6], $0x5FFFF;
	_ =	strace $0x90000049  }
0xb2: {  	s29 =	simm.s32 $0x9;
	_ =	strace $0x8000004B  }
0xb3: {  	_ =	swait.ge [sflag:s29], $0x1  }
0xb4: {  	[sflag:s29] =	ssyncadd.s32 $0xFFFFFFFF  }
0xb5: {  	_ =	strace $0x9000004B  }
0xb6: {  	_ =	sfence  }
0xb7: {  	s30 =	sld [smem:$0x0];
	_ =	sdelay $0x2  }
0xb8: {  	s31 =	sshll.u32 s1, $0xD;
	s1 =	sshrl.u32 s1, $0x2  }
0xb9: {  	s3 =	sand.u32 $0x4000, s31;
	s1 =	sadd.s32 s1, s30  }
0xba: {  	s0 =	sor.u32 s3, s0;
	s1 =	sshll.u32 s1, $0x11  }
0xbb: {  	s0 =	sor.u32 s1, s0  }
0xbc: {  	s0 =	sadd.s32 $0x8F2B, s0  }
0xbd: {  	[sflag:s0] =	ssyncadd.remote.s32 $0x1  }
0xbe: {  	_ =	sfence.sel $0xFFFF  }
0xbf: {  	[dreg:$0x0] =	wrdreg $0xFFFFFFFF;
	(pc) =	sbr.abs _section_cstart, $3  }
0xc0: {  	[dreg:$0x1] =	wrdreg $0xFFFFFFFF  }
0xc1: {  	_ =	task.clear_ibuf [dreg:s6], $0x2FFFF;
	_ =	strace $0x9FFFFFFF  }
0xc2: {  	(tm) =	ssettm $0x7FFFFFFF  }
0xc3: {  	_ =	shalt  }
tec
execute0_lowered:
.L_overlay_start_1:
0x0: {  	(tag) =	ssettag $0x1  }
0x1: {  	s0 =	rddreg [dreg:$0x0];
	s1 =	srdreg.scid  }
0x2: {  	s2 =	rddreg [dreg:$0x1];
	s14 =	stileid.u32;
	s3 =	simm.s32 $0x0  }
0x3: {  	s18 =	simm.s32 $0xA960;
	s19 =	simm.s32 $0x1;
	s20 =	simm.s32 $0x50  }
0x4: {  	s21 =	simm.s32 $0x960;
	s22 =	simm.s32 $0x3160;
	s23 =	simm.s32 $0x5960  }
0x5: {  	s24 =	simm.s32 $0x6D60;
	s1 =	sand.u32 $0x1, s1;
	s7 =	smul.u32 $0x13C00, s14  }
0x6: {  	[smem:$0x7FF] =	sst s3;
	s4 =	sadd.s32 $0xD7A00, s0;
	s6 =	sadd.s32 $0xA4D800, s0  }
0x7: {  	s25 =	sadd.s32 $0x25C00, s0;
	s26 =	sshll.u32 s14, $0x4;
	s11 =	smul.u32 $0x4F000, s14  }
0x8: {  	s5 =	smul.u32 $0x13C000, s1;
	_ =	strace $0x8000004A;
	s10 =	ssub.s32 $0x2, s1  }
0x9: {  	[dreg:$0x3] =	wrdreg s25;
	s16 =	sshll.u32 s1, $0x8;
	s12 =	sshrl.u32 s10, $0x1  }
0xa: {  	s11 =	sshrl.u32 s11, $0x2;
	s30 =	sadd.s32 s7, s2;
	s8 =	sadd.s32 s7, s5  }
0xb: {  	s5 =	sadd.s32 $0x89800, s0;
	s15 =	ssub.s32 s10, s12;
	s10 =	smul.u32 $0xFA, s14  }
0xc: {  	s11 =	sadd.s32 s11, s2;
	s12 =	smul.u32 $0xEAF60, s1;
	s9 =	sshrl.u32 s8, $0x3  }
0xd: {  	s8 =	sadd.s32 $0x14CE00, s0;
	s28 =	sadd.s32 $0x13800, s11;
	s31 =	smax.u32 s15, $0x1  }
0xe: {  	s13 =	sadd.s32 s9, s0;
	s0 =	sadd.s32 s26, s0;
	[dreg:$0x4] =	wrdreg s28  }
0xf: {  	[dreg:$0x7] =	wrdreg s31;
	s0 =	sadd.s32 s16, s0;
	s29 =	sadd.s32 $0x62EE00, s13  }
0x10: {  	s9 =	smul.u32 $0x4E20, s14;
	s0 =	sadd.s32 $0x1CC00, s0;
	[dreg:$0x6] =	wrdreg s29  }
0x11: {  	s14 =	smul.u32 $0x1388000, s1;
	[dreg:$0x5] =	wrdreg s0;
	s0 =	sshrl.u32 s30, $0x3  }
0x12: {  	v0 =	vimm.f32 $0.0e+00;
	s26 =	simm.s32 $0x8160;
	s1 =	simm.s32 $0x0;
	[dreg:$0x8] =	wrdreg s0  }
.LBB2_1:
0x13: {  	[dreg:$0x9] =	wrdreg s1;
	s0 =	simm.s32 $0x0;
	s1 =	simm.s32 $0x200  }
.LBB2_2:
0x14: {  	p0 =	sne.s32 s1, $0x1E00;
	[tilespmem:s0+$0xA9D0] =	vst v0  }
0x15: {  	[tilespmem:s0+$0xA960] =	vst v0  }
0x16: {  	[tilespmem:s0+$0xA970] =	vst v0  }
.Ltmp0:
0x17: {  	[tilespmem:s0+$0xA980] =	vst v0;
	(pc) =	sbr.rel @p0 .LBB2_2-.Ltmp0, $4  }
0x18: {  	[tilespmem:s0+$0xA990] =	vst v0  }
0x19: {  	[tilespmem:s0+$0xA9A0] =	vst v0  }
0x1a: {  	[tilespmem:s0+$0xA9B0] =	vst v0  }
0x1b: {  	[tilespmem:s0+$0xA9C0] =	vst v0;
	s0 =	sshra.s32 s1, $0x2;
	s1 =	sadd.s32 $0x200, s1  }
0x1c: {  	[tilespmem:s0+$0xA9D0] =	vst v0  }
0x1d: {  	[tilespmem:s0+$0xA960] =	vst v0  }
0x1e: {  	[tilespmem:s0+$0xA970] =	vst v0  }
0x1f: {  	[tilespmem:s0+$0xA980] =	vst v0  }
0x20: {  	[tilespmem:s0+$0xA990] =	vst v0  }
0x21: {  	[tilespmem:s0+$0xA9A0] =	vst v0  }
0x22: {  	[tilespmem:s0+$0xA9B0] =	vst v0  }
0x23: {  	[tilespmem:s0+$0xA9C0] =	vst v0;
	s31 =	sadd.s32 $0x0, s11  }
0x24: {  	[spmem:s31] =	stream.linear.scatter [tilespmem:s18], [sflag:$0x1], $0x800, $0x38;
	[tilespmem:$0x1EDE0] =	vst v63  }
0x25: {  	s0 =	simm.s32 $0x2000;
	_ =	swait.ge [sflag:s19], $0x800  }
.LBB2_4:
0x26: {  	s1 =	sshra.s32 s0, $0x2;
	[sflag:s19] =	ssyncset.done $0x0;
	p0 =	sne.s32 s0, $0x4C000  }
.Ltmp1:
0x27: {  	s1 =	sadd.s32 s1, s11;
	[sflag:s19] =	ssyncadd.s32 $0xFFFFF800;
	(pc) =	sbr.rel @p0 .LBB2_4-.Ltmp1, $3  }
0x28: {  	[spmem:s1] =	stream.linear.scatter [tilespmem:s18], [sflag:$0x1], $0x800, $0x38;
	[tilespmem:$0x1EDE0] =	vst v63  }
0x29: {  	s0 =	sadd.s32 $0x2000, s0;
	_ =	sdelay $0x1  }
0x2a: {  	_ =	swait.ge [sflag:s19], $0x800  }
0x2b: {  	[sflag:s19] =	ssyncset.done $0x0  }
0x2c: {  	s0 =	rddreg [dreg:$0x4];
	[sflag:s19] =	ssyncadd.s32 $0xFFFFF800  }
0x2d: {  	[spmem:s0] =	stream.linear.scatter [tilespmem:s18], [sflag:$0x1], $0x400, $0x38;
	[tilespmem:$0x1EDE0] =	vst v63  }
0x2e: {  	_ =	swait.ge [sflag:s19], $0x400  }
0x2f: {  	v8 =	vimm.f32 $0.0e+00;
	v4 =	vimm.f32 $0.0e+00;
	[sflag:s19] =	ssyncset.done $0x0  }
0x30: {  	v2 =	vimm.f32 $0.0e+00;
	v6 =	vimm.f32 $0.0e+00;
	v7 =	vimm.f32 $0.0e+00;
	[sflag:s19] =	ssyncadd.s32 $0xFFFFFC00  }
0x31: {  	v3 =	vimm.f32 $0.0e+00;
	v1 =	vimm.f32 $0.0e+00;
	v5 =	vimm.f32 $0.0e+00;
	s31 =	simm.s32 $0x0;
	[bflag:$0x0] =	sbarrier.arrive $0xFFFF  }
.LBB2_6:
0x32: {  	s0 =	smul.u32 $0xA, s31;
	_ =	sdelay $0x1  }
0x33: {  	s1 =	sadd.s32 s10, s0  }
0x34: {  	s1 =	smul.u32 $0xF0, s1;
	_ =	sdelay $0x1  }
0x35: {  	s1 =	sadd.s32 s12, s1  }
0x36: {  	s7 =	rddreg [dreg:$0x3];
	s1 =	sshrl.u32 s1, $0x3  }
0x37: {  	s30 =	simm.s32 $0x0;
	s1 =	sadd.s32 s7, s1  }
0x38: {  	[tilespmem:s30], [sflag:$0x1] =	stream.linear.gather [hbm4b:s1+s30], $0x960, $0x38;
	[tilespmem:$0x1EDE0] =	vst v63  }
0x39: {  	_ =	swait.ge [sflag:s19], $0x960  }
0x3a: {  	[sflag:s19] =	ssyncset.done $0x0  }
0x3b: {  	s28 =	simm.s32 $0x0;
	[sflag:s19] =	ssyncadd.s32 $0xFFFFF6A0  }
.LBB2_7:
0x3c: {  	s1 =	smul.u32 $0x3C0, s28  }
0x3d: {  	s7 =	sadd.s32 s0, s28  }
0x3e: {  	s7 =	smul.u32 $0x50, s7;
	s1 =	sshra.s32 s1, $0x2  }
0x3f: {  	[tilespmem:s21], [sflag:$0x1] =	stream.indirect.gather [hbm4b:s4+s20], $0x80, s1, s20, $0xb8;
	[tilespmem:$0x1EDE0] =	vst v63  }
0x40: {  	_ =	swait.ge [sflag:s19], $0x2800  }
0x41: {  	s7 =	sadd.s32 s9, s7;
	[sflag:s19] =	ssyncset.done $0x0  }
0x42: {  	s13 =	sadd.s32 $0x50, s1;
	s7 =	sshll.u32 s7, $0x6;
	[sflag:s19] =	ssyncadd.s32 $0xFFFFD800  }
0x43: {  	[tilespmem:s22], [sflag:$0x1] =	stream.indirect.gather [hbm4b:s5+s20], $0x80, s13, s20, $0xb8;
	[tilespmem:$0x1EDE0] =	vst v63  }
0x44: {  	s7 =	sadd.s32 s14, s7;
	_ =	swait.ge [sflag:s19], $0x2800  }
0x45: {  	s13 =	sshrl.u32 s7, $0x3;
	[sflag:s19] =	ssyncset.done $0x0  }
0x46: {  	s15 =	simm.s32 $0x0;
	s7 =	sadd.s32 s6, s13;
	[sflag:s19] =	ssyncadd.s32 $0xFFFFD800  }
0x47: {  	[tilespmem:s23], [sflag:$0x1] =	stream.linear.gather [hbm4b:s7+s15], $0x1400, $0x38;
	[tilespmem:$0x1EDE0] =	vst v63  }
0x48: {  	_ =	swait.ge [sflag:s19], $0x1400  }
0x49: {  	[sflag:s19] =	ssyncset.done $0x0  }
0x4a: {  	s15 =	simm.s32 $0x0;
	[sflag:s19] =	ssyncadd.s32 $0xFFFFEC00  }
0x4b: {  	v9 =	vld [tilespmem:s15+$0x960]  }
0x4c: {  	v10 =	vld [tilespmem:s15+$0x3160]  }
0x4d: {  	s17 =	simm.s32 $0x5980  }
0x4e: {  	v11 =	vld [tilespmem:s17+$0xFFFFFFE0];
	_ =	sdelay $0x2  }
0x4f: {  	v9 =	vadd.f32 v10, v9;
	_ =	sdelay $0x1  }
0x50: {  	v9 =	vadd.f32 v11, v9;
	_ =	sdelay $0x1  }
0x51: {  	v10 =	vsub.f32 $0.0e+00, v9;
	_ =	sdelay $0x1  }
0x52: {  	v10 =	vmul.f32 $1.442695020e+00, v10;
	_ =	sdelay $0x1  }
0x53: {  	(erf) = vpow2.f32 v10;
	_ =	sdelay $0x8  }
0x54: {  	v10 =	vpop (erf)  }
0x55: {  	v10 =	vadd.f32 $1.000000000e+00, v10;
	_ =	sdelay $0x1  }
0x56: {  	(erf) = vrcp.f32 v10;
	_ =	sdelay $0x4  }
0x57: {  	v10 =	vld [tilespmem:s15+$0x9A0];
	_ =	sdelay $0x2  }
0x58: {  	s16 =	simm.s32 $0x6D80  }
0x59: {  	[tilespmem:s16+$0xFFFFFFE0] =	vst v9;
	v11 =	vpop (erf)  }
0x5a: {  	v12 =	vld [tilespmem:s15+$0x970];
	v10 =	vmul.f32 v11, v10  }
0x5b: {  	[tilespmem:s15+$0x81A0] =	vst v11;
	v11 =	vld [tilespmem:s15+$0x3170]  }
0x5c: {  	[tilespmem:s15+$0x8160] =	vst v10  }
0x5d: {  	v10 =	vld [tilespmem:s17+$0xFFFFFFF0];
	_ =	sdelay $0x2  }
0x5e: {  	v11 =	vadd.f32 v11, v12;
	_ =	sdelay $0x1  }
0x5f: {  	v10 =	vadd.f32 v10, v11;
	_ =	sdelay $0x1  }
0x60: {  	v11 =	vsub.f32 $0.0e+00, v10;
	_ =	sdelay $0x1  }
0x61: {  	v11 =	vmul.f32 $1.442695020e+00, v11;
	_ =	sdelay $0x1  }
0x62: {  	(erf) = vpow2.f32 v11;
	_ =	sdelay $0x8  }
0x63: {  	v11 =	vpop (erf)  }
0x64: {  	v11 =	vadd.f32 $1.000000000e+00, v11;
	_ =	sdelay $0x1  }
0x65: {  	(erf) = vrcp.f32 v11;
	_ =	sdelay $0x4  }
0x66: {  	v11 =	vld [tilespmem:s15+$0x9B0];
	_ =	sdelay $0x3  }
0x67: {  	[tilespmem:s16+$0xFFFFFFF0] =	vst v10;
	v13 =	vpop (erf)  }
0x68: {  	v58 =	vld [tilespmem:s15+$0x980];
	v11 =	vmul.f32 v13, v11  }
0x69: {  	v14 =	vld [tilespmem:s15+$0x3180];
	[tilespmem:s15+$0x81B0] =	vst v13  }
0x6a: {  	[tilespmem:s15+$0x8170] =	vst v11  }
0x6b: {  	v11 =	vld [tilespmem:s17+$0x0];
	_ =	sdelay $0x2  }
0x6c: {  	v12 =	vadd.f32 v14, v58;
	_ =	sdelay $0x1  }
0x6d: {  	v11 =	vadd.f32 v11, v12;
	_ =	sdelay $0x1  }
0x6e: {  	v12 =	vsub.f32 $0.0e+00, v11;
	_ =	sdelay $0x1  }
0x6f: {  	v12 =	vmul.f32 $1.442695020e+00, v12;
	_ =	sdelay $0x1  }
0x70: {  	(erf) = vpow2.f32 v12;
	_ =	sdelay $0x8  }
0x71: {  	v12 =	vpop (erf)  }
0x72: {  	v12 =	vadd.f32 $1.000000000e+00, v12;
	_ =	sdelay $0x1  }
0x73: {  	(erf) = vrcp.f32 v12;
	_ =	sdelay $0x4  }
0x74: {  	v59 =	vld [tilespmem:s15+$0x9C0];
	_ =	sdelay $0x3  }
0x75: {  	[tilespmem:s16+$0x0] =	vst v11;
	v15 =	vpop (erf)  }
0x76: {  	v60 =	vld [tilespmem:s15+$0x990];
	v12 =	vmul.f32 v15, v59  }
0x77: {  	v61 =	vld [tilespmem:s15+$0x3190];
	[tilespmem:s15+$0x81C0] =	vst v15  }
0x78: {  	[tilespmem:s15+$0x8180] =	vst v12  }
0x79: {  	v12 =	vld [tilespmem:s17+$0x10];
	_ =	sdelay $0x2  }
0x7a: {  	v13 =	vadd.f32 v61, v60;
	_ =	sdelay $0x1  }
0x7b: {  	v12 =	vadd.f32 v12, v13;
	_ =	sdelay $0x1  }
0x7c: {  	v13 =	vsub.f32 $0.0e+00, v12;
	_ =	sdelay $0x1  }
0x7d: {  	v13 =	vmul.f32 $1.442695020e+00, v13;
	_ =	sdelay $0x1  }
0x7e: {  	(erf) = vpow2.f32 v13;
	_ =	sdelay $0x8  }
0x7f: {  	v13 =	vpop (erf)  }
0x80: {  	v13 =	vadd.f32 $1.000000000e+00, v13;
	_ =	sdelay $0x1  }
0x81: {  	(erf) = vrcp.f32 v13;
	_ =	sdelay $0x4  }
0x82: {  	v62 =	vmul.f32 v9, v9;
	v16 =	vld [tilespmem:s15+$0x9D0]  }
0x83: {  	v63 =	vmul.f32 v10, v10  }
0x84: {  	v5 =	vadd.f32 v9, v5;
	v6 =	vadd.f32 v62, v6;
	v9 =	vmul.f32 v11, v11  }
0x85: {  	v1 =	vadd.f32 v10, v1;
	v2 =	vadd.f32 v63, v2;
	v10 =	vmul.f32 v12, v12  }
0x86: {  	s30 =	simm.s32 $0x80;
	v3 =	vadd.f32 v11, v3;
	v4 =	vadd.f32 v9, v4;
	[tilespmem:s16+$0x10] =	vst v12;
	v11 =	vpop (erf)  }
0x87: {  	s25 =	simm.s32 $0x400;
	v7 =	vadd.f32 v12, v7;
	v9 =	vld [tilespmem:s30+$0x960];
	v8 =	vadd.f32 v10, v8;
	[tilespmem:s15+$0x81D0] =	vst v11;
	v10 =	vmul.f32 v11, v16  }
.LBB2_8:
0x88: {  	s16 =	sadd.s32 $0x40, s16  }
0x89: {  	v11 =	vld [tilespmem:s30+$0x3160];
	s17 =	sadd.s32 $0x40, s17;
	s29 =	smov.u32 s25;
	s7 =	sadd.s32 $0x200, s25  }
0x8a: {  	p0 =	sne.s32 s25, $0x9E00;
	[tilespmem:s15+$0x8190] =	vst v10;
	s15 =	smov.u32 s30  }
0x8b: {  	v10 =	vld [tilespmem:s17+$0xFFFFFFE0];
	_ =	sdelay $0x2  }
0x8c: {  	v9 =	vadd.f32 v11, v9;
	_ =	sdelay $0x1  }
0x8d: {  	v9 =	vadd.f32 v10, v9;
	_ =	sdelay $0x1  }
0x8e: {  	v5 =	vadd.f32 v9, v5;
	v10 =	vmul.f32 v9, v9;
	v11 =	vsub.f32 $0.0e+00, v9;
	_ =	sdelay $0x1  }
0x8f: {  	v6 =	vadd.f32 v10, v6;
	v10 =	vmul.f32 $1.442695020e+00, v11;
	_ =	sdelay $0x1  }
0x90: {  	(erf) = vpow2.f32 v10;
	_ =	sdelay $0x8  }
0x91: {  	v10 =	vpop (erf)  }
0x92: {  	v10 =	vadd.f32 $1.000000000e+00, v10;
	_ =	sdelay $0x1  }
0x93: {  	(erf) = vrcp.f32 v10;
	_ =	sdelay $0x4  }
0x94: {  	v10 =	vld [tilespmem:s15+$0x9A0];
	_ =	sdelay $0x3  }
0x95: {  	[tilespmem:s16+$0xFFFFFFE0] =	vst v9;
	v9 =	vpop (erf)  }
0x96: {  	v10 =	vmul.f32 v9, v10;
	v11 =	vld [tilespmem:s15+$0x970]  }
0x97: {  	[tilespmem:s15+$0x81A0] =	vst v9;
	v9 =	vld [tilespmem:s15+$0x3170]  }
0x98: {  	[tilespmem:s15+$0x8160] =	vst v10  }
0x99: {  	v10 =	vld [tilespmem:s17+$0xFFFFFFF0];
	_ =	sdelay $0x2  }
0x9a: {  	v9 =	vadd.f32 v9, v11;
	_ =	sdelay $0x1  }
0x9b: {  	v9 =	vadd.f32 v10, v9  }
0x9c: {  	v10 =	vld [tilespmem:s15+$0x9B0]  }
0x9d: {  	[tilespmem:s16+$0xFFFFFFF0] =	vst v9;
	v1 =	vadd.f32 v9, v1;
	v11 =	vmul.f32 v9, v9;
	v9 =	vsub.f32 $0.0e+00, v9  }
0x9e: {  	v12 =	vld [tilespmem:s15+$0x980]  }
0x9f: {  	v2 =	vadd.f32 v11, v2;
	v9 =	vmul.f32 $1.442695020e+00, v9;
	v11 =	vld [tilespmem:s15+$0x3180];
	_ =	sdelay $0x1  }
0xa0: {  	(erf) = vpow2.f32 v9;
	_ =	sdelay $0x2  }
0xa1: {  	v9 =	vadd.f32 v11, v12;
	_ =	sdelay $0x5  }
0xa2: {  	v11 =	vpop (erf)  }
0xa3: {  	v11 =	vadd.f32 $1.000000000e+00, v11;
	_ =	sdelay $0x1  }
0xa4: {  	(erf) = vrcp.f32 v11;
	_ =	sdelay $0x8  }
0xa5: {  	v11 =	vpop (erf)  }
0xa6: {  	[tilespmem:s15+$0x81B0] =	vst v11;
	v10 =	vmul.f32 v11, v10;
	_ =	sdelay $0x1  }
0xa7: {  	[tilespmem:s15+$0x8170] =	vst v10  }
0xa8: {  	v10 =	vld [tilespmem:s17+$0x0];
	_ =	sdelay $0x4  }
0xa9: {  	v9 =	vadd.f32 v10, v9  }
0xaa: {  	v10 =	vld [tilespmem:s15+$0x9C0]  }
0xab: {  	[tilespmem:s16+$0x0] =	vst v9;
	v3 =	vadd.f32 v9, v3;
	v11 =	vmul.f32 v9, v9;
	v9 =	vsub.f32 $0.0e+00, v9  }
0xac: {  	v12 =	vld [tilespmem:s15+$0x990]  }
0xad: {  	v4 =	vadd.f32 v11, v4;
	v9 =	vmul.f32 $1.442695020e+00, v9;
	v11 =	vld [tilespmem:s15+$0x3190]  }
0xae: {  	v13 =	vld [tilespmem:s15+$0x9D0]  }
0xaf: {  	(erf) = vpow2.f32 v9;
	_ =	sdelay $0x2  }
0xb0: {  	v9 =	vadd.f32 v11, v12;
	_ =	sdelay $0x5  }
0xb1: {  	v11 =	vpop (erf)  }
0xb2: {  	v11 =	vadd.f32 $1.000000000e+00, v11;
	_ =	sdelay $0x1  }
0xb3: {  	(erf) = vrcp.f32 v11;
	_ =	sdelay $0x8  }
0xb4: {  	v11 =	vpop (erf)  }
0xb5: {  	[tilespmem:s15+$0x81C0] =	vst v11;
	v10 =	vmul.f32 v11, v10;
	_ =	sdelay $0x1  }
0xb6: {  	[tilespmem:s15+$0x8180] =	vst v10  }
0xb7: {  	v10 =	vld [tilespmem:s17+$0x10];
	_ =	sdelay $0x4  }
0xb8: {  	v9 =	vadd.f32 v10, v9;
	_ =	sdelay $0x1  }
0xb9: {  	[tilespmem:s16+$0x10] =	vst v9;
	v7 =	vadd.f32 v9, v7;
	v10 =	vmul.f32 v9, v9;
	v9 =	vsub.f32 $0.0e+00, v9;
	_ =	sdelay $0x1  }
0xba: {  	v8 =	vadd.f32 v10, v8;
	v9 =	vmul.f32 $1.442695020e+00, v9;
	_ =	sdelay $0x1  }
0xbb: {  	(erf) = vpow2.f32 v9;
	_ =	sdelay $0x8  }
0xbc: {  	v9 =	vpop (erf)  }
0xbd: {  	v9 =	vadd.f32 $1.000000000e+00, v9;
	_ =	sdelay $0x1  }
0xbe: {  	(erf) = vrcp.f32 v9;
	_ =	sdelay $0x5  }
.Ltmp2:
0xbf: {  	(pc) =	sbr.rel @p0 .LBB2_8-.Ltmp2, $3  }
0xc0: {  	_ =	sdelay $0x1  }
0xc1: {  	s30 =	sshra.s32 s29, $0x2;
	v10 =	vpop (erf)  }
0xc2: {  	s25 =	smov.u32 s7;
	v9 =	vld [tilespmem:s30+$0x960];
	[tilespmem:s15+$0x81D0] =	vst v10;
	v10 =	vmul.f32 v10, v13  }
0xc3: {  	v11 =	vld [tilespmem:s30+$0x3160]  }
0xc4: {  	s7 =	sadd.s32 $0x40, s17;
	[tilespmem:s15+$0x8190] =	vst v10  }
0xc5: {  	v10 =	vld [tilespmem:s7+$0xFFFFFFE0];
	_ =	sdelay $0x2  }
0xc6: {  	v9 =	vadd.f32 v11, v9;
	_ =	sdelay $0x1  }
0xc7: {  	v9 =	vadd.f32 v10, v9;
	_ =	sdelay $0x1  }
0xc8: {  	v10 =	vsub.f32 $0.0e+00, v9;
	_ =	sdelay $0x1  }
0xc9: {  	v10 =	vmul.f32 $1.442695020e+00, v10;
	_ =	sdelay $0x1  }
0xca: {  	(erf) = vpow2.f32 v10;
	_ =	sdelay $0x8  }
0xcb: {  	v10 =	vpop (erf)  }
0xcc: {  	v10 =	vadd.f32 $1.000000000e+00, v10;
	_ =	sdelay $0x1  }
0xcd: {  	(erf) = vrcp.f32 v10;
	_ =	sdelay $0x4  }
0xce: {  	v10 =	vld [tilespmem:s30+$0x9A0];
	_ =	sdelay $0x2  }
0xcf: {  	s29 =	sadd.s32 $0x40, s16  }
0xd0: {  	[tilespmem:s29+$0xFFFFFFE0] =	vst v9;
	v11 =	vpop (erf)  }
0xd1: {  	v12 =	vld [tilespmem:s30+$0x970];
	v10 =	vmul.f32 v11, v10  }
0xd2: {  	[tilespmem:s30+$0x81A0] =	vst v11;
	v11 =	vld [tilespmem:s30+$0x3170]  }
0xd3: {  	[tilespmem:s30+$0x8160] =	vst v10  }
0xd4: {  	v10 =	vld [tilespmem:s7+$0xFFFFFFF0];
	_ =	sdelay $0x2  }
0xd5: {  	v11 =	vadd.f32 v11, v12;
	_ =	sdelay $0x1  }
0xd6: {  	v10 =	vadd.f32 v10, v11;
	_ =	sdelay $0x1  }
0xd7: {  	v11 =	vsub.f32 $0.0e+00, v10;
	_ =	sdelay $0x1  }
0xd8: {  	v11 =	vmul.f32 $1.442695020e+00, v11;
	_ =	sdelay $0x1  }
0xd9: {  	(erf) = vpow2.f32 v11;
	_ =	sdelay $0x8  }
0xda: {  	v11 =	vpop (erf)  }
0xdb: {  	v11 =	vadd.f32 $1.000000000e+00, v11;
	_ =	sdelay $0x1  }
0xdc: {  	(erf) = vrcp.f32 v11;
	_ =	sdelay $0x4  }
0xdd: {  	v11 =	vld [tilespmem:s30+$0x9B0];
	_ =	sdelay $0x3  }
0xde: {  	[tilespmem:s29+$0xFFFFFFF0] =	vst v10;
	v13 =	vpop (erf)  }
0xdf: {  	v57 =	vld [tilespmem:s30+$0x980];
	v11 =	vmul.f32 v13, v11  }
0xe0: {  	v14 =	vld [tilespmem:s30+$0x3180];
	[tilespmem:s30+$0x81B0] =	vst v13  }
0xe1: {  	[tilespmem:s30+$0x8170] =	vst v11  }
0xe2: {  	v11 =	vld [tilespmem:s7+$0x0];
	_ =	sdelay $0x2  }
0xe3: {  	v12 =	vadd.f32 v14, v57;
	_ =	sdelay $0x1  }
0xe4: {  	v11 =	vadd.f32 v11, v12;
	_ =	sdelay $0x1  }
0xe5: {  	v12 =	vsub.f32 $0.0e+00, v11;
	_ =	sdelay $0x1  }
0xe6: {  	v12 =	vmul.f32 $1.442695020e+00, v12;
	_ =	sdelay $0x1  }
0xe7: {  	(erf) = vpow2.f32 v12;
	_ =	sdelay $0x8  }
0xe8: {  	v12 =	vpop (erf)  }
0xe9: {  	v12 =	vadd.f32 $1.000000000e+00, v12;
	_ =	sdelay $0x1  }
0xea: {  	(erf) = vrcp.f32 v12;
	_ =	sdelay $0x4  }
0xeb: {  	v58 =	vld [tilespmem:s30+$0x9C0];
	_ =	sdelay $0x3  }
0xec: {  	[tilespmem:s29+$0x0] =	vst v11;
	v15 =	vpop (erf)  }
0xed: {  	v59 =	vld [tilespmem:s30+$0x990];
	v12 =	vmul.f32 v15, v58  }
0xee: {  	v60 =	vld [tilespmem:s30+$0x3190];
	[tilespmem:s30+$0x81C0] =	vst v15  }
0xef: {  	[tilespmem:s30+$0x8180] =	vst v12  }
0xf0: {  	v12 =	vld [tilespmem:s7+$0x10];
	_ =	sdelay $0x2  }
0xf1: {  	v13 =	vadd.f32 v60, v59;
	_ =	sdelay $0x1  }
0xf2: {  	v12 =	vadd.f32 v12, v13;
	_ =	sdelay $0x1  }
0xf3: {  	v13 =	vsub.f32 $0.0e+00, v12;
	_ =	sdelay $0x1  }
0xf4: {  	v13 =	vmul.f32 $1.442695020e+00, v13;
	_ =	sdelay $0x1  }
0xf5: {  	(erf) = vpow2.f32 v13;
	_ =	sdelay $0x8  }
0xf6: {  	v13 =	vpop (erf)  }
0xf7: {  	v13 =	vadd.f32 $1.000000000e+00, v13;
	_ =	sdelay $0x1  }
0xf8: {  	(erf) = vrcp.f32 v13;
	_ =	sdelay $0x4  }
0xf9: {  	v16 =	vld [tilespmem:s30+$0x9D0];
	_ =	sdelay $0x3  }
0xfa: {  	v13 =	vpop (erf)  }
0xfb: {  	[tilespmem:s29+$0x10] =	vst v12;
	v61 =	vmul.f32 v13, v16  }
0xfc: {  	[tilespmem:s30+$0x81D0] =	vst v13  }
0xfd: {  	[tilespmem:s30+$0x8190] =	vst v61;
	s30 =	sadd.s32 s8, s13  }
0xfe: {  	[hbm4b:s30+s3] =	stream.linear.scatter [tilespmem:s24], [sflag:$0x1], $0x1400, $0x38;
	[tilespmem:$0x1EDE0] =	vst v63  }
0xff: {  	s28 =	sadd.s32 $0x1, s28;
	_ =	swait.ge [sflag:s19], $0x1400  }
0x100: {  	p0 =	sne.s32 s28, $0xA;
	v62 =	vmul.f32 v9, v9;
	[sflag:s19] =	ssyncset.done $0x0  }
.Ltmp3:
0x101: {  	s1 =	sadd.s32 $0xA0, s1;
	v63 =	vmul.f32 v10, v10;
	[sflag:s19] =	ssyncadd.s32 $0xFFFFEC00;
	(pc) =	sbr.rel @p0 .LBB2_7-.Ltmp3, $4  }
0x102: {  	v5 =	vadd.f32 v9, v5;
	v6 =	vadd.f32 v62, v6;
	v9 =	vmul.f32 v11, v11;
	[spmem:s2] =	stream.indirect.scatter.add.f32 [tilespmem:s26], [sflag:$0x1], $0x80, s1, s20, $0xb8;
	[tilespmem:$0x1EDE0] =	vst v63  }
0x103: {  	v1 =	vadd.f32 v10, v1;
	v2 =	vadd.f32 v63, v2;
	v10 =	vmul.f32 v12, v12;
	_ =	swait.ge [sflag:s19], $0x2800  }
0x104: {  	v3 =	vadd.f32 v11, v3;
	v4 =	vadd.f32 v9, v4;
	[sflag:s19] =	ssyncset.done $0x0  }
0x105: {  	v7 =	vadd.f32 v12, v7;
	v8 =	vadd.f32 v10, v8;
	[sflag:s19] =	ssyncadd.s32 $0xFFFFD800  }
0x106: {  	s31 =	sadd.s32 $0x1, s31  }
0x107: {  	p0 =	sne.s32 s31, $0x19  }
.Ltmp4:
0x108: {  	_ = 	snop;
	(pc) =	sbr.rel @p0 .LBB2_6-.Ltmp4, $1  }
0x109: {  	_ =	sdelay $0x3  }
0x10a: {  	[tilespmem:$0xB160] =	vst v5  }
0x10b: {  	[tilespmem:$0xB1A0] =	vst v6  }
0x10c: {  	[tilespmem:$0xB170] =	vst v1  }
0x10d: {  	[tilespmem:$0xB1B0] =	vst v2  }
0x10e: {  	[tilespmem:$0xB180] =	vst v3  }
0x10f: {  	[tilespmem:$0xB1C0] =	vst v4  }
0x110: {  	[tilespmem:$0xB190] =	vst v7  }
0x111: {  	[tilespmem:$0xB1D0] =	vst v8;
	s0 =	rddreg [dreg:$0x5];
	s1 =	simm.s32 $0xB160  }
0x112: {  	[hbm4b:s0+s3] =	stream.linear.scatter [tilespmem:s1], [sflag:$0x1], $0x80, $0x38;
	[tilespmem:$0x1EDE0] =	vst v63  }
0x113: {  	_ =	swait.ge [sflag:s19], $0x80  }
0x114: {  	[sflag:s19] =	ssyncset.done $0x0  }
0x115: {  	[sflag:s19] =	ssyncadd.s32 $0xFFFFFF80  }
0x116: {  	s28 =	stileid.u32;
	[bflag:$0x0] =	sbarrier.arrive $0xFFFF  }
0x117: {  	s0 =	sshll.u32 s28, $0x6;
	s29 =	rddreg [dreg:$0x6]  }
0x118: {  	s0 =	sor.u32 $0x1C01, s0;
	s7 =	rddreg [dreg:$0x8]  }
0x119: {  	[hbm:s29], [sflag:s0] =	dma.local [spmem:s7], $0x2780  }
0x11a: {  	_ =	swait.ge [sflag:s19], $0x2780  }
0x11b: {  	s30 =	rddreg [dreg:$0x9]  }
0x11c: {  	s31 =	rddreg [dreg:$0x7];
	s1 =	sadd.s32 $0x1, s30  }
0x11d: {  	p0 =	sne.s32 s1, s31  }
.Ltmp5:
0x11e: {  	_ = 	snop;
	(pc) =	sbr.rel @p0 .LBB2_1-.Ltmp5, $3  }
0x11f: {  	_ =	sdelay $0x1  }
0x120: {  	[sflag:s19] =	ssyncset.done $0x0  }
0x121: {  	[sflag:s19] =	ssyncadd.s32 $0xFFFFD880  }
0x122: {  	_ =	sfence.sel $0x180000  }
0x123: {  	[bflag:$0x0] =	sbarrier.arrive $0xFFFF  }
0x124: {  	_ =	strace $0x9000004A  }
0x125: {  	s0 =	stileid.u32;
	[bflag:$0x2] =	sbarrier.arrive $0xFFFF  }
0x126: {  	p0 =	sne.s32 s0, $0x0;
	s0 =	rddreg [dreg:$0x2]  }
0x127: {  	s0 =	sadd.s32 @!p0 $0x100000, s0  }
0x128: {  	[sflag:s0] =	ssyncadd.tile.s32 @!p0 $0x1;
	_ =	shalt  }
.Lfunc_end2:
_tile_overlayer_lowered:
.L_overlay_start_2:
0x129: {  	(tag) =	ssettag $0x2  }
0x12a: {  	s0 =	rddreg [dreg:$0x0];
	s2 =	stileid.u32  }
0x12b: {  	s1 =	rddreg [dreg:$0x1];
	p0 =	sne.s32 s2, $0x0  }
0x12c: {  	s3 =	rddreg [dreg:$0x2];
	[bflag:$0x3] =	sbarrier.arrive $0xFFFF;
	s2 =	simm.s32 @!p0 $0x1C01  }
0x12d: {  	[timem:s3], [sflag:s2] =	dma.local @!p0 [hbm:s0], s1  }
0x12e: {  	s0 =	simm.s32 @!p0 $0x1  }
0x12f: {  	_ =	swait.ge @!p0 [sflag:s0], s1  }
0x130: {  	s1 =	ssub.s32 @!p0 $0x0, s1;
	[sflag:s0] =	ssyncset.done @!p0 $0x0  }
0x131: {  	[sflag:s0] =	ssyncadd.s32 @!p0 s1  }
0x132: {  	[bflag:$0x3] =	sbarrier.arrive $0xFFFF  }
0x133: {  	_ =	shalt  }

// kernel: kernel.26.cloned.1.call-start
scs
__scs_entry_jumppad:
0x0: {  	(pc) =	sbr.rel $0x88, $3  }
0x1: {  	(tag) =	ssettag $0x0;
	lr =	simm.s32 $0x1  }
0x2: {  	[smem:$0x3F86] =	sst lr;
	_ =	strace $0xD0000000  }
0x3: {  	_ = 	snop  }
0x4: {  	_ = 	snop  }
0x5: {  	_ = 	snop  }
0x6: {  	_ = 	snop  }
0x7: {  	_ = 	snop  }
__scs_overlays_trampoline_lowered:
0x8: {  	[smem:$0x3F95] =	sst s0  }
0x9: {  	[smem:$0x3F96] =	sst s1  }
0xa: {  	[smem:$0x3F97] =	sst s2  }
0xb: {  	[smem:$0x3F98] =	sst s3  }
0xc: {  	[smem:$0x3F99] =	sst s4  }
0xd: {  	[smem:$0x3F9A] =	sst s5  }
0xe: {  	[smem:$0x3F9B] =	sst s6  }
0xf: {  	[smem:$0x3F9C] =	sst s7  }
0x10: {  	[smem:$0x3F9D] =	sst s8  }
0x11: {  	[smem:$0x3F9E] =	sst s9;
	s0 =	simm.s32 @!p0 $0x0  }
0x12: {  	s1 =	sld [smem:$0x3F84];
	s0 =	simm.s32 @p0 $0x1  }
0x13: {  	[smem:$0x3F9F] =	sst s0;
	s0 =	simm.s32 @!p1 $0x0  }
0x14: {  	s2 =	sld [smem:$0x3F83];
	s0 =	simm.s32 @p1 $0x1  }
0x15: {  	[smem:$0x3FA0] =	sst s0;
	s0 =	simm.s32 @!p2 $0x0  }
0x16: {  	s3 =	sld [smem:$0x3FDB];
	s0 =	simm.s32 @p2 $0x1  }
0x17: {  	s4 =	simm.s32 $0x1BF5;
	[smem:$0x3FA2] =	sst s0  }
0x18: {  	s0 =	sld [smem:$0x3F85];
	_ =	swait.ge [sflag:s4], $0x0  }
0x19: {  	s7 =	sld [smem:$0x3F86]  }
0x1a: {  	s8 =	sadd.s32 $0xFFFFE003, lr  }
0x1b: {  	s9 =	sadd.s32 $0xFFFFFEF7, lr;
	s5 =	simm.s32 $0xFFFFFFFF;
	p2 =	slt.u32 s8, $0xFFFFF086  }
0x1c: {  	p1 =	slt.u32 s9, $0xF7A;
	s5 =	simm.s32 @!p2 $0x0  }
0x1d: {  	s5 =	simm.s32 @p1 $0x1;
	p0 =	seq.s32 s7, s2  }
0x1e: {  	s7 =	smul.u32 @!p0 $0xF7A, s2;
	p2 =	seq.s32 @!p0 s5, $0x0  }
0x1f: {  	s9 =	smul.u32 $0xF7A, s1;
	s8 =	simm.s32 @!p0 $0x1BF5;
	p2 =	por !p2, p0  }
0x20: {  	[sflag:s8] =	ssyncset.s32 @!p0 $0xFFFFF086;
	s6 =	sadd.s32 @!p0 s3, s7;
	s7 =	simm.s32 @!p0 $0x108  }
0x21: {  	s3 =	sadd.s32 s3, s9;
	s6 =	sadd.s32 @!p0 $0x88, s6;
	s7 =	simm.s32 @p2 $0x1082  }
0x22: {  	[simem:s7], [sflag:s8] =	dma.local @!p0 [hbm:s6], $0xF7A  }
0x23: {  	s9 =	sor.u32 $0xD0000000, s2;
	s6 =	simm.s32 $0x108;
	_ =	swait.ge @!p0 [sflag:s8], $0x0  }
0x24: {  	s3 =	sadd.s32 $0x88, s3;
	s6 =	simm.s32 @!p1 $0x1082;
	[sflag:s4] =	ssyncset.s32 $0xFFFFF086  }
0x25: {  	[simem:s6], [sflag:s4] =	dma.local [hbm:s3], $0xF7A  }
0x26: {  	[smem:$0x3F86] =	sst s1;
	(tag) =	ssettag s2;
	_ =	strace s9  }
0x27: {  	s1 =	sld [smem:$0x3F96]  }
0x28: {  	s2 =	sld [smem:$0x3F97]  }
0x29: {  	s4 =	sld [smem:$0x3F99]  }
0x2a: {  	p0 =	seq.s32 s5, $0x0;
	s5 =	sld [smem:$0x3F9A]  }
0x2b: {  	s6 =	sld [smem:$0x3F9B]  }
0x2c: {  	s7 =	sld [smem:$0x3F9C]  }
0x2d: {  	s3 =	simm.s32 $0x108;
	s8 =	sld [smem:$0x3F9D]  }
0x2e: {  	s3 =	simm.s32 @!p0 $0x1082;
	s9 =	sld [smem:$0x3F9E]  }
0x2f: {  	lr =	sadd.s32 s0, s3;
	s0 =	sld [smem:$0x3F95]  }
0x30: {  	s3 =	sld [smem:$0x3F98]  }
0x31: {  	[smem:$0x3FA1] =	sst s10  }
0x32: {  	s10 =	sld [smem:$0x3F9F];
	_ =	sdelay $0x3  }
0x33: {  	p0 =	seq.s32 s10, $0x1;
	s10 =	sld [smem:$0x3FA1];
	_ =	sdelay $0x3  }
0x34: {  	[smem:$0x3FA1] =	sst s10  }
0x35: {  	s10 =	sld [smem:$0x3FA0];
	_ =	sdelay $0x3  }
0x36: {  	p1 =	seq.s32 s10, $0x1;
	s10 =	sld [smem:$0x3FA1];
	_ =	sdelay $0x3  }
0x37: {  	[smem:$0x3FA1] =	sst s10  }
0x38: {  	s10 =	sld [smem:$0x3FA2]  }
0x39: {  	_ = 	snop;
	(pc) =	sbr.ind lr, $3  }
0x3a: {  	_ = 	snop  }
0x3b: {  	_ = 	snop  }
0x3c: {  	p2 =	seq.s32 s10, $0x1;
	s10 =	sld [smem:$0x3FA1]  }
0x3d: {  	_ =	shalt  }
0x3e: {  	_ =	shalt  }
0x3f: {  	_ =	shalt  }
0x40: {  	_ =	shalt  }
0x41: {  	_ =	shalt  }
0x42: {  	_ =	shalt  }
0x43: {  	_ =	shalt  }
0x44: {  	_ =	shalt  }
0x45: {  	_ =	shalt  }
0x46: {  	_ =	shalt  }
0x47: {  	_ =	shalt  }
0x48: {  	_ =	shalt  }
0x49: {  	_ =	shalt  }
0x4a: {  	_ =	shalt  }
0x4b: {  	_ =	shalt  }
0x4c: {  	_ =	shalt  }
0x4d: {  	_ =	shalt  }
0x4e: {  	_ =	shalt  }
0x4f: {  	_ =	shalt  }
0x50: {  	_ =	shalt  }
0x51: {  	_ =	shalt  }
0x52: {  	_ =	shalt  }
0x53: {  	_ =	shalt  }
0x54: {  	_ =	shalt  }
0x55: {  	_ =	shalt  }
0x56: {  	_ =	shalt  }
0x57: {  	_ =	shalt  }
0x58: {  	_ =	shalt  }
0x59: {  	_ =	shalt  }
0x5a: {  	_ =	shalt  }
0x5b: {  	_ =	shalt  }
0x5c: {  	_ =	shalt  }
0x5d: {  	_ =	shalt  }
0x5e: {  	_ =	shalt  }
0x5f: {  	_ =	shalt  }
0x60: {  	_ =	shalt  }
0x61: {  	_ =	shalt  }
0x62: {  	_ =	shalt  }
0x63: {  	_ =	shalt  }
0x64: {  	_ =	shalt  }
0x65: {  	_ =	shalt  }
0x66: {  	_ =	shalt  }
0x67: {  	_ =	shalt  }
0x68: {  	_ =	shalt  }
0x69: {  	_ =	shalt  }
0x6a: {  	_ =	shalt  }
0x6b: {  	_ =	shalt  }
0x6c: {  	_ =	shalt  }
0x6d: {  	_ =	shalt  }
0x6e: {  	_ =	shalt  }
0x6f: {  	_ =	shalt  }
0x70: {  	_ =	shalt  }
0x71: {  	_ =	shalt  }
0x72: {  	_ =	shalt  }
0x73: {  	_ =	shalt  }
0x74: {  	_ =	shalt  }
0x75: {  	_ =	shalt  }
0x76: {  	_ =	shalt  }
0x77: {  	_ =	shalt  }
0x78: {  	_ =	shalt  }
0x79: {  	_ =	shalt  }
0x7a: {  	_ =	shalt  }
0x7b: {  	_ =	shalt  }
0x7c: {  	_ =	shalt  }
0x7d: {  	_ =	shalt  }
0x7e: {  	_ =	shalt  }
0x7f: {  	_ =	shalt  }
0x80: {  	_ =	shalt  }
0x81: {  	_ =	shalt  }
0x82: {  	_ =	shalt  }
0x83: {  	_ =	shalt  }
0x84: {  	_ =	shalt  }
0x85: {  	_ =	shalt  }
0x86: {  	_ =	shalt  }
0x87: {  	_ =	shalt  }
.Lfunc_end0:
.L_simem_size_0:
called_computation.2_lowered:
.L_overlay_start_0:
0x88: {  	s2 =	sld [smem:$0x3FD9]  }
0x89: {  	s3 =	sld [smem:$0x3FFE];
	_ =	sdelay $0x1  }
0x8a: {  	s1 =	srdreg.scid  }
0x8b: {  	s0 =	sand.u32 $0x1, s1  }
0x8c: {  	s16 =	sshll.u32 s0, $0xA;
	s2 =	sadd.s32 s3, s2  }
0x8d: {  	s2 =	sadd.s32 s2, s16  }
0x8e: {  	[smem:$0x3FAD] =	sst s2  }
0x8f: {  	_ = 	snop  }
0x90: {  	(tm) =	ssettm $0x1  }
0x91: {  	s17 =	sld [smem:$0x3FFB];
	_ =	sdelay $0x3  }
0x92: {  	_ =	strace s17  }
0x93: {  	s2 =	sld [smem:$0x3FFC];
	_ =	sdelay $0x3  }
0x94: {  	_ =	strace s2  }
0x95: {  	s2 =	sld [smem:$0x3FFD];
	_ =	sdelay $0x3  }
0x96: {  	_ =	strace s2  }
0x97: {  	_ =	strace $0x8FFFFFFF  }
0x98: {  	s18 =	sld [smem:$0x3FDB];
	_ =	sdelay $0x1  }
0x99: {  	s19 =	simm.s32 $_scs_section_size  }
0x9a: {  	s4 =	simm.s32 $_size__tile_overlayer_lowered;
	s5 =	simm.s32 $_tile_overlayer_lowered  }
0x9b: {  	s22 =	simm.s32 $0x1BFF;
	s21 =	sshll.u32 s5, $0x1;
	s2 =	sadd.s32 s19, s18  }
0x9c: {  	s6 =	simm.s32 $0x0;
	s20 =	sshll.u32 s4, $0x1;
	s4 =	sadd.s32 s21, s2  }
0x9d: {  	[timem:s6], [sflag:s22] =	dma.local [hbm:s4], s20  }
0x9e: {  	_ =	swait.ge [sflag:s22], s20  }
0x9f: {  	s3 =	ssub.s32 $0x0, s20;
	[sflag:s22] =	ssyncset.done $0x0  }
0xa0: {  	[sflag:s22] =	ssyncadd.s32 s3;
	_ =	sdelay $0x1  }
0xa1: {  	s23 =	simm.s32 $0x1B8B  }
0xa2: {  	_ =	swait.ge [sflag:s23], $0x1  }
0xa3: {  	[sflag:s23] =	ssyncset.done $0x0  }
0xa4: {  	s25 =	simm.s32 $0x1B8E;
	s24 =	sld [smem:$0x3FFE];
	[sflag:s23] =	ssyncadd.s32 $0xFFFFFFFF  }
0xa5: {  	s26 =	simm.s32 $execute0_lowered;
	[smem:$0x3FD2] =	sst s25  }
0xa6: {  	s4 =	sshll.u32 s26, $0x1;
	_ =	strace $0x8000004C;
	[dreg:$0x1] =	wrdreg $0xFFFFFFFF  }
0xa7: {  	s28 =	simm.s32 $_size_execute0_lowered;
	s2 =	sadd.s32 s2, s4;
	[dreg:$0x0] =	wrdreg $0x0  }
0xa8: {  	s4 =	sshll.u32 s28, $0x1;
	[dreg:$0x2] =	wrdreg s2  }
0xa9: {  	[dreg:$0x3] =	wrdreg s4  }
0xaa: {  	[dreg:$0x4] =	wrdreg $0xC0  }
0xab: {  	_ =	task [dreg:s6], $0x5FFFF  }
0xac: {  	[dreg:$0x1] =	wrdreg $0xFFFFFFFF  }
0xad: {  	[dreg:$0x0] =	wrdreg $0x60  }
0xae: {  	[dreg:$0x2] =	wrdreg s24  }
0xaf: {  	[dreg:$0x3] =	wrdreg $0xB1E00  }
0xb0: {  	[dreg:$0x4] =	wrdreg $0x9  }
0xb1: {  	_ =	task.clear_ibuf [dreg:s6], $0x5FFFF;
	_ =	strace $0x9000004C  }
0xb2: {  	s29 =	simm.s32 $0x9;
	_ =	strace $0x8000004E  }
0xb3: {  	_ =	swait.ge [sflag:s29], $0x1  }
0xb4: {  	[sflag:s29] =	ssyncadd.s32 $0xFFFFFFFF  }
0xb5: {  	_ =	strace $0x9000004E  }
0xb6: {  	_ =	sfence  }
0xb7: {  	s30 =	sld [smem:$0x0];
	_ =	sdelay $0x2  }
0xb8: {  	s31 =	sshll.u32 s1, $0xD;
	s1 =	sshrl.u32 s1, $0x2  }
0xb9: {  	s3 =	sand.u32 $0x4000, s31;
	s1 =	sadd.s32 s1, s30  }
0xba: {  	s0 =	sor.u32 s3, s0;
	s1 =	sshll.u32 s1, $0x11  }
0xbb: {  	s0 =	sor.u32 s1, s0  }
0xbc: {  	s0 =	sadd.s32 $0x8F2B, s0  }
0xbd: {  	[sflag:s0] =	ssyncadd.remote.s32 $0x1  }
0xbe: {  	_ =	sfence.sel $0xFFFF  }
0xbf: {  	[dreg:$0x0] =	wrdreg $0xFFFFFFFF;
	(pc) =	sbr.abs _section_cstart, $3  }
0xc0: {  	[dreg:$0x1] =	wrdreg $0xFFFFFFFF  }
0xc1: {  	_ =	task.clear_ibuf [dreg:s6], $0x2FFFF;
	_ =	strace $0x9FFFFFFF  }
0xc2: {  	(tm) =	ssettm $0x7FFFFFFF  }
0xc3: {  	_ =	shalt  }
tec
execute0_lowered:
.L_overlay_start_1:
0x0: {  	(tag) =	ssettag $0x1  }
0x1: {  	s0 =	rddreg [dreg:$0x0];
	s1 =	srdreg.scid  }
0x2: {  	s2 =	rddreg [dreg:$0x1];
	s14 =	stileid.u32;
	s3 =	simm.s32 $0x0  }
0x3: {  	s18 =	simm.s32 $0xA960;
	s19 =	simm.s32 $0x1;
	s20 =	simm.s32 $0x50  }
0x4: {  	s21 =	simm.s32 $0x960;
	s22 =	simm.s32 $0x3160;
	s23 =	simm.s32 $0x5960  }
0x5: {  	s24 =	simm.s32 $0x6D60;
	s1 =	sand.u32 $0x1, s1;
	s7 =	smul.u32 $0x13C00, s14  }
0x6: {  	[smem:$0x7FF] =	sst s3;
	s4 =	sadd.s32 $0x5B9A00, s0;
	s6 =	sadd.s32 $0x89800, s0  }
0x7: {  	s25 =	sadd.s32 $0x25C00, s0;
	s26 =	sshll.u32 s14, $0x4;
	s11 =	smul.u32 $0x4F000, s14  }
0x8: {  	s5 =	smul.u32 $0x13C000, s1;
	_ =	strace $0x8000004D;
	s10 =	ssub.s32 $0x2, s1  }
0x9: {  	[dreg:$0x3] =	wrdreg s25;
	s16 =	sshll.u32 s1, $0x8;
	s12 =	sshrl.u32 s10, $0x1  }
0xa: {  	s11 =	sshrl.u32 s11, $0x2;
	s30 =	sadd.s32 s7, s2;
	s8 =	sadd.s32 s7, s5  }
0xb: {  	s5 =	sadd.s32 $0x56B800, s0;
	s15 =	ssub.s32 s10, s12;
	s10 =	smul.u32 $0xFA, s14  }
0xc: {  	s11 =	sadd.s32 s11, s2;
	s12 =	smul.u32 $0xEAF60, s1;
	s9 =	sshrl.u32 s8, $0x3  }
0xd: {  	s8 =	sadd.s32 $0x62EE00, s0;
	s28 =	sadd.s32 $0x13800, s11;
	s31 =	smax.u32 s15, $0x1  }
0xe: {  	s13 =	sadd.s32 s9, s0;
	s0 =	sadd.s32 s26, s0;
	[dreg:$0x4] =	wrdreg s28  }
0xf: {  	[dreg:$0x7] =	wrdreg s31;
	s0 =	sadd.s32 s16, s0;
	s29 =	sadd.s32 $0xB10E00, s13  }
0x10: {  	s9 =	smul.u32 $0x4E20, s14;
	s0 =	sadd.s32 $0x23400, s0;
	[dreg:$0x6] =	wrdreg s29  }
0x11: {  	s14 =	smul.u32 $0x1388000, s1;
	[dreg:$0x5] =	wrdreg s0;
	s0 =	sshrl.u32 s30, $0x3  }
0x12: {  	v0 =	vimm.f32 $0.0e+00;
	s26 =	simm.s32 $0x8160;
	s1 =	simm.s32 $0x0;
	[dreg:$0x8] =	wrdreg s0  }
.LBB2_1:
0x13: {  	[dreg:$0x9] =	wrdreg s1;
	s0 =	simm.s32 $0x0;
	s1 =	simm.s32 $0x200  }
.LBB2_2:
0x14: {  	p0 =	sne.s32 s1, $0x1E00;
	[tilespmem:s0+$0xA9D0] =	vst v0  }
0x15: {  	[tilespmem:s0+$0xA960] =	vst v0  }
0x16: {  	[tilespmem:s0+$0xA970] =	vst v0  }
.Ltmp0:
0x17: {  	[tilespmem:s0+$0xA980] =	vst v0;
	(pc) =	sbr.rel @p0 .LBB2_2-.Ltmp0, $4  }
0x18: {  	[tilespmem:s0+$0xA990] =	vst v0  }
0x19: {  	[tilespmem:s0+$0xA9A0] =	vst v0  }
0x1a: {  	[tilespmem:s0+$0xA9B0] =	vst v0  }
0x1b: {  	[tilespmem:s0+$0xA9C0] =	vst v0;
	s0 =	sshra.s32 s1, $0x2;
	s1 =	sadd.s32 $0x200, s1  }
0x1c: {  	[tilespmem:s0+$0xA9D0] =	vst v0  }
0x1d: {  	[tilespmem:s0+$0xA960] =	vst v0  }
0x1e: {  	[tilespmem:s0+$0xA970] =	vst v0  }
0x1f: {  	[tilespmem:s0+$0xA980] =	vst v0  }
0x20: {  	[tilespmem:s0+$0xA990] =	vst v0  }
0x21: {  	[tilespmem:s0+$0xA9A0] =	vst v0  }
0x22: {  	[tilespmem:s0+$0xA9B0] =	vst v0  }
0x23: {  	[tilespmem:s0+$0xA9C0] =	vst v0;
	s31 =	sadd.s32 $0x0, s11  }
0x24: {  	[spmem:s31] =	stream.linear.scatter [tilespmem:s18], [sflag:$0x1], $0x800, $0x38;
	[tilespmem:$0x1EDE0] =	vst v63  }
0x25: {  	s0 =	simm.s32 $0x2000;
	_ =	swait.ge [sflag:s19], $0x800  }
.LBB2_4:
0x26: {  	s1 =	sshra.s32 s0, $0x2;
	[sflag:s19] =	ssyncset.done $0x0;
	p0 =	sne.s32 s0, $0x4C000  }
.Ltmp1:
0x27: {  	s1 =	sadd.s32 s1, s11;
	[sflag:s19] =	ssyncadd.s32 $0xFFFFF800;
	(pc) =	sbr.rel @p0 .LBB2_4-.Ltmp1, $3  }
0x28: {  	[spmem:s1] =	stream.linear.scatter [tilespmem:s18], [sflag:$0x1], $0x800, $0x38;
	[tilespmem:$0x1EDE0] =	vst v63  }
0x29: {  	s0 =	sadd.s32 $0x2000, s0;
	_ =	sdelay $0x1  }
0x2a: {  	_ =	swait.ge [sflag:s19], $0x800  }
0x2b: {  	[sflag:s19] =	ssyncset.done $0x0  }
0x2c: {  	s0 =	rddreg [dreg:$0x4];
	[sflag:s19] =	ssyncadd.s32 $0xFFFFF800  }
0x2d: {  	[spmem:s0] =	stream.linear.scatter [tilespmem:s18], [sflag:$0x1], $0x400, $0x38;
	[tilespmem:$0x1EDE0] =	vst v63  }
0x2e: {  	_ =	swait.ge [sflag:s19], $0x400  }
0x2f: {  	v8 =	vimm.f32 $0.0e+00;
	v4 =	vimm.f32 $0.0e+00;
	[sflag:s19] =	ssyncset.done $0x0  }
0x30: {  	v2 =	vimm.f32 $0.0e+00;
	v6 =	vimm.f32 $0.0e+00;
	v7 =	vimm.f32 $0.0e+00;
	[sflag:s19] =	ssyncadd.s32 $0xFFFFFC00  }
0x31: {  	v3 =	vimm.f32 $0.0e+00;
	v1 =	vimm.f32 $0.0e+00;
	v5 =	vimm.f32 $0.0e+00;
	s31 =	simm.s32 $0x0;
	[bflag:$0x0] =	sbarrier.arrive $0xFFFF  }
.LBB2_6:
0x32: {  	s0 =	smul.u32 $0xA, s31;
	_ =	sdelay $0x1  }
0x33: {  	s1 =	sadd.s32 s10, s0  }
0x34: {  	s1 =	smul.u32 $0xF0, s1;
	_ =	sdelay $0x1  }
0x35: {  	s1 =	sadd.s32 s12, s1  }
0x36: {  	s7 =	rddreg [dreg:$0x3];
	s1 =	sshrl.u32 s1, $0x3  }
0x37: {  	s30 =	simm.s32 $0x0;
	s1 =	sadd.s32 s7, s1  }
0x38: {  	[tilespmem:s30], [sflag:$0x1] =	stream.linear.gather [hbm4b:s1+s30], $0x960, $0x38;
	[tilespmem:$0x1EDE0] =	vst v63  }
0x39: {  	_ =	swait.ge [sflag:s19], $0x960  }
0x3a: {  	[sflag:s19] =	ssyncset.done $0x0  }
0x3b: {  	s28 =	simm.s32 $0x0;
	[sflag:s19] =	ssyncadd.s32 $0xFFFFF6A0  }
.LBB2_7:
0x3c: {  	s1 =	smul.u32 $0x3C0, s28  }
0x3d: {  	s7 =	sadd.s32 s0, s28  }
0x3e: {  	s7 =	smul.u32 $0x50, s7;
	s1 =	sshra.s32 s1, $0x2  }
0x3f: {  	[tilespmem:s21], [sflag:$0x1] =	stream.indirect.gather [hbm4b:s4+s20], $0x80, s1, s20, $0xb8;
	[tilespmem:$0x1EDE0] =	vst v63  }
0x40: {  	_ =	swait.ge [sflag:s19], $0x2800  }
0x41: {  	s7 =	sadd.s32 s9, s7;
	[sflag:s19] =	ssyncset.done $0x0  }
0x42: {  	s13 =	sadd.s32 $0x50, s1;
	s7 =	sshll.u32 s7, $0x6;
	[sflag:s19] =	ssyncadd.s32 $0xFFFFD800  }
0x43: {  	[tilespmem:s22], [sflag:$0x1] =	stream.indirect.gather [hbm4b:s5+s20], $0x80, s13, s20, $0xb8;
	[tilespmem:$0x1EDE0] =	vst v63  }
0x44: {  	s7 =	sadd.s32 s14, s7;
	_ =	swait.ge [sflag:s19], $0x2800  }
0x45: {  	s13 =	sshrl.u32 s7, $0x3;
	[sflag:s19] =	ssyncset.done $0x0  }
0x46: {  	s15 =	simm.s32 $0x0;
	s7 =	sadd.s32 s6, s13;
	[sflag:s19] =	ssyncadd.s32 $0xFFFFD800  }
0x47: {  	[tilespmem:s23], [sflag:$0x1] =	stream.linear.gather [hbm4b:s7+s15], $0x1400, $0x38;
	[tilespmem:$0x1EDE0] =	vst v63  }
0x48: {  	_ =	swait.ge [sflag:s19], $0x1400  }
0x49: {  	[sflag:s19] =	ssyncset.done $0x0  }
0x4a: {  	s15 =	simm.s32 $0x0;
	[sflag:s19] =	ssyncadd.s32 $0xFFFFEC00  }
0x4b: {  	v9 =	vld [tilespmem:s15+$0x960]  }
0x4c: {  	v10 =	vld [tilespmem:s15+$0x3160]  }
0x4d: {  	s17 =	simm.s32 $0x5980  }
0x4e: {  	v11 =	vld [tilespmem:s17+$0xFFFFFFE0];
	_ =	sdelay $0x2  }
0x4f: {  	v9 =	vadd.f32 v10, v9;
	_ =	sdelay $0x1  }
0x50: {  	v9 =	vadd.f32 v11, v9;
	_ =	sdelay $0x1  }
0x51: {  	v10 =	vsub.f32 $0.0e+00, v9;
	_ =	sdelay $0x1  }
0x52: {  	v10 =	vmul.f32 $1.442695020e+00, v10;
	_ =	sdelay $0x1  }
0x53: {  	(erf) = vpow2.f32 v10;
	_ =	sdelay $0x8  }
0x54: {  	v10 =	vpop (erf)  }
0x55: {  	v10 =	vadd.f32 $1.000000000e+00, v10;
	_ =	sdelay $0x1  }
0x56: {  	(erf) = vrcp.f32 v10;
	_ =	sdelay $0x4  }
0x57: {  	v10 =	vld [tilespmem:s15+$0x9A0];
	_ =	sdelay $0x2  }
0x58: {  	s16 =	simm.s32 $0x6D80  }
0x59: {  	[tilespmem:s16+$0xFFFFFFE0] =	vst v9;
	v11 =	vpop (erf)  }
0x5a: {  	v12 =	vld [tilespmem:s15+$0x970];
	v10 =	vmul.f32 v11, v10  }
0x5b: {  	[tilespmem:s15+$0x81A0] =	vst v11;
	v11 =	vld [tilespmem:s15+$0x3170]  }
0x5c: {  	[tilespmem:s15+$0x8160] =	vst v10  }
0x5d: {  	v10 =	vld [tilespmem:s17+$0xFFFFFFF0];
	_ =	sdelay $0x2  }
0x5e: {  	v11 =	vadd.f32 v11, v12;
	_ =	sdelay $0x1  }
0x5f: {  	v10 =	vadd.f32 v10, v11;
	_ =	sdelay $0x1  }
0x60: {  	v11 =	vsub.f32 $0.0e+00, v10;
	_ =	sdelay $0x1  }
0x61: {  	v11 =	vmul.f32 $1.442695020e+00, v11;
	_ =	sdelay $0x1  }
0x62: {  	(erf) = vpow2.f32 v11;
	_ =	sdelay $0x8  }
0x63: {  	v11 =	vpop (erf)  }
0x64: {  	v11 =	vadd.f32 $1.000000000e+00, v11;
	_ =	sdelay $0x1  }
0x65: {  	(erf) = vrcp.f32 v11;
	_ =	sdelay $0x4  }
0x66: {  	v11 =	vld [tilespmem:s15+$0x9B0];
	_ =	sdelay $0x3  }
0x67: {  	[tilespmem:s16+$0xFFFFFFF0] =	vst v10;
	v13 =	vpop (erf)  }
0x68: {  	v58 =	vld [tilespmem:s15+$0x980];
	v11 =	vmul.f32 v13, v11  }
0x69: {  	v14 =	vld [tilespmem:s15+$0x3180];
	[tilespmem:s15+$0x81B0] =	vst v13  }
0x6a: {  	[tilespmem:s15+$0x8170] =	vst v11  }
0x6b: {  	v11 =	vld [tilespmem:s17+$0x0];
	_ =	sdelay $0x2  }
0x6c: {  	v12 =	vadd.f32 v14, v58;
	_ =	sdelay $0x1  }
0x6d: {  	v11 =	vadd.f32 v11, v12;
	_ =	sdelay $0x1  }
0x6e: {  	v12 =	vsub.f32 $0.0e+00, v11;
	_ =	sdelay $0x1  }
0x6f: {  	v12 =	vmul.f32 $1.442695020e+00, v12;
	_ =	sdelay $0x1  }
0x70: {  	(erf) = vpow2.f32 v12;
	_ =	sdelay $0x8  }
0x71: {  	v12 =	vpop (erf)  }
0x72: {  	v12 =	vadd.f32 $1.000000000e+00, v12;
	_ =	sdelay $0x1  }
0x73: {  	(erf) = vrcp.f32 v12;
	_ =	sdelay $0x4  }
0x74: {  	v59 =	vld [tilespmem:s15+$0x9C0];
	_ =	sdelay $0x3  }
0x75: {  	[tilespmem:s16+$0x0] =	vst v11;
	v15 =	vpop (erf)  }
0x76: {  	v60 =	vld [tilespmem:s15+$0x990];
	v12 =	vmul.f32 v15, v59  }
0x77: {  	v61 =	vld [tilespmem:s15+$0x3190];
	[tilespmem:s15+$0x81C0] =	vst v15  }
0x78: {  	[tilespmem:s15+$0x8180] =	vst v12  }
0x79: {  	v12 =	vld [tilespmem:s17+$0x10];
	_ =	sdelay $0x2  }
0x7a: {  	v13 =	vadd.f32 v61, v60;
	_ =	sdelay $0x1  }
0x7b: {  	v12 =	vadd.f32 v12, v13;
	_ =	sdelay $0x1  }
0x7c: {  	v13 =	vsub.f32 $0.0e+00, v12;
	_ =	sdelay $0x1  }
0x7d: {  	v13 =	vmul.f32 $1.442695020e+00, v13;
	_ =	sdelay $0x1  }
0x7e: {  	(erf) = vpow2.f32 v13;
	_ =	sdelay $0x8  }
0x7f: {  	v13 =	vpop (erf)  }
0x80: {  	v13 =	vadd.f32 $1.000000000e+00, v13;
	_ =	sdelay $0x1  }
0x81: {  	(erf) = vrcp.f32 v13;
	_ =	sdelay $0x4  }
0x82: {  	v62 =	vmul.f32 v9, v9;
	v16 =	vld [tilespmem:s15+$0x9D0]  }
0x83: {  	v63 =	vmul.f32 v10, v10  }
0x84: {  	v5 =	vadd.f32 v9, v5;
	v6 =	vadd.f32 v62, v6;
	v9 =	vmul.f32 v11, v11  }
0x85: {  	v1 =	vadd.f32 v10, v1;
	v2 =	vadd.f32 v63, v2;
	v10 =	vmul.f32 v12, v12  }
0x86: {  	s30 =	simm.s32 $0x80;
	v3 =	vadd.f32 v11, v3;
	v4 =	vadd.f32 v9, v4;
	[tilespmem:s16+$0x10] =	vst v12;
	v11 =	vpop (erf)  }
0x87: {  	s25 =	simm.s32 $0x400;
	v7 =	vadd.f32 v12, v7;
	v9 =	vld [tilespmem:s30+$0x960];
	v8 =	vadd.f32 v10, v8;
	[tilespmem:s15+$0x81D0] =	vst v11;
	v10 =	vmul.f32 v11, v16  }
.LBB2_8:
0x88: {  	s16 =	sadd.s32 $0x40, s16  }
0x89: {  	v11 =	vld [tilespmem:s30+$0x3160];
	s17 =	sadd.s32 $0x40, s17;
	s29 =	smov.u32 s25;
	s7 =	sadd.s32 $0x200, s25  }
0x8a: {  	p0 =	sne.s32 s25, $0x9E00;
	[tilespmem:s15+$0x8190] =	vst v10;
	s15 =	smov.u32 s30  }
0x8b: {  	v10 =	vld [tilespmem:s17+$0xFFFFFFE0];
	_ =	sdelay $0x2  }
0x8c: {  	v9 =	vadd.f32 v11, v9;
	_ =	sdelay $0x1  }
0x8d: {  	v9 =	vadd.f32 v10, v9;
	_ =	sdelay $0x1  }
0x8e: {  	v5 =	vadd.f32 v9, v5;
	v10 =	vmul.f32 v9, v9;
	v11 =	vsub.f32 $0.0e+00, v9;
	_ =	sdelay $0x1  }
0x8f: {  	v6 =	vadd.f32 v10, v6;
	v10 =	vmul.f32 $1.442695020e+00, v11;
	_ =	sdelay $0x1  }
0x90: {  	(erf) = vpow2.f32 v10;
	_ =	sdelay $0x8  }
0x91: {  	v10 =	vpop (erf)  }
0x92: {  	v10 =	vadd.f32 $1.000000000e+00, v10;
	_ =	sdelay $0x1  }
0x93: {  	(erf) = vrcp.f32 v10;
	_ =	sdelay $0x4  }
0x94: {  	v10 =	vld [tilespmem:s15+$0x9A0];
	_ =	sdelay $0x3  }
0x95: {  	[tilespmem:s16+$0xFFFFFFE0] =	vst v9;
	v9 =	vpop (erf)  }
0x96: {  	v10 =	vmul.f32 v9, v10;
	v11 =	vld [tilespmem:s15+$0x970]  }
0x97: {  	[tilespmem:s15+$0x81A0] =	vst v9;
	v9 =	vld [tilespmem:s15+$0x3170]  }
0x98: {  	[tilespmem:s15+$0x8160] =	vst v10  }
0x99: {  	v10 =	vld [tilespmem:s17+$0xFFFFFFF0];
	_ =	sdelay $0x2  }
0x9a: {  	v9 =	vadd.f32 v9, v11;
	_ =	sdelay $0x1  }
0x9b: {  	v9 =	vadd.f32 v10, v9  }
0x9c: {  	v10 =	vld [tilespmem:s15+$0x9B0]  }
0x9d: {  	[tilespmem:s16+$0xFFFFFFF0] =	vst v9;
	v1 =	vadd.f32 v9, v1;
	v11 =	vmul.f32 v9, v9;
	v9 =	vsub.f32 $0.0e+00, v9  }
0x9e: {  	v12 =	vld [tilespmem:s15+$0x980]  }
0x9f: {  	v2 =	vadd.f32 v11, v2;
	v9 =	vmul.f32 $1.442695020e+00, v9;
	v11 =	vld [tilespmem:s15+$0x3180];
	_ =	sdelay $0x1  }
0xa0: {  	(erf) = vpow2.f32 v9;
	_ =	sdelay $0x2  }
0xa1: {  	v9 =	vadd.f32 v11, v12;
	_ =	sdelay $0x5  }
0xa2: {  	v11 =	vpop (erf)  }
0xa3: {  	v11 =	vadd.f32 $1.000000000e+00, v11;
	_ =	sdelay $0x1  }
0xa4: {  	(erf) = vrcp.f32 v11;
	_ =	sdelay $0x8  }
0xa5: {  	v11 =	vpop (erf)  }
0xa6: {  	[tilespmem:s15+$0x81B0] =	vst v11;
	v10 =	vmul.f32 v11, v10;
	_ =	sdelay $0x1  }
0xa7: {  	[tilespmem:s15+$0x8170] =	vst v10  }
0xa8: {  	v10 =	vld [tilespmem:s17+$0x0];
	_ =	sdelay $0x4  }
0xa9: {  	v9 =	vadd.f32 v10, v9  }
0xaa: {  	v10 =	vld [tilespmem:s15+$0x9C0]  }
0xab: {  	[tilespmem:s16+$0x0] =	vst v9;
	v3 =	vadd.f32 v9, v3;
	v11 =	vmul.f32 v9, v9;
	v9 =	vsub.f32 $0.0e+00, v9  }
0xac: {  	v12 =	vld [tilespmem:s15+$0x990]  }
0xad: {  	v4 =	vadd.f32 v11, v4;
	v9 =	vmul.f32 $1.442695020e+00, v9;
	v11 =	vld [tilespmem:s15+$0x3190]  }
0xae: {  	v13 =	vld [tilespmem:s15+$0x9D0]  }
0xaf: {  	(erf) = vpow2.f32 v9;
	_ =	sdelay $0x2  }
0xb0: {  	v9 =	vadd.f32 v11, v12;
	_ =	sdelay $0x5  }
0xb1: {  	v11 =	vpop (erf)  }
0xb2: {  	v11 =	vadd.f32 $1.000000000e+00, v11;
	_ =	sdelay $0x1  }
0xb3: {  	(erf) = vrcp.f32 v11;
	_ =	sdelay $0x8  }
0xb4: {  	v11 =	vpop (erf)  }
0xb5: {  	[tilespmem:s15+$0x81C0] =	vst v11;
	v10 =	vmul.f32 v11, v10;
	_ =	sdelay $0x1  }
0xb6: {  	[tilespmem:s15+$0x8180] =	vst v10  }
0xb7: {  	v10 =	vld [tilespmem:s17+$0x10];
	_ =	sdelay $0x4  }
0xb8: {  	v9 =	vadd.f32 v10, v9;
	_ =	sdelay $0x1  }
0xb9: {  	[tilespmem:s16+$0x10] =	vst v9;
	v7 =	vadd.f32 v9, v7;
	v10 =	vmul.f32 v9, v9;
	v9 =	vsub.f32 $0.0e+00, v9;
	_ =	sdelay $0x1  }
0xba: {  	v8 =	vadd.f32 v10, v8;
	v9 =	vmul.f32 $1.442695020e+00, v9;
	_ =	sdelay $0x1  }
0xbb: {  	(erf) = vpow2.f32 v9;
	_ =	sdelay $0x8  }
0xbc: {  	v9 =	vpop (erf)  }
0xbd: {  	v9 =	vadd.f32 $1.000000000e+00, v9;
	_ =	sdelay $0x1  }
0xbe: {  	(erf) = vrcp.f32 v9;
	_ =	sdelay $0x5  }
.Ltmp2:
0xbf: {  	(pc) =	sbr.rel @p0 .LBB2_8-.Ltmp2, $3  }
0xc0: {  	_ =	sdelay $0x1  }
0xc1: {  	s30 =	sshra.s32 s29, $0x2;
	v10 =	vpop (erf)  }
0xc2: {  	s25 =	smov.u32 s7;
	v9 =	vld [tilespmem:s30+$0x960];
	[tilespmem:s15+$0x81D0] =	vst v10;
	v10 =	vmul.f32 v10, v13  }
0xc3: {  	v11 =	vld [tilespmem:s30+$0x3160]  }
0xc4: {  	s7 =	sadd.s32 $0x40, s17;
	[tilespmem:s15+$0x8190] =	vst v10  }
0xc5: {  	v10 =	vld [tilespmem:s7+$0xFFFFFFE0];
	_ =	sdelay $0x2  }
0xc6: {  	v9 =	vadd.f32 v11, v9;
	_ =	sdelay $0x1  }
0xc7: {  	v9 =	vadd.f32 v10, v9;
	_ =	sdelay $0x1  }
0xc8: {  	v10 =	vsub.f32 $0.0e+00, v9;
	_ =	sdelay $0x1  }
0xc9: {  	v10 =	vmul.f32 $1.442695020e+00, v10;
	_ =	sdelay $0x1  }
0xca: {  	(erf) = vpow2.f32 v10;
	_ =	sdelay $0x8  }
0xcb: {  	v10 =	vpop (erf)  }
0xcc: {  	v10 =	vadd.f32 $1.000000000e+00, v10;
	_ =	sdelay $0x1  }
0xcd: {  	(erf) = vrcp.f32 v10;
	_ =	sdelay $0x4  }
0xce: {  	v10 =	vld [tilespmem:s30+$0x9A0];
	_ =	sdelay $0x2  }
0xcf: {  	s29 =	sadd.s32 $0x40, s16  }
0xd0: {  	[tilespmem:s29+$0xFFFFFFE0] =	vst v9;
	v11 =	vpop (erf)  }
0xd1: {  	v12 =	vld [tilespmem:s30+$0x970];
	v10 =	vmul.f32 v11, v10  }
0xd2: {  	[tilespmem:s30+$0x81A0] =	vst v11;
	v11 =	vld [tilespmem:s30+$0x3170]  }
0xd3: {  	[tilespmem:s30+$0x8160] =	vst v10  }
0xd4: {  	v10 =	vld [tilespmem:s7+$0xFFFFFFF0];
	_ =	sdelay $0x2  }
0xd5: {  	v11 =	vadd.f32 v11, v12;
	_ =	sdelay $0x1  }
0xd6: {  	v10 =	vadd.f32 v10, v11;
	_ =	sdelay $0x1  }
0xd7: {  	v11 =	vsub.f32 $0.0e+00, v10;
	_ =	sdelay $0x1  }
0xd8: {  	v11 =	vmul.f32 $1.442695020e+00, v11;
	_ =	sdelay $0x1  }
0xd9: {  	(erf) = vpow2.f32 v11;
	_ =	sdelay $0x8  }
0xda: {  	v11 =	vpop (erf)  }
0xdb: {  	v11 =	vadd.f32 $1.000000000e+00, v11;
	_ =	sdelay $0x1  }
0xdc: {  	(erf) = vrcp.f32 v11;
	_ =	sdelay $0x4  }
0xdd: {  	v11 =	vld [tilespmem:s30+$0x9B0];
	_ =	sdelay $0x3  }
0xde: {  	[tilespmem:s29+$0xFFFFFFF0] =	vst v10;
	v13 =	vpop (erf)  }
0xdf: {  	v57 =	vld [tilespmem:s30+$0x980];
	v11 =	vmul.f32 v13, v11  }
0xe0: {  	v14 =	vld [tilespmem:s30+$0x3180];
	[tilespmem:s30+$0x81B0] =	vst v13  }
0xe1: {  	[tilespmem:s30+$0x8170] =	vst v11  }
0xe2: {  	v11 =	vld [tilespmem:s7+$0x0];
	_ =	sdelay $0x2  }
0xe3: {  	v12 =	vadd.f32 v14, v57;
	_ =	sdelay $0x1  }
0xe4: {  	v11 =	vadd.f32 v11, v12;
	_ =	sdelay $0x1  }
0xe5: {  	v12 =	vsub.f32 $0.0e+00, v11;
	_ =	sdelay $0x1  }
0xe6: {  	v12 =	vmul.f32 $1.442695020e+00, v12;
	_ =	sdelay $0x1  }
0xe7: {  	(erf) = vpow2.f32 v12;
	_ =	sdelay $0x8  }
0xe8: {  	v12 =	vpop (erf)  }
0xe9: {  	v12 =	vadd.f32 $1.000000000e+00, v12;
	_ =	sdelay $0x1  }
0xea: {  	(erf) = vrcp.f32 v12;
	_ =	sdelay $0x4  }
0xeb: {  	v58 =	vld [tilespmem:s30+$0x9C0];
	_ =	sdelay $0x3  }
0xec: {  	[tilespmem:s29+$0x0] =	vst v11;
	v15 =	vpop (erf)  }
0xed: {  	v59 =	vld [tilespmem:s30+$0x990];
	v12 =	vmul.f32 v15, v58  }
0xee: {  	v60 =	vld [tilespmem:s30+$0x3190];
	[tilespmem:s30+$0x81C0] =	vst v15  }
0xef: {  	[tilespmem:s30+$0x8180] =	vst v12  }
0xf0: {  	v12 =	vld [tilespmem:s7+$0x10];
	_ =	sdelay $0x2  }
0xf1: {  	v13 =	vadd.f32 v60, v59;
	_ =	sdelay $0x1  }
0xf2: {  	v12 =	vadd.f32 v12, v13;
	_ =	sdelay $0x1  }
0xf3: {  	v13 =	vsub.f32 $0.0e+00, v12;
	_ =	sdelay $0x1  }
0xf4: {  	v13 =	vmul.f32 $1.442695020e+00, v13;
	_ =	sdelay $0x1  }
0xf5: {  	(erf) = vpow2.f32 v13;
	_ =	sdelay $0x8  }
0xf6: {  	v13 =	vpop (erf)  }
0xf7: {  	v13 =	vadd.f32 $1.000000000e+00, v13;
	_ =	sdelay $0x1  }
0xf8: {  	(erf) = vrcp.f32 v13;
	_ =	sdelay $0x4  }
0xf9: {  	v16 =	vld [tilespmem:s30+$0x9D0];
	_ =	sdelay $0x3  }
0xfa: {  	v13 =	vpop (erf)  }
0xfb: {  	[tilespmem:s29+$0x10] =	vst v12;
	v61 =	vmul.f32 v13, v16  }
0xfc: {  	[tilespmem:s30+$0x81D0] =	vst v13  }
0xfd: {  	[tilespmem:s30+$0x8190] =	vst v61;
	s30 =	sadd.s32 s8, s13  }
0xfe: {  	[hbm4b:s30+s3] =	stream.linear.scatter [tilespmem:s24], [sflag:$0x1], $0x1400, $0x38;
	[tilespmem:$0x1EDE0] =	vst v63  }
0xff: {  	s28 =	sadd.s32 $0x1, s28;
	_ =	swait.ge [sflag:s19], $0x1400  }
0x100: {  	p0 =	sne.s32 s28, $0xA;
	v62 =	vmul.f32 v9, v9;
	[sflag:s19] =	ssyncset.done $0x0  }
.Ltmp3:
0x101: {  	s1 =	sadd.s32 $0xA0, s1;
	v63 =	vmul.f32 v10, v10;
	[sflag:s19] =	ssyncadd.s32 $0xFFFFEC00;
	(pc) =	sbr.rel @p0 .LBB2_7-.Ltmp3, $4  }
0x102: {  	v5 =	vadd.f32 v9, v5;
	v6 =	vadd.f32 v62, v6;
	v9 =	vmul.f32 v11, v11;
	[spmem:s2] =	stream.indirect.scatter.add.f32 [tilespmem:s26], [sflag:$0x1], $0x80, s1, s20, $0xb8;
	[tilespmem:$0x1EDE0] =	vst v63  }
0x103: {  	v1 =	vadd.f32 v10, v1;
	v2 =	vadd.f32 v63, v2;
	v10 =	vmul.f32 v12, v12;
	_ =	swait.ge [sflag:s19], $0x2800  }
0x104: {  	v3 =	vadd.f32 v11, v3;
	v4 =	vadd.f32 v9, v4;
	[sflag:s19] =	ssyncset.done $0x0  }
0x105: {  	v7 =	vadd.f32 v12, v7;
	v8 =	vadd.f32 v10, v8;
	[sflag:s19] =	ssyncadd.s32 $0xFFFFD800  }
0x106: {  	s31 =	sadd.s32 $0x1, s31  }
0x107: {  	p0 =	sne.s32 s31, $0x19  }
.Ltmp4:
0x108: {  	_ = 	snop;
	(pc) =	sbr.rel @p0 .LBB2_6-.Ltmp4, $1  }
0x109: {  	_ =	sdelay $0x3  }
0x10a: {  	[tilespmem:$0xB160] =	vst v5  }
0x10b: {  	[tilespmem:$0xB1A0] =	vst v6  }
0x10c: {  	[tilespmem:$0xB170] =	vst v1  }
0x10d: {  	[tilespmem:$0xB1B0] =	vst v2  }
0x10e: {  	[tilespmem:$0xB180] =	vst v3  }
0x10f: {  	[tilespmem:$0xB1C0] =	vst v4  }
0x110: {  	[tilespmem:$0xB190] =	vst v7  }
0x111: {  	[tilespmem:$0xB1D0] =	vst v8;
	s0 =	rddreg [dreg:$0x5];
	s1 =	simm.s32 $0xB160  }
0x112: {  	[hbm4b:s0+s3] =	stream.linear.scatter [tilespmem:s1], [sflag:$0x1], $0x80, $0x38;
	[tilespmem:$0x1EDE0] =	vst v63  }
0x113: {  	_ =	swait.ge [sflag:s19], $0x80  }
0x114: {  	[sflag:s19] =	ssyncset.done $0x0  }
0x115: {  	[sflag:s19] =	ssyncadd.s32 $0xFFFFFF80  }
0x116: {  	s28 =	stileid.u32;
	[bflag:$0x0] =	sbarrier.arrive $0xFFFF  }
0x117: {  	s0 =	sshll.u32 s28, $0x6;
	s29 =	rddreg [dreg:$0x6]  }
0x118: {  	s0 =	sor.u32 $0x1C01, s0;
	s7 =	rddreg [dreg:$0x8]  }
0x119: {  	[hbm:s29], [sflag:s0] =	dma.local [spmem:s7], $0x2780  }
0x11a: {  	_ =	swait.ge [sflag:s19], $0x2780  }
0x11b: {  	s30 =	rddreg [dreg:$0x9]  }
0x11c: {  	s31 =	rddreg [dreg:$0x7];
	s1 =	sadd.s32 $0x1, s30  }
0x11d: {  	p0 =	sne.s32 s1, s31  }
.Ltmp5:
0x11e: {  	_ = 	snop;
	(pc) =	sbr.rel @p0 .LBB2_1-.Ltmp5, $3  }
0x11f: {  	_ =	sdelay $0x1  }
0x120: {  	[sflag:s19] =	ssyncset.done $0x0  }
0x121: {  	[sflag:s19] =	ssyncadd.s32 $0xFFFFD880  }
0x122: {  	_ =	sfence.sel $0x180000  }
0x123: {  	[bflag:$0x0] =	sbarrier.arrive $0xFFFF  }
0x124: {  	_ =	strace $0x9000004D  }
0x125: {  	s0 =	stileid.u32;
	[bflag:$0x2] =	sbarrier.arrive $0xFFFF  }
0x126: {  	p0 =	sne.s32 s0, $0x0;
	s0 =	rddreg [dreg:$0x2]  }
0x127: {  	s0 =	sadd.s32 @!p0 $0x100000, s0  }
0x128: {  	[sflag:s0] =	ssyncadd.tile.s32 @!p0 $0x1;
	_ =	shalt  }
.Lfunc_end2:
_tile_overlayer_lowered:
.L_overlay_start_2:
0x129: {  	(tag) =	ssettag $0x2  }
0x12a: {  	s0 =	rddreg [dreg:$0x0];
	s2 =	stileid.u32  }
0x12b: {  	s1 =	rddreg [dreg:$0x1];
	p0 =	sne.s32 s2, $0x0  }
0x12c: {  	s3 =	rddreg [dreg:$0x2];
	[bflag:$0x3] =	sbarrier.arrive $0xFFFF;
	s2 =	simm.s32 @!p0 $0x1C01  }
0x12d: {  	[timem:s3], [sflag:s2] =	dma.local @!p0 [hbm:s0], s1  }
0x12e: {  	s0 =	simm.s32 @!p0 $0x1  }
0x12f: {  	_ =	swait.ge @!p0 [sflag:s0], s1  }
0x130: {  	s1 =	ssub.s32 @!p0 $0x0, s1;
	[sflag:s0] =	ssyncset.done @!p0 $0x0  }
0x131: {  	[sflag:s0] =	ssyncadd.s32 @!p0 s1  }
0x132: {  	[bflag:$0x3] =	sbarrier.arrive $0xFFFF  }
0x133: {  	_ =	shalt  }

// kernel: kernel.29.cloned.1.call-start
scs
__scs_entry_jumppad:
0x0: {  	(pc) =	sbr.rel $0x88, $3  }
0x1: {  	(tag) =	ssettag $0x0;
	lr =	simm.s32 $0x1  }
0x2: {  	[smem:$0x3F86] =	sst lr;
	_ =	strace $0xD0000000  }
0x3: {  	_ = 	snop  }
0x4: {  	_ = 	snop  }
0x5: {  	_ = 	snop  }
0x6: {  	_ = 	snop  }
0x7: {  	_ = 	snop  }
__scs_overlays_trampoline_lowered:
0x8: {  	[smem:$0x3F95] =	sst s0  }
0x9: {  	[smem:$0x3F96] =	sst s1  }
0xa: {  	[smem:$0x3F97] =	sst s2  }
0xb: {  	[smem:$0x3F98] =	sst s3  }
0xc: {  	[smem:$0x3F99] =	sst s4  }
0xd: {  	[smem:$0x3F9A] =	sst s5  }
0xe: {  	[smem:$0x3F9B] =	sst s6  }
0xf: {  	[smem:$0x3F9C] =	sst s7  }
0x10: {  	[smem:$0x3F9D] =	sst s8  }
0x11: {  	[smem:$0x3F9E] =	sst s9;
	s0 =	simm.s32 @!p0 $0x0  }
0x12: {  	s1 =	sld [smem:$0x3F84];
	s0 =	simm.s32 @p0 $0x1  }
0x13: {  	[smem:$0x3F9F] =	sst s0;
	s0 =	simm.s32 @!p1 $0x0  }
0x14: {  	s2 =	sld [smem:$0x3F83];
	s0 =	simm.s32 @p1 $0x1  }
0x15: {  	[smem:$0x3FA0] =	sst s0;
	s0 =	simm.s32 @!p2 $0x0  }
0x16: {  	s3 =	sld [smem:$0x3FDB];
	s0 =	simm.s32 @p2 $0x1  }
0x17: {  	s4 =	simm.s32 $0x1BF5;
	[smem:$0x3FA2] =	sst s0  }
0x18: {  	s0 =	sld [smem:$0x3F85];
	_ =	swait.ge [sflag:s4], $0x0  }
0x19: {  	s7 =	sld [smem:$0x3F86]  }
0x1a: {  	s8 =	sadd.s32 $0xFFFFE003, lr  }
0x1b: {  	s9 =	sadd.s32 $0xFFFFFEF7, lr;
	s5 =	simm.s32 $0xFFFFFFFF;
	p2 =	slt.u32 s8, $0xFFFFF086  }
0x1c: {  	p1 =	slt.u32 s9, $0xF7A;
	s5 =	simm.s32 @!p2 $0x0  }
0x1d: {  	s5 =	simm.s32 @p1 $0x1;
	p0 =	seq.s32 s7, s2  }
0x1e: {  	s7 =	smul.u32 @!p0 $0xF7A, s2;
	p2 =	seq.s32 @!p0 s5, $0x0  }
0x1f: {  	s9 =	smul.u32 $0xF7A, s1;
	s8 =	simm.s32 @!p0 $0x1BF5;
	p2 =	por !p2, p0  }
0x20: {  	[sflag:s8] =	ssyncset.s32 @!p0 $0xFFFFF086;
	s6 =	sadd.s32 @!p0 s3, s7;
	s7 =	simm.s32 @!p0 $0x108  }
0x21: {  	s3 =	sadd.s32 s3, s9;
	s6 =	sadd.s32 @!p0 $0x88, s6;
	s7 =	simm.s32 @p2 $0x1082  }
0x22: {  	[simem:s7], [sflag:s8] =	dma.local @!p0 [hbm:s6], $0xF7A  }
0x23: {  	s9 =	sor.u32 $0xD0000000, s2;
	s6 =	simm.s32 $0x108;
	_ =	swait.ge @!p0 [sflag:s8], $0x0  }
0x24: {  	s3 =	sadd.s32 $0x88, s3;
	s6 =	simm.s32 @!p1 $0x1082;
	[sflag:s4] =	ssyncset.s32 $0xFFFFF086  }
0x25: {  	[simem:s6], [sflag:s4] =	dma.local [hbm:s3], $0xF7A  }
0x26: {  	[smem:$0x3F86] =	sst s1;
	(tag) =	ssettag s2;
	_ =	strace s9  }
0x27: {  	s1 =	sld [smem:$0x3F96]  }
0x28: {  	s2 =	sld [smem:$0x3F97]  }
0x29: {  	s4 =	sld [smem:$0x3F99]  }
0x2a: {  	p0 =	seq.s32 s5, $0x0;
	s5 =	sld [smem:$0x3F9A]  }
0x2b: {  	s6 =	sld [smem:$0x3F9B]  }
0x2c: {  	s7 =	sld [smem:$0x3F9C]  }
0x2d: {  	s3 =	simm.s32 $0x108;
	s8 =	sld [smem:$0x3F9D]  }
0x2e: {  	s3 =	simm.s32 @!p0 $0x1082;
	s9 =	sld [smem:$0x3F9E]  }
0x2f: {  	lr =	sadd.s32 s0, s3;
	s0 =	sld [smem:$0x3F95]  }
0x30: {  	s3 =	sld [smem:$0x3F98]  }
0x31: {  	[smem:$0x3FA1] =	sst s10  }
0x32: {  	s10 =	sld [smem:$0x3F9F];
	_ =	sdelay $0x3  }
0x33: {  	p0 =	seq.s32 s10, $0x1;
	s10 =	sld [smem:$0x3FA1];
	_ =	sdelay $0x3  }
0x34: {  	[smem:$0x3FA1] =	sst s10  }
0x35: {  	s10 =	sld [smem:$0x3FA0];
	_ =	sdelay $0x3  }
0x36: {  	p1 =	seq.s32 s10, $0x1;
	s10 =	sld [smem:$0x3FA1];
	_ =	sdelay $0x3  }
0x37: {  	[smem:$0x3FA1] =	sst s10  }
0x38: {  	s10 =	sld [smem:$0x3FA2]  }
0x39: {  	_ = 	snop;
	(pc) =	sbr.ind lr, $3  }
0x3a: {  	_ = 	snop  }
0x3b: {  	_ = 	snop  }
0x3c: {  	p2 =	seq.s32 s10, $0x1;
	s10 =	sld [smem:$0x3FA1]  }
0x3d: {  	_ =	shalt  }
0x3e: {  	_ =	shalt  }
0x3f: {  	_ =	shalt  }
0x40: {  	_ =	shalt  }
0x41: {  	_ =	shalt  }
0x42: {  	_ =	shalt  }
0x43: {  	_ =	shalt  }
0x44: {  	_ =	shalt  }
0x45: {  	_ =	shalt  }
0x46: {  	_ =	shalt  }
0x47: {  	_ =	shalt  }
0x48: {  	_ =	shalt  }
0x49: {  	_ =	shalt  }
0x4a: {  	_ =	shalt  }
0x4b: {  	_ =	shalt  }
0x4c: {  	_ =	shalt  }
0x4d: {  	_ =	shalt  }
0x4e: {  	_ =	shalt  }
0x4f: {  	_ =	shalt  }
0x50: {  	_ =	shalt  }
0x51: {  	_ =	shalt  }
0x52: {  	_ =	shalt  }
0x53: {  	_ =	shalt  }
0x54: {  	_ =	shalt  }
0x55: {  	_ =	shalt  }
0x56: {  	_ =	shalt  }
0x57: {  	_ =	shalt  }
0x58: {  	_ =	shalt  }
0x59: {  	_ =	shalt  }
0x5a: {  	_ =	shalt  }
0x5b: {  	_ =	shalt  }
0x5c: {  	_ =	shalt  }
0x5d: {  	_ =	shalt  }
0x5e: {  	_ =	shalt  }
0x5f: {  	_ =	shalt  }
0x60: {  	_ =	shalt  }
0x61: {  	_ =	shalt  }
0x62: {  	_ =	shalt  }
0x63: {  	_ =	shalt  }
0x64: {  	_ =	shalt  }
0x65: {  	_ =	shalt  }
0x66: {  	_ =	shalt  }
0x67: {  	_ =	shalt  }
0x68: {  	_ =	shalt  }
0x69: {  	_ =	shalt  }
0x6a: {  	_ =	shalt  }
0x6b: {  	_ =	shalt  }
0x6c: {  	_ =	shalt  }
0x6d: {  	_ =	shalt  }
0x6e: {  	_ =	shalt  }
0x6f: {  	_ =	shalt  }
0x70: {  	_ =	shalt  }
0x71: {  	_ =	shalt  }
0x72: {  	_ =	shalt  }
0x73: {  	_ =	shalt  }
0x74: {  	_ =	shalt  }
0x75: {  	_ =	shalt  }
0x76: {  	_ =	shalt  }
0x77: {  	_ =	shalt  }
0x78: {  	_ =	shalt  }
0x79: {  	_ =	shalt  }
0x7a: {  	_ =	shalt  }
0x7b: {  	_ =	shalt  }
0x7c: {  	_ =	shalt  }
0x7d: {  	_ =	shalt  }
0x7e: {  	_ =	shalt  }
0x7f: {  	_ =	shalt  }
0x80: {  	_ =	shalt  }
0x81: {  	_ =	shalt  }
0x82: {  	_ =	shalt  }
0x83: {  	_ =	shalt  }
0x84: {  	_ =	shalt  }
0x85: {  	_ =	shalt  }
0x86: {  	_ =	shalt  }
0x87: {  	_ =	shalt  }
.Lfunc_end0:
.L_simem_size_0:
called_computation.3_lowered:
.L_overlay_start_0:
0x88: {  	s2 =	sld [smem:$0x3FD9]  }
0x89: {  	s3 =	sld [smem:$0x3FFE];
	_ =	sdelay $0x1  }
0x8a: {  	s1 =	srdreg.scid  }
0x8b: {  	s0 =	sand.u32 $0x1, s1  }
0x8c: {  	s17 =	sshll.u32 s0, $0xA;
	s2 =	sadd.s32 s3, s2  }
0x8d: {  	s2 =	sadd.s32 s2, s17  }
0x8e: {  	[smem:$0x3FAD] =	sst s2  }
0x8f: {  	_ = 	snop  }
0x90: {  	s2 =	sld [smem:$0x3FD0];
	(tm) =	ssettm $0x1  }
0x91: {  	s18 =	sld [smem:$0x3FFB];
	_ =	sdelay $0x3  }
0x92: {  	_ =	strace s18  }
0x93: {  	s3 =	sld [smem:$0x3FFC];
	_ =	sdelay $0x3  }
0x94: {  	_ =	strace s3  }
0x95: {  	s3 =	sld [smem:$0x3FFD];
	_ =	sdelay $0x3  }
0x96: {  	_ =	strace s3  }
0x97: {  	_ =	strace $0x8FFFFFFF  }
0x98: {  	s19 =	sld [smem:$0x3FDB];
	_ =	sdelay $0x1  }
0x99: {  	s4 =	simm.s32 $_scs_section_size  }
0x9a: {  	s5 =	simm.s32 $_size__tile_overlayer_lowered;
	s6 =	simm.s32 $_tile_overlayer_lowered  }
0x9b: {  	s22 =	simm.s32 $0x1BFF;
	s21 =	sshll.u32 s6, $0x1;
	s3 =	sadd.s32 s4, s19  }
0x9c: {  	s7 =	simm.s32 $0x0;
	s20 =	sshll.u32 s5, $0x1;
	s5 =	sadd.s32 s21, s3  }
0x9d: {  	[timem:s7], [sflag:s22] =	dma.local [hbm:s5], s20  }
0x9e: {  	_ =	swait.ge [sflag:s22], s20  }
0x9f: {  	s4 =	ssub.s32 $0x0, s20;
	[sflag:s22] =	ssyncset.done $0x0  }
0xa0: {  	[sflag:s22] =	ssyncadd.s32 s4;
	_ =	sdelay $0x1  }
0xa1: {  	s23 =	simm.s32 $0x1B8B  }
0xa2: {  	_ =	swait.ge [sflag:s23], $0x1  }
0xa3: {  	[sflag:s23] =	ssyncset.done $0x0  }
0xa4: {  	s25 =	simm.s32 $0x1B8E;
	s24 =	sld [smem:$0x3FFE];
	[sflag:s23] =	ssyncadd.s32 $0xFFFFFFFF  }
0xa5: {  	s26 =	simm.s32 $execute0_lowered;
	[smem:$0x3FD2] =	sst s25  }
0xa6: {  	s5 =	sshll.u32 s26, $0x1;
	_ =	strace $0x8000004F;
	[dreg:$0x1] =	wrdreg $0xFFFFFFFF  }
0xa7: {  	s28 =	simm.s32 $_size_execute0_lowered;
	s3 =	sadd.s32 s3, s5;
	[dreg:$0x0] =	wrdreg $0x0  }
0xa8: {  	s5 =	sshll.u32 s28, $0x1;
	[dreg:$0x2] =	wrdreg s3  }
0xa9: {  	[dreg:$0x3] =	wrdreg s5  }
0xaa: {  	[dreg:$0x4] =	wrdreg $0xC0  }
0xab: {  	_ =	task [dreg:s7], $0x5FFFF  }
0xac: {  	[dreg:$0x1] =	wrdreg $0xFFFFFFFF  }
0xad: {  	[dreg:$0x0] =	wrdreg $0x60  }
0xae: {  	[dreg:$0x2] =	wrdreg s24  }
0xaf: {  	[dreg:$0x3] =	wrdreg s2  }
0xb0: {  	[dreg:$0x4] =	wrdreg $0xB1E00  }
0xb1: {  	[dreg:$0x5] =	wrdreg $0x9  }
0xb2: {  	_ =	task.clear_ibuf [dreg:s7], $0x6FFFF;
	_ =	strace $0x9000004F  }
0xb3: {  	s29 =	simm.s32 $0x9;
	_ =	strace $0x80000051  }
0xb4: {  	_ =	swait.ge [sflag:s29], $0x1  }
0xb5: {  	[sflag:s29] =	ssyncadd.s32 $0xFFFFFFFF  }
0xb6: {  	_ =	strace $0x90000051  }
0xb7: {  	_ =	sfence  }
0xb8: {  	s30 =	sld [smem:$0x0];
	_ =	sdelay $0x2  }
0xb9: {  	s31 =	sshll.u32 s1, $0xD;
	s1 =	sshrl.u32 s1, $0x2  }
0xba: {  	s3 =	sand.u32 $0x4000, s31;
	s1 =	sadd.s32 s1, s30  }
0xbb: {  	s0 =	sor.u32 s3, s0;
	s1 =	sshll.u32 s1, $0x11  }
0xbc: {  	s0 =	sor.u32 s1, s0  }
0xbd: {  	s0 =	sadd.s32 $0x8F2B, s0  }
0xbe: {  	[sflag:s0] =	ssyncadd.remote.s32 $0x1  }
0xbf: {  	_ =	sfence.sel $0xFFFF  }
0xc0: {  	[dreg:$0x0] =	wrdreg $0xFFFFFFFF;
	(pc) =	sbr.abs _section_cstart, $3  }
0xc1: {  	[dreg:$0x1] =	wrdreg $0xFFFFFFFF  }
0xc2: {  	_ =	task.clear_ibuf [dreg:s7], $0x2FFFF;
	_ =	strace $0x9FFFFFFF  }
0xc3: {  	(tm) =	ssettm $0x7FFFFFFF  }
tec
execute0_lowered:
.L_overlay_start_1:
0x0: {  	(tag) =	ssettag $0x1  }
0x1: {  	s0 =	rddreg [dreg:$0x0]  }
0x2: {  	s2 =	rddreg [dreg:$0x1]  }
0x3: {  	s1 =	rddreg [dreg:$0x2]  }
0x4: {  	s3 =	srdreg.scid;
	s14 =	stileid.u32  }
0x5: {  	s18 =	simm.s32 $0xA960;
	s19 =	simm.s32 $0x1;
	s20 =	simm.s32 $0x50  }
0x6: {  	s21 =	simm.s32 $0x960;
	s22 =	simm.s32 $0x3160;
	s23 =	simm.s32 $0x5960  }
0x7: {  	s7 =	sand.u32 $0x1, s3;
	s3 =	simm.s32 $0x0;
	s4 =	sadd.s32 $0x5B9A00, s0  }
0x8: {  	s12 =	smul.u32 $0x13C00, s14;
	s5 =	sadd.s32 $0x56B800, s0;
	s6 =	sadd.s32 $0x89800, s0  }
0x9: {  	s9 =	sadd.s32 $0x25C00, s0;
	s10 =	smul.u32 $0x4F000, s14;
	[smem:$0x7FF] =	sst s3  }
0xa: {  	s8 =	smul.u32 $0x13C000, s7;
	s11 =	ssub.s32 $0x2, s7;
	_ =	strace $0x80000050  }
0xb: {  	[dreg:$0x4] =	wrdreg s9;
	s13 =	sshrl.u32 s11, $0x1;
	s9 =	smul.u32 $0x4E20, s14  }
0xc: {  	s16 =	sshll.u32 s14, $0x4;
	s15 =	ssub.s32 s11, s13;
	s11 =	smul.u32 $0xFA, s14  }
0xd: {  	s2 =	sadd.s32 s2, s16;
	s10 =	sshrl.u32 s10, $0x2;
	s13 =	smul.u32 $0xEAF60, s7  }
0xe: {  	s8 =	sadd.s32 s12, s8;
	s10 =	sadd.s32 s10, s1;
	s14 =	smul.u32 $0x1388000, s7  }
0xf: {  	s7 =	sshll.u32 s7, $0x8;
	s28 =	sshrl.u32 s8, $0x3;
	s29 =	sadd.s32 $0x13800, s10  }
0x10: {  	s8 =	sadd.s32 $0x62EE00, s0;
	s2 =	sadd.s32 s7, s2;
	[dreg:$0x5] =	wrdreg s29  }
0x11: {  	s31 =	smax.u32 s15, $0x1;
	s0 =	sadd.s32 s28, s0;
	[dreg:$0x6] =	wrdreg s2  }
0x12: {  	s30 =	sadd.s32 s12, s1;
	[dreg:$0x8] =	wrdreg s31;
	s0 =	sadd.s32 $0xB10E00, s0  }
0x13: {  	s24 =	simm.s32 $0x6D60;
	[dreg:$0x7] =	wrdreg s0;
	s0 =	sshrl.u32 s30, $0x3  }
0x14: {  	v0 =	vimm.f32 $0.0e+00;
	s26 =	simm.s32 $0x8160;
	s2 =	simm.s32 $0x0;
	[dreg:$0x9] =	wrdreg s0  }
.LBB2_1:
0x15: {  	[dreg:$0xa] =	wrdreg s2;
	s0 =	simm.s32 $0x0;
	s2 =	simm.s32 $0x200  }
.LBB2_2:
0x16: {  	p0 =	sne.s32 s2, $0x1E00;
	[tilespmem:s0+$0xA9D0] =	vst v0  }
0x17: {  	[tilespmem:s0+$0xA960] =	vst v0  }
0x18: {  	[tilespmem:s0+$0xA970] =	vst v0  }
.Ltmp0:
0x19: {  	[tilespmem:s0+$0xA980] =	vst v0;
	(pc) =	sbr.rel @p0 .LBB2_2-.Ltmp0, $4  }
0x1a: {  	[tilespmem:s0+$0xA990] =	vst v0  }
0x1b: {  	[tilespmem:s0+$0xA9A0] =	vst v0  }
0x1c: {  	[tilespmem:s0+$0xA9B0] =	vst v0  }
0x1d: {  	[tilespmem:s0+$0xA9C0] =	vst v0;
	s0 =	sshra.s32 s2, $0x2;
	s2 =	sadd.s32 $0x200, s2  }
0x1e: {  	[tilespmem:s0+$0xA9D0] =	vst v0  }
0x1f: {  	[tilespmem:s0+$0xA960] =	vst v0  }
0x20: {  	[tilespmem:s0+$0xA970] =	vst v0  }
0x21: {  	[tilespmem:s0+$0xA980] =	vst v0  }
0x22: {  	[tilespmem:s0+$0xA990] =	vst v0  }
0x23: {  	[tilespmem:s0+$0xA9A0] =	vst v0  }
0x24: {  	[tilespmem:s0+$0xA9B0] =	vst v0  }
0x25: {  	[tilespmem:s0+$0xA9C0] =	vst v0;
	s31 =	sadd.s32 $0x0, s10  }
0x26: {  	[spmem:s31] =	stream.linear.scatter [tilespmem:s18], [sflag:$0x1], $0x800, $0x38;
	[tilespmem:$0x1EDE0] =	vst v63  }
0x27: {  	s0 =	simm.s32 $0x2000;
	_ =	swait.ge [sflag:s19], $0x800  }
.LBB2_4:
0x28: {  	s2 =	sshra.s32 s0, $0x2;
	[sflag:s19] =	ssyncset.done $0x0;
	p0 =	sne.s32 s0, $0x4C000  }
.Ltmp1:
0x29: {  	s2 =	sadd.s32 s2, s10;
	[sflag:s19] =	ssyncadd.s32 $0xFFFFF800;
	(pc) =	sbr.rel @p0 .LBB2_4-.Ltmp1, $3  }
0x2a: {  	[spmem:s2] =	stream.linear.scatter [tilespmem:s18], [sflag:$0x1], $0x800, $0x38;
	[tilespmem:$0x1EDE0] =	vst v63  }
0x2b: {  	s0 =	sadd.s32 $0x2000, s0;
	_ =	sdelay $0x1  }
0x2c: {  	_ =	swait.ge [sflag:s19], $0x800  }
0x2d: {  	[sflag:s19] =	ssyncset.done $0x0  }
0x2e: {  	s0 =	rddreg [dreg:$0x5];
	[sflag:s19] =	ssyncadd.s32 $0xFFFFF800  }
0x2f: {  	[spmem:s0] =	stream.linear.scatter [tilespmem:s18], [sflag:$0x1], $0x400, $0x38;
	[tilespmem:$0x1EDE0] =	vst v63  }
0x30: {  	_ =	swait.ge [sflag:s19], $0x400  }
0x31: {  	v8 =	vimm.f32 $0.0e+00;
	v4 =	vimm.f32 $0.0e+00;
	[sflag:s19] =	ssyncset.done $0x0  }
0x32: {  	v2 =	vimm.f32 $0.0e+00;
	v6 =	vimm.f32 $0.0e+00;
	v7 =	vimm.f32 $0.0e+00;
	[sflag:s19] =	ssyncadd.s32 $0xFFFFFC00  }
0x33: {  	v3 =	vimm.f32 $0.0e+00;
	v1 =	vimm.f32 $0.0e+00;
	v5 =	vimm.f32 $0.0e+00;
	s31 =	simm.s32 $0x0;
	[bflag:$0x0] =	sbarrier.arrive $0xFFFF  }
.LBB2_6:
0x34: {  	s0 =	smul.u32 $0xA, s31;
	_ =	sdelay $0x1  }
0x35: {  	s2 =	sadd.s32 s11, s0  }
0x36: {  	s2 =	smul.u32 $0xF0, s2;
	_ =	sdelay $0x1  }
0x37: {  	s2 =	sadd.s32 s13, s2  }
0x38: {  	s7 =	rddreg [dreg:$0x4];
	s2 =	sshrl.u32 s2, $0x3  }
0x39: {  	s30 =	simm.s32 $0x0;
	s2 =	sadd.s32 s7, s2  }
0x3a: {  	[tilespmem:s30], [sflag:$0x1] =	stream.linear.gather [hbm4b:s2+s30], $0x960, $0x38;
	[tilespmem:$0x1EDE0] =	vst v63  }
0x3b: {  	_ =	swait.ge [sflag:s19], $0x960  }
0x3c: {  	[sflag:s19] =	ssyncset.done $0x0  }
0x3d: {  	s28 =	simm.s32 $0x0;
	[sflag:s19] =	ssyncadd.s32 $0xFFFFF6A0  }
.LBB2_7:
0x3e: {  	s2 =	smul.u32 $0x3C0, s28  }
0x3f: {  	s7 =	sadd.s32 s0, s28  }
0x40: {  	s7 =	smul.u32 $0x50, s7;
	s2 =	sshra.s32 s2, $0x2  }
0x41: {  	[tilespmem:s21], [sflag:$0x1] =	stream.indirect.gather [hbm4b:s4+s20], $0x80, s2, s20, $0xb8;
	[tilespmem:$0x1EDE0] =	vst v63  }
0x42: {  	_ =	swait.ge [sflag:s19], $0x2800  }
0x43: {  	s7 =	sadd.s32 s9, s7;
	[sflag:s19] =	ssyncset.done $0x0  }
0x44: {  	s12 =	sadd.s32 $0x50, s2;
	s7 =	sshll.u32 s7, $0x6;
	[sflag:s19] =	ssyncadd.s32 $0xFFFFD800  }
0x45: {  	[tilespmem:s22], [sflag:$0x1] =	stream.indirect.gather [hbm4b:s5+s20], $0x80, s12, s20, $0xb8;
	[tilespmem:$0x1EDE0] =	vst v63  }
0x46: {  	s7 =	sadd.s32 s14, s7;
	_ =	swait.ge [sflag:s19], $0x2800  }
0x47: {  	s12 =	sshrl.u32 s7, $0x3;
	[sflag:s19] =	ssyncset.done $0x0  }
0x48: {  	s15 =	simm.s32 $0x0;
	s7 =	sadd.s32 s6, s12;
	[sflag:s19] =	ssyncadd.s32 $0xFFFFD800  }
0x49: {  	[tilespmem:s23], [sflag:$0x1] =	stream.linear.gather [hbm4b:s7+s15], $0x1400, $0x38;
	[tilespmem:$0x1EDE0] =	vst v63  }
0x4a: {  	_ =	swait.ge [sflag:s19], $0x1400  }
0x4b: {  	[sflag:s19] =	ssyncset.done $0x0  }
0x4c: {  	s15 =	simm.s32 $0x0;
	[sflag:s19] =	ssyncadd.s32 $0xFFFFEC00  }
0x4d: {  	v9 =	vld [tilespmem:s15+$0x960]  }
0x4e: {  	v10 =	vld [tilespmem:s15+$0x3160]  }
0x4f: {  	s17 =	simm.s32 $0x5980  }
0x50: {  	v11 =	vld [tilespmem:s17+$0xFFFFFFE0];
	_ =	sdelay $0x2  }
0x51: {  	v9 =	vadd.f32 v10, v9;
	_ =	sdelay $0x1  }
0x52: {  	v9 =	vadd.f32 v11, v9;
	_ =	sdelay $0x1  }
0x53: {  	v10 =	vsub.f32 $0.0e+00, v9;
	_ =	sdelay $0x1  }
0x54: {  	v10 =	vmul.f32 $1.442695020e+00, v10;
	_ =	sdelay $0x1  }
0x55: {  	(erf) = vpow2.f32 v10;
	_ =	sdelay $0x8  }
0x56: {  	v10 =	vpop (erf)  }
0x57: {  	v10 =	vadd.f32 $1.000000000e+00, v10;
	_ =	sdelay $0x1  }
0x58: {  	(erf) = vrcp.f32 v10;
	_ =	sdelay $0x4  }
0x59: {  	v10 =	vld [tilespmem:s15+$0x9A0];
	_ =	sdelay $0x2  }
0x5a: {  	s16 =	simm.s32 $0x6D80  }
0x5b: {  	[tilespmem:s16+$0xFFFFFFE0] =	vst v9;
	v11 =	vpop (erf)  }
0x5c: {  	v12 =	vld [tilespmem:s15+$0x970];
	v10 =	vmul.f32 v11, v10  }
0x5d: {  	[tilespmem:s15+$0x81A0] =	vst v11;
	v11 =	vld [tilespmem:s15+$0x3170]  }
0x5e: {  	[tilespmem:s15+$0x8160] =	vst v10  }
0x5f: {  	v10 =	vld [tilespmem:s17+$0xFFFFFFF0];
	_ =	sdelay $0x2  }
0x60: {  	v11 =	vadd.f32 v11, v12;
	_ =	sdelay $0x1  }
0x61: {  	v10 =	vadd.f32 v10, v11;
	_ =	sdelay $0x1  }
0x62: {  	v11 =	vsub.f32 $0.0e+00, v10;
	_ =	sdelay $0x1  }
0x63: {  	v11 =	vmul.f32 $1.442695020e+00, v11;
	_ =	sdelay $0x1  }
0x64: {  	(erf) = vpow2.f32 v11;
	_ =	sdelay $0x8  }
0x65: {  	v11 =	vpop (erf)  }
0x66: {  	v11 =	vadd.f32 $1.000000000e+00, v11;
	_ =	sdelay $0x1  }
0x67: {  	(erf) = vrcp.f32 v11;
	_ =	sdelay $0x4  }
0x68: {  	v11 =	vld [tilespmem:s15+$0x9B0];
	_ =	sdelay $0x3  }
0x69: {  	[tilespmem:s16+$0xFFFFFFF0] =	vst v10;
	v13 =	vpop (erf)  }
0x6a: {  	v58 =	vld [tilespmem:s15+$0x980];
	v11 =	vmul.f32 v13, v11  }
0x6b: {  	v14 =	vld [tilespmem:s15+$0x3180];
	[tilespmem:s15+$0x81B0] =	vst v13  }
0x6c: {  	[tilespmem:s15+$0x8170] =	vst v11  }
0x6d: {  	v11 =	vld [tilespmem:s17+$0x0];
	_ =	sdelay $0x2  }
0x6e: {  	v12 =	vadd.f32 v14, v58;
	_ =	sdelay $0x1  }
0x6f: {  	v11 =	vadd.f32 v11, v12;
	_ =	sdelay $0x1  }
0x70: {  	v12 =	vsub.f32 $0.0e+00, v11;
	_ =	sdelay $0x1  }
0x71: {  	v12 =	vmul.f32 $1.442695020e+00, v12;
	_ =	sdelay $0x1  }
0x72: {  	(erf) = vpow2.f32 v12;
	_ =	sdelay $0x8  }
0x73: {  	v12 =	vpop (erf)  }
0x74: {  	v12 =	vadd.f32 $1.000000000e+00, v12;
	_ =	sdelay $0x1  }
0x75: {  	(erf) = vrcp.f32 v12;
	_ =	sdelay $0x4  }
0x76: {  	v59 =	vld [tilespmem:s15+$0x9C0];
	_ =	sdelay $0x3  }
0x77: {  	[tilespmem:s16+$0x0] =	vst v11;
	v15 =	vpop (erf)  }
0x78: {  	v60 =	vld [tilespmem:s15+$0x990];
	v12 =	vmul.f32 v15, v59  }
0x79: {  	v61 =	vld [tilespmem:s15+$0x3190];
	[tilespmem:s15+$0x81C0] =	vst v15  }
0x7a: {  	[tilespmem:s15+$0x8180] =	vst v12  }
0x7b: {  	v12 =	vld [tilespmem:s17+$0x10];
	_ =	sdelay $0x2  }
0x7c: {  	v13 =	vadd.f32 v61, v60;
	_ =	sdelay $0x1  }
0x7d: {  	v12 =	vadd.f32 v12, v13;
	_ =	sdelay $0x1  }
0x7e: {  	v13 =	vsub.f32 $0.0e+00, v12;
	_ =	sdelay $0x1  }
0x7f: {  	v13 =	vmul.f32 $1.442695020e+00, v13;
	_ =	sdelay $0x1  }
0x80: {  	(erf) = vpow2.f32 v13;
	_ =	sdelay $0x8  }
0x81: {  	v13 =	vpop (erf)  }
0x82: {  	v13 =	vadd.f32 $1.000000000e+00, v13;
	_ =	sdelay $0x1  }
0x83: {  	(erf) = vrcp.f32 v13;
	_ =	sdelay $0x4  }
0x84: {  	v62 =	vmul.f32 v9, v9;
	v16 =	vld [tilespmem:s15+$0x9D0]  }
0x85: {  	v63 =	vmul.f32 v10, v10  }
0x86: {  	v5 =	vadd.f32 v9, v5;
	v6 =	vadd.f32 v62, v6;
	v9 =	vmul.f32 v11, v11  }
0x87: {  	v1 =	vadd.f32 v10, v1;
	v2 =	vadd.f32 v63, v2;
	v10 =	vmul.f32 v12, v12  }
0x88: {  	s30 =	simm.s32 $0x80;
	v3 =	vadd.f32 v11, v3;
	v4 =	vadd.f32 v9, v4;
	[tilespmem:s16+$0x10] =	vst v12;
	v11 =	vpop (erf)  }
0x89: {  	s25 =	simm.s32 $0x400;
	v7 =	vadd.f32 v12, v7;
	v9 =	vld [tilespmem:s30+$0x960];
	v8 =	vadd.f32 v10, v8;
	[tilespmem:s15+$0x81D0] =	vst v11;
	v10 =	vmul.f32 v11, v16  }
.LBB2_8:
0x8a: {  	s16 =	sadd.s32 $0x40, s16  }
0x8b: {  	v11 =	vld [tilespmem:s30+$0x3160];
	s17 =	sadd.s32 $0x40, s17;
	s29 =	smov.u32 s25;
	s7 =	sadd.s32 $0x200, s25  }
0x8c: {  	p0 =	sne.s32 s25, $0x9E00;
	[tilespmem:s15+$0x8190] =	vst v10;
	s15 =	smov.u32 s30  }
0x8d: {  	v10 =	vld [tilespmem:s17+$0xFFFFFFE0];
	_ =	sdelay $0x2  }
0x8e: {  	v9 =	vadd.f32 v11, v9;
	_ =	sdelay $0x1  }
0x8f: {  	v9 =	vadd.f32 v10, v9;
	_ =	sdelay $0x1  }
0x90: {  	v5 =	vadd.f32 v9, v5;
	v10 =	vmul.f32 v9, v9;
	v11 =	vsub.f32 $0.0e+00, v9;
	_ =	sdelay $0x1  }
0x91: {  	v6 =	vadd.f32 v10, v6;
	v10 =	vmul.f32 $1.442695020e+00, v11;
	_ =	sdelay $0x1  }
0x92: {  	(erf) = vpow2.f32 v10;
	_ =	sdelay $0x8  }
0x93: {  	v10 =	vpop (erf)  }
0x94: {  	v10 =	vadd.f32 $1.000000000e+00, v10;
	_ =	sdelay $0x1  }
0x95: {  	(erf) = vrcp.f32 v10;
	_ =	sdelay $0x4  }
0x96: {  	v10 =	vld [tilespmem:s15+$0x9A0];
	_ =	sdelay $0x3  }
0x97: {  	[tilespmem:s16+$0xFFFFFFE0] =	vst v9;
	v9 =	vpop (erf)  }
0x98: {  	v10 =	vmul.f32 v9, v10;
	v11 =	vld [tilespmem:s15+$0x970]  }
0x99: {  	[tilespmem:s15+$0x81A0] =	vst v9;
	v9 =	vld [tilespmem:s15+$0x3170]  }
0x9a: {  	[tilespmem:s15+$0x8160] =	vst v10  }
0x9b: {  	v10 =	vld [tilespmem:s17+$0xFFFFFFF0];
	_ =	sdelay $0x2  }
0x9c: {  	v9 =	vadd.f32 v9, v11;
	_ =	sdelay $0x1  }
0x9d: {  	v9 =	vadd.f32 v10, v9  }
0x9e: {  	v10 =	vld [tilespmem:s15+$0x9B0]  }
0x9f: {  	[tilespmem:s16+$0xFFFFFFF0] =	vst v9;
	v1 =	vadd.f32 v9, v1;
	v11 =	vmul.f32 v9, v9;
	v9 =	vsub.f32 $0.0e+00, v9  }
0xa0: {  	v12 =	vld [tilespmem:s15+$0x980]  }
0xa1: {  	v2 =	vadd.f32 v11, v2;
	v9 =	vmul.f32 $1.442695020e+00, v9;
	v11 =	vld [tilespmem:s15+$0x3180];
	_ =	sdelay $0x1  }
0xa2: {  	(erf) = vpow2.f32 v9;
	_ =	sdelay $0x2  }
0xa3: {  	v9 =	vadd.f32 v11, v12;
	_ =	sdelay $0x5  }
0xa4: {  	v11 =	vpop (erf)  }
0xa5: {  	v11 =	vadd.f32 $1.000000000e+00, v11;
	_ =	sdelay $0x1  }
0xa6: {  	(erf) = vrcp.f32 v11;
	_ =	sdelay $0x8  }
0xa7: {  	v11 =	vpop (erf)  }
0xa8: {  	[tilespmem:s15+$0x81B0] =	vst v11;
	v10 =	vmul.f32 v11, v10;
	_ =	sdelay $0x1  }
0xa9: {  	[tilespmem:s15+$0x8170] =	vst v10  }
0xaa: {  	v10 =	vld [tilespmem:s17+$0x0];
	_ =	sdelay $0x4  }
0xab: {  	v9 =	vadd.f32 v10, v9  }
0xac: {  	v10 =	vld [tilespmem:s15+$0x9C0]  }
0xad: {  	[tilespmem:s16+$0x0] =	vst v9;
	v3 =	vadd.f32 v9, v3;
	v11 =	vmul.f32 v9, v9;
	v9 =	vsub.f32 $0.0e+00, v9  }
0xae: {  	v12 =	vld [tilespmem:s15+$0x990]  }
0xaf: {  	v4 =	vadd.f32 v11, v4;
	v9 =	vmul.f32 $1.442695020e+00, v9;
	v11 =	vld [tilespmem:s15+$0x3190]  }
0xb0: {  	v13 =	vld [tilespmem:s15+$0x9D0]  }
0xb1: {  	(erf) = vpow2.f32 v9;
	_ =	sdelay $0x2  }
0xb2: {  	v9 =	vadd.f32 v11, v12;
	_ =	sdelay $0x5  }
0xb3: {  	v11 =	vpop (erf)  }
0xb4: {  	v11 =	vadd.f32 $1.000000000e+00, v11;
	_ =	sdelay $0x1  }
0xb5: {  	(erf) = vrcp.f32 v11;
	_ =	sdelay $0x8  }
0xb6: {  	v11 =	vpop (erf)  }
0xb7: {  	[tilespmem:s15+$0x81C0] =	vst v11;
	v10 =	vmul.f32 v11, v10;
	_ =	sdelay $0x1  }
0xb8: {  	[tilespmem:s15+$0x8180] =	vst v10  }
0xb9: {  	v10 =	vld [tilespmem:s17+$0x10];
	_ =	sdelay $0x4  }
0xba: {  	v9 =	vadd.f32 v10, v9;
	_ =	sdelay $0x1  }
0xbb: {  	[tilespmem:s16+$0x10] =	vst v9;
	v7 =	vadd.f32 v9, v7;
	v10 =	vmul.f32 v9, v9;
	v9 =	vsub.f32 $0.0e+00, v9;
	_ =	sdelay $0x1  }
0xbc: {  	v8 =	vadd.f32 v10, v8;
	v9 =	vmul.f32 $1.442695020e+00, v9;
	_ =	sdelay $0x1  }
0xbd: {  	(erf) = vpow2.f32 v9;
	_ =	sdelay $0x8  }
0xbe: {  	v9 =	vpop (erf)  }
0xbf: {  	v9 =	vadd.f32 $1.000000000e+00, v9;
	_ =	sdelay $0x1  }
0xc0: {  	(erf) = vrcp.f32 v9;
	_ =	sdelay $0x5  }
.Ltmp2:
0xc1: {  	(pc) =	sbr.rel @p0 .LBB2_8-.Ltmp2, $3  }
0xc2: {  	_ =	sdelay $0x1  }
0xc3: {  	s30 =	sshra.s32 s29, $0x2;
	v10 =	vpop (erf)  }
0xc4: {  	s25 =	smov.u32 s7;
	v9 =	vld [tilespmem:s30+$0x960];
	[tilespmem:s15+$0x81D0] =	vst v10;
	v10 =	vmul.f32 v10, v13  }
0xc5: {  	v11 =	vld [tilespmem:s30+$0x3160]  }
0xc6: {  	s7 =	sadd.s32 $0x40, s17;
	[tilespmem:s15+$0x8190] =	vst v10  }
0xc7: {  	v10 =	vld [tilespmem:s7+$0xFFFFFFE0];
	_ =	sdelay $0x2  }
0xc8: {  	v9 =	vadd.f32 v11, v9;
	_ =	sdelay $0x1  }
0xc9: {  	v9 =	vadd.f32 v10, v9;
	_ =	sdelay $0x1  }
0xca: {  	v10 =	vsub.f32 $0.0e+00, v9;
	_ =	sdelay $0x1  }
0xcb: {  	v10 =	vmul.f32 $1.442695020e+00, v10;
	_ =	sdelay $0x1  }
0xcc: {  	(erf) = vpow2.f32 v10;
	_ =	sdelay $0x8  }
0xcd: {  	v10 =	vpop (erf)  }
0xce: {  	v10 =	vadd.f32 $1.000000000e+00, v10;
	_ =	sdelay $0x1  }
0xcf: {  	(erf) = vrcp.f32 v10;
	_ =	sdelay $0x4  }
0xd0: {  	v10 =	vld [tilespmem:s30+$0x9A0];
	_ =	sdelay $0x2  }
0xd1: {  	s29 =	sadd.s32 $0x40, s16  }
0xd2: {  	[tilespmem:s29+$0xFFFFFFE0] =	vst v9;
	v11 =	vpop (erf)  }
0xd3: {  	v12 =	vld [tilespmem:s30+$0x970];
	v10 =	vmul.f32 v11, v10  }
0xd4: {  	[tilespmem:s30+$0x81A0] =	vst v11;
	v11 =	vld [tilespmem:s30+$0x3170]  }
0xd5: {  	[tilespmem:s30+$0x8160] =	vst v10  }
0xd6: {  	v10 =	vld [tilespmem:s7+$0xFFFFFFF0];
	_ =	sdelay $0x2  }
0xd7: {  	v11 =	vadd.f32 v11, v12;
	_ =	sdelay $0x1  }
0xd8: {  	v10 =	vadd.f32 v10, v11;
	_ =	sdelay $0x1  }
0xd9: {  	v11 =	vsub.f32 $0.0e+00, v10;
	_ =	sdelay $0x1  }
0xda: {  	v11 =	vmul.f32 $1.442695020e+00, v11;
	_ =	sdelay $0x1  }
0xdb: {  	(erf) = vpow2.f32 v11;
	_ =	sdelay $0x8  }
0xdc: {  	v11 =	vpop (erf)  }
0xdd: {  	v11 =	vadd.f32 $1.000000000e+00, v11;
	_ =	sdelay $0x1  }
0xde: {  	(erf) = vrcp.f32 v11;
	_ =	sdelay $0x4  }
0xdf: {  	v11 =	vld [tilespmem:s30+$0x9B0];
	_ =	sdelay $0x3  }
0xe0: {  	[tilespmem:s29+$0xFFFFFFF0] =	vst v10;
	v13 =	vpop (erf)  }
0xe1: {  	v57 =	vld [tilespmem:s30+$0x980];
	v11 =	vmul.f32 v13, v11  }
0xe2: {  	v14 =	vld [tilespmem:s30+$0x3180];
	[tilespmem:s30+$0x81B0] =	vst v13  }
0xe3: {  	[tilespmem:s30+$0x8170] =	vst v11  }
0xe4: {  	v11 =	vld [tilespmem:s7+$0x0];
	_ =	sdelay $0x2  }
0xe5: {  	v12 =	vadd.f32 v14, v57;
	_ =	sdelay $0x1  }
0xe6: {  	v11 =	vadd.f32 v11, v12;
	_ =	sdelay $0x1  }
0xe7: {  	v12 =	vsub.f32 $0.0e+00, v11;
	_ =	sdelay $0x1  }
0xe8: {  	v12 =	vmul.f32 $1.442695020e+00, v12;
	_ =	sdelay $0x1  }
0xe9: {  	(erf) = vpow2.f32 v12;
	_ =	sdelay $0x8  }
0xea: {  	v12 =	vpop (erf)  }
0xeb: {  	v12 =	vadd.f32 $1.000000000e+00, v12;
	_ =	sdelay $0x1  }
0xec: {  	(erf) = vrcp.f32 v12;
	_ =	sdelay $0x4  }
0xed: {  	v58 =	vld [tilespmem:s30+$0x9C0];
	_ =	sdelay $0x3  }
0xee: {  	[tilespmem:s29+$0x0] =	vst v11;
	v15 =	vpop (erf)  }
0xef: {  	v59 =	vld [tilespmem:s30+$0x990];
	v12 =	vmul.f32 v15, v58  }
0xf0: {  	v60 =	vld [tilespmem:s30+$0x3190];
	[tilespmem:s30+$0x81C0] =	vst v15  }
0xf1: {  	[tilespmem:s30+$0x8180] =	vst v12  }
0xf2: {  	v12 =	vld [tilespmem:s7+$0x10];
	_ =	sdelay $0x2  }
0xf3: {  	v13 =	vadd.f32 v60, v59;
	_ =	sdelay $0x1  }
0xf4: {  	v12 =	vadd.f32 v12, v13;
	_ =	sdelay $0x1  }
0xf5: {  	v13 =	vsub.f32 $0.0e+00, v12;
	_ =	sdelay $0x1  }
0xf6: {  	v13 =	vmul.f32 $1.442695020e+00, v13;
	_ =	sdelay $0x1  }
0xf7: {  	(erf) = vpow2.f32 v13;
	_ =	sdelay $0x8  }
0xf8: {  	v13 =	vpop (erf)  }
0xf9: {  	v13 =	vadd.f32 $1.000000000e+00, v13;
	_ =	sdelay $0x1  }
0xfa: {  	(erf) = vrcp.f32 v13;
	_ =	sdelay $0x4  }
0xfb: {  	v16 =	vld [tilespmem:s30+$0x9D0];
	_ =	sdelay $0x3  }
0xfc: {  	v13 =	vpop (erf)  }
0xfd: {  	[tilespmem:s29+$0x10] =	vst v12;
	v61 =	vmul.f32 v13, v16  }
0xfe: {  	[tilespmem:s30+$0x81D0] =	vst v13  }
0xff: {  	[tilespmem:s30+$0x8190] =	vst v61;
	s30 =	sadd.s32 s8, s12  }
0x100: {  	[hbm4b:s30+s3] =	stream.linear.scatter [tilespmem:s24], [sflag:$0x1], $0x1400, $0x38;
	[tilespmem:$0x1EDE0] =	vst v63  }
0x101: {  	s28 =	sadd.s32 $0x1, s28;
	_ =	swait.ge [sflag:s19], $0x1400  }
0x102: {  	p0 =	sne.s32 s28, $0xA;
	v62 =	vmul.f32 v9, v9;
	[sflag:s19] =	ssyncset.done $0x0  }
.Ltmp3:
0x103: {  	s2 =	sadd.s32 $0xA0, s2;
	v63 =	vmul.f32 v10, v10;
	[sflag:s19] =	ssyncadd.s32 $0xFFFFEC00;
	(pc) =	sbr.rel @p0 .LBB2_7-.Ltmp3, $4  }
0x104: {  	v5 =	vadd.f32 v9, v5;
	v6 =	vadd.f32 v62, v6;
	v9 =	vmul.f32 v11, v11;
	[spmem:s1] =	stream.indirect.scatter.add.f32 [tilespmem:s26], [sflag:$0x1], $0x80, s2, s20, $0xb8;
	[tilespmem:$0x1EDE0] =	vst v63  }
0x105: {  	v1 =	vadd.f32 v10, v1;
	v2 =	vadd.f32 v63, v2;
	v10 =	vmul.f32 v12, v12;
	_ =	swait.ge [sflag:s19], $0x2800  }
0x106: {  	v3 =	vadd.f32 v11, v3;
	v4 =	vadd.f32 v9, v4;
	[sflag:s19] =	ssyncset.done $0x0  }
0x107: {  	v7 =	vadd.f32 v12, v7;
	v8 =	vadd.f32 v10, v8;
	[sflag:s19] =	ssyncadd.s32 $0xFFFFD800  }
0x108: {  	s31 =	sadd.s32 $0x1, s31  }
0x109: {  	p0 =	sne.s32 s31, $0x19  }
.Ltmp4:
0x10a: {  	_ = 	snop;
	(pc) =	sbr.rel @p0 .LBB2_6-.Ltmp4, $1  }
0x10b: {  	_ =	sdelay $0x3  }
0x10c: {  	[tilespmem:$0xB160] =	vst v5  }
0x10d: {  	[tilespmem:$0xB1A0] =	vst v6  }
0x10e: {  	[tilespmem:$0xB170] =	vst v1  }
0x10f: {  	[tilespmem:$0xB1B0] =	vst v2  }
0x110: {  	[tilespmem:$0xB180] =	vst v3  }
0x111: {  	[tilespmem:$0xB1C0] =	vst v4  }
0x112: {  	[tilespmem:$0xB190] =	vst v7  }
0x113: {  	[tilespmem:$0xB1D0] =	vst v8;
	s0 =	rddreg [dreg:$0x6];
	s2 =	simm.s32 $0xB160  }
0x114: {  	[hbm4b:s0+s3] =	stream.linear.scatter [tilespmem:s2], [sflag:$0x1], $0x80, $0x38;
	[tilespmem:$0x1EDE0] =	vst v63  }
0x115: {  	_ =	swait.ge [sflag:s19], $0x80  }
0x116: {  	[sflag:s19] =	ssyncset.done $0x0  }
0x117: {  	[sflag:s19] =	ssyncadd.s32 $0xFFFFFF80  }
0x118: {  	s28 =	stileid.u32;
	[bflag:$0x0] =	sbarrier.arrive $0xFFFF  }
0x119: {  	s0 =	sshll.u32 s28, $0x6;
	s29 =	rddreg [dreg:$0x7]  }
0x11a: {  	s0 =	sor.u32 $0x1C01, s0;
	s7 =	rddreg [dreg:$0x9]  }
0x11b: {  	[hbm:s29], [sflag:s0] =	dma.local [spmem:s7], $0x2780  }
0x11c: {  	_ =	swait.ge [sflag:s19], $0x2780  }
0x11d: {  	s30 =	rddreg [dreg:$0xa]  }
0x11e: {  	s31 =	rddreg [dreg:$0x8];
	s2 =	sadd.s32 $0x1, s30  }
0x11f: {  	p0 =	sne.s32 s2, s31  }
.Ltmp5:
0x120: {  	_ = 	snop;
	(pc) =	sbr.rel @p0 .LBB2_1-.Ltmp5, $3  }
0x121: {  	_ =	sdelay $0x1  }
0x122: {  	[sflag:s19] =	ssyncset.done $0x0  }
0x123: {  	[sflag:s19] =	ssyncadd.s32 $0xFFFFD880  }
0x124: {  	_ =	sfence.sel $0x180000  }
0x125: {  	[bflag:$0x0] =	sbarrier.arrive $0xFFFF  }
0x126: {  	_ =	strace $0x90000050  }
0x127: {  	s0 =	stileid.u32;
	[bflag:$0x2] =	sbarrier.arrive $0xFFFF  }
0x128: {  	p0 =	sne.s32 s0, $0x0;
	s0 =	rddreg [dreg:$0x3]  }
0x129: {  	s0 =	sadd.s32 @!p0 $0x100000, s0  }
0x12a: {  	[sflag:s0] =	ssyncadd.tile.s32 @!p0 $0x1;
	_ =	shalt  }
.Lfunc_end2:
_tile_overlayer_lowered:
.L_overlay_start_2:
0x12b: {  	(tag) =	ssettag $0x2  }
0x12c: {  	s0 =	rddreg [dreg:$0x0];
	s2 =	stileid.u32  }
0x12d: {  	s1 =	rddreg [dreg:$0x1];
	p0 =	sne.s32 s2, $0x0  }
0x12e: {  	s3 =	rddreg [dreg:$0x2];
	[bflag:$0x3] =	sbarrier.arrive $0xFFFF;
	s2 =	simm.s32 @!p0 $0x1C01  }
0x12f: {  	[timem:s3], [sflag:s2] =	dma.local @!p0 [hbm:s0], s1  }
0x130: {  	s0 =	simm.s32 @!p0 $0x1  }
0x131: {  	_ =	swait.ge @!p0 [sflag:s0], s1  }
0x132: {  	s1 =	ssub.s32 @!p0 $0x0, s1;
	[sflag:s0] =	ssyncset.done @!p0 $0x0  }
0x133: {  	[sflag:s0] =	ssyncadd.s32 @!p0 s1  }
0x134: {  	[bflag:$0x3] =	sbarrier.arrive $0xFFFF  }
0x135: {  	_ =	shalt  }

</sc_bundles>
